<compile_context>
chip_gen: v7x
topology: tpu7x:2x2x1
jax: 0.10.2.dev20260603
libtpu: 0.0.44.dev20260713+nightly
codegen_flags: <defaults>
</compile_context>

<pallas_src>
import functools

import jax
import jax.numpy as jnp
from jax import lax
from jax.experimental import pallas as pl
from jax.experimental.pallas import tpu as pltpu
from jax.experimental.pallas import tpu_sc as plsc

_R0 = 0.001
_QB = 256
_RB = 512



def _fps_body(xl_ref, xyz_ref, *, npoint, n, g):
    r = n // 128
    x = xl_ref[:, 0]
    y = xl_ref[:, 1]
    z = xl_ref[:, 2]
    lin = (lax.broadcasted_iota(jnp.int32, (g, r, 128), 1) * 128
           + lax.broadcasted_iota(jnp.int32, (g, r, 128), 2))
    d0 = jnp.full((g, r, 128), 1e10, dtype=jnp.float32)

    def body(i, carry):
        f, d = carry
        msk = lin == f
        zero = jnp.zeros((g, r, 128), jnp.float32)
        cx = jnp.sum(jnp.where(msk, x, zero), axis=(1, 2), keepdims=True)
        cy = jnp.sum(jnp.where(msk, y, zero), axis=(1, 2), keepdims=True)
        cz = jnp.sum(jnp.where(msk, z, zero), axis=(1, 2), keepdims=True)
        for c in range(g):
            cc = jnp.concatenate(
                [cx[c, :, 0:1], cy[c, :, 0:1], cz[c, :, 0:1]], axis=1)
            xyz_ref[c, pl.ds(i, 1), :] = cc
        dx = x - cx
        dy = y - cy
        dz = z - cz
        dd = dx * dx + dy * dy + dz * dz
        d = jnp.minimum(d, dd)
        m = jnp.max(d, axis=(1, 2), keepdims=True)
        f2 = jnp.min(jnp.where(d == m, lin, n), axis=(1, 2), keepdims=True)
        return f2.astype(jnp.int32), d

    lax.fori_loop(0, npoint, body,
                  (jnp.zeros((g, 1, 1), jnp.int32), d0))


def _fps(xyz_rows, npoint):
    g, n, _ = xyz_rows.shape
    r = n // 128
    xl = xyz_rows.transpose(0, 2, 1).reshape(g, 3, r, 128)
    body = functools.partial(_fps_body, npoint=npoint, n=n, g=g)
    sxyz = pl.pallas_call(
        body,
        out_shape=jax.ShapeDtypeStruct((g, npoint, 3), jnp.float32),
    )(xl)
    return sxyz



def _neighbor_body(q_ref, s_ref, o_ref, *, nsample, v, mode, r2):
    q = q_ref[0]
    s = s_ref[0]
    dg = lax.dot_general(q, s, (((1,), (0,)), ((), ())),
                         preferred_element_type=jnp.float32)
    qn = jnp.sum(q * q, axis=1, keepdims=True)
    sn = jnp.sum(s * s, axis=0, keepdims=True)
    d = -2.0 * dg
    d = d + qn
    d = d + sn
    qb = q.shape[0]
    lane = lax.broadcasted_iota(jnp.int32, (qb, v), 1)
    bidx = pl.program_id(0)
    if mode == "ball":
        g = jnp.where(d > r2, v, lane)
        cols = []
        for _ in range(nsample):
            m = jnp.min(g, axis=1, keepdims=True)
            cols.append(m)
            g = jnp.where(g == m, v, g)
        first = cols[0]
        cols = [jnp.where(c == v, first, c) for c in cols]
        res = jnp.minimum(jnp.concatenate(cols, axis=1), v - 1)
    else:
        cols = []
        for _ in range(nsample):
            m = jnp.min(d, axis=1, keepdims=True)
            j = jnp.min(jnp.where(d == m, lane, v), axis=1, keepdims=True)
            cols.append(j)
            d = jnp.where(lane == j, jnp.inf, d)
        res = jnp.concatenate(cols, axis=1)
    o_ref[0] = res + bidx * v


def _neighbor(queries, sources, nsample, mode, r2=0.0):
    b, m, _ = queries.shape
    v = sources.shape[1]
    qb = min(_QB, m)
    sl = sources.transpose(0, 2, 1)
    body = functools.partial(_neighbor_body, nsample=nsample, v=v,
                             mode=mode, r2=r2)
    idx = pl.pallas_call(
        body,
        compiler_params=pltpu.CompilerParams(
            dimension_semantics=("parallel", "parallel")),
        grid=(b, m // qb),
        in_specs=[
            pl.BlockSpec((1, qb, 3), lambda i, j: (i, j, 0)),
            pl.BlockSpec((1, 3, v), lambda i, j: (i, 0, 0)),
        ],
        out_specs=pl.BlockSpec((1, qb, nsample), lambda i, j: (i, j, 0)),
        out_shape=jax.ShapeDtypeStruct((b, m, nsample), jnp.int32),
    )(queries, sl)
    return idx



def _sc_gather(table, idx, chunk):
    v, dd = table.shape
    (btot,) = idx.shape
    nc, ns = 2, 16
    nw = nc * ns
    b_per_w = btot // nw
    nchunks = b_per_w // chunk
    mesh = plsc.VectorSubcoreMesh(core_axis_name="c", subcore_axis_name="s")

    @functools.partial(
        pl.kernel,
        mesh=mesh,
        out_type=jax.ShapeDtypeStruct((btot, dd), jnp.float32),
        scratch_types=[
            pltpu.VMEM((chunk,), jnp.int32),
            pltpu.VMEM((chunk, dd), jnp.float32),
            pltpu.SemaphoreType.DMA,
        ],
    )
    def k(table_hbm, idx_hbm, out_hbm, idx_v, rows_v, sem):
        wid = lax.axis_index("s") * nc + lax.axis_index("c")
        base = wid * b_per_w
        for ci in range(nchunks):
            off = base + ci * chunk
            pltpu.sync_copy(idx_hbm.at[pl.ds(off, chunk)], idx_v)
            pltpu.async_copy(table_hbm.at[idx_v], rows_v, sem).wait()
            pltpu.sync_copy(rows_v, out_hbm.at[pl.ds(off, chunk)])

    return k(table, idx)



def _acc_stats(st_ref, y):
    s1 = jnp.sum(y, axis=0, keepdims=True)
    s2 = jnp.sum(y * y, axis=0, keepdims=True)

    @pl.when(pl.program_id(0) == 0)
    def _():
        st_ref[...] = jnp.zeros_like(st_ref)

    st_ref[...] += jnp.concatenate([s1, s2], axis=0)


def _bn_relu(h, stats, gamma, beta, cnt, relu=True):
    shp = (1,) * (h.ndim - 1) + (h.shape[-1],)
    mean = (stats[0:1, :] / cnt).reshape(shp)
    ex2 = (stats[1:2, :] / cnt).reshape(shp)
    var = ex2 - mean * mean
    y = gamma.reshape(shp) * (h - mean) / jnp.sqrt(var + 1e-5) + beta.reshape(shp)
    return jnp.maximum(y, 0.0) if relu else y


def _rowsT(h, w):
    return lax.dot_general(h, w, (((1,), (1,)), ((), ())),
                           preferred_element_type=jnp.float32)


def _grouped_lin_body(g_ref, nx_ref, w_ref, o_ref, st_ref):
    g = g_ref[...]
    nx = nx_ref[...]
    rb, k, dd = g.shape
    h = (g - nx[:, None, :]).reshape(rb * k, dd)
    y = _rowsT(h, w_ref[...])
    o_ref[...] = y.reshape(rb, k, y.shape[1])
    _acc_stats(st_ref, y)


def _norm_lin_body(h_ref, sti_ref, gam_ref, bet_ref, w_ref, o_ref, st_ref, *, cnt):
    h = h_ref[...]
    rb, k, cin = h.shape
    x = _bn_relu(h, sti_ref[...], gam_ref[...], bet_ref[...], cnt)
    y = _rowsT(x.reshape(rb * k, cin), w_ref[...])
    o_ref[...] = y.reshape(rb, k, y.shape[1])
    _acc_stats(st_ref, y)


def _norm_max_body(h_ref, sti_ref, gam_ref, bet_ref, o_ref, *, cnt):
    x = _bn_relu(h_ref[...], sti_ref[...], gam_ref[...], bet_ref[...], cnt)
    o_ref[...] = jnp.max(x, axis=1)


def _su_b_body(h_ref, sti_ref, gam_ref, bet_ref, f1_ref, w_ref, o_ref, st_ref, *, cnt):
    x = _bn_relu(h_ref[...], sti_ref[...], gam_ref[...], bet_ref[...], cnt)
    xm = jnp.max(x, axis=1)
    hc = jnp.concatenate([xm, f1_ref[...]], axis=1)
    y = _rowsT(hc, w_ref[...])
    o_ref[...] = y
    _acc_stats(st_ref, y)


def _su_c_body(h_ref, sti_ref, gam_ref, bet_ref, xyz_ref, o_ref, *, cnt):
    x = _bn_relu(h_ref[...], sti_ref[...], gam_ref[...], bet_ref[...], cnt)
    rb = x.shape[0]
    o_ref[...] = jnp.concatenate(
        [x, xyz_ref[...], jnp.zeros((rb, 93), jnp.float32)], axis=1)


def _fp_a_body(g_ref, pc_ref, fea_ref, w_ref, o_ref, st_ref):
    g = g_ref[...]
    p = pc_ref[...]
    f = fea_ref[...]
    px, py, pz = p[:, 0:1], p[:, 1:2], p[:, 2:3]
    ds = []
    for j in range(3):
        dx = g[:, j, 32:33] - px
        dy = g[:, j, 33:34] - py
        dz = g[:, j, 34:35] - pz
        ds.append(dx * dx + dy * dy + dz * dz)
    rc = [1.0 / (dj + 1e-8) for dj in ds]
    norm = rc[0] + rc[1] + rc[2]
    ws = [r / norm for r in rc]
    interp = (g[:, 0, 0:32] * ws[0] + g[:, 1, 0:32] * ws[1]
              + g[:, 2, 0:32] * ws[2])
    h = jnp.concatenate([interp, f], axis=1)
    y = _rowsT(h, w_ref[...])
    o_ref[...] = y
    _acc_stats(st_ref, y)


def _norm_relu_stats_body(h_ref, sti_ref, gam_ref, bet_ref, o_ref, st_ref, *, cnt):
    x = _bn_relu(h_ref[...], sti_ref[...], gam_ref[...], bet_ref[...], cnt)
    o_ref[...] = x
    _acc_stats(st_ref, x)


def _final_body(h_ref, sti_ref, gam_ref, bet_ref, w_ref, cb_ref, o_ref, *, cnt):
    x = _bn_relu(h_ref[...], sti_ref[...], gam_ref[...], bet_ref[...], cnt)
    o_ref[...] = _rowsT(x, w_ref[...]) + cb_ref[...]


def _full(shape):
    nd = len(shape)

    def im(i):
        return (0,) * nd

    return pl.BlockSpec(shape, im)


def _rowspec(blk_shape):
    nd = len(blk_shape)

    def im(i):
        return (i,) + (0,) * (nd - 1)

    return pl.BlockSpec(blk_shape, im)


_STATS = object()


def _call(body, outs, ins, rb):
    nrows = ins[0][0].shape[0]
    grid = (nrows // rb,)
    in_specs, args = [], []
    for a, kind in ins:
        if kind == "row":
            in_specs.append(_rowspec((rb,) + a.shape[1:]))
        else:
            in_specs.append(_full(a.shape))
        args.append(a)
    res_specs = []
    res_shapes = []
    for o in outs:
        if isinstance(o, tuple) and o[0] is _STATS:
            c = o[1]
            res_specs.append(_full((2, c)))
            res_shapes.append(jax.ShapeDtypeStruct((2, c), jnp.float32))
        else:
            res_specs.append(_rowspec((rb,) + o.shape[1:]))
            res_shapes.append(o)
    return pl.pallas_call(
        body,
        grid=grid,
        in_specs=in_specs,
        out_specs=res_specs if len(res_specs) > 1 else res_specs[0],
        out_shape=res_shapes if len(res_shapes) > 1 else res_shapes[0],
    )(*args)


def _sds(shape):
    return jax.ShapeDtypeStruct(shape, jnp.float32)



def _process(pc, fea, params, l1_xyz, l2_xyz):
    b, n, _ = pc.shape
    m1, m2 = n // 2, n // 8
    f32 = jnp.float32

    ball1 = _neighbor(l1_xyz, pc, 16, "ball", (_R0 * 8) ** 2)
    ball2 = _neighbor(l2_xyz, l1_xyz, 16, "ball", (_R0 * 16) ** 2)
    su = _neighbor(l1_xyz, l2_xyz, 8, "ball", (_R0 * 12) ** 2)
    fp = _neighbor(pc, l1_xyz, 3, "knn")

    (w1, g1, be1), (w2, g2, be2) = params['sa1']
    t0 = jnp.concatenate([pc, fea, jnp.zeros((b, n, 115), f32)], -1)
    gr1 = _sc_gather(t0.reshape(b * n, 128), ball1.reshape(-1), 512)
    gr1 = gr1.reshape(b * m1, 16, 128)
    nx1 = jnp.concatenate([l1_xyz, jnp.zeros((b, m1, 125), f32)], -1)
    nx1 = nx1.reshape(b * m1, 128)
    w1p = jnp.pad(w1, ((0, 0), (0, 115)))
    h1, st1 = _call(_grouped_lin_body,
                    [_sds((b * m1, 16, 16)), (_STATS, 16)],
                    [(gr1, "row"), (nx1, "row"), (w1p, "full")], _QB)
    cnt1 = float(b * m1 * 16)
    h2, st2 = _call(functools.partial(_norm_lin_body, cnt=cnt1),
                    [_sds((b * m1, 16, 32)), (_STATS, 32)],
                    [(h1, "row"), (st1, "full"), (g1.reshape(1, -1), "full"),
                     (be1.reshape(1, -1), "full"), (w2, "full")], _QB)
    l1_feat = _call(functools.partial(_norm_max_body, cnt=cnt1),
                    [_sds((b * m1, 32))],
                    [(h2, "row"), (st2, "full"), (g2.reshape(1, -1), "full"),
                     (be2.reshape(1, -1), "full")], _QB)

    (w3, g3, be3), (w4, g4, be4) = params['sa2']
    t1 = jnp.concatenate([l1_xyz, l1_feat.reshape(b, m1, 32),
                          jnp.zeros((b, m1, 93), f32)], -1)
    gr2 = _sc_gather(t1.reshape(b * m1, 128), ball2.reshape(-1), 512)
    gr2 = gr2.reshape(b * m2, 16, 128)
    nx2 = jnp.concatenate([l2_xyz, jnp.zeros((b, m2, 125), f32)], -1)
    nx2 = nx2.reshape(b * m2, 128)
    w3p = jnp.pad(w3, ((0, 0), (0, 93)))
    h3, st3 = _call(_grouped_lin_body,
                    [_sds((b * m2, 16, 32)), (_STATS, 32)],
                    [(gr2, "row"), (nx2, "row"), (w3p, "full")], _QB)
    cnt2 = float(b * m2 * 16)
    h4, st4 = _call(functools.partial(_norm_lin_body, cnt=cnt2),
                    [_sds((b * m2, 16, 64)), (_STATS, 64)],
                    [(h3, "row"), (st3, "full"), (g3.reshape(1, -1), "full"),
                     (be3.reshape(1, -1), "full"), (w4, "full")], _QB)
    l2_feat = _call(functools.partial(_norm_max_body, cnt=cnt2),
                    [_sds((b * m2, 64))],
                    [(h4, "row"), (st4, "full"), (g4.reshape(1, -1), "full"),
                     (be4.reshape(1, -1), "full")], _QB)

    (w5, g5, be5), = params['su1_mlp1']
    (w6, g6, be6), = params['su1_mlp2']
    t2 = jnp.concatenate([l2_feat.reshape(b, m2, 64), l2_xyz,
                          jnp.zeros((b, m2, 61), f32)], -1)
    gr3 = _sc_gather(t2.reshape(b * m2, 128), su.reshape(-1), 512)
    gr3 = gr3.reshape(b * m1, 8, 128)
    p1 = jnp.concatenate([jnp.zeros((b, m1, 64), f32), l1_xyz,
                          jnp.zeros((b, m1, 61), f32)], -1)
    p1 = p1.reshape(b * m1, 128)
    w5p = jnp.pad(w5, ((0, 0), (0, 61)))
    h5, st5 = _call(_grouped_lin_body,
                    [_sds((b * m1, 8, 32)), (_STATS, 32)],
                    [(gr3, "row"), (p1, "row"), (w5p, "full")], _QB)
    cnt5 = float(b * m1 * 8)
    h6, st6 = _call(functools.partial(_su_b_body, cnt=cnt5),
                    [_sds((b * m1, 32)), (_STATS, 32)],
                    [(h5, "row"), (st5, "full"), (g5.reshape(1, -1), "full"),
                     (be5.reshape(1, -1), "full"), (l1_feat, "row"),
                     (w6, "full")], _QB)
    cnt6 = float(b * m1)
    t3 = _call(functools.partial(_su_c_body, cnt=cnt6),
               [_sds((b * m1, 128))],
               [(h6, "row"), (st6, "full"), (g6.reshape(1, -1), "full"),
                (be6.reshape(1, -1), "full"),
                (l1_xyz.reshape(b * m1, 3), "row")], _QB)

    (w7, g7, be7), = params['fp']
    gr4 = _sc_gather(t3, fp.reshape(-1), 512)
    gr4 = gr4.reshape(b * n, 3, 128)
    h7, st7 = _call(_fp_a_body,
                    [_sds((b * n, 32)), (_STATS, 32)],
                    [(gr4, "row"), (pc.reshape(b * n, 3), "row"),
                     (fea.reshape(b * n, 10), "row"), (w7, "full")], _RB)
    cnt7 = float(b * n)
    y, sty = _call(functools.partial(_norm_relu_stats_body, cnt=cnt7),
                   [_sds((b * n, 32)), (_STATS, 32)],
                   [(h7, "row"), (st7, "full"), (g7.reshape(1, -1), "full"),
                    (be7.reshape(1, -1), "full")], _RB)
    gb1, bb1 = params['bn1']
    wc, cb = params['conv2']
    sf = _call(functools.partial(_final_body, cnt=cnt7),
               [_sds((b * n, 16))],
               [(y, "row"), (sty, "full"), (gb1.reshape(1, -1), "full"),
                (bb1.reshape(1, -1), "full"), (wc, "full"),
                (cb.reshape(1, -1), "full")], _RB)
    return jnp.concatenate([pc, sf.reshape(b, n, 16)], -1)


def kernel(points1, fea1, points2, fea2, params):
    n = points1.shape[1]
    pts = jnp.concatenate([points1, points2], 0)
    l1 = _fps(pts, n // 2)
    l2 = _fps(l1, n // 8)
    sf = _process(points1, fea1, params, l1[:2], l2[:2])
    tf = _process(points2, fea2, params, l1[2:], l2[2:])
    return (sf, tf)

# --- scband reference (transcript-rebuilt; emitter-appended) ---
"""Pipeline reference for scband-point-net2-fea-extractor-979252544038 (READ-ONLY COPY).

The authoritative reference and input builder live on the scoring server;
editing this copy changes nothing except your own understanding.
"""

import jax, jax.numpy as jnp
import numpy as np

B, N = 2, 8192
IN_CH = 10
R0 = 0.001
SCALE = 0.08

def square_distance(src, dst):
    d = -2.0 * jnp.einsum('bnc,bmc->bnm', src, dst)
    d = d + jnp.sum(src ** 2, -1)[:, :, None]
    d = d + jnp.sum(dst ** 2, -1)[:, None, :]
    return d

def index_points(points, idx):
    return jax.vmap(lambda p, i: p[i])(points, idx)

def farthest_point_sample(xyz, npoint):
    b, n, _ = xyz.shape
    def body(i, state):
        centroids, distance, farthest = state
        centroids = centroids.at[:, i].set(farthest)
        centroid = index_points(xyz, farthest[:, None])
        dist = jnp.sum((xyz - centroid) ** 2, -1)
        distance = jnp.minimum(distance, dist)
        farthest = jnp.argmax(distance, -1).astype(jnp.int32)
        return (centroids, distance, farthest)
    init = (jnp.zeros((b, npoint), jnp.int32), jnp.full((b, n), 1e10, jnp.float32), jnp.zeros((b,), jnp.int32))
    centroids, _, _ = jax.lax.fori_loop(0, npoint, body, init)
    return centroids

def query_ball_point(radius, nsample, xyz, new_xyz):
    n = xyz.shape[1]
    sqr = square_distance(new_xyz, xyz)
    gidx = jnp.broadcast_to(jnp.arange(n, dtype=jnp.int32), sqr.shape)
    gidx = jnp.where(sqr > radius ** 2, n, gidx)
    vals, _ = jax.lax.top_k(-gidx, nsample)
    gidx = -vals
    first = jnp.broadcast_to(gidx[:, :, :1], gidx.shape)
    gidx = jnp.where(gidx == n, first, gidx)
    return jnp.minimum(gidx, n - 1)

def knn3(xyz_dense, xyz_sparse):
    d = square_distance(xyz_dense, xyz_sparse)
    _, idx = jax.lax.top_k(-d, 3)
    return idx

def compute_indices(pc):
    fps1 = farthest_point_sample(pc, 4096)
    l1_xyz = index_points(pc, fps1)
    ball1 = query_ball_point(R0 * 8, 16, pc, l1_xyz)
    fps2 = farthest_point_sample(l1_xyz, 1024)
    l2_xyz = index_points(l1_xyz, fps2)
    ball2 = query_ball_point(R0 * 16, 16, l1_xyz, l2_xyz)
    su = query_ball_point(R0 * 12, 8, l2_xyz, l1_xyz)
    fp = knn3(pc, l1_xyz)
    return {'fps1': fps1, 'ball1': ball1, 'fps2': fps2, 'ball2': ball2, 'su': su, 'fp': fp}

def bn_relu(x, gamma, beta, relu=True):
    axes = tuple(range(x.ndim - 1))
    mean = jnp.mean(x, axis=axes, keepdims=True)
    var = jnp.var(x, axis=axes, keepdims=True)
    y = gamma * (x - mean) / jnp.sqrt(var + 1e-5) + beta
    return jax.nn.relu(y) if relu else y

def mlp_stack(h, layers):
    for (W, g, b) in layers:
        h = bn_relu(jnp.einsum('...c,dc->...d', h, W), g, b)
    return h

def set_abstraction(xyz, feat, fps_idx, ball_idx, mlp):
    new_xyz = index_points(xyz, fps_idx)
    g_xyz = index_points(xyz, ball_idx) - new_xyz[:, :, None, :]
    g_feat = index_points(feat, ball_idx)
    h = jnp.concatenate([g_xyz, g_feat], axis=-1)
    h = mlp_stack(h, mlp)
    return new_xyz, jnp.max(h, axis=2)

def set_upconv(pos1, pos2, feat1, feat2, idx, mlp1, mlp2):
    pos2_g = index_points(pos2, idx)
    pos_diff = pos2_g - pos1[:, :, None, :]
    feat2_g = index_points(feat2, idx)
    h = jnp.concatenate([feat2_g, pos_diff], axis=-1)
    h = mlp_stack(h, mlp1)
    h = jnp.max(h, axis=2)
    h = jnp.concatenate([h, feat1], axis=-1)
    h = mlp_stack(h, mlp2)
    return h

def feature_propagation(pos1, pos2, feat1, feat2, idx, mlp):
    pos2_g = index_points(pos2, idx)
    dists = jnp.sum((pos2_g - pos1[:, :, None, :]) ** 2, axis=-1)
    dist_recip = 1.0 / (dists + 1e-8)
    weight = dist_recip / jnp.sum(dist_recip, axis=-1, keepdims=True)
    feat2_g = index_points(feat2, idx)
    interp = jnp.sum(feat2_g * weight[..., None], axis=2)
    h = jnp.concatenate([interp, feat1], axis=-1)
    h = mlp_stack(h, mlp)
    return h

def process_cloud(pc, fea, params, idxs):
    l1_xyz, l1_feat = set_abstraction(pc, fea, idxs['fps1'], idxs['ball1'], params['sa1'])
    l2_xyz, l2_feat = set_abstraction(l1_xyz, l1_feat, idxs['fps2'], idxs['ball2'], params['sa2'])
    l1_fnew = set_upconv(l1_xyz, l2_xyz, l1_feat, l2_feat, idxs['su'], params['su1_mlp1'], params['su1_mlp2'])
    l0_fnew = feature_propagation(pc, l1_xyz, fea, l1_fnew, idxs['fp'], params['fp'])
    g, b = params['bn1']
    x = bn_relu(l0_fnew, g, b)
    W, cb = params['conv2']
    sf = jnp.einsum('...c,dc->...d', x, W) + cb
    return jnp.concatenate([pc, sf], axis=-1)

def make_params(key):
    ks = jax.random.split(key, 8)
    def conv_bn(k, cin, cout):
        W = jax.random.normal(k, (cout, cin), jnp.float32) * (1.0 / np.sqrt(cin))
        return (W, jnp.ones((cout,), jnp.float32), jnp.zeros((cout,), jnp.float32))
    return {
        'sa1': [conv_bn(ks[0], IN_CH + 3, 16), conv_bn(ks[1], 16, 32)],
        'sa2': [conv_bn(ks[2], 32 + 3, 32), conv_bn(ks[3], 32, 64)],
        'su1_mlp1': [conv_bn(ks[4], 64 + 3, 32)],
        'su1_mlp2': [conv_bn(ks[5], 32 + 32, 32)],
        'fp': [conv_bn(ks[6], 32 + IN_CH, 32)],
        'bn1': (jnp.ones((32,), jnp.float32), jnp.zeros((32,), jnp.float32)),
        'conv2': (jax.random.normal(ks[7], (16, 32), jnp.float32) * (1.0 / np.sqrt(32)), jnp.zeros((16,), jnp.float32)),
    }

def setup_inputs(seed: int = 0):
    key = jax.random.key(seed)
    kp, k1, k2, k3, k4 = jax.random.split(key, 5)
    params = make_params(kp)
    points1 = jax.random.uniform(k1, (B, N, 3), jnp.float32) * SCALE
    fea1 = jax.random.normal(k2, (B, N, IN_CH), jnp.float32)
    points2 = jax.random.uniform(k3, (B, N, 3), jnp.float32) * SCALE
    fea2 = jax.random.normal(k4, (B, N, IN_CH), jnp.float32)
    return {'points1': points1, 'fea1': fea1, 'points2': points2, 'fea2': fea2, 'params': params}

def reference(points1, fea1, points2, fea2, params):
    idx1 = compute_indices(points1)
    idx2 = compute_indices(points2)
    sf = process_cloud(points1, fea1, params, idx1)
    tf = process_cloud(points2, fea2, params, idx2)
    return (sf, tf)

if __name__ == "__main__":
    import jax
    _d = setup_inputs()
    print(jax.jit(kernel)(*tuple(_d.values())))

</pallas_src>

<mosaic_0001>
#map = affine_map<(d0, d1) -> (0, 0)>
#map1 = affine_map<(d0, d1) -> (0)>
module attributes {stable_mosaic.version = 14 : i64} {
  func.func @k(%arg0: i32, %arg1: i32, %arg2: memref<16384x128xf32, #tpu.memory_space<hbm>>, %arg3: memref<131072xi32, #tpu.memory_space<hbm>>, %arg4: memref<131072x128xf32, #tpu.memory_space<hbm>>, %arg5: memref<512xi32, #tpu.memory_space<vmem>>, %arg6: memref<512x128xf32, #tpu.memory_space<vmem>>, %arg7: memref<!tpu.dma_semaphore, #tpu.memory_space<semaphore_mem>>) attributes {dimension_semantics = [#tpu.dimension_semantics<core_parallel>, #tpu.dimension_semantics<subcore_parallel>], iteration_bounds = array<i64: 2, 16>, scalar_prefetch = 0 : i64, scratch_operands = 3 : i64, tpu.core_type = #tpu.core_type<sc_vector_subcore>, window_params = [{transform_indices = #map}, {transform_indices = #map1}, {transform_indices = #map}]} {
    %mul3A = arith.constant 2 : i32
    %mul3A_0 = arith.muli %arg1, %mul3A : i32
    %add3A = arith.addi %mul3A_0, %arg0 : i32
    %mul3A_1 = arith.constant 4096 : i32
    %mul3A_2 = arith.muli %add3A, %mul3A_1 : i32
    %add3A_3 = arith.constant 0 : i32
    %add3A_4 = arith.addi %mul3A_2, %add3A_3 : i32
    "tpu.region"() ({
      %run_scoped3A = tpu.sem_alloc : memref<!tpu.dma_semaphore, #tpu.memory_space<semaphore_mem>>
      %dma_start3A_65 = tpu.memref_slice %arg3[%add3A_4] : memref<131072xi32, #tpu.memory_space<hbm>> -> memref<512xi32, #tpu.memory_space<hbm>>
      %dma_start3A_66 = tpu.memref_slice %arg3[%add3A_4] : memref<131072xi32, #tpu.memory_space<hbm>> -> memref<512xi32, #tpu.memory_space<hbm>>
      tpu.enqueue_dma source(%dma_start3A_66 : memref<512xi32, #tpu.memory_space<hbm>>) target(%arg5 : memref<512xi32, #tpu.memory_space<vmem>>) target_semaphore(%run_scoped3A : memref<!tpu.dma_semaphore, #tpu.memory_space<semaphore_mem>>)
      %dma_wait3A_67 = tpu.memref_slice %arg3[%add3A_4] : memref<131072xi32, #tpu.memory_space<hbm>> -> memref<512xi32, #tpu.memory_space<hbm>>
      %dma_wait3A_68 = tpu.memref_slice %arg3[%add3A_4] : memref<131072xi32, #tpu.memory_space<hbm>> -> memref<512xi32, #tpu.memory_space<hbm>>
      tpu.wait_dma2 semaphore(%run_scoped3A : memref<!tpu.dma_semaphore, #tpu.memory_space<semaphore_mem>>) src(%dma_wait3A_68 : memref<512xi32, #tpu.memory_space<hbm>>) dst(%arg5 : memref<512xi32, #tpu.memory_space<vmem>>)
      tpu.yield
    }) : () -> ()
    %dma_start3A = arith.constant 0 : i32
    %dma_start3A_5 = arith.constant 0 : i32
    %dma_start3A_6 = tpu.memref_slice %arg2[%dma_start3A, %dma_start3A_5] : memref<16384x128xf32, #tpu.memory_space<hbm>> -> memref<16384x128xf32, #tpu.memory_space<hbm>>
    tpu.enqueue_indirect_dma source(%dma_start3A_6 : memref<16384x128xf32, #tpu.memory_space<hbm>>) target(%arg6 : memref<512x128xf32, #tpu.memory_space<vmem>>) offsets(%arg5 : memref<512xi32, #tpu.memory_space<vmem>>) semaphore(%arg7 : memref<!tpu.dma_semaphore, #tpu.memory_space<semaphore_mem>>)
    %dma_wait3A = arith.constant 0 : i32
    %dma_wait3A_7 = arith.constant 0 : i32
    %dma_wait3A_8 = tpu.memref_slice %arg2[%dma_wait3A, %dma_wait3A_7] : memref<16384x128xf32, #tpu.memory_space<hbm>> -> memref<16384x128xf32, #tpu.memory_space<hbm>>
    tpu.wait_indirect_dma semaphore(%arg7 : memref<!tpu.dma_semaphore, #tpu.memory_space<semaphore_mem>>) src(%dma_wait3A_8 : memref<16384x128xf32, #tpu.memory_space<hbm>>) dst(%arg6 : memref<512x128xf32, #tpu.memory_space<vmem>>)
    "tpu.region"() ({
      %run_scoped3A = tpu.sem_alloc : memref<!tpu.dma_semaphore, #tpu.memory_space<semaphore_mem>>
      %dma_start3A_65 = arith.constant 0 : i32
      %dma_start3A_66 = tpu.memref_slice %arg4[%add3A_4, %dma_start3A_65] : memref<131072x128xf32, #tpu.memory_space<hbm>> -> memref<512x128xf32, #tpu.memory_space<hbm>>
      %dma_start3A_67 = arith.constant 0 : i32
      %dma_start3A_68 = tpu.memref_slice %arg4[%add3A_4, %dma_start3A_67] : memref<131072x128xf32, #tpu.memory_space<hbm>> -> memref<512x128xf32, #tpu.memory_space<hbm>>
      tpu.enqueue_dma source(%arg6 : memref<512x128xf32, #tpu.memory_space<vmem>>) target(%dma_start3A_68 : memref<512x128xf32, #tpu.memory_space<hbm>>) target_semaphore(%run_scoped3A : memref<!tpu.dma_semaphore, #tpu.memory_space<semaphore_mem>>)
      %dma_wait3A_69 = arith.constant 0 : i32
      %dma_wait3A_70 = tpu.memref_slice %arg4[%add3A_4, %dma_wait3A_69] : memref<131072x128xf32, #tpu.memory_space<hbm>> -> memref<512x128xf32, #tpu.memory_space<hbm>>
      %dma_wait3A_71 = arith.constant 0 : i32
      %dma_wait3A_72 = tpu.memref_slice %arg4[%add3A_4, %dma_wait3A_71] : memref<131072x128xf32, #tpu.memory_space<hbm>> -> memref<512x128xf32, #tpu.memory_space<hbm>>
      tpu.wait_dma2 semaphore(%run_scoped3A : memref<!tpu.dma_semaphore, #tpu.memory_space<semaphore_mem>>) src(%arg6 : memref<512x128xf32, #tpu.memory_space<vmem>>) dst(%dma_wait3A_72 : memref<512x128xf32, #tpu.memory_space<hbm>>)
      tpu.yield
    }) : () -> ()
    %add3A_9 = arith.constant 512 : i32
    %add3A_10 = arith.addi %mul3A_2, %add3A_9 : i32
    "tpu.region"() ({
      %run_scoped3A = tpu.sem_alloc : memref<!tpu.dma_semaphore, #tpu.memory_space<semaphore_mem>>
      %dma_start3A_65 = tpu.memref_slice %arg3[%add3A_10] : memref<131072xi32, #tpu.memory_space<hbm>> -> memref<512xi32, #tpu.memory_space<hbm>>
      %dma_start3A_66 = tpu.memref_slice %arg3[%add3A_10] : memref<131072xi32, #tpu.memory_space<hbm>> -> memref<512xi32, #tpu.memory_space<hbm>>
      tpu.enqueue_dma source(%dma_start3A_66 : memref<512xi32, #tpu.memory_space<hbm>>) target(%arg5 : memref<512xi32, #tpu.memory_space<vmem>>) target_semaphore(%run_scoped3A : memref<!tpu.dma_semaphore, #tpu.memory_space<semaphore_mem>>)
      %dma_wait3A_67 = tpu.memref_slice %arg3[%add3A_10] : memref<131072xi32, #tpu.memory_space<hbm>> -> memref<512xi32, #tpu.memory_space<hbm>>
      %dma_wait3A_68 = tpu.memref_slice %arg3[%add3A_10] : memref<131072xi32, #tpu.memory_space<hbm>> -> memref<512xi32, #tpu.memory_space<hbm>>
      tpu.wait_dma2 semaphore(%run_scoped3A : memref<!tpu.dma_semaphore, #tpu.memory_space<semaphore_mem>>) src(%dma_wait3A_68 : memref<512xi32, #tpu.memory_space<hbm>>) dst(%arg5 : memref<512xi32, #tpu.memory_space<vmem>>)
      tpu.yield
    }) : () -> ()
    %dma_start3A_11 = arith.constant 0 : i32
    %dma_start3A_12 = arith.constant 0 : i32
    %dma_start3A_13 = tpu.memref_slice %arg2[%dma_start3A_11, %dma_start3A_12] : memref<16384x128xf32, #tpu.memory_space<hbm>> -> memref<16384x128xf32, #tpu.memory_space<hbm>>
    tpu.enqueue_indirect_dma source(%dma_start3A_13 : memref<16384x128xf32, #tpu.memory_space<hbm>>) target(%arg6 : memref<512x128xf32, #tpu.memory_space<vmem>>) offsets(%arg5 : memref<512xi32, #tpu.memory_space<vmem>>) semaphore(%arg7 : memref<!tpu.dma_semaphore, #tpu.memory_space<semaphore_mem>>)
    %dma_wait3A_14 = arith.constant 0 : i32
    %dma_wait3A_15 = arith.constant 0 : i32
    %dma_wait3A_16 = tpu.memref_slice %arg2[%dma_wait3A_14, %dma_wait3A_15] : memref<16384x128xf32, #tpu.memory_space<hbm>> -> memref<16384x128xf32, #tpu.memory_space<hbm>>
    tpu.wait_indirect_dma semaphore(%arg7 : memref<!tpu.dma_semaphore, #tpu.memory_space<semaphore_mem>>) src(%dma_wait3A_16 : memref<16384x128xf32, #tpu.memory_space<hbm>>) dst(%arg6 : memref<512x128xf32, #tpu.memory_space<vmem>>)
    "tpu.region"() ({
      %run_scoped3A = tpu.sem_alloc : memref<!tpu.dma_semaphore, #tpu.memory_space<semaphore_mem>>
      %dma_start3A_65 = arith.constant 0 : i32
      %dma_start3A_66 = tpu.memref_slice %arg4[%add3A_10, %dma_start3A_65] : memref<131072x128xf32, #tpu.memory_space<hbm>> -> memref<512x128xf32, #tpu.memory_space<hbm>>
      %dma_start3A_67 = arith.constant 0 : i32
      %dma_start3A_68 = tpu.memref_slice %arg4[%add3A_10, %dma_start3A_67] : memref<131072x128xf32, #tpu.memory_space<hbm>> -> memref<512x128xf32, #tpu.memory_space<hbm>>
      tpu.enqueue_dma source(%arg6 : memref<512x128xf32, #tpu.memory_space<vmem>>) target(%dma_start3A_68 : memref<512x128xf32, #tpu.memory_space<hbm>>) target_semaphore(%run_scoped3A : memref<!tpu.dma_semaphore, #tpu.memory_space<semaphore_mem>>)
      %dma_wait3A_69 = arith.constant 0 : i32
      %dma_wait3A_70 = tpu.memref_slice %arg4[%add3A_10, %dma_wait3A_69] : memref<131072x128xf32, #tpu.memory_space<hbm>> -> memref<512x128xf32, #tpu.memory_space<hbm>>
      %dma_wait3A_71 = arith.constant 0 : i32
      %dma_wait3A_72 = tpu.memref_slice %arg4[%add3A_10, %dma_wait3A_71] : memref<131072x128xf32, #tpu.memory_space<hbm>> -> memref<512x128xf32, #tpu.memory_space<hbm>>
      tpu.wait_dma2 semaphore(%run_scoped3A : memref<!tpu.dma_semaphore, #tpu.memory_space<semaphore_mem>>) src(%arg6 : memref<512x128xf32, #tpu.memory_space<vmem>>) dst(%dma_wait3A_72 : memref<512x128xf32, #tpu.memory_space<hbm>>)
      tpu.yield
    }) : () -> ()
    %add3A_17 = arith.constant 1024 : i32
    %add3A_18 = arith.addi %mul3A_2, %add3A_17 : i32
    "tpu.region"() ({
      %run_scoped3A = tpu.sem_alloc : memref<!tpu.dma_semaphore, #tpu.memory_space<semaphore_mem>>
      %dma_start3A_65 = tpu.memref_slice %arg3[%add3A_18] : memref<131072xi32, #tpu.memory_space<hbm>> -> memref<512xi32, #tpu.memory_space<hbm>>
      %dma_start3A_66 = tpu.memref_slice %arg3[%add3A_18] : memref<131072xi32, #tpu.memory_space<hbm>> -> memref<512xi32, #tpu.memory_space<hbm>>
      tpu.enqueue_dma source(%dma_start3A_66 : memref<512xi32, #tpu.memory_space<hbm>>) target(%arg5 : memref<512xi32, #tpu.memory_space<vmem>>) target_semaphore(%run_scoped3A : memref<!tpu.dma_semaphore, #tpu.memory_space<semaphore_mem>>)
      %dma_wait3A_67 = tpu.memref_slice %arg3[%add3A_18] : memref<131072xi32, #tpu.memory_space<hbm>> -> memref<512xi32, #tpu.memory_space<hbm>>
      %dma_wait3A_68 = tpu.memref_slice %arg3[%add3A_18] : memref<131072xi32, #tpu.memory_space<hbm>> -> memref<512xi32, #tpu.memory_space<hbm>>
      tpu.wait_dma2 semaphore(%run_scoped3A : memref<!tpu.dma_semaphore, #tpu.memory_space<semaphore_mem>>) src(%dma_wait3A_68 : memref<512xi32, #tpu.memory_space<hbm>>) dst(%arg5 : memref<512xi32, #tpu.memory_space<vmem>>)
      tpu.yield
    }) : () -> ()
    %dma_start3A_19 = arith.constant 0 : i32
    %dma_start3A_20 = arith.constant 0 : i32
    %dma_start3A_21 = tpu.memref_slice %arg2[%dma_start3A_19, %dma_start3A_20] : memref<16384x128xf32, #tpu.memory_space<hbm>> -> memref<16384x128xf32, #tpu.memory_space<hbm>>
    tpu.enqueue_indirect_dma source(%dma_start3A_21 : memref<16384x128xf32, #tpu.memory_space<hbm>>) target(%arg6 : memref<512x128xf32, #tpu.memory_space<vmem>>) offsets(%arg5 : memref<512xi32, #tpu.memory_space<vmem>>) semaphore(%arg7 : memref<!tpu.dma_semaphore, #tpu.memory_space<semaphore_mem>>)
    %dma_wait3A_22 = arith.constant 0 : i32
    %dma_wait3A_23 = arith.constant 0 : i32
    %dma_wait3A_24 = tpu.memref_slice %arg2[%dma_wait3A_22, %dma_wait3A_23] : memref<16384x128xf32, #tpu.memory_space<hbm>> -> memref<16384x128xf32, #tpu.memory_space<hbm>>
    tpu.wait_indirect_dma semaphore(%arg7 : memref<!tpu.dma_semaphore, #tpu.memory_space<semaphore_mem>>) src(%dma_wait3A_24 : memref<16384x128xf32, #tpu.memory_space<hbm>>) dst(%arg6 : memref<512x128xf32, #tpu.memory_space<vmem>>)
    "tpu.region"() ({
      %run_scoped3A = tpu.sem_alloc : memref<!tpu.dma_semaphore, #tpu.memory_space<semaphore_mem>>
      %dma_start3A_65 = arith.constant 0 : i32
      %dma_start3A_66 = tpu.memref_slice %arg4[%add3A_18, %dma_start3A_65] : memref<131072x128xf32, #tpu.memory_space<hbm>> -> memref<512x128xf32, #tpu.memory_space<hbm>>
      %dma_start3A_67 = arith.constant 0 : i32
      %dma_start3A_68 = tpu.memref_slice %arg4[%add3A_18, %dma_start3A_67] : memref<131072x128xf32, #tpu.memory_space<hbm>> -> memref<512x128xf32, #tpu.memory_space<hbm>>
      tpu.enqueue_dma source(%arg6 : memref<512x128xf32, #tpu.memory_space<vmem>>) target(%dma_start3A_68 : memref<512x128xf32, #tpu.memory_space<hbm>>) target_semaphore(%run_scoped3A : memref<!tpu.dma_semaphore, #tpu.memory_space<semaphore_mem>>)
      %dma_wait3A_69 = arith.constant 0 : i32
      %dma_wait3A_70 = tpu.memref_slice %arg4[%add3A_18, %dma_wait3A_69] : memref<131072x128xf32, #tpu.memory_space<hbm>> -> memref<512x128xf32, #tpu.memory_space<hbm>>
      %dma_wait3A_71 = arith.constant 0 : i32
      %dma_wait3A_72 = tpu.memref_slice %arg4[%add3A_18, %dma_wait3A_71] : memref<131072x128xf32, #tpu.memory_space<hbm>> -> memref<512x128xf32, #tpu.memory_space<hbm>>
      tpu.wait_dma2 semaphore(%run_scoped3A : memref<!tpu.dma_semaphore, #tpu.memory_space<semaphore_mem>>) src(%arg6 : memref<512x128xf32, #tpu.memory_space<vmem>>) dst(%dma_wait3A_72 : memref<512x128xf32, #tpu.memory_space<hbm>>)
      tpu.yield
    }) : () -> ()
    %add3A_25 = arith.constant 1536 : i32
    %add3A_26 = arith.addi %mul3A_2, %add3A_25 : i32
    "tpu.region"() ({
      %run_scoped3A = tpu.sem_alloc : memref<!tpu.dma_semaphore, #tpu.memory_space<semaphore_mem>>
      %dma_start3A_65 = tpu.memref_slice %arg3[%add3A_26] : memref<131072xi32, #tpu.memory_space<hbm>> -> memref<512xi32, #tpu.memory_space<hbm>>
      %dma_start3A_66 = tpu.memref_slice %arg3[%add3A_26] : memref<131072xi32, #tpu.memory_space<hbm>> -> memref<512xi32, #tpu.memory_space<hbm>>
      tpu.enqueue_dma source(%dma_start3A_66 : memref<512xi32, #tpu.memory_space<hbm>>) target(%arg5 : memref<512xi32, #tpu.memory_space<vmem>>) target_semaphore(%run_scoped3A : memref<!tpu.dma_semaphore, #tpu.memory_space<semaphore_mem>>)
      %dma_wait3A_67 = tpu.memref_slice %arg3[%add3A_26] : memref<131072xi32, #tpu.memory_space<hbm>> -> memref<512xi32, #tpu.memory_space<hbm>>
      %dma_wait3A_68 = tpu.memref_slice %arg3[%add3A_26] : memref<131072xi32, #tpu.memory_space<hbm>> -> memref<512xi32, #tpu.memory_space<hbm>>
      tpu.wait_dma2 semaphore(%run_scoped3A : memref<!tpu.dma_semaphore, #tpu.memory_space<semaphore_mem>>) src(%dma_wait3A_68 : memref<512xi32, #tpu.memory_space<hbm>>) dst(%arg5 : memref<512xi32, #tpu.memory_space<vmem>>)
      tpu.yield
    }) : () -> ()
    %dma_start3A_27 = arith.constant 0 : i32
    %dma_start3A_28 = arith.constant 0 : i32
    %dma_start3A_29 = tpu.memref_slice %arg2[%dma_start3A_27, %dma_start3A_28] : memref<16384x128xf32, #tpu.memory_space<hbm>> -> memref<16384x128xf32, #tpu.memory_space<hbm>>
    tpu.enqueue_indirect_dma source(%dma_start3A_29 : memref<16384x128xf32, #tpu.memory_space<hbm>>) target(%arg6 : memref<512x128xf32, #tpu.memory_space<vmem>>) offsets(%arg5 : memref<512xi32, #tpu.memory_space<vmem>>) semaphore(%arg7 : memref<!tpu.dma_semaphore, #tpu.memory_space<semaphore_mem>>)
    %dma_wait3A_30 = arith.constant 0 : i32
    %dma_wait3A_31 = arith.constant 0 : i32
    %dma_wait3A_32 = tpu.memref_slice %arg2[%dma_wait3A_30, %dma_wait3A_31] : memref<16384x128xf32, #tpu.memory_space<hbm>> -> memref<16384x128xf32, #tpu.memory_space<hbm>>
    tpu.wait_indirect_dma semaphore(%arg7 : memref<!tpu.dma_semaphore, #tpu.memory_space<semaphore_mem>>) src(%dma_wait3A_32 : memref<16384x128xf32, #tpu.memory_space<hbm>>) dst(%arg6 : memref<512x128xf32, #tpu.memory_space<vmem>>)
    "tpu.region"() ({
      %run_scoped3A = tpu.sem_alloc : memref<!tpu.dma_semaphore, #tpu.memory_space<semaphore_mem>>
      %dma_start3A_65 = arith.constant 0 : i32
      %dma_start3A_66 = tpu.memref_slice %arg4[%add3A_26, %dma_start3A_65] : memref<131072x128xf32, #tpu.memory_space<hbm>> -> memref<512x128xf32, #tpu.memory_space<hbm>>
      %dma_start3A_67 = arith.constant 0 : i32
      %dma_start3A_68 = tpu.memref_slice %arg4[%add3A_26, %dma_start3A_67] : memref<131072x128xf32, #tpu.memory_space<hbm>> -> memref<512x128xf32, #tpu.memory_space<hbm>>
      tpu.enqueue_dma source(%arg6 : memref<512x128xf32, #tpu.memory_space<vmem>>) target(%dma_start3A_68 : memref<512x128xf32, #tpu.memory_space<hbm>>) target_semaphore(%run_scoped3A : memref<!tpu.dma_semaphore, #tpu.memory_space<semaphore_mem>>)
      %dma_wait3A_69 = arith.constant 0 : i32
      %dma_wait3A_70 = tpu.memref_slice %arg4[%add3A_26, %dma_wait3A_69] : memref<131072x128xf32, #tpu.memory_space<hbm>> -> memref<512x128xf32, #tpu.memory_space<hbm>>
      %dma_wait3A_71 = arith.constant 0 : i32
      %dma_wait3A_72 = tpu.memref_slice %arg4[%add3A_26, %dma_wait3A_71] : memref<131072x128xf32, #tpu.memory_space<hbm>> -> memref<512x128xf32, #tpu.memory_space<hbm>>
      tpu.wait_dma2 semaphore(%run_scoped3A : memref<!tpu.dma_semaphore, #tpu.memory_space<semaphore_mem>>) src(%arg6 : memref<512x128xf32, #tpu.memory_space<vmem>>) dst(%dma_wait3A_72 : memref<512x128xf32, #tpu.memory_space<hbm>>)
      tpu.yield
    }) : () -> ()
    %add3A_33 = arith.constant 2048 : i32
    %add3A_34 = arith.addi %mul3A_2, %add3A_33 : i32
    "tpu.region"() ({
      %run_scoped3A = tpu.sem_alloc : memref<!tpu.dma_semaphore, #tpu.memory_space<semaphore_mem>>
      %dma_start3A_65 = tpu.memref_slice %arg3[%add3A_34] : memref<131072xi32, #tpu.memory_space<hbm>> -> memref<512xi32, #tpu.memory_space<hbm>>
      %dma_start3A_66 = tpu.memref_slice %arg3[%add3A_34] : memref<131072xi32, #tpu.memory_space<hbm>> -> memref<512xi32, #tpu.memory_space<hbm>>
      tpu.enqueue_dma source(%dma_start3A_66 : memref<512xi32, #tpu.memory_space<hbm>>) target(%arg5 : memref<512xi32, #tpu.memory_space<vmem>>) target_semaphore(%run_scoped3A : memref<!tpu.dma_semaphore, #tpu.memory_space<semaphore_mem>>)
      %dma_wait3A_67 = tpu.memref_slice %arg3[%add3A_34] : memref<131072xi32, #tpu.memory_space<hbm>> -> memref<512xi32, #tpu.memory_space<hbm>>
      %dma_wait3A_68 = tpu.memref_slice %arg3[%add3A_34] : memref<131072xi32, #tpu.memory_space<hbm>> -> memref<512xi32, #tpu.memory_space<hbm>>
      tpu.wait_dma2 semaphore(%run_scoped3A : memref<!tpu.dma_semaphore, #tpu.memory_space<semaphore_mem>>) src(%dma_wait3A_68 : memref<512xi32, #tpu.memory_space<hbm>>) dst(%arg5 : memref<512xi32, #tpu.memory_space<vmem>>)
      tpu.yield
    }) : () -> ()
    %dma_start3A_35 = arith.constant 0 : i32
    %dma_start3A_36 = arith.constant 0 : i32
    %dma_start3A_37 = tpu.memref_slice %arg2[%dma_start3A_35, %dma_start3A_36] : memref<16384x128xf32, #tpu.memory_space<hbm>> -> memref<16384x128xf32, #tpu.memory_space<hbm>>
    tpu.enqueue_indirect_dma source(%dma_start3A_37 : memref<16384x128xf32, #tpu.memory_space<hbm>>) target(%arg6 : memref<512x128xf32, #tpu.memory_space<vmem>>) offsets(%arg5 : memref<512xi32, #tpu.memory_space<vmem>>) semaphore(%arg7 : memref<!tpu.dma_semaphore, #tpu.memory_space<semaphore_mem>>)
    %dma_wait3A_38 = arith.constant 0 : i32
    %dma_wait3A_39 = arith.constant 0 : i32
    %dma_wait3A_40 = tpu.memref_slice %arg2[%dma_wait3A_38, %dma_wait3A_39] : memref<16384x128xf32, #tpu.memory_space<hbm>> -> memref<16384x128xf32, #tpu.memory_space<hbm>>
    tpu.wait_indirect_dma semaphore(%arg7 : memref<!tpu.dma_semaphore, #tpu.memory_space<semaphore_mem>>) src(%dma_wait3A_40 : memref<16384x128xf32, #tpu.memory_space<hbm>>) dst(%arg6 : memref<512x128xf32, #tpu.memory_space<vmem>>)
    "tpu.region"() ({
      %run_scoped3A = tpu.sem_alloc : memref<!tpu.dma_semaphore, #tpu.memory_space<semaphore_mem>>
      %dma_start3A_65 = arith.constant 0 : i32
      %dma_start3A_66 = tpu.memref_slice %arg4[%add3A_34, %dma_start3A_65] : memref<131072x128xf32, #tpu.memory_space<hbm>> -> memref<512x128xf32, #tpu.memory_space<hbm>>
      %dma_start3A_67 = arith.constant 0 : i32
      %dma_start3A_68 = tpu.memref_slice %arg4[%add3A_34, %dma_start3A_67] : memref<131072x128xf32, #tpu.memory_space<hbm>> -> memref<512x128xf32, #tpu.memory_space<hbm>>
      tpu.enqueue_dma source(%arg6 : memref<512x128xf32, #tpu.memory_space<vmem>>) target(%dma_start3A_68 : memref<512x128xf32, #tpu.memory_space<hbm>>) target_semaphore(%run_scoped3A : memref<!tpu.dma_semaphore, #tpu.memory_space<semaphore_mem>>)
      %dma_wait3A_69 = arith.constant 0 : i32
      %dma_wait3A_70 = tpu.memref_slice %arg4[%add3A_34, %dma_wait3A_69] : memref<131072x128xf32, #tpu.memory_space<hbm>> -> memref<512x128xf32, #tpu.memory_space<hbm>>
      %dma_wait3A_71 = arith.constant 0 : i32
      %dma_wait3A_72 = tpu.memref_slice %arg4[%add3A_34, %dma_wait3A_71] : memref<131072x128xf32, #tpu.memory_space<hbm>> -> memref<512x128xf32, #tpu.memory_space<hbm>>
      tpu.wait_dma2 semaphore(%run_scoped3A : memref<!tpu.dma_semaphore, #tpu.memory_space<semaphore_mem>>) src(%arg6 : memref<512x128xf32, #tpu.memory_space<vmem>>) dst(%dma_wait3A_72 : memref<512x128xf32, #tpu.memory_space<hbm>>)
      tpu.yield
    }) : () -> ()
    %add3A_41 = arith.constant 2560 : i32
    %add3A_42 = arith.addi %mul3A_2, %add3A_41 : i32
    "tpu.region"() ({
      %run_scoped3A = tpu.sem_alloc : memref<!tpu.dma_semaphore, #tpu.memory_space<semaphore_mem>>
      %dma_start3A_65 = tpu.memref_slice %arg3[%add3A_42] : memref<131072xi32, #tpu.memory_space<hbm>> -> memref<512xi32, #tpu.memory_space<hbm>>
      %dma_start3A_66 = tpu.memref_slice %arg3[%add3A_42] : memref<131072xi32, #tpu.memory_space<hbm>> -> memref<512xi32, #tpu.memory_space<hbm>>
      tpu.enqueue_dma source(%dma_start3A_66 : memref<512xi32, #tpu.memory_space<hbm>>) target(%arg5 : memref<512xi32, #tpu.memory_space<vmem>>) target_semaphore(%run_scoped3A : memref<!tpu.dma_semaphore, #tpu.memory_space<semaphore_mem>>)
      %dma_wait3A_67 = tpu.memref_slice %arg3[%add3A_42] : memref<131072xi32, #tpu.memory_space<hbm>> -> memref<512xi32, #tpu.memory_space<hbm>>
      %dma_wait3A_68 = tpu.memref_slice %arg3[%add3A_42] : memref<131072xi32, #tpu.memory_space<hbm>> -> memref<512xi32, #tpu.memory_space<hbm>>
      tpu.wait_dma2 semaphore(%run_scoped3A : memref<!tpu.dma_semaphore, #tpu.memory_space<semaphore_mem>>) src(%dma_wait3A_68 : memref<512xi32, #tpu.memory_space<hbm>>) dst(%arg5 : memref<512xi32, #tpu.memory_space<vmem>>)
      tpu.yield
    }) : () -> ()
    %dma_start3A_43 = arith.constant 0 : i32
    %dma_start3A_44 = arith.constant 0 : i32
    %dma_start3A_45 = tpu.memref_slice %arg2[%dma_start3A_43, %dma_start3A_44] : memref<16384x128xf32, #tpu.memory_space<hbm>> -> memref<16384x128xf32, #tpu.memory_space<hbm>>
    tpu.enqueue_indirect_dma source(%dma_start3A_45 : memref<16384x128xf32, #tpu.memory_space<hbm>>) target(%arg6 : memref<512x128xf32, #tpu.memory_space<vmem>>) offsets(%arg5 : memref<512xi32, #tpu.memory_space<vmem>>) semaphore(%arg7 : memref<!tpu.dma_semaphore, #tpu.memory_space<semaphore_mem>>)
    %dma_wait3A_46 = arith.constant 0 : i32
    %dma_wait3A_47 = arith.constant 0 : i32
    %dma_wait3A_48 = tpu.memref_slice %arg2[%dma_wait3A_46, %dma_wait3A_47] : memref<16384x128xf32, #tpu.memory_space<hbm>> -> memref<16384x128xf32, #tpu.memory_space<hbm>>
    tpu.wait_indirect_dma semaphore(%arg7 : memref<!tpu.dma_semaphore, #tpu.memory_space<semaphore_mem>>) src(%dma_wait3A_48 : memref<16384x128xf32, #tpu.memory_space<hbm>>) dst(%arg6 : memref<512x128xf32, #tpu.memory_space<vmem>>)
    "tpu.region"() ({
      %run_scoped3A = tpu.sem_alloc : memref<!tpu.dma_semaphore, #tpu.memory_space<semaphore_mem>>
      %dma_start3A_65 = arith.constant 0 : i32
      %dma_start3A_66 = tpu.memref_slice %arg4[%add3A_42, %dma_start3A_65] : memref<131072x128xf32, #tpu.memory_space<hbm>> -> memref<512x128xf32, #tpu.memory_space<hbm>>
      %dma_start3A_67 = arith.constant 0 : i32
      %dma_start3A_68 = tpu.memref_slice %arg4[%add3A_42, %dma_start3A_67] : memref<131072x128xf32, #tpu.memory_space<hbm>> -> memref<512x128xf32, #tpu.memory_space<hbm>>
      tpu.enqueue_dma source(%arg6 : memref<512x128xf32, #tpu.memory_space<vmem>>) target(%dma_start3A_68 : memref<512x128xf32, #tpu.memory_space<hbm>>) target_semaphore(%run_scoped3A : memref<!tpu.dma_semaphore, #tpu.memory_space<semaphore_mem>>)
      %dma_wait3A_69 = arith.constant 0 : i32
      %dma_wait3A_70 = tpu.memref_slice %arg4[%add3A_42, %dma_wait3A_69] : memref<131072x128xf32, #tpu.memory_space<hbm>> -> memref<512x128xf32, #tpu.memory_space<hbm>>
      %dma_wait3A_71 = arith.constant 0 : i32
      %dma_wait3A_72 = tpu.memref_slice %arg4[%add3A_42, %dma_wait3A_71] : memref<131072x128xf32, #tpu.memory_space<hbm>> -> memref<512x128xf32, #tpu.memory_space<hbm>>
      tpu.wait_dma2 semaphore(%run_scoped3A : memref<!tpu.dma_semaphore, #tpu.memory_space<semaphore_mem>>) src(%arg6 : memref<512x128xf32, #tpu.memory_space<vmem>>) dst(%dma_wait3A_72 : memref<512x128xf32, #tpu.memory_space<hbm>>)
      tpu.yield
    }) : () -> ()
    %add3A_49 = arith.constant 3072 : i32
    %add3A_50 = arith.addi %mul3A_2, %add3A_49 : i32
    "tpu.region"() ({
      %run_scoped3A = tpu.sem_alloc : memref<!tpu.dma_semaphore, #tpu.memory_space<semaphore_mem>>
      %dma_start3A_65 = tpu.memref_slice %arg3[%add3A_50] : memref<131072xi32, #tpu.memory_space<hbm>> -> memref<512xi32, #tpu.memory_space<hbm>>
      %dma_start3A_66 = tpu.memref_slice %arg3[%add3A_50] : memref<131072xi32, #tpu.memory_space<hbm>> -> memref<512xi32, #tpu.memory_space<hbm>>
      tpu.enqueue_dma source(%dma_start3A_66 : memref<512xi32, #tpu.memory_space<hbm>>) target(%arg5 : memref<512xi32, #tpu.memory_space<vmem>>) target_semaphore(%run_scoped3A : memref<!tpu.dma_semaphore, #tpu.memory_space<semaphore_mem>>)
      %dma_wait3A_67 = tpu.memref_slice %arg3[%add3A_50] : memref<131072xi32, #tpu.memory_space<hbm>> -> memref<512xi32, #tpu.memory_space<hbm>>
      %dma_wait3A_68 = tpu.memref_slice %arg3[%add3A_50] : memref<131072xi32, #tpu.memory_space<hbm>> -> memref<512xi32, #tpu.memory_space<hbm>>
      tpu.wait_dma2 semaphore(%run_scoped3A : memref<!tpu.dma_semaphore, #tpu.memory_space<semaphore_mem>>) src(%dma_wait3A_68 : memref<512xi32, #tpu.memory_space<hbm>>) dst(%arg5 : memref<512xi32, #tpu.memory_space<vmem>>)
      tpu.yield
    }) : () -> ()
    %dma_start3A_51 = arith.constant 0 : i32
    %dma_start3A_52 = arith.constant 0 : i32
    %dma_start3A_53 = tpu.memref_slice %arg2[%dma_start3A_51, %dma_start3A_52] : memref<16384x128xf32, #tpu.memory_space<hbm>> -> memref<16384x128xf32, #tpu.memory_space<hbm>>
    tpu.enqueue_indirect_dma source(%dma_start3A_53 : memref<16384x128xf32, #tpu.memory_space<hbm>>) target(%arg6 : memref<512x128xf32, #tpu.memory_space<vmem>>) offsets(%arg5 : memref<512xi32, #tpu.memory_space<vmem>>) semaphore(%arg7 : memref<!tpu.dma_semaphore, #tpu.memory_space<semaphore_mem>>)
    %dma_wait3A_54 = arith.constant 0 : i32
    %dma_wait3A_55 = arith.constant 0 : i32
    %dma_wait3A_56 = tpu.memref_slice %arg2[%dma_wait3A_54, %dma_wait3A_55] : memref<16384x128xf32, #tpu.memory_space<hbm>> -> memref<16384x128xf32, #tpu.memory_space<hbm>>
    tpu.wait_indirect_dma semaphore(%arg7 : memref<!tpu.dma_semaphore, #tpu.memory_space<semaphore_mem>>) src(%dma_wait3A_56 : memref<16384x128xf32, #tpu.memory_space<hbm>>) dst(%arg6 : memref<512x128xf32, #tpu.memory_space<vmem>>)
    "tpu.region"() ({
      %run_scoped3A = tpu.sem_alloc : memref<!tpu.dma_semaphore, #tpu.memory_space<semaphore_mem>>
      %dma_start3A_65 = arith.constant 0 : i32
      %dma_start3A_66 = tpu.memref_slice %arg4[%add3A_50, %dma_start3A_65] : memref<131072x128xf32, #tpu.memory_space<hbm>> -> memref<512x128xf32, #tpu.memory_space<hbm>>
      %dma_start3A_67 = arith.constant 0 : i32
      %dma_start3A_68 = tpu.memref_slice %arg4[%add3A_50, %dma_start3A_67] : memref<131072x128xf32, #tpu.memory_space<hbm>> -> memref<512x128xf32, #tpu.memory_space<hbm>>
      tpu.enqueue_dma source(%arg6 : memref<512x128xf32, #tpu.memory_space<vmem>>) target(%dma_start3A_68 : memref<512x128xf32, #tpu.memory_space<hbm>>) target_semaphore(%run_scoped3A : memref<!tpu.dma_semaphore, #tpu.memory_space<semaphore_mem>>)
      %dma_wait3A_69 = arith.constant 0 : i32
      %dma_wait3A_70 = tpu.memref_slice %arg4[%add3A_50, %dma_wait3A_69] : memref<131072x128xf32, #tpu.memory_space<hbm>> -> memref<512x128xf32, #tpu.memory_space<hbm>>
      %dma_wait3A_71 = arith.constant 0 : i32
      %dma_wait3A_72 = tpu.memref_slice %arg4[%add3A_50, %dma_wait3A_71] : memref<131072x128xf32, #tpu.memory_space<hbm>> -> memref<512x128xf32, #tpu.memory_space<hbm>>
      tpu.wait_dma2 semaphore(%run_scoped3A : memref<!tpu.dma_semaphore, #tpu.memory_space<semaphore_mem>>) src(%arg6 : memref<512x128xf32, #tpu.memory_space<vmem>>) dst(%dma_wait3A_72 : memref<512x128xf32, #tpu.memory_space<hbm>>)
      tpu.yield
    }) : () -> ()
    %add3A_57 = arith.constant 3584 : i32
    %add3A_58 = arith.addi %mul3A_2, %add3A_57 : i32
    "tpu.region"() ({
      %run_scoped3A = tpu.sem_alloc : memref<!tpu.dma_semaphore, #tpu.memory_space<semaphore_mem>>
      %dma_start3A_65 = tpu.memref_slice %arg3[%add3A_58] : memref<131072xi32, #tpu.memory_space<hbm>> -> memref<512xi32, #tpu.memory_space<hbm>>
      %dma_start3A_66 = tpu.memref_slice %arg3[%add3A_58] : memref<131072xi32, #tpu.memory_space<hbm>> -> memref<512xi32, #tpu.memory_space<hbm>>
      tpu.enqueue_dma source(%dma_start3A_66 : memref<512xi32, #tpu.memory_space<hbm>>) target(%arg5 : memref<512xi32, #tpu.memory_space<vmem>>) target_semaphore(%run_scoped3A : memref<!tpu.dma_semaphore, #tpu.memory_space<semaphore_mem>>)
      %dma_wait3A_67 = tpu.memref_slice %arg3[%add3A_58] : memref<131072xi32, #tpu.memory_space<hbm>> -> memref<512xi32, #tpu.memory_space<hbm>>
      %dma_wait3A_68 = tpu.memref_slice %arg3[%add3A_58] : memref<131072xi32, #tpu.memory_space<hbm>> -> memref<512xi32, #tpu.memory_space<hbm>>
      tpu.wait_dma2 semaphore(%run_scoped3A : memref<!tpu.dma_semaphore, #tpu.memory_space<semaphore_mem>>) src(%dma_wait3A_68 : memref<512xi32, #tpu.memory_space<hbm>>) dst(%arg5 : memref<512xi32, #tpu.memory_space<vmem>>)
      tpu.yield
    }) : () -> ()
    %dma_start3A_59 = arith.constant 0 : i32
    %dma_start3A_60 = arith.constant 0 : i32
    %dma_start3A_61 = tpu.memref_slice %arg2[%dma_start3A_59, %dma_start3A_60] : memref<16384x128xf32, #tpu.memory_space<hbm>> -> memref<16384x128xf32, #tpu.memory_space<hbm>>
    tpu.enqueue_indirect_dma source(%dma_start3A_61 : memref<16384x128xf32, #tpu.memory_space<hbm>>) target(%arg6 : memref<512x128xf32, #tpu.memory_space<vmem>>) offsets(%arg5 : memref<512xi32, #tpu.memory_space<vmem>>) semaphore(%arg7 : memref<!tpu.dma_semaphore, #tpu.memory_space<semaphore_mem>>)
    %dma_wait3A_62 = arith.constant 0 : i32
    %dma_wait3A_63 = arith.constant 0 : i32
    %dma_wait3A_64 = tpu.memref_slice %arg2[%dma_wait3A_62, %dma_wait3A_63] : memref<16384x128xf32, #tpu.memory_space<hbm>> -> memref<16384x128xf32, #tpu.memory_space<hbm>>
    tpu.wait_indirect_dma semaphore(%arg7 : memref<!tpu.dma_semaphore, #tpu.memory_space<semaphore_mem>>) src(%dma_wait3A_64 : memref<16384x128xf32, #tpu.memory_space<hbm>>) dst(%arg6 : memref<512x128xf32, #tpu.memory_space<vmem>>)
    "tpu.region"() ({
      %run_scoped3A = tpu.sem_alloc : memref<!tpu.dma_semaphore, #tpu.memory_space<semaphore_mem>>
      %dma_start3A_65 = arith.constant 0 : i32
      %dma_start3A_66 = tpu.memref_slice %arg4[%add3A_58, %dma_start3A_65] : memref<131072x128xf32, #tpu.memory_space<hbm>> -> memref<512x128xf32, #tpu.memory_space<hbm>>
      %dma_start3A_67 = arith.constant 0 : i32
      %dma_start3A_68 = tpu.memref_slice %arg4[%add3A_58, %dma_start3A_67] : memref<131072x128xf32, #tpu.memory_space<hbm>> -> memref<512x128xf32, #tpu.memory_space<hbm>>
      tpu.enqueue_dma source(%arg6 : memref<512x128xf32, #tpu.memory_space<vmem>>) target(%dma_start3A_68 : memref<512x128xf32, #tpu.memory_space<hbm>>) target_semaphore(%run_scoped3A : memref<!tpu.dma_semaphore, #tpu.memory_space<semaphore_mem>>)
      %dma_wait3A_69 = arith.constant 0 : i32
      %dma_wait3A_70 = tpu.memref_slice %arg4[%add3A_58, %dma_wait3A_69] : memref<131072x128xf32, #tpu.memory_space<hbm>> -> memref<512x128xf32, #tpu.memory_space<hbm>>
      %dma_wait3A_71 = arith.constant 0 : i32
      %dma_wait3A_72 = tpu.memref_slice %arg4[%add3A_58, %dma_wait3A_71] : memref<131072x128xf32, #tpu.memory_space<hbm>> -> memref<512x128xf32, #tpu.memory_space<hbm>>
      tpu.wait_dma2 semaphore(%run_scoped3A : memref<!tpu.dma_semaphore, #tpu.memory_space<semaphore_mem>>) src(%arg6 : memref<512x128xf32, #tpu.memory_space<vmem>>) dst(%dma_wait3A_72 : memref<512x128xf32, #tpu.memory_space<hbm>>)
      tpu.yield
    }) : () -> ()
    return
  }
}

#map = affine_map<(d0, d1) -> (0, 0)>
#map1 = affine_map<(d0, d1) -> (0)>
module attributes {stable_mosaic.version = 14 : i64} {
  func.func @k(%arg0: i32, %arg1: i32, %arg2: memref<8192x128xf32, #tpu.memory_space<hbm>>, %arg3: memref<32768xi32, #tpu.memory_space<hbm>>, %arg4: memref<32768x128xf32, #tpu.memory_space<hbm>>, %arg5: memref<512xi32, #tpu.memory_space<vmem>>, %arg6: memref<512x128xf32, #tpu.memory_space<vmem>>, %arg7: memref<!tpu.dma_semaphore, #tpu.memory_space<semaphore_mem>>) attributes {dimension_semantics = [#tpu.dimension_semantics<core_parallel>, #tpu.dimension_semantics<subcore_parallel>], iteration_bounds = array<i64: 2, 16>, scalar_prefetch = 0 : i64, scratch_operands = 3 : i64, tpu.core_type = #tpu.core_type<sc_vector_subcore>, window_params = [{transform_indices = #map}, {transform_indices = #map1}, {transform_indices = #map}]} {
    %mul3A = arith.constant 2 : i32
    %mul3A_0 = arith.muli %arg1, %mul3A : i32
    %add3A = arith.addi %mul3A_0, %arg0 : i32
    %mul3A_1 = arith.constant 1024 : i32
    %mul3A_2 = arith.muli %add3A, %mul3A_1 : i32
    %add3A_3 = arith.constant 0 : i32
    %add3A_4 = arith.addi %mul3A_2, %add3A_3 : i32
    "tpu.region"() ({
      %run_scoped3A = tpu.sem_alloc : memref<!tpu.dma_semaphore, #tpu.memory_space<semaphore_mem>>
      %dma_start3A_17 = tpu.memref_slice %arg3[%add3A_4] : memref<32768xi32, #tpu.memory_space<hbm>> -> memref<512xi32, #tpu.memory_space<hbm>>
      %dma_start3A_18 = tpu.memref_slice %arg3[%add3A_4] : memref<32768xi32, #tpu.memory_space<hbm>> -> memref<512xi32, #tpu.memory_space<hbm>>
      tpu.enqueue_dma source(%dma_start3A_18 : memref<512xi32, #tpu.memory_space<hbm>>) target(%arg5 : memref<512xi32, #tpu.memory_space<vmem>>) target_semaphore(%run_scoped3A : memref<!tpu.dma_semaphore, #tpu.memory_space<semaphore_mem>>)
      %dma_wait3A_19 = tpu.memref_slice %arg3[%add3A_4] : memref<32768xi32, #tpu.memory_space<hbm>> -> memref<512xi32, #tpu.memory_space<hbm>>
      %dma_wait3A_20 = tpu.memref_slice %arg3[%add3A_4] : memref<32768xi32, #tpu.memory_space<hbm>> -> memref<512xi32, #tpu.memory_space<hbm>>
      tpu.wait_dma2 semaphore(%run_scoped3A : memref<!tpu.dma_semaphore, #tpu.memory_space<semaphore_mem>>) src(%dma_wait3A_20 : memref<512xi32, #tpu.memory_space<hbm>>) dst(%arg5 : memref<512xi32, #tpu.memory_space<vmem>>)
      tpu.yield
    }) : () -> ()
    %dma_start3A = arith.constant 0 : i32
    %dma_start3A_5 = arith.constant 0 : i32
    %dma_start3A_6 = tpu.memref_slice %arg2[%dma_start3A, %dma_start3A_5] : memref<8192x128xf32, #tpu.memory_space<hbm>> -> memref<8192x128xf32, #tpu.memory_space<hbm>>
    tpu.enqueue_indirect_dma source(%dma_start3A_6 : memref<8192x128xf32, #tpu.memory_space<hbm>>) target(%arg6 : memref<512x128xf32, #tpu.memory_space<vmem>>) offsets(%arg5 : memref<512xi32, #tpu.memory_space<vmem>>) semaphore(%arg7 : memref<!tpu.dma_semaphore, #tpu.memory_space<semaphore_mem>>)
    %dma_wait3A = arith.constant 0 : i32
    %dma_wait3A_7 = arith.constant 0 : i32
    %dma_wait3A_8 = tpu.memref_slice %arg2[%dma_wait3A, %dma_wait3A_7] : memref<8192x128xf32, #tpu.memory_space<hbm>> -> memref<8192x128xf32, #tpu.memory_space<hbm>>
    tpu.wait_indirect_dma semaphore(%arg7 : memref<!tpu.dma_semaphore, #tpu.memory_space<semaphore_mem>>) src(%dma_wait3A_8 : memref<8192x128xf32, #tpu.memory_space<hbm>>) dst(%arg6 : memref<512x128xf32, #tpu.memory_space<vmem>>)
    "tpu.region"() ({
      %run_scoped3A = tpu.sem_alloc : memref<!tpu.dma_semaphore, #tpu.memory_space<semaphore_mem>>
      %dma_start3A_17 = arith.constant 0 : i32
      %dma_start3A_18 = tpu.memref_slice %arg4[%add3A_4, %dma_start3A_17] : memref<32768x128xf32, #tpu.memory_space<hbm>> -> memref<512x128xf32, #tpu.memory_space<hbm>>
      %dma_start3A_19 = arith.constant 0 : i32
      %dma_start3A_20 = tpu.memref_slice %arg4[%add3A_4, %dma_start3A_19] : memref<32768x128xf32, #tpu.memory_space<hbm>> -> memref<512x128xf32, #tpu.memory_space<hbm>>
      tpu.enqueue_dma source(%arg6 : memref<512x128xf32, #tpu.memory_space<vmem>>) target(%dma_start3A_20 : memref<512x128xf32, #tpu.memory_space<hbm>>) target_semaphore(%run_scoped3A : memref<!tpu.dma_semaphore, #tpu.memory_space<semaphore_mem>>)
      %dma_wait3A_21 = arith.constant 0 : i32
      %dma_wait3A_22 = tpu.memref_slice %arg4[%add3A_4, %dma_wait3A_21] : memref<32768x128xf32, #tpu.memory_space<hbm>> -> memref<512x128xf32, #tpu.memory_space<hbm>>
      %dma_wait3A_23 = arith.constant 0 : i32
      %dma_wait3A_24 = tpu.memref_slice %arg4[%add3A_4, %dma_wait3A_23] : memref<32768x128xf32, #tpu.memory_space<hbm>> -> memref<512x128xf32, #tpu.memory_space<hbm>>
      tpu.wait_dma2 semaphore(%run_scoped3A : memref<!tpu.dma_semaphore, #tpu.memory_space<semaphore_mem>>) src(%arg6 : memref<512x128xf32, #tpu.memory_space<vmem>>) dst(%dma_wait3A_24 : memref<512x128xf32, #tpu.memory_space<hbm>>)
      tpu.yield
    }) : () -> ()
    %add3A_9 = arith.constant 512 : i32
    %add3A_10 = arith.addi %mul3A_2, %add3A_9 : i32
    "tpu.region"() ({
      %run_scoped3A = tpu.sem_alloc : memref<!tpu.dma_semaphore, #tpu.memory_space<semaphore_mem>>
      %dma_start3A_17 = tpu.memref_slice %arg3[%add3A_10] : memref<32768xi32, #tpu.memory_space<hbm>> -> memref<512xi32, #tpu.memory_space<hbm>>
      %dma_start3A_18 = tpu.memref_slice %arg3[%add3A_10] : memref<32768xi32, #tpu.memory_space<hbm>> -> memref<512xi32, #tpu.memory_space<hbm>>
      tpu.enqueue_dma source(%dma_start3A_18 : memref<512xi32, #tpu.memory_space<hbm>>) target(%arg5 : memref<512xi32, #tpu.memory_space<vmem>>) target_semaphore(%run_scoped3A : memref<!tpu.dma_semaphore, #tpu.memory_space<semaphore_mem>>)
      %dma_wait3A_19 = tpu.memref_slice %arg3[%add3A_10] : memref<32768xi32, #tpu.memory_space<hbm>> -> memref<512xi32, #tpu.memory_space<hbm>>
      %dma_wait3A_20 = tpu.memref_slice %arg3[%add3A_10] : memref<32768xi32, #tpu.memory_space<hbm>> -> memref<512xi32, #tpu.memory_space<hbm>>
      tpu.wait_dma2 semaphore(%run_scoped3A : memref<!tpu.dma_semaphore, #tpu.memory_space<semaphore_mem>>) src(%dma_wait3A_20 : memref<512xi32, #tpu.memory_space<hbm>>) dst(%arg5 : memref<512xi32, #tpu.memory_space<vmem>>)
      tpu.yield
    }) : () -> ()
    %dma_start3A_11 = arith.constant 0 : i32
    %dma_start3A_12 = arith.constant 0 : i32
    %dma_start3A_13 = tpu.memref_slice %arg2[%dma_start3A_11, %dma_start3A_12] : memref<8192x128xf32, #tpu.memory_space<hbm>> -> memref<8192x128xf32, #tpu.memory_space<hbm>>
    tpu.enqueue_indirect_dma source(%dma_start3A_13 : memref<8192x128xf32, #tpu.memory_space<hbm>>) target(%arg6 : memref<512x128xf32, #tpu.memory_space<vmem>>) offsets(%arg5 : memref<512xi32, #tpu.memory_space<vmem>>) semaphore(%arg7 : memref<!tpu.dma_semaphore, #tpu.memory_space<semaphore_mem>>)
    %dma_wait3A_14 = arith.constant 0 : i32
    %dma_wait3A_15 = arith.constant 0 : i32
    %dma_wait3A_16 = tpu.memref_slice %arg2[%dma_wait3A_14, %dma_wait3A_15] : memref<8192x128xf32, #tpu.memory_space<hbm>> -> memref<8192x128xf32, #tpu.memory_space<hbm>>
    tpu.wait_indirect_dma semaphore(%arg7 : memref<!tpu.dma_semaphore, #tpu.memory_space<semaphore_mem>>) src(%dma_wait3A_16 : memref<8192x128xf32, #tpu.memory_space<hbm>>) dst(%arg6 : memref<512x128xf32, #tpu.memory_space<vmem>>)
    "tpu.region"() ({
      %run_scoped3A = tpu.sem_alloc : memref<!tpu.dma_semaphore, #tpu.memory_space<semaphore_mem>>
      %dma_start3A_17 = arith.constant 0 : i32
      %dma_start3A_18 = tpu.memref_slice %arg4[%add3A_10, %dma_start3A_17] : memref<32768x128xf32, #tpu.memory_space<hbm>> -> memref<512x128xf32, #tpu.memory_space<hbm>>
      %dma_start3A_19 = arith.constant 0 : i32
      %dma_start3A_20 = tpu.memref_slice %arg4[%add3A_10, %dma_start3A_19] : memref<32768x128xf32, #tpu.memory_space<hbm>> -> memref<512x128xf32, #tpu.memory_space<hbm>>
      tpu.enqueue_dma source(%arg6 : memref<512x128xf32, #tpu.memory_space<vmem>>) target(%dma_start3A_20 : memref<512x128xf32, #tpu.memory_space<hbm>>) target_semaphore(%run_scoped3A : memref<!tpu.dma_semaphore, #tpu.memory_space<semaphore_mem>>)
      %dma_wait3A_21 = arith.constant 0 : i32
      %dma_wait3A_22 = tpu.memref_slice %arg4[%add3A_10, %dma_wait3A_21] : memref<32768x128xf32, #tpu.memory_space<hbm>> -> memref<512x128xf32, #tpu.memory_space<hbm>>
      %dma_wait3A_23 = arith.constant 0 : i32
      %dma_wait3A_24 = tpu.memref_slice %arg4[%add3A_10, %dma_wait3A_23] : memref<32768x128xf32, #tpu.memory_space<hbm>> -> memref<512x128xf32, #tpu.memory_space<hbm>>
      tpu.wait_dma2 semaphore(%run_scoped3A : memref<!tpu.dma_semaphore, #tpu.memory_space<semaphore_mem>>) src(%arg6 : memref<512x128xf32, #tpu.memory_space<vmem>>) dst(%dma_wait3A_24 : memref<512x128xf32, #tpu.memory_space<hbm>>)
      tpu.yield
    }) : () -> ()
    return
  }
}

#map = affine_map<(d0, d1) -> (0, 0)>
#map1 = affine_map<(d0, d1) -> (0)>
module attributes {stable_mosaic.version = 14 : i64} {
  func.func @k(%arg0: i32, %arg1: i32, %arg2: memref<16384x128xf32, #tpu.memory_space<hbm>>, %arg3: memref<131072xi32, #tpu.memory_space<hbm>>, %arg4: memref<131072x128xf32, #tpu.memory_space<hbm>>, %arg5: memref<512xi32, #tpu.memory_space<vmem>>, %arg6: memref<512x128xf32, #tpu.memory_space<vmem>>, %arg7: memref<!tpu.dma_semaphore, #tpu.memory_space<semaphore_mem>>) attributes {dimension_semantics = [#tpu.dimension_semantics<core_parallel>, #tpu.dimension_semantics<subcore_parallel>], iteration_bounds = array<i64: 2, 16>, scalar_prefetch = 0 : i64, scratch_operands = 3 : i64, tpu.core_type = #tpu.core_type<sc_vector_subcore>, window_params = [{transform_indices = #map}, {transform_indices = #map1}, {transform_indices = #map}]} {
    %mul3A = arith.constant 2 : i32
    %mul3A_0 = arith.muli %arg1, %mul3A : i32
    %add3A = arith.addi %mul3A_0, %arg0 : i32
    %mul3A_1 = arith.constant 4096 : i32
    %mul3A_2 = arith.muli %add3A, %mul3A_1 : i32
    %add3A_3 = arith.constant 0 : i32
    %add3A_4 = arith.addi %mul3A_2, %add3A_3 : i32
    "tpu.region"() ({
      %run_scoped3A = tpu.sem_alloc : memref<!tpu.dma_semaphore, #tpu.memory_space<semaphore_mem>>
      %dma_start3A_65 = tpu.memref_slice %arg3[%add3A_4] : memref<131072xi32, #tpu.memory_space<hbm>> -> memref<512xi32, #tpu.memory_space<hbm>>
      %dma_start3A_66 = tpu.memref_slice %arg3[%add3A_4] : memref<131072xi32, #tpu.memory_space<hbm>> -> memref<512xi32, #tpu.memory_space<hbm>>
      tpu.enqueue_dma source(%dma_start3A_66 : memref<512xi32, #tpu.memory_space<hbm>>) target(%arg5 : memref<512xi32, #tpu.memory_space<vmem>>) target_semaphore(%run_scoped3A : memref<!tpu.dma_semaphore, #tpu.memory_space<semaphore_mem>>)
      %dma_wait3A_67 = tpu.memref_slice %arg3[%add3A_4] : memref<131072xi32, #tpu.memory_space<hbm>> -> memref<512xi32, #tpu.memory_space<hbm>>
      %dma_wait3A_68 = tpu.memref_slice %arg3[%add3A_4] : memref<131072xi32, #tpu.memory_space<hbm>> -> memref<512xi32, #tpu.memory_space<hbm>>
      tpu.wait_dma2 semaphore(%run_scoped3A : memref<!tpu.dma_semaphore, #tpu.memory_space<semaphore_mem>>) src(%dma_wait3A_68 : memref<512xi32, #tpu.memory_space<hbm>>) dst(%arg5 : memref<512xi32, #tpu.memory_space<vmem>>)
      tpu.yield
    }) : () -> ()
    %dma_start3A = arith.constant 0 : i32
    %dma_start3A_5 = arith.constant 0 : i32
    %dma_start3A_6 = tpu.memref_slice %arg2[%dma_start3A, %dma_start3A_5] : memref<16384x128xf32, #tpu.memory_space<hbm>> -> memref<16384x128xf32, #tpu.memory_space<hbm>>
    tpu.enqueue_indirect_dma source(%dma_start3A_6 : memref<16384x128xf32, #tpu.memory_space<hbm>>) target(%arg6 : memref<512x128xf32, #tpu.memory_space<vmem>>) offsets(%arg5 : memref<512xi32, #tpu.memory_space<vmem>>) semaphore(%arg7 : memref<!tpu.dma_semaphore, #tpu.memory_space<semaphore_mem>>)
    %dma_wait3A = arith.constant 0 : i32
    %dma_wait3A_7 = arith.constant 0 : i32
    %dma_wait3A_8 = tpu.memref_slice %arg2[%dma_wait3A, %dma_wait3A_7] : memref<16384x128xf32, #tpu.memory_space<hbm>> -> memref<16384x128xf32, #tpu.memory_space<hbm>>
    tpu.wait_indirect_dma semaphore(%arg7 : memref<!tpu.dma_semaphore, #tpu.memory_space<semaphore_mem>>) src(%dma_wait3A_8 : memref<16384x128xf32, #tpu.memory_space<hbm>>) dst(%arg6 : memref<512x128xf32, #tpu.memory_space<vmem>>)
    "tpu.region"() ({
      %run_scoped3A = tpu.sem_alloc : memref<!tpu.dma_semaphore, #tpu.memory_space<semaphore_mem>>
      %dma_start3A_65 = arith.constant 0 : i32
      %dma_start3A_66 = tpu.memref_slice %arg4[%add3A_4, %dma_start3A_65] : memref<131072x128xf32, #tpu.memory_space<hbm>> -> memref<512x128xf32, #tpu.memory_space<hbm>>
      %dma_start3A_67 = arith.constant 0 : i32
      %dma_start3A_68 = tpu.memref_slice %arg4[%add3A_4, %dma_start3A_67] : memref<131072x128xf32, #tpu.memory_space<hbm>> -> memref<512x128xf32, #tpu.memory_space<hbm>>
      tpu.enqueue_dma source(%arg6 : memref<512x128xf32, #tpu.memory_space<vmem>>) target(%dma_start3A_68 : memref<512x128xf32, #tpu.memory_space<hbm>>) target_semaphore(%run_scoped3A : memref<!tpu.dma_semaphore, #tpu.memory_space<semaphore_mem>>)
      %dma_wait3A_69 = arith.constant 0 : i32
      %dma_wait3A_70 = tpu.memref_slice %arg4[%add3A_4, %dma_wait3A_69] : memref<131072x128xf32, #tpu.memory_space<hbm>> -> memref<512x128xf32, #tpu.memory_space<hbm>>
      %dma_wait3A_71 = arith.constant 0 : i32
      %dma_wait3A_72 = tpu.memref_slice %arg4[%add3A_4, %dma_wait3A_71] : memref<131072x128xf32, #tpu.memory_space<hbm>> -> memref<512x128xf32, #tpu.memory_space<hbm>>
      tpu.wait_dma2 semaphore(%run_scoped3A : memref<!tpu.dma_semaphore, #tpu.memory_space<semaphore_mem>>) src(%arg6 : memref<512x128xf32, #tpu.memory_space<vmem>>) dst(%dma_wait3A_72 : memref<512x128xf32, #tpu.memory_space<hbm>>)
      tpu.yield
    }) : () -> ()
    %add3A_9 = arith.constant 512 : i32
    %add3A_10 = arith.addi %mul3A_2, %add3A_9 : i32
    "tpu.region"() ({
      %run_scoped3A = tpu.sem_alloc : memref<!tpu.dma_semaphore, #tpu.memory_space<semaphore_mem>>
      %dma_start3A_65 = tpu.memref_slice %arg3[%add3A_10] : memref<131072xi32, #tpu.memory_space<hbm>> -> memref<512xi32, #tpu.memory_space<hbm>>
      %dma_start3A_66 = tpu.memref_slice %arg3[%add3A_10] : memref<131072xi32, #tpu.memory_space<hbm>> -> memref<512xi32, #tpu.memory_space<hbm>>
      tpu.enqueue_dma source(%dma_start3A_66 : memref<512xi32, #tpu.memory_space<hbm>>) target(%arg5 : memref<512xi32, #tpu.memory_space<vmem>>) target_semaphore(%run_scoped3A : memref<!tpu.dma_semaphore, #tpu.memory_space<semaphore_mem>>)
      %dma_wait3A_67 = tpu.memref_slice %arg3[%add3A_10] : memref<131072xi32, #tpu.memory_space<hbm>> -> memref<512xi32, #tpu.memory_space<hbm>>
      %dma_wait3A_68 = tpu.memref_slice %arg3[%add3A_10] : memref<131072xi32, #tpu.memory_space<hbm>> -> memref<512xi32, #tpu.memory_space<hbm>>
      tpu.wait_dma2 semaphore(%run_scoped3A : memref<!tpu.dma_semaphore, #tpu.memory_space<semaphore_mem>>) src(%dma_wait3A_68 : memref<512xi32, #tpu.memory_space<hbm>>) dst(%arg5 : memref<512xi32, #tpu.memory_space<vmem>>)
      tpu.yield
    }) : () -> ()
    %dma_start3A_11 = arith.constant 0 : i32
    %dma_start3A_12 = arith.constant 0 : i32
    %dma_start3A_13 = tpu.memref_slice %arg2[%dma_start3A_11, %dma_start3A_12] : memref<16384x128xf32, #tpu.memory_space<hbm>> -> memref<16384x128xf32, #tpu.memory_space<hbm>>
    tpu.enqueue_indirect_dma source(%dma_start3A_13 : memref<16384x128xf32, #tpu.memory_space<hbm>>) target(%arg6 : memref<512x128xf32, #tpu.memory_space<vmem>>) offsets(%arg5 : memref<512xi32, #tpu.memory_space<vmem>>) semaphore(%arg7 : memref<!tpu.dma_semaphore, #tpu.memory_space<semaphore_mem>>)
    %dma_wait3A_14 = arith.constant 0 : i32
    %dma_wait3A_15 = arith.constant 0 : i32
    %dma_wait3A_16 = tpu.memref_slice %arg2[%dma_wait3A_14, %dma_wait3A_15] : memref<16384x128xf32, #tpu.memory_space<hbm>> -> memref<16384x128xf32, #tpu.memory_space<hbm>>
    tpu.wait_indirect_dma semaphore(%arg7 : memref<!tpu.dma_semaphore, #tpu.memory_space<semaphore_mem>>) src(%dma_wait3A_16 : memref<16384x128xf32, #tpu.memory_space<hbm>>) dst(%arg6 : memref<512x128xf32, #tpu.memory_space<vmem>>)
    "tpu.region"() ({
      %run_scoped3A = tpu.sem_alloc : memref<!tpu.dma_semaphore, #tpu.memory_space<semaphore_mem>>
      %dma_start3A_65 = arith.constant 0 : i32
      %dma_start3A_66 = tpu.memref_slice %arg4[%add3A_10, %dma_start3A_65] : memref<131072x128xf32, #tpu.memory_space<hbm>> -> memref<512x128xf32, #tpu.memory_space<hbm>>
      %dma_start3A_67 = arith.constant 0 : i32
      %dma_start3A_68 = tpu.memref_slice %arg4[%add3A_10, %dma_start3A_67] : memref<131072x128xf32, #tpu.memory_space<hbm>> -> memref<512x128xf32, #tpu.memory_space<hbm>>
      tpu.enqueue_dma source(%arg6 : memref<512x128xf32, #tpu.memory_space<vmem>>) target(%dma_start3A_68 : memref<512x128xf32, #tpu.memory_space<hbm>>) target_semaphore(%run_scoped3A : memref<!tpu.dma_semaphore, #tpu.memory_space<semaphore_mem>>)
      %dma_wait3A_69 = arith.constant 0 : i32
      %dma_wait3A_70 = tpu.memref_slice %arg4[%add3A_10, %dma_wait3A_69] : memref<131072x128xf32, #tpu.memory_space<hbm>> -> memref<512x128xf32, #tpu.memory_space<hbm>>
      %dma_wait3A_71 = arith.constant 0 : i32
      %dma_wait3A_72 = tpu.memref_slice %arg4[%add3A_10, %dma_wait3A_71] : memref<131072x128xf32, #tpu.memory_space<hbm>> -> memref<512x128xf32, #tpu.memory_space<hbm>>
      tpu.wait_dma2 semaphore(%run_scoped3A : memref<!tpu.dma_semaphore, #tpu.memory_space<semaphore_mem>>) src(%arg6 : memref<512x128xf32, #tpu.memory_space<vmem>>) dst(%dma_wait3A_72 : memref<512x128xf32, #tpu.memory_space<hbm>>)
      tpu.yield
    }) : () -> ()
    %add3A_17 = arith.constant 1024 : i32
    %add3A_18 = arith.addi %mul3A_2, %add3A_17 : i32
    "tpu.region"() ({
      %run_scoped3A = tpu.sem_alloc : memref<!tpu.dma_semaphore, #tpu.memory_space<semaphore_mem>>
      %dma_start3A_65 = tpu.memref_slice %arg3[%add3A_18] : memref<131072xi32, #tpu.memory_space<hbm>> -> memref<512xi32, #tpu.memory_space<hbm>>
      %dma_start3A_66 = tpu.memref_slice %arg3[%add3A_18] : memref<131072xi32, #tpu.memory_space<hbm>> -> memref<512xi32, #tpu.memory_space<hbm>>
      tpu.enqueue_dma source(%dma_start3A_66 : memref<512xi32, #tpu.memory_space<hbm>>) target(%arg5 : memref<512xi32, #tpu.memory_space<vmem>>) target_semaphore(%run_scoped3A : memref<!tpu.dma_semaphore, #tpu.memory_space<semaphore_mem>>)
      %dma_wait3A_67 = tpu.memref_slice %arg3[%add3A_18] : memref<131072xi32, #tpu.memory_space<hbm>> -> memref<512xi32, #tpu.memory_space<hbm>>
      %dma_wait3A_68 = tpu.memref_slice %arg3[%add3A_18] : memref<131072xi32, #tpu.memory_space<hbm>> -> memref<512xi32, #tpu.memory_space<hbm>>
      tpu.wait_dma2 semaphore(%run_scoped3A : memref<!tpu.dma_semaphore, #tpu.memory_space<semaphore_mem>>) src(%dma_wait3A_68 : memref<512xi32, #tpu.memory_space<hbm>>) dst(%arg5 : memref<512xi32, #tpu.memory_space<vmem>>)
      tpu.yield
    }) : () -> ()
    %dma_start3A_19 = arith.constant 0 : i32
    %dma_start3A_20 = arith.constant 0 : i32
    %dma_start3A_21 = tpu.memref_slice %arg2[%dma_start3A_19, %dma_start3A_20] : memref<16384x128xf32, #tpu.memory_space<hbm>> -> memref<16384x128xf32, #tpu.memory_space<hbm>>
    tpu.enqueue_indirect_dma source(%dma_start3A_21 : memref<16384x128xf32, #tpu.memory_space<hbm>>) target(%arg6 : memref<512x128xf32, #tpu.memory_space<vmem>>) offsets(%arg5 : memref<512xi32, #tpu.memory_space<vmem>>) semaphore(%arg7 : memref<!tpu.dma_semaphore, #tpu.memory_space<semaphore_mem>>)
    %dma_wait3A_22 = arith.constant 0 : i32
    %dma_wait3A_23 = arith.constant 0 : i32
    %dma_wait3A_24 = tpu.memref_slice %arg2[%dma_wait3A_22, %dma_wait3A_23] : memref<16384x128xf32, #tpu.memory_space<hbm>> -> memref<16384x128xf32, #tpu.memory_space<hbm>>
    tpu.wait_indirect_dma semaphore(%arg7 : memref<!tpu.dma_semaphore, #tpu.memory_space<semaphore_mem>>) src(%dma_wait3A_24 : memref<16384x128xf32, #tpu.memory_space<hbm>>) dst(%arg6 : memref<512x128xf32, #tpu.memory_space<vmem>>)
    "tpu.region"() ({
      %run_scoped3A = tpu.sem_alloc : memref<!tpu.dma_semaphore, #tpu.memory_space<semaphore_mem>>
      %dma_start3A_65 = arith.constant 0 : i32
      %dma_start3A_66 = tpu.memref_slice %arg4[%add3A_18, %dma_start3A_65] : memref<131072x128xf32, #tpu.memory_space<hbm>> -> memref<512x128xf32, #tpu.memory_space<hbm>>
      %dma_start3A_67 = arith.constant 0 : i32
      %dma_start3A_68 = tpu.memref_slice %arg4[%add3A_18, %dma_start3A_67] : memref<131072x128xf32, #tpu.memory_space<hbm>> -> memref<512x128xf32, #tpu.memory_space<hbm>>
      tpu.enqueue_dma source(%arg6 : memref<512x128xf32, #tpu.memory_space<vmem>>) target(%dma_start3A_68 : memref<512x128xf32, #tpu.memory_space<hbm>>) target_semaphore(%run_scoped3A : memref<!tpu.dma_semaphore, #tpu.memory_space<semaphore_mem>>)
      %dma_wait3A_69 = arith.constant 0 : i32
      %dma_wait3A_70 = tpu.memref_slice %arg4[%add3A_18, %dma_wait3A_69] : memref<131072x128xf32, #tpu.memory_space<hbm>> -> memref<512x128xf32, #tpu.memory_space<hbm>>
      %dma_wait3A_71 = arith.constant 0 : i32
      %dma_wait3A_72 = tpu.memref_slice %arg4[%add3A_18, %dma_wait3A_71] : memref<131072x128xf32, #tpu.memory_space<hbm>> -> memref<512x128xf32, #tpu.memory_space<hbm>>
      tpu.wait_dma2 semaphore(%run_scoped3A : memref<!tpu.dma_semaphore, #tpu.memory_space<semaphore_mem>>) src(%arg6 : memref<512x128xf32, #tpu.memory_space<vmem>>) dst(%dma_wait3A_72 : memref<512x128xf32, #tpu.memory_space<hbm>>)
      tpu.yield
    }) : () -> ()
    %add3A_25 = arith.constant 1536 : i32
    %add3A_26 = arith.addi %mul3A_2, %add3A_25 : i32
    "tpu.region"() ({
      %run_scoped3A = tpu.sem_alloc : memref<!tpu.dma_semaphore, #tpu.memory_space<semaphore_mem>>
      %dma_start3A_65 = tpu.memref_slice %arg3[%add3A_26] : memref<131072xi32, #tpu.memory_space<hbm>> -> memref<512xi32, #tpu.memory_space<hbm>>
      %dma_start3A_66 = tpu.memref_slice %arg3[%add3A_26] : memref<131072xi32, #tpu.memory_space<hbm>> -> memref<512xi32, #tpu.memory_space<hbm>>
      tpu.enqueue_dma source(%dma_start3A_66 : memref<512xi32, #tpu.memory_space<hbm>>) target(%arg5 : memref<512xi32, #tpu.memory_space<vmem>>) target_semaphore(%run_scoped3A : memref<!tpu.dma_semaphore, #tpu.memory_space<semaphore_mem>>)
      %dma_wait3A_67 = tpu.memref_slice %arg3[%add3A_26] : memref<131072xi32, #tpu.memory_space<hbm>> -> memref<512xi32, #tpu.memory_space<hbm>>
      %dma_wait3A_68 = tpu.memref_slice %arg3[%add3A_26] : memref<131072xi32, #tpu.memory_space<hbm>> -> memref<512xi32, #tpu.memory_space<hbm>>
      tpu.wait_dma2 semaphore(%run_scoped3A : memref<!tpu.dma_semaphore, #tpu.memory_space<semaphore_mem>>) src(%dma_wait3A_68 : memref<512xi32, #tpu.memory_space<hbm>>) dst(%arg5 : memref<512xi32, #tpu.memory_space<vmem>>)
      tpu.yield
    }) : () -> ()
    %dma_start3A_27 = arith.constant 0 : i32
    %dma_start3A_28 = arith.constant 0 : i32
    %dma_start3A_29 = tpu.memref_slice %arg2[%dma_start3A_27, %dma_start3A_28] : memref<16384x128xf32, #tpu.memory_space<hbm>> -> memref<16384x128xf32, #tpu.memory_space<hbm>>
    tpu.enqueue_indirect_dma source(%dma_start3A_29 : memref<16384x128xf32, #tpu.memory_space<hbm>>) target(%arg6 : memref<512x128xf32, #tpu.memory_space<vmem>>) offsets(%arg5 : memref<512xi32, #tpu.memory_space<vmem>>) semaphore(%arg7 : memref<!tpu.dma_semaphore, #tpu.memory_space<semaphore_mem>>)
    %dma_wait3A_30 = arith.constant 0 : i32
    %dma_wait3A_31 = arith.constant 0 : i32
    %dma_wait3A_32 = tpu.memref_slice %arg2[%dma_wait3A_30, %dma_wait3A_31] : memref<16384x128xf32, #tpu.memory_space<hbm>> -> memref<16384x128xf32, #tpu.memory_space<hbm>>
    tpu.wait_indirect_dma semaphore(%arg7 : memref<!tpu.dma_semaphore, #tpu.memory_space<semaphore_mem>>) src(%dma_wait3A_32 : memref<16384x128xf32, #tpu.memory_space<hbm>>) dst(%arg6 : memref<512x128xf32, #tpu.memory_space<vmem>>)
    "tpu.region"() ({
      %run_scoped3A = tpu.sem_alloc : memref<!tpu.dma_semaphore, #tpu.memory_space<semaphore_mem>>
      %dma_start3A_65 = arith.constant 0 : i32
      %dma_start3A_66 = tpu.memref_slice %arg4[%add3A_26, %dma_start3A_65] : memref<131072x128xf32, #tpu.memory_space<hbm>> -> memref<512x128xf32, #tpu.memory_space<hbm>>
      %dma_start3A_67 = arith.constant 0 : i32
      %dma_start3A_68 = tpu.memref_slice %arg4[%add3A_26, %dma_start3A_67] : memref<131072x128xf32, #tpu.memory_space<hbm>> -> memref<512x128xf32, #tpu.memory_space<hbm>>
      tpu.enqueue_dma source(%arg6 : memref<512x128xf32, #tpu.memory_space<vmem>>) target(%dma_start3A_68 : memref<512x128xf32, #tpu.memory_space<hbm>>) target_semaphore(%run_scoped3A : memref<!tpu.dma_semaphore, #tpu.memory_space<semaphore_mem>>)
      %dma_wait3A_69 = arith.constant 0 : i32
      %dma_wait3A_70 = tpu.memref_slice %arg4[%add3A_26, %dma_wait3A_69] : memref<131072x128xf32, #tpu.memory_space<hbm>> -> memref<512x128xf32, #tpu.memory_space<hbm>>
      %dma_wait3A_71 = arith.constant 0 : i32
      %dma_wait3A_72 = tpu.memref_slice %arg4[%add3A_26, %dma_wait3A_71] : memref<131072x128xf32, #tpu.memory_space<hbm>> -> memref<512x128xf32, #tpu.memory_space<hbm>>
      tpu.wait_dma2 semaphore(%run_scoped3A : memref<!tpu.dma_semaphore, #tpu.memory_space<semaphore_mem>>) src(%arg6 : memref<512x128xf32, #tpu.memory_space<vmem>>) dst(%dma_wait3A_72 : memref<512x128xf32, #tpu.memory_space<hbm>>)
      tpu.yield
    }) : () -> ()
    %add3A_33 = arith.constant 2048 : i32
    %add3A_34 = arith.addi %mul3A_2, %add3A_33 : i32
    "tpu.region"() ({
      %run_scoped3A = tpu.sem_alloc : memref<!tpu.dma_semaphore, #tpu.memory_space<semaphore_mem>>
      %dma_start3A_65 = tpu.memref_slice %arg3[%add3A_34] : memref<131072xi32, #tpu.memory_space<hbm>> -> memref<512xi32, #tpu.memory_space<hbm>>
      %dma_start3A_66 = tpu.memref_slice %arg3[%add3A_34] : memref<131072xi32, #tpu.memory_space<hbm>> -> memref<512xi32, #tpu.memory_space<hbm>>
      tpu.enqueue_dma source(%dma_start3A_66 : memref<512xi32, #tpu.memory_space<hbm>>) target(%arg5 : memref<512xi32, #tpu.memory_space<vmem>>) target_semaphore(%run_scoped3A : memref<!tpu.dma_semaphore, #tpu.memory_space<semaphore_mem>>)
      %dma_wait3A_67 = tpu.memref_slice %arg3[%add3A_34] : memref<131072xi32, #tpu.memory_space<hbm>> -> memref<512xi32, #tpu.memory_space<hbm>>
      %dma_wait3A_68 = tpu.memref_slice %arg3[%add3A_34] : memref<131072xi32, #tpu.memory_space<hbm>> -> memref<512xi32, #tpu.memory_space<hbm>>
      tpu.wait_dma2 semaphore(%run_scoped3A : memref<!tpu.dma_semaphore, #tpu.memory_space<semaphore_mem>>) src(%dma_wait3A_68 : memref<512xi32, #tpu.memory_space<hbm>>) dst(%arg5 : memref<512xi32, #tpu.memory_space<vmem>>)
      tpu.yield
    }) : () -> ()
    %dma_start3A_35 = arith.constant 0 : i32
    %dma_start3A_36 = arith.constant 0 : i32
    %dma_start3A_37 = tpu.memref_slice %arg2[%dma_start3A_35, %dma_start3A_36] : memref<16384x128xf32, #tpu.memory_space<hbm>> -> memref<16384x128xf32, #tpu.memory_space<hbm>>
    tpu.enqueue_indirect_dma source(%dma_start3A_37 : memref<16384x128xf32, #tpu.memory_space<hbm>>) target(%arg6 : memref<512x128xf32, #tpu.memory_space<vmem>>) offsets(%arg5 : memref<512xi32, #tpu.memory_space<vmem>>) semaphore(%arg7 : memref<!tpu.dma_semaphore, #tpu.memory_space<semaphore_mem>>)
    %dma_wait3A_38 = arith.constant 0 : i32
    %dma_wait3A_39 = arith.constant 0 : i32
    %dma_wait3A_40 = tpu.memref_slice %arg2[%dma_wait3A_38, %dma_wait3A_39] : memref<16384x128xf32, #tpu.memory_space<hbm>> -> memref<16384x128xf32, #tpu.memory_space<hbm>>
    tpu.wait_indirect_dma semaphore(%arg7 : memref<!tpu.dma_semaphore, #tpu.memory_space<semaphore_mem>>) src(%dma_wait3A_40 : memref<16384x128xf32, #tpu.memory_space<hbm>>) dst(%arg6 : memref<512x128xf32, #tpu.memory_space<vmem>>)
    "tpu.region"() ({
      %run_scoped3A = tpu.sem_alloc : memref<!tpu.dma_semaphore, #tpu.memory_space<semaphore_mem>>
      %dma_start3A_65 = arith.constant 0 : i32
      %dma_start3A_66 = tpu.memref_slice %arg4[%add3A_34, %dma_start3A_65] : memref<131072x128xf32, #tpu.memory_space<hbm>> -> memref<512x128xf32, #tpu.memory_space<hbm>>
      %dma_start3A_67 = arith.constant 0 : i32
      %dma_start3A_68 = tpu.memref_slice %arg4[%add3A_34, %dma_start3A_67] : memref<131072x128xf32, #tpu.memory_space<hbm>> -> memref<512x128xf32, #tpu.memory_space<hbm>>
      tpu.enqueue_dma source(%arg6 : memref<512x128xf32, #tpu.memory_space<vmem>>) target(%dma_start3A_68 : memref<512x128xf32, #tpu.memory_space<hbm>>) target_semaphore(%run_scoped3A : memref<!tpu.dma_semaphore, #tpu.memory_space<semaphore_mem>>)
      %dma_wait3A_69 = arith.constant 0 : i32
      %dma_wait3A_70 = tpu.memref_slice %arg4[%add3A_34, %dma_wait3A_69] : memref<131072x128xf32, #tpu.memory_space<hbm>> -> memref<512x128xf32, #tpu.memory_space<hbm>>
      %dma_wait3A_71 = arith.constant 0 : i32
      %dma_wait3A_72 = tpu.memref_slice %arg4[%add3A_34, %dma_wait3A_71] : memref<131072x128xf32, #tpu.memory_space<hbm>> -> memref<512x128xf32, #tpu.memory_space<hbm>>
      tpu.wait_dma2 semaphore(%run_scoped3A : memref<!tpu.dma_semaphore, #tpu.memory_space<semaphore_mem>>) src(%arg6 : memref<512x128xf32, #tpu.memory_space<vmem>>) dst(%dma_wait3A_72 : memref<512x128xf32, #tpu.memory_space<hbm>>)
      tpu.yield
    }) : () -> ()
    %add3A_41 = arith.constant 2560 : i32
    %add3A_42 = arith.addi %mul3A_2, %add3A_41 : i32
    "tpu.region"() ({
      %run_scoped3A = tpu.sem_alloc : memref<!tpu.dma_semaphore, #tpu.memory_space<semaphore_mem>>
      %dma_start3A_65 = tpu.memref_slice %arg3[%add3A_42] : memref<131072xi32, #tpu.memory_space<hbm>> -> memref<512xi32, #tpu.memory_space<hbm>>
      %dma_start3A_66 = tpu.memref_slice %arg3[%add3A_42] : memref<131072xi32, #tpu.memory_space<hbm>> -> memref<512xi32, #tpu.memory_space<hbm>>
      tpu.enqueue_dma source(%dma_start3A_66 : memref<512xi32, #tpu.memory_space<hbm>>) target(%arg5 : memref<512xi32, #tpu.memory_space<vmem>>) target_semaphore(%run_scoped3A : memref<!tpu.dma_semaphore, #tpu.memory_space<semaphore_mem>>)
      %dma_wait3A_67 = tpu.memref_slice %arg3[%add3A_42] : memref<131072xi32, #tpu.memory_space<hbm>> -> memref<512xi32, #tpu.memory_space<hbm>>
      %dma_wait3A_68 = tpu.memref_slice %arg3[%add3A_42] : memref<131072xi32, #tpu.memory_space<hbm>> -> memref<512xi32, #tpu.memory_space<hbm>>
      tpu.wait_dma2 semaphore(%run_scoped3A : memref<!tpu.dma_semaphore, #tpu.memory_space<semaphore_mem>>) src(%dma_wait3A_68 : memref<512xi32, #tpu.memory_space<hbm>>) dst(%arg5 : memref<512xi32, #tpu.memory_space<vmem>>)
      tpu.yield
    }) : () -> ()
    %dma_start3A_43 = arith.constant 0 : i32
    %dma_start3A_44 = arith.constant 0 : i32
    %dma_start3A_45 = tpu.memref_slice %arg2[%dma_start3A_43, %dma_start3A_44] : memref<16384x128xf32, #tpu.memory_space<hbm>> -> memref<16384x128xf32, #tpu.memory_space<hbm>>
    tpu.enqueue_indirect_dma source(%dma_start3A_45 : memref<16384x128xf32, #tpu.memory_space<hbm>>) target(%arg6 : memref<512x128xf32, #tpu.memory_space<vmem>>) offsets(%arg5 : memref<512xi32, #tpu.memory_space<vmem>>) semaphore(%arg7 : memref<!tpu.dma_semaphore, #tpu.memory_space<semaphore_mem>>)
    %dma_wait3A_46 = arith.constant 0 : i32
    %dma_wait3A_47 = arith.constant 0 : i32
    %dma_wait3A_48 = tpu.memref_slice %arg2[%dma_wait3A_46, %dma_wait3A_47] : memref<16384x128xf32, #tpu.memory_space<hbm>> -> memref<16384x128xf32, #tpu.memory_space<hbm>>
    tpu.wait_indirect_dma semaphore(%arg7 : memref<!tpu.dma_semaphore, #tpu.memory_space<semaphore_mem>>) src(%dma_wait3A_48 : memref<16384x128xf32, #tpu.memory_space<hbm>>) dst(%arg6 : memref<512x128xf32, #tpu.memory_space<vmem>>)
    "tpu.region"() ({
      %run_scoped3A = tpu.sem_alloc : memref<!tpu.dma_semaphore, #tpu.memory_space<semaphore_mem>>
      %dma_start3A_65 = arith.constant 0 : i32
      %dma_start3A_66 = tpu.memref_slice %arg4[%add3A_42, %dma_start3A_65] : memref<131072x128xf32, #tpu.memory_space<hbm>> -> memref<512x128xf32, #tpu.memory_space<hbm>>
      %dma_start3A_67 = arith.constant 0 : i32
      %dma_start3A_68 = tpu.memref_slice %arg4[%add3A_42, %dma_start3A_67] : memref<131072x128xf32, #tpu.memory_space<hbm>> -> memref<512x128xf32, #tpu.memory_space<hbm>>
      tpu.enqueue_dma source(%arg6 : memref<512x128xf32, #tpu.memory_space<vmem>>) target(%dma_start3A_68 : memref<512x128xf32, #tpu.memory_space<hbm>>) target_semaphore(%run_scoped3A : memref<!tpu.dma_semaphore, #tpu.memory_space<semaphore_mem>>)
      %dma_wait3A_69 = arith.constant 0 : i32
      %dma_wait3A_70 = tpu.memref_slice %arg4[%add3A_42, %dma_wait3A_69] : memref<131072x128xf32, #tpu.memory_space<hbm>> -> memref<512x128xf32, #tpu.memory_space<hbm>>
      %dma_wait3A_71 = arith.constant 0 : i32
      %dma_wait3A_72 = tpu.memref_slice %arg4[%add3A_42, %dma_wait3A_71] : memref<131072x128xf32, #tpu.memory_space<hbm>> -> memref<512x128xf32, #tpu.memory_space<hbm>>
      tpu.wait_dma2 semaphore(%run_scoped3A : memref<!tpu.dma_semaphore, #tpu.memory_space<semaphore_mem>>) src(%arg6 : memref<512x128xf32, #tpu.memory_space<vmem>>) dst(%dma_wait3A_72 : memref<512x128xf32, #tpu.memory_space<hbm>>)
      tpu.yield
    }) : () -> ()
    %add3A_49 = arith.constant 3072 : i32
    %add3A_50 = arith.addi %mul3A_2, %add3A_49 : i32
    "tpu.region"() ({
      %run_scoped3A = tpu.sem_alloc : memref<!tpu.dma_semaphore, #tpu.memory_space<semaphore_mem>>
      %dma_start3A_65 = tpu.memref_slice %arg3[%add3A_50] : memref<131072xi32, #tpu.memory_space<hbm>> -> memref<512xi32, #tpu.memory_space<hbm>>
      %dma_start3A_66 = tpu.memref_slice %arg3[%add3A_50] : memref<131072xi32, #tpu.memory_space<hbm>> -> memref<512xi32, #tpu.memory_space<hbm>>
      tpu.enqueue_dma source(%dma_start3A_66 : memref<512xi32, #tpu.memory_space<hbm>>) target(%arg5 : memref<512xi32, #tpu.memory_space<vmem>>) target_semaphore(%run_scoped3A : memref<!tpu.dma_semaphore, #tpu.memory_space<semaphore_mem>>)
      %dma_wait3A_67 = tpu.memref_slice %arg3[%add3A_50] : memref<131072xi32, #tpu.memory_space<hbm>> -> memref<512xi32, #tpu.memory_space<hbm>>
      %dma_wait3A_68 = tpu.memref_slice %arg3[%add3A_50] : memref<131072xi32, #tpu.memory_space<hbm>> -> memref<512xi32, #tpu.memory_space<hbm>>
      tpu.wait_dma2 semaphore(%run_scoped3A : memref<!tpu.dma_semaphore, #tpu.memory_space<semaphore_mem>>) src(%dma_wait3A_68 : memref<512xi32, #tpu.memory_space<hbm>>) dst(%arg5 : memref<512xi32, #tpu.memory_space<vmem>>)
      tpu.yield
    }) : () -> ()
    %dma_start3A_51 = arith.constant 0 : i32
    %dma_start3A_52 = arith.constant 0 : i32
    %dma_start3A_53 = tpu.memref_slice %arg2[%dma_start3A_51, %dma_start3A_52] : memref<16384x128xf32, #tpu.memory_space<hbm>> -> memref<16384x128xf32, #tpu.memory_space<hbm>>
    tpu.enqueue_indirect_dma source(%dma_start3A_53 : memref<16384x128xf32, #tpu.memory_space<hbm>>) target(%arg6 : memref<512x128xf32, #tpu.memory_space<vmem>>) offsets(%arg5 : memref<512xi32, #tpu.memory_space<vmem>>) semaphore(%arg7 : memref<!tpu.dma_semaphore, #tpu.memory_space<semaphore_mem>>)
    %dma_wait3A_54 = arith.constant 0 : i32
    %dma_wait3A_55 = arith.constant 0 : i32
    %dma_wait3A_56 = tpu.memref_slice %arg2[%dma_wait3A_54, %dma_wait3A_55] : memref<16384x128xf32, #tpu.memory_space<hbm>> -> memref<16384x128xf32, #tpu.memory_space<hbm>>
    tpu.wait_indirect_dma semaphore(%arg7 : memref<!tpu.dma_semaphore, #tpu.memory_space<semaphore_mem>>) src(%dma_wait3A_56 : memref<16384x128xf32, #tpu.memory_space<hbm>>) dst(%arg6 : memref<512x128xf32, #tpu.memory_space<vmem>>)
    "tpu.region"() ({
      %run_scoped3A = tpu.sem_alloc : memref<!tpu.dma_semaphore, #tpu.memory_space<semaphore_mem>>
      %dma_start3A_65 = arith.constant 0 : i32
      %dma_start3A_66 = tpu.memref_slice %arg4[%add3A_50, %dma_start3A_65] : memref<131072x128xf32, #tpu.memory_space<hbm>> -> memref<512x128xf32, #tpu.memory_space<hbm>>
      %dma_start3A_67 = arith.constant 0 : i32
      %dma_start3A_68 = tpu.memref_slice %arg4[%add3A_50, %dma_start3A_67] : memref<131072x128xf32, #tpu.memory_space<hbm>> -> memref<512x128xf32, #tpu.memory_space<hbm>>
      tpu.enqueue_dma source(%arg6 : memref<512x128xf32, #tpu.memory_space<vmem>>) target(%dma_start3A_68 : memref<512x128xf32, #tpu.memory_space<hbm>>) target_semaphore(%run_scoped3A : memref<!tpu.dma_semaphore, #tpu.memory_space<semaphore_mem>>)
      %dma_wait3A_69 = arith.constant 0 : i32
      %dma_wait3A_70 = tpu.memref_slice %arg4[%add3A_50, %dma_wait3A_69] : memref<131072x128xf32, #tpu.memory_space<hbm>> -> memref<512x128xf32, #tpu.memory_space<hbm>>
      %dma_wait3A_71 = arith.constant 0 : i32
      %dma_wait3A_72 = tpu.memref_slice %arg4[%add3A_50, %dma_wait3A_71] : memref<131072x128xf32, #tpu.memory_space<hbm>> -> memref<512x128xf32, #tpu.memory_space<hbm>>
      tpu.wait_dma2 semaphore(%run_scoped3A : memref<!tpu.dma_semaphore, #tpu.memory_space<semaphore_mem>>) src(%arg6 : memref<512x128xf32, #tpu.memory_space<vmem>>) dst(%dma_wait3A_72 : memref<512x128xf32, #tpu.memory_space<hbm>>)
      tpu.yield
    }) : () -> ()
    %add3A_57 = arith.constant 3584 : i32
    %add3A_58 = arith.addi %mul3A_2, %add3A_57 : i32
    "tpu.region"() ({
      %run_scoped3A = tpu.sem_alloc : memref<!tpu.dma_semaphore, #tpu.memory_space<semaphore_mem>>
      %dma_start3A_65 = tpu.memref_slice %arg3[%add3A_58] : memref<131072xi32, #tpu.memory_space<hbm>> -> memref<512xi32, #tpu.memory_space<hbm>>
      %dma_start3A_66 = tpu.memref_slice %arg3[%add3A_58] : memref<131072xi32, #tpu.memory_space<hbm>> -> memref<512xi32, #tpu.memory_space<hbm>>
      tpu.enqueue_dma source(%dma_start3A_66 : memref<512xi32, #tpu.memory_space<hbm>>) target(%arg5 : memref<512xi32, #tpu.memory_space<vmem>>) target_semaphore(%run_scoped3A : memref<!tpu.dma_semaphore, #tpu.memory_space<semaphore_mem>>)
      %dma_wait3A_67 = tpu.memref_slice %arg3[%add3A_58] : memref<131072xi32, #tpu.memory_space<hbm>> -> memref<512xi32, #tpu.memory_space<hbm>>
      %dma_wait3A_68 = tpu.memref_slice %arg3[%add3A_58] : memref<131072xi32, #tpu.memory_space<hbm>> -> memref<512xi32, #tpu.memory_space<hbm>>
      tpu.wait_dma2 semaphore(%run_scoped3A : memref<!tpu.dma_semaphore, #tpu.memory_space<semaphore_mem>>) src(%dma_wait3A_68 : memref<512xi32, #tpu.memory_space<hbm>>) dst(%arg5 : memref<512xi32, #tpu.memory_space<vmem>>)
      tpu.yield
    }) : () -> ()
    %dma_start3A_59 = arith.constant 0 : i32
    %dma_start3A_60 = arith.constant 0 : i32
    %dma_start3A_61 = tpu.memref_slice %arg2[%dma_start3A_59, %dma_start3A_60] : memref<16384x128xf32, #tpu.memory_space<hbm>> -> memref<16384x128xf32, #tpu.memory_space<hbm>>
    tpu.enqueue_indirect_dma source(%dma_start3A_61 : memref<16384x128xf32, #tpu.memory_space<hbm>>) target(%arg6 : memref<512x128xf32, #tpu.memory_space<vmem>>) offsets(%arg5 : memref<512xi32, #tpu.memory_space<vmem>>) semaphore(%arg7 : memref<!tpu.dma_semaphore, #tpu.memory_space<semaphore_mem>>)
    %dma_wait3A_62 = arith.constant 0 : i32
    %dma_wait3A_63 = arith.constant 0 : i32
    %dma_wait3A_64 = tpu.memref_slice %arg2[%dma_wait3A_62, %dma_wait3A_63] : memref<16384x128xf32, #tpu.memory_space<hbm>> -> memref<16384x128xf32, #tpu.memory_space<hbm>>
    tpu.wait_indirect_dma semaphore(%arg7 : memref<!tpu.dma_semaphore, #tpu.memory_space<semaphore_mem>>) src(%dma_wait3A_64 : memref<16384x128xf32, #tpu.memory_space<hbm>>) dst(%arg6 : memref<512x128xf32, #tpu.memory_space<vmem>>)
    "tpu.region"() ({
      %run_scoped3A = tpu.sem_alloc : memref<!tpu.dma_semaphore, #tpu.memory_space<semaphore_mem>>
      %dma_start3A_65 = arith.constant 0 : i32
      %dma_start3A_66 = tpu.memref_slice %arg4[%add3A_58, %dma_start3A_65] : memref<131072x128xf32, #tpu.memory_space<hbm>> -> memref<512x128xf32, #tpu.memory_space<hbm>>
      %dma_start3A_67 = arith.constant 0 : i32
      %dma_start3A_68 = tpu.memref_slice %arg4[%add3A_58, %dma_start3A_67] : memref<131072x128xf32, #tpu.memory_space<hbm>> -> memref<512x128xf32, #tpu.memory_space<hbm>>
      tpu.enqueue_dma source(%arg6 : memref<512x128xf32, #tpu.memory_space<vmem>>) target(%dma_start3A_68 : memref<512x128xf32, #tpu.memory_space<hbm>>) target_semaphore(%run_scoped3A : memref<!tpu.dma_semaphore, #tpu.memory_space<semaphore_mem>>)
      %dma_wait3A_69 = arith.constant 0 : i32
      %dma_wait3A_70 = tpu.memref_slice %arg4[%add3A_58, %dma_wait3A_69] : memref<131072x128xf32, #tpu.memory_space<hbm>> -> memref<512x128xf32, #tpu.memory_space<hbm>>
      %dma_wait3A_71 = arith.constant 0 : i32
      %dma_wait3A_72 = tpu.memref_slice %arg4[%add3A_58, %dma_wait3A_71] : memref<131072x128xf32, #tpu.memory_space<hbm>> -> memref<512x128xf32, #tpu.memory_space<hbm>>
      tpu.wait_dma2 semaphore(%run_scoped3A : memref<!tpu.dma_semaphore, #tpu.memory_space<semaphore_mem>>) src(%arg6 : memref<512x128xf32, #tpu.memory_space<vmem>>) dst(%dma_wait3A_72 : memref<512x128xf32, #tpu.memory_space<hbm>>)
      tpu.yield
    }) : () -> ()
    return
  }
}

#map = affine_map<(d0, d1) -> (0, 0)>
#map1 = affine_map<(d0, d1) -> (0)>
module attributes {stable_mosaic.version = 14 : i64} {
  func.func @k(%arg0: i32, %arg1: i32, %arg2: memref<8192x128xf32, #tpu.memory_space<hbm>>, %arg3: memref<32768xi32, #tpu.memory_space<hbm>>, %arg4: memref<32768x128xf32, #tpu.memory_space<hbm>>, %arg5: memref<512xi32, #tpu.memory_space<vmem>>, %arg6: memref<512x128xf32, #tpu.memory_space<vmem>>, %arg7: memref<!tpu.dma_semaphore, #tpu.memory_space<semaphore_mem>>) attributes {dimension_semantics = [#tpu.dimension_semantics<core_parallel>, #tpu.dimension_semantics<subcore_parallel>], iteration_bounds = array<i64: 2, 16>, scalar_prefetch = 0 : i64, scratch_operands = 3 : i64, tpu.core_type = #tpu.core_type<sc_vector_subcore>, window_params = [{transform_indices = #map}, {transform_indices = #map1}, {transform_indices = #map}]} {
    %mul3A = arith.constant 2 : i32
    %mul3A_0 = arith.muli %arg1, %mul3A : i32
    %add3A = arith.addi %mul3A_0, %arg0 : i32
    %mul3A_1 = arith.constant 1024 : i32
    %mul3A_2 = arith.muli %add3A, %mul3A_1 : i32
    %add3A_3 = arith.constant 0 : i32
    %add3A_4 = arith.addi %mul3A_2, %add3A_3 : i32
    "tpu.region"() ({
      %run_scoped3A = tpu.sem_alloc : memref<!tpu.dma_semaphore, #tpu.memory_space<semaphore_mem>>
      %dma_start3A_17 = tpu.memref_slice %arg3[%add3A_4] : memref<32768xi32, #tpu.memory_space<hbm>> -> memref<512xi32, #tpu.memory_space<hbm>>
      %dma_start3A_18 = tpu.memref_slice %arg3[%add3A_4] : memref<32768xi32, #tpu.memory_space<hbm>> -> memref<512xi32, #tpu.memory_space<hbm>>
      tpu.enqueue_dma source(%dma_start3A_18 : memref<512xi32, #tpu.memory_space<hbm>>) target(%arg5 : memref<512xi32, #tpu.memory_space<vmem>>) target_semaphore(%run_scoped3A : memref<!tpu.dma_semaphore, #tpu.memory_space<semaphore_mem>>)
      %dma_wait3A_19 = tpu.memref_slice %arg3[%add3A_4] : memref<32768xi32, #tpu.memory_space<hbm>> -> memref<512xi32, #tpu.memory_space<hbm>>
      %dma_wait3A_20 = tpu.memref_slice %arg3[%add3A_4] : memref<32768xi32, #tpu.memory_space<hbm>> -> memref<512xi32, #tpu.memory_space<hbm>>
      tpu.wait_dma2 semaphore(%run_scoped3A : memref<!tpu.dma_semaphore, #tpu.memory_space<semaphore_mem>>) src(%dma_wait3A_20 : memref<512xi32, #tpu.memory_space<hbm>>) dst(%arg5 : memref<512xi32, #tpu.memory_space<vmem>>)
      tpu.yield
    }) : () -> ()
    %dma_start3A = arith.constant 0 : i32
    %dma_start3A_5 = arith.constant 0 : i32
    %dma_start3A_6 = tpu.memref_slice %arg2[%dma_start3A, %dma_start3A_5] : memref<8192x128xf32, #tpu.memory_space<hbm>> -> memref<8192x128xf32, #tpu.memory_space<hbm>>
    tpu.enqueue_indirect_dma source(%dma_start3A_6 : memref<8192x128xf32, #tpu.memory_space<hbm>>) target(%arg6 : memref<512x128xf32, #tpu.memory_space<vmem>>) offsets(%arg5 : memref<512xi32, #tpu.memory_space<vmem>>) semaphore(%arg7 : memref<!tpu.dma_semaphore, #tpu.memory_space<semaphore_mem>>)
    %dma_wait3A = arith.constant 0 : i32
    %dma_wait3A_7 = arith.constant 0 : i32
    %dma_wait3A_8 = tpu.memref_slice %arg2[%dma_wait3A, %dma_wait3A_7] : memref<8192x128xf32, #tpu.memory_space<hbm>> -> memref<8192x128xf32, #tpu.memory_space<hbm>>
    tpu.wait_indirect_dma semaphore(%arg7 : memref<!tpu.dma_semaphore, #tpu.memory_space<semaphore_mem>>) src(%dma_wait3A_8 : memref<8192x128xf32, #tpu.memory_space<hbm>>) dst(%arg6 : memref<512x128xf32, #tpu.memory_space<vmem>>)
    "tpu.region"() ({
      %run_scoped3A = tpu.sem_alloc : memref<!tpu.dma_semaphore, #tpu.memory_space<semaphore_mem>>
      %dma_start3A_17 = arith.constant 0 : i32
      %dma_start3A_18 = tpu.memref_slice %arg4[%add3A_4, %dma_start3A_17] : memref<32768x128xf32, #tpu.memory_space<hbm>> -> memref<512x128xf32, #tpu.memory_space<hbm>>
      %dma_start3A_19 = arith.constant 0 : i32
      %dma_start3A_20 = tpu.memref_slice %arg4[%add3A_4, %dma_start3A_19] : memref<32768x128xf32, #tpu.memory_space<hbm>> -> memref<512x128xf32, #tpu.memory_space<hbm>>
      tpu.enqueue_dma source(%arg6 : memref<512x128xf32, #tpu.memory_space<vmem>>) target(%dma_start3A_20 : memref<512x128xf32, #tpu.memory_space<hbm>>) target_semaphore(%run_scoped3A : memref<!tpu.dma_semaphore, #tpu.memory_space<semaphore_mem>>)
      %dma_wait3A_21 = arith.constant 0 : i32
      %dma_wait3A_22 = tpu.memref_slice %arg4[%add3A_4, %dma_wait3A_21] : memref<32768x128xf32, #tpu.memory_space<hbm>> -> memref<512x128xf32, #tpu.memory_space<hbm>>
      %dma_wait3A_23 = arith.constant 0 : i32
      %dma_wait3A_24 = tpu.memref_slice %arg4[%add3A_4, %dma_wait3A_23] : memref<32768x128xf32, #tpu.memory_space<hbm>> -> memref<512x128xf32, #tpu.memory_space<hbm>>
      tpu.wait_dma2 semaphore(%run_scoped3A : memref<!tpu.dma_semaphore, #tpu.memory_space<semaphore_mem>>) src(%arg6 : memref<512x128xf32, #tpu.memory_space<vmem>>) dst(%dma_wait3A_24 : memref<512x128xf32, #tpu.memory_space<hbm>>)
      tpu.yield
    }) : () -> ()
    %add3A_9 = arith.constant 512 : i32
    %add3A_10 = arith.addi %mul3A_2, %add3A_9 : i32
    "tpu.region"() ({
      %run_scoped3A = tpu.sem_alloc : memref<!tpu.dma_semaphore, #tpu.memory_space<semaphore_mem>>
      %dma_start3A_17 = tpu.memref_slice %arg3[%add3A_10] : memref<32768xi32, #tpu.memory_space<hbm>> -> memref<512xi32, #tpu.memory_space<hbm>>
      %dma_start3A_18 = tpu.memref_slice %arg3[%add3A_10] : memref<32768xi32, #tpu.memory_space<hbm>> -> memref<512xi32, #tpu.memory_space<hbm>>
      tpu.enqueue_dma source(%dma_start3A_18 : memref<512xi32, #tpu.memory_space<hbm>>) target(%arg5 : memref<512xi32, #tpu.memory_space<vmem>>) target_semaphore(%run_scoped3A : memref<!tpu.dma_semaphore, #tpu.memory_space<semaphore_mem>>)
      %dma_wait3A_19 = tpu.memref_slice %arg3[%add3A_10] : memref<32768xi32, #tpu.memory_space<hbm>> -> memref<512xi32, #tpu.memory_space<hbm>>
      %dma_wait3A_20 = tpu.memref_slice %arg3[%add3A_10] : memref<32768xi32, #tpu.memory_space<hbm>> -> memref<512xi32, #tpu.memory_space<hbm>>
      tpu.wait_dma2 semaphore(%run_scoped3A : memref<!tpu.dma_semaphore, #tpu.memory_space<semaphore_mem>>) src(%dma_wait3A_20 : memref<512xi32, #tpu.memory_space<hbm>>) dst(%arg5 : memref<512xi32, #tpu.memory_space<vmem>>)
      tpu.yield
    }) : () -> ()
    %dma_start3A_11 = arith.constant 0 : i32
    %dma_start3A_12 = arith.constant 0 : i32
    %dma_start3A_13 = tpu.memref_slice %arg2[%dma_start3A_11, %dma_start3A_12] : memref<8192x128xf32, #tpu.memory_space<hbm>> -> memref<8192x128xf32, #tpu.memory_space<hbm>>
    tpu.enqueue_indirect_dma source(%dma_start3A_13 : memref<8192x128xf32, #tpu.memory_space<hbm>>) target(%arg6 : memref<512x128xf32, #tpu.memory_space<vmem>>) offsets(%arg5 : memref<512xi32, #tpu.memory_space<vmem>>) semaphore(%arg7 : memref<!tpu.dma_semaphore, #tpu.memory_space<semaphore_mem>>)
    %dma_wait3A_14 = arith.constant 0 : i32
    %dma_wait3A_15 = arith.constant 0 : i32
    %dma_wait3A_16 = tpu.memref_slice %arg2[%dma_wait3A_14, %dma_wait3A_15] : memref<8192x128xf32, #tpu.memory_space<hbm>> -> memref<8192x128xf32, #tpu.memory_space<hbm>>
    tpu.wait_indirect_dma semaphore(%arg7 : memref<!tpu.dma_semaphore, #tpu.memory_space<semaphore_mem>>) src(%dma_wait3A_16 : memref<8192x128xf32, #tpu.memory_space<hbm>>) dst(%arg6 : memref<512x128xf32, #tpu.memory_space<vmem>>)
    "tpu.region"() ({
      %run_scoped3A = tpu.sem_alloc : memref<!tpu.dma_semaphore, #tpu.memory_space<semaphore_mem>>
      %dma_start3A_17 = arith.constant 0 : i32
      %dma_start3A_18 = tpu.memref_slice %arg4[%add3A_10, %dma_start3A_17] : memref<32768x128xf32, #tpu.memory_space<hbm>> -> memref<512x128xf32, #tpu.memory_space<hbm>>
      %dma_start3A_19 = arith.constant 0 : i32
      %dma_start3A_20 = tpu.memref_slice %arg4[%add3A_10, %dma_start3A_19] : memref<32768x128xf32, #tpu.memory_space<hbm>> -> memref<512x128xf32, #tpu.memory_space<hbm>>
      tpu.enqueue_dma source(%arg6 : memref<512x128xf32, #tpu.memory_space<vmem>>) target(%dma_start3A_20 : memref<512x128xf32, #tpu.memory_space<hbm>>) target_semaphore(%run_scoped3A : memref<!tpu.dma_semaphore, #tpu.memory_space<semaphore_mem>>)
      %dma_wait3A_21 = arith.constant 0 : i32
      %dma_wait3A_22 = tpu.memref_slice %arg4[%add3A_10, %dma_wait3A_21] : memref<32768x128xf32, #tpu.memory_space<hbm>> -> memref<512x128xf32, #tpu.memory_space<hbm>>
      %dma_wait3A_23 = arith.constant 0 : i32
      %dma_wait3A_24 = tpu.memref_slice %arg4[%add3A_10, %dma_wait3A_23] : memref<32768x128xf32, #tpu.memory_space<hbm>> -> memref<512x128xf32, #tpu.memory_space<hbm>>
      tpu.wait_dma2 semaphore(%run_scoped3A : memref<!tpu.dma_semaphore, #tpu.memory_space<semaphore_mem>>) src(%arg6 : memref<512x128xf32, #tpu.memory_space<vmem>>) dst(%dma_wait3A_24 : memref<512x128xf32, #tpu.memory_space<hbm>>)
      tpu.yield
    }) : () -> ()
    return
  }
}

#map = affine_map<(d0, d1) -> (0, 0)>
#map1 = affine_map<(d0, d1) -> (0)>
module attributes {stable_mosaic.version = 14 : i64} {
  func.func @k(%arg0: i32, %arg1: i32, %arg2: memref<2048x128xf32, #tpu.memory_space<hbm>>, %arg3: memref<65536xi32, #tpu.memory_space<hbm>>, %arg4: memref<65536x128xf32, #tpu.memory_space<hbm>>, %arg5: memref<512xi32, #tpu.memory_space<vmem>>, %arg6: memref<512x128xf32, #tpu.memory_space<vmem>>, %arg7: memref<!tpu.dma_semaphore, #tpu.memory_space<semaphore_mem>>) attributes {dimension_semantics = [#tpu.dimension_semantics<core_parallel>, #tpu.dimension_semantics<subcore_parallel>], iteration_bounds = array<i64: 2, 16>, scalar_prefetch = 0 : i64, scratch_operands = 3 : i64, tpu.core_type = #tpu.core_type<sc_vector_subcore>, window_params = [{transform_indices = #map}, {transform_indices = #map1}, {transform_indices = #map}]} {
    %mul3A = arith.constant 2 : i32
    %mul3A_0 = arith.muli %arg1, %mul3A : i32
    %add3A = arith.addi %mul3A_0, %arg0 : i32
    %mul3A_1 = arith.constant 2048 : i32
    %mul3A_2 = arith.muli %add3A, %mul3A_1 : i32
    %add3A_3 = arith.constant 0 : i32
    %add3A_4 = arith.addi %mul3A_2, %add3A_3 : i32
    "tpu.region"() ({
      %run_scoped3A = tpu.sem_alloc : memref<!tpu.dma_semaphore, #tpu.memory_space<semaphore_mem>>
      %dma_start3A_33 = tpu.memref_slice %arg3[%add3A_4] : memref<65536xi32, #tpu.memory_space<hbm>> -> memref<512xi32, #tpu.memory_space<hbm>>
      %dma_start3A_34 = tpu.memref_slice %arg3[%add3A_4] : memref<65536xi32, #tpu.memory_space<hbm>> -> memref<512xi32, #tpu.memory_space<hbm>>
      tpu.enqueue_dma source(%dma_start3A_34 : memref<512xi32, #tpu.memory_space<hbm>>) target(%arg5 : memref<512xi32, #tpu.memory_space<vmem>>) target_semaphore(%run_scoped3A : memref<!tpu.dma_semaphore, #tpu.memory_space<semaphore_mem>>)
      %dma_wait3A_35 = tpu.memref_slice %arg3[%add3A_4] : memref<65536xi32, #tpu.memory_space<hbm>> -> memref<512xi32, #tpu.memory_space<hbm>>
      %dma_wait3A_36 = tpu.memref_slice %arg3[%add3A_4] : memref<65536xi32, #tpu.memory_space<hbm>> -> memref<512xi32, #tpu.memory_space<hbm>>
      tpu.wait_dma2 semaphore(%run_scoped3A : memref<!tpu.dma_semaphore, #tpu.memory_space<semaphore_mem>>) src(%dma_wait3A_36 : memref<512xi32, #tpu.memory_space<hbm>>) dst(%arg5 : memref<512xi32, #tpu.memory_space<vmem>>)
      tpu.yield
    }) : () -> ()
    %dma_start3A = arith.constant 0 : i32
    %dma_start3A_5 = arith.constant 0 : i32
    %dma_start3A_6 = tpu.memref_slice %arg2[%dma_start3A, %dma_start3A_5] : memref<2048x128xf32, #tpu.memory_space<hbm>> -> memref<2048x128xf32, #tpu.memory_space<hbm>>
    tpu.enqueue_indirect_dma source(%dma_start3A_6 : memref<2048x128xf32, #tpu.memory_space<hbm>>) target(%arg6 : memref<512x128xf32, #tpu.memory_space<vmem>>) offsets(%arg5 : memref<512xi32, #tpu.memory_space<vmem>>) semaphore(%arg7 : memref<!tpu.dma_semaphore, #tpu.memory_space<semaphore_mem>>)
    %dma_wait3A = arith.constant 0 : i32
    %dma_wait3A_7 = arith.constant 0 : i32
    %dma_wait3A_8 = tpu.memref_slice %arg2[%dma_wait3A, %dma_wait3A_7] : memref<2048x128xf32, #tpu.memory_space<hbm>> -> memref<2048x128xf32, #tpu.memory_space<hbm>>
    tpu.wait_indirect_dma semaphore(%arg7 : memref<!tpu.dma_semaphore, #tpu.memory_space<semaphore_mem>>) src(%dma_wait3A_8 : memref<2048x128xf32, #tpu.memory_space<hbm>>) dst(%arg6 : memref<512x128xf32, #tpu.memory_space<vmem>>)
    "tpu.region"() ({
      %run_scoped3A = tpu.sem_alloc : memref<!tpu.dma_semaphore, #tpu.memory_space<semaphore_mem>>
      %dma_start3A_33 = arith.constant 0 : i32
      %dma_start3A_34 = tpu.memref_slice %arg4[%add3A_4, %dma_start3A_33] : memref<65536x128xf32, #tpu.memory_space<hbm>> -> memref<512x128xf32, #tpu.memory_space<hbm>>
      %dma_start3A_35 = arith.constant 0 : i32
      %dma_start3A_36 = tpu.memref_slice %arg4[%add3A_4, %dma_start3A_35] : memref<65536x128xf32, #tpu.memory_space<hbm>> -> memref<512x128xf32, #tpu.memory_space<hbm>>
      tpu.enqueue_dma source(%arg6 : memref<512x128xf32, #tpu.memory_space<vmem>>) target(%dma_start3A_36 : memref<512x128xf32, #tpu.memory_space<hbm>>) target_semaphore(%run_scoped3A : memref<!tpu.dma_semaphore, #tpu.memory_space<semaphore_mem>>)
      %dma_wait3A_37 = arith.constant 0 : i32
      %dma_wait3A_38 = tpu.memref_slice %arg4[%add3A_4, %dma_wait3A_37] : memref<65536x128xf32, #tpu.memory_space<hbm>> -> memref<512x128xf32, #tpu.memory_space<hbm>>
      %dma_wait3A_39 = arith.constant 0 : i32
      %dma_wait3A_40 = tpu.memref_slice %arg4[%add3A_4, %dma_wait3A_39] : memref<65536x128xf32, #tpu.memory_space<hbm>> -> memref<512x128xf32, #tpu.memory_space<hbm>>
      tpu.wait_dma2 semaphore(%run_scoped3A : memref<!tpu.dma_semaphore, #tpu.memory_space<semaphore_mem>>) src(%arg6 : memref<512x128xf32, #tpu.memory_space<vmem>>) dst(%dma_wait3A_40 : memref<512x128xf32, #tpu.memory_space<hbm>>)
      tpu.yield
    }) : () -> ()
    %add3A_9 = arith.constant 512 : i32
    %add3A_10 = arith.addi %mul3A_2, %add3A_9 : i32
    "tpu.region"() ({
      %run_scoped3A = tpu.sem_alloc : memref<!tpu.dma_semaphore, #tpu.memory_space<semaphore_mem>>
      %dma_start3A_33 = tpu.memref_slice %arg3[%add3A_10] : memref<65536xi32, #tpu.memory_space<hbm>> -> memref<512xi32, #tpu.memory_space<hbm>>
      %dma_start3A_34 = tpu.memref_slice %arg3[%add3A_10] : memref<65536xi32, #tpu.memory_space<hbm>> -> memref<512xi32, #tpu.memory_space<hbm>>
      tpu.enqueue_dma source(%dma_start3A_34 : memref<512xi32, #tpu.memory_space<hbm>>) target(%arg5 : memref<512xi32, #tpu.memory_space<vmem>>) target_semaphore(%run_scoped3A : memref<!tpu.dma_semaphore, #tpu.memory_space<semaphore_mem>>)
      %dma_wait3A_35 = tpu.memref_slice %arg3[%add3A_10] : memref<65536xi32, #tpu.memory_space<hbm>> -> memref<512xi32, #tpu.memory_space<hbm>>
      %dma_wait3A_36 = tpu.memref_slice %arg3[%add3A_10] : memref<65536xi32, #tpu.memory_space<hbm>> -> memref<512xi32, #tpu.memory_space<hbm>>
      tpu.wait_dma2 semaphore(%run_scoped3A : memref<!tpu.dma_semaphore, #tpu.memory_space<semaphore_mem>>) src(%dma_wait3A_36 : memref<512xi32, #tpu.memory_space<hbm>>) dst(%arg5 : memref<512xi32, #tpu.memory_space<vmem>>)
      tpu.yield
    }) : () -> ()
    %dma_start3A_11 = arith.constant 0 : i32
    %dma_start3A_12 = arith.constant 0 : i32
    %dma_start3A_13 = tpu.memref_slice %arg2[%dma_start3A_11, %dma_start3A_12] : memref<2048x128xf32, #tpu.memory_space<hbm>> -> memref<2048x128xf32, #tpu.memory_space<hbm>>
    tpu.enqueue_indirect_dma source(%dma_start3A_13 : memref<2048x128xf32, #tpu.memory_space<hbm>>) target(%arg6 : memref<512x128xf32, #tpu.memory_space<vmem>>) offsets(%arg5 : memref<512xi32, #tpu.memory_space<vmem>>) semaphore(%arg7 : memref<!tpu.dma_semaphore, #tpu.memory_space<semaphore_mem>>)
    %dma_wait3A_14 = arith.constant 0 : i32
    %dma_wait3A_15 = arith.constant 0 : i32
    %dma_wait3A_16 = tpu.memref_slice %arg2[%dma_wait3A_14, %dma_wait3A_15] : memref<2048x128xf32, #tpu.memory_space<hbm>> -> memref<2048x128xf32, #tpu.memory_space<hbm>>
    tpu.wait_indirect_dma semaphore(%arg7 : memref<!tpu.dma_semaphore, #tpu.memory_space<semaphore_mem>>) src(%dma_wait3A_16 : memref<2048x128xf32, #tpu.memory_space<hbm>>) dst(%arg6 : memref<512x128xf32, #tpu.memory_space<vmem>>)
    "tpu.region"() ({
      %run_scoped3A = tpu.sem_alloc : memref<!tpu.dma_semaphore, #tpu.memory_space<semaphore_mem>>
      %dma_start3A_33 = arith.constant 0 : i32
      %dma_start3A_34 = tpu.memref_slice %arg4[%add3A_10, %dma_start3A_33] : memref<65536x128xf32, #tpu.memory_space<hbm>> -> memref<512x128xf32, #tpu.memory_space<hbm>>
      %dma_start3A_35 = arith.constant 0 : i32
      %dma_start3A_36 = tpu.memref_slice %arg4[%add3A_10, %dma_start3A_35] : memref<65536x128xf32, #tpu.memory_space<hbm>> -> memref<512x128xf32, #tpu.memory_space<hbm>>
      tpu.enqueue_dma source(%arg6 : memref<512x128xf32, #tpu.memory_space<vmem>>) target(%dma_start3A_36 : memref<512x128xf32, #tpu.memory_space<hbm>>) target_semaphore(%run_scoped3A : memref<!tpu.dma_semaphore, #tpu.memory_space<semaphore_mem>>)
      %dma_wait3A_37 = arith.constant 0 : i32
      %dma_wait3A_38 = tpu.memref_slice %arg4[%add3A_10, %dma_wait3A_37] : memref<65536x128xf32, #tpu.memory_space<hbm>> -> memref<512x128xf32, #tpu.memory_space<hbm>>
      %dma_wait3A_39 = arith.constant 0 : i32
      %dma_wait3A_40 = tpu.memref_slice %arg4[%add3A_10, %dma_wait3A_39] : memref<65536x128xf32, #tpu.memory_space<hbm>> -> memref<512x128xf32, #tpu.memory_space<hbm>>
      tpu.wait_dma2 semaphore(%run_scoped3A : memref<!tpu.dma_semaphore, #tpu.memory_space<semaphore_mem>>) src(%arg6 : memref<512x128xf32, #tpu.memory_space<vmem>>) dst(%dma_wait3A_40 : memref<512x128xf32, #tpu.memory_space<hbm>>)
      tpu.yield
    }) : () -> ()
    %add3A_17 = arith.constant 1024 : i32
    %add3A_18 = arith.addi %mul3A_2, %add3A_17 : i32
    "tpu.region"() ({
      %run_scoped3A = tpu.sem_alloc : memref<!tpu.dma_semaphore, #tpu.memory_space<semaphore_mem>>
      %dma_start3A_33 = tpu.memref_slice %arg3[%add3A_18] : memref<65536xi32, #tpu.memory_space<hbm>> -> memref<512xi32, #tpu.memory_space<hbm>>
      %dma_start3A_34 = tpu.memref_slice %arg3[%add3A_18] : memref<65536xi32, #tpu.memory_space<hbm>> -> memref<512xi32, #tpu.memory_space<hbm>>
      tpu.enqueue_dma source(%dma_start3A_34 : memref<512xi32, #tpu.memory_space<hbm>>) target(%arg5 : memref<512xi32, #tpu.memory_space<vmem>>) target_semaphore(%run_scoped3A : memref<!tpu.dma_semaphore, #tpu.memory_space<semaphore_mem>>)
      %dma_wait3A_35 = tpu.memref_slice %arg3[%add3A_18] : memref<65536xi32, #tpu.memory_space<hbm>> -> memref<512xi32, #tpu.memory_space<hbm>>
      %dma_wait3A_36 = tpu.memref_slice %arg3[%add3A_18] : memref<65536xi32, #tpu.memory_space<hbm>> -> memref<512xi32, #tpu.memory_space<hbm>>
      tpu.wait_dma2 semaphore(%run_scoped3A : memref<!tpu.dma_semaphore, #tpu.memory_space<semaphore_mem>>) src(%dma_wait3A_36 : memref<512xi32, #tpu.memory_space<hbm>>) dst(%arg5 : memref<512xi32, #tpu.memory_space<vmem>>)
      tpu.yield
    }) : () -> ()
    %dma_start3A_19 = arith.constant 0 : i32
    %dma_start3A_20 = arith.constant 0 : i32
    %dma_start3A_21 = tpu.memref_slice %arg2[%dma_start3A_19, %dma_start3A_20] : memref<2048x128xf32, #tpu.memory_space<hbm>> -> memref<2048x128xf32, #tpu.memory_space<hbm>>
    tpu.enqueue_indirect_dma source(%dma_start3A_21 : memref<2048x128xf32, #tpu.memory_space<hbm>>) target(%arg6 : memref<512x128xf32, #tpu.memory_space<vmem>>) offsets(%arg5 : memref<512xi32, #tpu.memory_space<vmem>>) semaphore(%arg7 : memref<!tpu.dma_semaphore, #tpu.memory_space<semaphore_mem>>)
    %dma_wait3A_22 = arith.constant 0 : i32
    %dma_wait3A_23 = arith.constant 0 : i32
    %dma_wait3A_24 = tpu.memref_slice %arg2[%dma_wait3A_22, %dma_wait3A_23] : memref<2048x128xf32, #tpu.memory_space<hbm>> -> memref<2048x128xf32, #tpu.memory_space<hbm>>
    tpu.wait_indirect_dma semaphore(%arg7 : memref<!tpu.dma_semaphore, #tpu.memory_space<semaphore_mem>>) src(%dma_wait3A_24 : memref<2048x128xf32, #tpu.memory_space<hbm>>) dst(%arg6 : memref<512x128xf32, #tpu.memory_space<vmem>>)
    "tpu.region"() ({
      %run_scoped3A = tpu.sem_alloc : memref<!tpu.dma_semaphore, #tpu.memory_space<semaphore_mem>>
      %dma_start3A_33 = arith.constant 0 : i32
      %dma_start3A_34 = tpu.memref_slice %arg4[%add3A_18, %dma_start3A_33] : memref<65536x128xf32, #tpu.memory_space<hbm>> -> memref<512x128xf32, #tpu.memory_space<hbm>>
      %dma_start3A_35 = arith.constant 0 : i32
      %dma_start3A_36 = tpu.memref_slice %arg4[%add3A_18, %dma_start3A_35] : memref<65536x128xf32, #tpu.memory_space<hbm>> -> memref<512x128xf32, #tpu.memory_space<hbm>>
      tpu.enqueue_dma source(%arg6 : memref<512x128xf32, #tpu.memory_space<vmem>>) target(%dma_start3A_36 : memref<512x128xf32, #tpu.memory_space<hbm>>) target_semaphore(%run_scoped3A : memref<!tpu.dma_semaphore, #tpu.memory_space<semaphore_mem>>)
      %dma_wait3A_37 = arith.constant 0 : i32
      %dma_wait3A_38 = tpu.memref_slice %arg4[%add3A_18, %dma_wait3A_37] : memref<65536x128xf32, #tpu.memory_space<hbm>> -> memref<512x128xf32, #tpu.memory_space<hbm>>
      %dma_wait3A_39 = arith.constant 0 : i32
      %dma_wait3A_40 = tpu.memref_slice %arg4[%add3A_18, %dma_wait3A_39] : memref<65536x128xf32, #tpu.memory_space<hbm>> -> memref<512x128xf32, #tpu.memory_space<hbm>>
      tpu.wait_dma2 semaphore(%run_scoped3A : memref<!tpu.dma_semaphore, #tpu.memory_space<semaphore_mem>>) src(%arg6 : memref<512x128xf32, #tpu.memory_space<vmem>>) dst(%dma_wait3A_40 : memref<512x128xf32, #tpu.memory_space<hbm>>)
      tpu.yield
    }) : () -> ()
    %add3A_25 = arith.constant 1536 : i32
    %add3A_26 = arith.addi %mul3A_2, %add3A_25 : i32
    "tpu.region"() ({
      %run_scoped3A = tpu.sem_alloc : memref<!tpu.dma_semaphore, #tpu.memory_space<semaphore_mem>>
      %dma_start3A_33 = tpu.memref_slice %arg3[%add3A_26] : memref<65536xi32, #tpu.memory_space<hbm>> -> memref<512xi32, #tpu.memory_space<hbm>>
      %dma_start3A_34 = tpu.memref_slice %arg3[%add3A_26] : memref<65536xi32, #tpu.memory_space<hbm>> -> memref<512xi32, #tpu.memory_space<hbm>>
      tpu.enqueue_dma source(%dma_start3A_34 : memref<512xi32, #tpu.memory_space<hbm>>) target(%arg5 : memref<512xi32, #tpu.memory_space<vmem>>) target_semaphore(%run_scoped3A : memref<!tpu.dma_semaphore, #tpu.memory_space<semaphore_mem>>)
      %dma_wait3A_35 = tpu.memref_slice %arg3[%add3A_26] : memref<65536xi32, #tpu.memory_space<hbm>> -> memref<512xi32, #tpu.memory_space<hbm>>
      %dma_wait3A_36 = tpu.memref_slice %arg3[%add3A_26] : memref<65536xi32, #tpu.memory_space<hbm>> -> memref<512xi32, #tpu.memory_space<hbm>>
      tpu.wait_dma2 semaphore(%run_scoped3A : memref<!tpu.dma_semaphore, #tpu.memory_space<semaphore_mem>>) src(%dma_wait3A_36 : memref<512xi32, #tpu.memory_space<hbm>>) dst(%arg5 : memref<512xi32, #tpu.memory_space<vmem>>)
      tpu.yield
    }) : () -> ()
    %dma_start3A_27 = arith.constant 0 : i32
    %dma_start3A_28 = arith.constant 0 : i32
    %dma_start3A_29 = tpu.memref_slice %arg2[%dma_start3A_27, %dma_start3A_28] : memref<2048x128xf32, #tpu.memory_space<hbm>> -> memref<2048x128xf32, #tpu.memory_space<hbm>>
    tpu.enqueue_indirect_dma source(%dma_start3A_29 : memref<2048x128xf32, #tpu.memory_space<hbm>>) target(%arg6 : memref<512x128xf32, #tpu.memory_space<vmem>>) offsets(%arg5 : memref<512xi32, #tpu.memory_space<vmem>>) semaphore(%arg7 : memref<!tpu.dma_semaphore, #tpu.memory_space<semaphore_mem>>)
    %dma_wait3A_30 = arith.constant 0 : i32
    %dma_wait3A_31 = arith.constant 0 : i32
    %dma_wait3A_32 = tpu.memref_slice %arg2[%dma_wait3A_30, %dma_wait3A_31] : memref<2048x128xf32, #tpu.memory_space<hbm>> -> memref<2048x128xf32, #tpu.memory_space<hbm>>
    tpu.wait_indirect_dma semaphore(%arg7 : memref<!tpu.dma_semaphore, #tpu.memory_space<semaphore_mem>>) src(%dma_wait3A_32 : memref<2048x128xf32, #tpu.memory_space<hbm>>) dst(%arg6 : memref<512x128xf32, #tpu.memory_space<vmem>>)
    "tpu.region"() ({
      %run_scoped3A = tpu.sem_alloc : memref<!tpu.dma_semaphore, #tpu.memory_space<semaphore_mem>>
      %dma_start3A_33 = arith.constant 0 : i32
      %dma_start3A_34 = tpu.memref_slice %arg4[%add3A_26, %dma_start3A_33] : memref<65536x128xf32, #tpu.memory_space<hbm>> -> memref<512x128xf32, #tpu.memory_space<hbm>>
      %dma_start3A_35 = arith.constant 0 : i32
      %dma_start3A_36 = tpu.memref_slice %arg4[%add3A_26, %dma_start3A_35] : memref<65536x128xf32, #tpu.memory_space<hbm>> -> memref<512x128xf32, #tpu.memory_space<hbm>>
      tpu.enqueue_dma source(%arg6 : memref<512x128xf32, #tpu.memory_space<vmem>>) target(%dma_start3A_36 : memref<512x128xf32, #tpu.memory_space<hbm>>) target_semaphore(%run_scoped3A : memref<!tpu.dma_semaphore, #tpu.memory_space<semaphore_mem>>)
      %dma_wait3A_37 = arith.constant 0 : i32
      %dma_wait3A_38 = tpu.memref_slice %arg4[%add3A_26, %dma_wait3A_37] : memref<65536x128xf32, #tpu.memory_space<hbm>> -> memref<512x128xf32, #tpu.memory_space<hbm>>
      %dma_wait3A_39 = arith.constant 0 : i32
      %dma_wait3A_40 = tpu.memref_slice %arg4[%add3A_26, %dma_wait3A_39] : memref<65536x128xf32, #tpu.memory_space<hbm>> -> memref<512x128xf32, #tpu.memory_space<hbm>>
      tpu.wait_dma2 semaphore(%run_scoped3A : memref<!tpu.dma_semaphore, #tpu.memory_space<semaphore_mem>>) src(%arg6 : memref<512x128xf32, #tpu.memory_space<vmem>>) dst(%dma_wait3A_40 : memref<512x128xf32, #tpu.memory_space<hbm>>)
      tpu.yield
    }) : () -> ()
    return
  }
}

#map = affine_map<(d0, d1) -> (0, 0)>
#map1 = affine_map<(d0, d1) -> (0)>
module attributes {stable_mosaic.version = 14 : i64} {
  func.func @k(%arg0: i32, %arg1: i32, %arg2: memref<2048x128xf32, #tpu.memory_space<hbm>>, %arg3: memref<65536xi32, #tpu.memory_space<hbm>>, %arg4: memref<65536x128xf32, #tpu.memory_space<hbm>>, %arg5: memref<512xi32, #tpu.memory_space<vmem>>, %arg6: memref<512x128xf32, #tpu.memory_space<vmem>>, %arg7: memref<!tpu.dma_semaphore, #tpu.memory_space<semaphore_mem>>) attributes {dimension_semantics = [#tpu.dimension_semantics<core_parallel>, #tpu.dimension_semantics<subcore_parallel>], iteration_bounds = array<i64: 2, 16>, scalar_prefetch = 0 : i64, scratch_operands = 3 : i64, tpu.core_type = #tpu.core_type<sc_vector_subcore>, window_params = [{transform_indices = #map}, {transform_indices = #map1}, {transform_indices = #map}]} {
    %mul3A = arith.constant 2 : i32
    %mul3A_0 = arith.muli %arg1, %mul3A : i32
    %add3A = arith.addi %mul3A_0, %arg0 : i32
    %mul3A_1 = arith.constant 2048 : i32
    %mul3A_2 = arith.muli %add3A, %mul3A_1 : i32
    %add3A_3 = arith.constant 0 : i32
    %add3A_4 = arith.addi %mul3A_2, %add3A_3 : i32
    "tpu.region"() ({
      %run_scoped3A = tpu.sem_alloc : memref<!tpu.dma_semaphore, #tpu.memory_space<semaphore_mem>>
      %dma_start3A_33 = tpu.memref_slice %arg3[%add3A_4] : memref<65536xi32, #tpu.memory_space<hbm>> -> memref<512xi32, #tpu.memory_space<hbm>>
      %dma_start3A_34 = tpu.memref_slice %arg3[%add3A_4] : memref<65536xi32, #tpu.memory_space<hbm>> -> memref<512xi32, #tpu.memory_space<hbm>>
      tpu.enqueue_dma source(%dma_start3A_34 : memref<512xi32, #tpu.memory_space<hbm>>) target(%arg5 : memref<512xi32, #tpu.memory_space<vmem>>) target_semaphore(%run_scoped3A : memref<!tpu.dma_semaphore, #tpu.memory_space<semaphore_mem>>)
      %dma_wait3A_35 = tpu.memref_slice %arg3[%add3A_4] : memref<65536xi32, #tpu.memory_space<hbm>> -> memref<512xi32, #tpu.memory_space<hbm>>
      %dma_wait3A_36 = tpu.memref_slice %arg3[%add3A_4] : memref<65536xi32, #tpu.memory_space<hbm>> -> memref<512xi32, #tpu.memory_space<hbm>>
      tpu.wait_dma2 semaphore(%run_scoped3A : memref<!tpu.dma_semaphore, #tpu.memory_space<semaphore_mem>>) src(%dma_wait3A_36 : memref<512xi32, #tpu.memory_space<hbm>>) dst(%arg5 : memref<512xi32, #tpu.memory_space<vmem>>)
      tpu.yield
    }) : () -> ()
    %dma_start3A = arith.constant 0 : i32
    %dma_start3A_5 = arith.constant 0 : i32
    %dma_start3A_6 = tpu.memref_slice %arg2[%dma_start3A, %dma_start3A_5] : memref<2048x128xf32, #tpu.memory_space<hbm>> -> memref<2048x128xf32, #tpu.memory_space<hbm>>
    tpu.enqueue_indirect_dma source(%dma_start3A_6 : memref<2048x128xf32, #tpu.memory_space<hbm>>) target(%arg6 : memref<512x128xf32, #tpu.memory_space<vmem>>) offsets(%arg5 : memref<512xi32, #tpu.memory_space<vmem>>) semaphore(%arg7 : memref<!tpu.dma_semaphore, #tpu.memory_space<semaphore_mem>>)
    %dma_wait3A = arith.constant 0 : i32
    %dma_wait3A_7 = arith.constant 0 : i32
    %dma_wait3A_8 = tpu.memref_slice %arg2[%dma_wait3A, %dma_wait3A_7] : memref<2048x128xf32, #tpu.memory_space<hbm>> -> memref<2048x128xf32, #tpu.memory_space<hbm>>
    tpu.wait_indirect_dma semaphore(%arg7 : memref<!tpu.dma_semaphore, #tpu.memory_space<semaphore_mem>>) src(%dma_wait3A_8 : memref<2048x128xf32, #tpu.memory_space<hbm>>) dst(%arg6 : memref<512x128xf32, #tpu.memory_space<vmem>>)
    "tpu.region"() ({
      %run_scoped3A = tpu.sem_alloc : memref<!tpu.dma_semaphore, #tpu.memory_space<semaphore_mem>>
      %dma_start3A_33 = arith.constant 0 : i32
      %dma_start3A_34 = tpu.memref_slice %arg4[%add3A_4, %dma_start3A_33] : memref<65536x128xf32, #tpu.memory_space<hbm>> -> memref<512x128xf32, #tpu.memory_space<hbm>>
      %dma_start3A_35 = arith.constant 0 : i32
      %dma_start3A_36 = tpu.memref_slice %arg4[%add3A_4, %dma_start3A_35] : memref<65536x128xf32, #tpu.memory_space<hbm>> -> memref<512x128xf32, #tpu.memory_space<hbm>>
      tpu.enqueue_dma source(%arg6 : memref<512x128xf32, #tpu.memory_space<vmem>>) target(%dma_start3A_36 : memref<512x128xf32, #tpu.memory_space<hbm>>) target_semaphore(%run_scoped3A : memref<!tpu.dma_semaphore, #tpu.memory_space<semaphore_mem>>)
      %dma_wait3A_37 = arith.constant 0 : i32
      %dma_wait3A_38 = tpu.memref_slice %arg4[%add3A_4, %dma_wait3A_37] : memref<65536x128xf32, #tpu.memory_space<hbm>> -> memref<512x128xf32, #tpu.memory_space<hbm>>
      %dma_wait3A_39 = arith.constant 0 : i32
      %dma_wait3A_40 = tpu.memref_slice %arg4[%add3A_4, %dma_wait3A_39] : memref<65536x128xf32, #tpu.memory_space<hbm>> -> memref<512x128xf32, #tpu.memory_space<hbm>>
      tpu.wait_dma2 semaphore(%run_scoped3A : memref<!tpu.dma_semaphore, #tpu.memory_space<semaphore_mem>>) src(%arg6 : memref<512x128xf32, #tpu.memory_space<vmem>>) dst(%dma_wait3A_40 : memref<512x128xf32, #tpu.memory_space<hbm>>)
      tpu.yield
    }) : () -> ()
    %add3A_9 = arith.constant 512 : i32
    %add3A_10 = arith.addi %mul3A_2, %add3A_9 : i32
    "tpu.region"() ({
      %run_scoped3A = tpu.sem_alloc : memref<!tpu.dma_semaphore, #tpu.memory_space<semaphore_mem>>
      %dma_start3A_33 = tpu.memref_slice %arg3[%add3A_10] : memref<65536xi32, #tpu.memory_space<hbm>> -> memref<512xi32, #tpu.memory_space<hbm>>
      %dma_start3A_34 = tpu.memref_slice %arg3[%add3A_10] : memref<65536xi32, #tpu.memory_space<hbm>> -> memref<512xi32, #tpu.memory_space<hbm>>
      tpu.enqueue_dma source(%dma_start3A_34 : memref<512xi32, #tpu.memory_space<hbm>>) target(%arg5 : memref<512xi32, #tpu.memory_space<vmem>>) target_semaphore(%run_scoped3A : memref<!tpu.dma_semaphore, #tpu.memory_space<semaphore_mem>>)
      %dma_wait3A_35 = tpu.memref_slice %arg3[%add3A_10] : memref<65536xi32, #tpu.memory_space<hbm>> -> memref<512xi32, #tpu.memory_space<hbm>>
      %dma_wait3A_36 = tpu.memref_slice %arg3[%add3A_10] : memref<65536xi32, #tpu.memory_space<hbm>> -> memref<512xi32, #tpu.memory_space<hbm>>
      tpu.wait_dma2 semaphore(%run_scoped3A : memref<!tpu.dma_semaphore, #tpu.memory_space<semaphore_mem>>) src(%dma_wait3A_36 : memref<512xi32, #tpu.memory_space<hbm>>) dst(%arg5 : memref<512xi32, #tpu.memory_space<vmem>>)
      tpu.yield
    }) : () -> ()
    %dma_start3A_11 = arith.constant 0 : i32
    %dma_start3A_12 = arith.constant 0 : i32
    %dma_start3A_13 = tpu.memref_slice %arg2[%dma_start3A_11, %dma_start3A_12] : memref<2048x128xf32, #tpu.memory_space<hbm>> -> memref<2048x128xf32, #tpu.memory_space<hbm>>
    tpu.enqueue_indirect_dma source(%dma_start3A_13 : memref<2048x128xf32, #tpu.memory_space<hbm>>) target(%arg6 : memref<512x128xf32, #tpu.memory_space<vmem>>) offsets(%arg5 : memref<512xi32, #tpu.memory_space<vmem>>) semaphore(%arg7 : memref<!tpu.dma_semaphore, #tpu.memory_space<semaphore_mem>>)
    %dma_wait3A_14 = arith.constant 0 : i32
    %dma_wait3A_15 = arith.constant 0 : i32
    %dma_wait3A_16 = tpu.memref_slice %arg2[%dma_wait3A_14, %dma_wait3A_15] : memref<2048x128xf32, #tpu.memory_space<hbm>> -> memref<2048x128xf32, #tpu.memory_space<hbm>>
    tpu.wait_indirect_dma semaphore(%arg7 : memref<!tpu.dma_semaphore, #tpu.memory_space<semaphore_mem>>) src(%dma_wait3A_16 : memref<2048x128xf32, #tpu.memory_space<hbm>>) dst(%arg6 : memref<512x128xf32, #tpu.memory_space<vmem>>)
    "tpu.region"() ({
      %run_scoped3A = tpu.sem_alloc : memref<!tpu.dma_semaphore, #tpu.memory_space<semaphore_mem>>
      %dma_start3A_33 = arith.constant 0 : i32
      %dma_start3A_34 = tpu.memref_slice %arg4[%add3A_10, %dma_start3A_33] : memref<65536x128xf32, #tpu.memory_space<hbm>> -> memref<512x128xf32, #tpu.memory_space<hbm>>
      %dma_start3A_35 = arith.constant 0 : i32
      %dma_start3A_36 = tpu.memref_slice %arg4[%add3A_10, %dma_start3A_35] : memref<65536x128xf32, #tpu.memory_space<hbm>> -> memref<512x128xf32, #tpu.memory_space<hbm>>
      tpu.enqueue_dma source(%arg6 : memref<512x128xf32, #tpu.memory_space<vmem>>) target(%dma_start3A_36 : memref<512x128xf32, #tpu.memory_space<hbm>>) target_semaphore(%run_scoped3A : memref<!tpu.dma_semaphore, #tpu.memory_space<semaphore_mem>>)
      %dma_wait3A_37 = arith.constant 0 : i32
      %dma_wait3A_38 = tpu.memref_slice %arg4[%add3A_10, %dma_wait3A_37] : memref<65536x128xf32, #tpu.memory_space<hbm>> -> memref<512x128xf32, #tpu.memory_space<hbm>>
      %dma_wait3A_39 = arith.constant 0 : i32
      %dma_wait3A_40 = tpu.memref_slice %arg4[%add3A_10, %dma_wait3A_39] : memref<65536x128xf32, #tpu.memory_space<hbm>> -> memref<512x128xf32, #tpu.memory_space<hbm>>
      tpu.wait_dma2 semaphore(%run_scoped3A : memref<!tpu.dma_semaphore, #tpu.memory_space<semaphore_mem>>) src(%arg6 : memref<512x128xf32, #tpu.memory_space<vmem>>) dst(%dma_wait3A_40 : memref<512x128xf32, #tpu.memory_space<hbm>>)
      tpu.yield
    }) : () -> ()
    %add3A_17 = arith.constant 1024 : i32
    %add3A_18 = arith.addi %mul3A_2, %add3A_17 : i32
    "tpu.region"() ({
      %run_scoped3A = tpu.sem_alloc : memref<!tpu.dma_semaphore, #tpu.memory_space<semaphore_mem>>
      %dma_start3A_33 = tpu.memref_slice %arg3[%add3A_18] : memref<65536xi32, #tpu.memory_space<hbm>> -> memref<512xi32, #tpu.memory_space<hbm>>
      %dma_start3A_34 = tpu.memref_slice %arg3[%add3A_18] : memref<65536xi32, #tpu.memory_space<hbm>> -> memref<512xi32, #tpu.memory_space<hbm>>
      tpu.enqueue_dma source(%dma_start3A_34 : memref<512xi32, #tpu.memory_space<hbm>>) target(%arg5 : memref<512xi32, #tpu.memory_space<vmem>>) target_semaphore(%run_scoped3A : memref<!tpu.dma_semaphore, #tpu.memory_space<semaphore_mem>>)
      %dma_wait3A_35 = tpu.memref_slice %arg3[%add3A_18] : memref<65536xi32, #tpu.memory_space<hbm>> -> memref<512xi32, #tpu.memory_space<hbm>>
      %dma_wait3A_36 = tpu.memref_slice %arg3[%add3A_18] : memref<65536xi32, #tpu.memory_space<hbm>> -> memref<512xi32, #tpu.memory_space<hbm>>
      tpu.wait_dma2 semaphore(%run_scoped3A : memref<!tpu.dma_semaphore, #tpu.memory_space<semaphore_mem>>) src(%dma_wait3A_36 : memref<512xi32, #tpu.memory_space<hbm>>) dst(%arg5 : memref<512xi32, #tpu.memory_space<vmem>>)
      tpu.yield
    }) : () -> ()
    %dma_start3A_19 = arith.constant 0 : i32
    %dma_start3A_20 = arith.constant 0 : i32
    %dma_start3A_21 = tpu.memref_slice %arg2[%dma_start3A_19, %dma_start3A_20] : memref<2048x128xf32, #tpu.memory_space<hbm>> -> memref<2048x128xf32, #tpu.memory_space<hbm>>
    tpu.enqueue_indirect_dma source(%dma_start3A_21 : memref<2048x128xf32, #tpu.memory_space<hbm>>) target(%arg6 : memref<512x128xf32, #tpu.memory_space<vmem>>) offsets(%arg5 : memref<512xi32, #tpu.memory_space<vmem>>) semaphore(%arg7 : memref<!tpu.dma_semaphore, #tpu.memory_space<semaphore_mem>>)
    %dma_wait3A_22 = arith.constant 0 : i32
    %dma_wait3A_23 = arith.constant 0 : i32
    %dma_wait3A_24 = tpu.memref_slice %arg2[%dma_wait3A_22, %dma_wait3A_23] : memref<2048x128xf32, #tpu.memory_space<hbm>> -> memref<2048x128xf32, #tpu.memory_space<hbm>>
    tpu.wait_indirect_dma semaphore(%arg7 : memref<!tpu.dma_semaphore, #tpu.memory_space<semaphore_mem>>) src(%dma_wait3A_24 : memref<2048x128xf32, #tpu.memory_space<hbm>>) dst(%arg6 : memref<512x128xf32, #tpu.memory_space<vmem>>)
    "tpu.region"() ({
      %run_scoped3A = tpu.sem_alloc : memref<!tpu.dma_semaphore, #tpu.memory_space<semaphore_mem>>
      %dma_start3A_33 = arith.constant 0 : i32
      %dma_start3A_34 = tpu.memref_slice %arg4[%add3A_18, %dma_start3A_33] : memref<65536x128xf32, #tpu.memory_space<hbm>> -> memref<512x128xf32, #tpu.memory_space<hbm>>
      %dma_start3A_35 = arith.constant 0 : i32
      %dma_start3A_36 = tpu.memref_slice %arg4[%add3A_18, %dma_start3A_35] : memref<65536x128xf32, #tpu.memory_space<hbm>> -> memref<512x128xf32, #tpu.memory_space<hbm>>
      tpu.enqueue_dma source(%arg6 : memref<512x128xf32, #tpu.memory_space<vmem>>) target(%dma_start3A_36 : memref<512x128xf32, #tpu.memory_space<hbm>>) target_semaphore(%run_scoped3A : memref<!tpu.dma_semaphore, #tpu.memory_space<semaphore_mem>>)
      %dma_wait3A_37 = arith.constant 0 : i32
      %dma_wait3A_38 = tpu.memref_slice %arg4[%add3A_18, %dma_wait3A_37] : memref<65536x128xf32, #tpu.memory_space<hbm>> -> memref<512x128xf32, #tpu.memory_space<hbm>>
      %dma_wait3A_39 = arith.constant 0 : i32
      %dma_wait3A_40 = tpu.memref_slice %arg4[%add3A_18, %dma_wait3A_39] : memref<65536x128xf32, #tpu.memory_space<hbm>> -> memref<512x128xf32, #tpu.memory_space<hbm>>
      tpu.wait_dma2 semaphore(%run_scoped3A : memref<!tpu.dma_semaphore, #tpu.memory_space<semaphore_mem>>) src(%arg6 : memref<512x128xf32, #tpu.memory_space<vmem>>) dst(%dma_wait3A_40 : memref<512x128xf32, #tpu.memory_space<hbm>>)
      tpu.yield
    }) : () -> ()
    %add3A_25 = arith.constant 1536 : i32
    %add3A_26 = arith.addi %mul3A_2, %add3A_25 : i32
    "tpu.region"() ({
      %run_scoped3A = tpu.sem_alloc : memref<!tpu.dma_semaphore, #tpu.memory_space<semaphore_mem>>
      %dma_start3A_33 = tpu.memref_slice %arg3[%add3A_26] : memref<65536xi32, #tpu.memory_space<hbm>> -> memref<512xi32, #tpu.memory_space<hbm>>
      %dma_start3A_34 = tpu.memref_slice %arg3[%add3A_26] : memref<65536xi32, #tpu.memory_space<hbm>> -> memref<512xi32, #tpu.memory_space<hbm>>
      tpu.enqueue_dma source(%dma_start3A_34 : memref<512xi32, #tpu.memory_space<hbm>>) target(%arg5 : memref<512xi32, #tpu.memory_space<vmem>>) target_semaphore(%run_scoped3A : memref<!tpu.dma_semaphore, #tpu.memory_space<semaphore_mem>>)
      %dma_wait3A_35 = tpu.memref_slice %arg3[%add3A_26] : memref<65536xi32, #tpu.memory_space<hbm>> -> memref<512xi32, #tpu.memory_space<hbm>>
      %dma_wait3A_36 = tpu.memref_slice %arg3[%add3A_26] : memref<65536xi32, #tpu.memory_space<hbm>> -> memref<512xi32, #tpu.memory_space<hbm>>
      tpu.wait_dma2 semaphore(%run_scoped3A : memref<!tpu.dma_semaphore, #tpu.memory_space<semaphore_mem>>) src(%dma_wait3A_36 : memref<512xi32, #tpu.memory_space<hbm>>) dst(%arg5 : memref<512xi32, #tpu.memory_space<vmem>>)
      tpu.yield
    }) : () -> ()
    %dma_start3A_27 = arith.constant 0 : i32
    %dma_start3A_28 = arith.constant 0 : i32
    %dma_start3A_29 = tpu.memref_slice %arg2[%dma_start3A_27, %dma_start3A_28] : memref<2048x128xf32, #tpu.memory_space<hbm>> -> memref<2048x128xf32, #tpu.memory_space<hbm>>
    tpu.enqueue_indirect_dma source(%dma_start3A_29 : memref<2048x128xf32, #tpu.memory_space<hbm>>) target(%arg6 : memref<512x128xf32, #tpu.memory_space<vmem>>) offsets(%arg5 : memref<512xi32, #tpu.memory_space<vmem>>) semaphore(%arg7 : memref<!tpu.dma_semaphore, #tpu.memory_space<semaphore_mem>>)
    %dma_wait3A_30 = arith.constant 0 : i32
    %dma_wait3A_31 = arith.constant 0 : i32
    %dma_wait3A_32 = tpu.memref_slice %arg2[%dma_wait3A_30, %dma_wait3A_31] : memref<2048x128xf32, #tpu.memory_space<hbm>> -> memref<2048x128xf32, #tpu.memory_space<hbm>>
    tpu.wait_indirect_dma semaphore(%arg7 : memref<!tpu.dma_semaphore, #tpu.memory_space<semaphore_mem>>) src(%dma_wait3A_32 : memref<2048x128xf32, #tpu.memory_space<hbm>>) dst(%arg6 : memref<512x128xf32, #tpu.memory_space<vmem>>)
    "tpu.region"() ({
      %run_scoped3A = tpu.sem_alloc : memref<!tpu.dma_semaphore, #tpu.memory_space<semaphore_mem>>
      %dma_start3A_33 = arith.constant 0 : i32
      %dma_start3A_34 = tpu.memref_slice %arg4[%add3A_26, %dma_start3A_33] : memref<65536x128xf32, #tpu.memory_space<hbm>> -> memref<512x128xf32, #tpu.memory_space<hbm>>
      %dma_start3A_35 = arith.constant 0 : i32
      %dma_start3A_36 = tpu.memref_slice %arg4[%add3A_26, %dma_start3A_35] : memref<65536x128xf32, #tpu.memory_space<hbm>> -> memref<512x128xf32, #tpu.memory_space<hbm>>
      tpu.enqueue_dma source(%arg6 : memref<512x128xf32, #tpu.memory_space<vmem>>) target(%dma_start3A_36 : memref<512x128xf32, #tpu.memory_space<hbm>>) target_semaphore(%run_scoped3A : memref<!tpu.dma_semaphore, #tpu.memory_space<semaphore_mem>>)
      %dma_wait3A_37 = arith.constant 0 : i32
      %dma_wait3A_38 = tpu.memref_slice %arg4[%add3A_26, %dma_wait3A_37] : memref<65536x128xf32, #tpu.memory_space<hbm>> -> memref<512x128xf32, #tpu.memory_space<hbm>>
      %dma_wait3A_39 = arith.constant 0 : i32
      %dma_wait3A_40 = tpu.memref_slice %arg4[%add3A_26, %dma_wait3A_39] : memref<65536x128xf32, #tpu.memory_space<hbm>> -> memref<512x128xf32, #tpu.memory_space<hbm>>
      tpu.wait_dma2 semaphore(%run_scoped3A : memref<!tpu.dma_semaphore, #tpu.memory_space<semaphore_mem>>) src(%arg6 : memref<512x128xf32, #tpu.memory_space<vmem>>) dst(%dma_wait3A_40 : memref<512x128xf32, #tpu.memory_space<hbm>>)
      tpu.yield
    }) : () -> ()
    return
  }
}

#map = affine_map<(d0, d1) -> (0, 0)>
#map1 = affine_map<(d0, d1) -> (0)>
module attributes {stable_mosaic.version = 14 : i64} {
  func.func @k(%arg0: i32, %arg1: i32, %arg2: memref<8192x128xf32, #tpu.memory_space<hbm>>, %arg3: memref<49152xi32, #tpu.memory_space<hbm>>, %arg4: memref<49152x128xf32, #tpu.memory_space<hbm>>, %arg5: memref<512xi32, #tpu.memory_space<vmem>>, %arg6: memref<512x128xf32, #tpu.memory_space<vmem>>, %arg7: memref<!tpu.dma_semaphore, #tpu.memory_space<semaphore_mem>>) attributes {dimension_semantics = [#tpu.dimension_semantics<core_parallel>, #tpu.dimension_semantics<subcore_parallel>], iteration_bounds = array<i64: 2, 16>, scalar_prefetch = 0 : i64, scratch_operands = 3 : i64, tpu.core_type = #tpu.core_type<sc_vector_subcore>, window_params = [{transform_indices = #map}, {transform_indices = #map1}, {transform_indices = #map}]} {
    %mul3A = arith.constant 2 : i32
    %mul3A_0 = arith.muli %arg1, %mul3A : i32
    %add3A = arith.addi %mul3A_0, %arg0 : i32
    %mul3A_1 = arith.constant 1536 : i32
    %mul3A_2 = arith.muli %add3A, %mul3A_1 : i32
    %add3A_3 = arith.constant 0 : i32
    %add3A_4 = arith.addi %mul3A_2, %add3A_3 : i32
    "tpu.region"() ({
      %run_scoped3A = tpu.sem_alloc : memref<!tpu.dma_semaphore, #tpu.memory_space<semaphore_mem>>
      %dma_start3A_25 = tpu.memref_slice %arg3[%add3A_4] : memref<49152xi32, #tpu.memory_space<hbm>> -> memref<512xi32, #tpu.memory_space<hbm>>
      %dma_start3A_26 = tpu.memref_slice %arg3[%add3A_4] : memref<49152xi32, #tpu.memory_space<hbm>> -> memref<512xi32, #tpu.memory_space<hbm>>
      tpu.enqueue_dma source(%dma_start3A_26 : memref<512xi32, #tpu.memory_space<hbm>>) target(%arg5 : memref<512xi32, #tpu.memory_space<vmem>>) target_semaphore(%run_scoped3A : memref<!tpu.dma_semaphore, #tpu.memory_space<semaphore_mem>>)
      %dma_wait3A_27 = tpu.memref_slice %arg3[%add3A_4] : memref<49152xi32, #tpu.memory_space<hbm>> -> memref<512xi32, #tpu.memory_space<hbm>>
      %dma_wait3A_28 = tpu.memref_slice %arg3[%add3A_4] : memref<49152xi32, #tpu.memory_space<hbm>> -> memref<512xi32, #tpu.memory_space<hbm>>
      tpu.wait_dma2 semaphore(%run_scoped3A : memref<!tpu.dma_semaphore, #tpu.memory_space<semaphore_mem>>) src(%dma_wait3A_28 : memref<512xi32, #tpu.memory_space<hbm>>) dst(%arg5 : memref<512xi32, #tpu.memory_space<vmem>>)
      tpu.yield
    }) : () -> ()
    %dma_start3A = arith.constant 0 : i32
    %dma_start3A_5 = arith.constant 0 : i32
    %dma_start3A_6 = tpu.memref_slice %arg2[%dma_start3A, %dma_start3A_5] : memref<8192x128xf32, #tpu.memory_space<hbm>> -> memref<8192x128xf32, #tpu.memory_space<hbm>>
    tpu.enqueue_indirect_dma source(%dma_start3A_6 : memref<8192x128xf32, #tpu.memory_space<hbm>>) target(%arg6 : memref<512x128xf32, #tpu.memory_space<vmem>>) offsets(%arg5 : memref<512xi32, #tpu.memory_space<vmem>>) semaphore(%arg7 : memref<!tpu.dma_semaphore, #tpu.memory_space<semaphore_mem>>)
    %dma_wait3A = arith.constant 0 : i32
    %dma_wait3A_7 = arith.constant 0 : i32
    %dma_wait3A_8 = tpu.memref_slice %arg2[%dma_wait3A, %dma_wait3A_7] : memref<8192x128xf32, #tpu.memory_space<hbm>> -> memref<8192x128xf32, #tpu.memory_space<hbm>>
    tpu.wait_indirect_dma semaphore(%arg7 : memref<!tpu.dma_semaphore, #tpu.memory_space<semaphore_mem>>) src(%dma_wait3A_8 : memref<8192x128xf32, #tpu.memory_space<hbm>>) dst(%arg6 : memref<512x128xf32, #tpu.memory_space<vmem>>)
    "tpu.region"() ({
      %run_scoped3A = tpu.sem_alloc : memref<!tpu.dma_semaphore, #tpu.memory_space<semaphore_mem>>
      %dma_start3A_25 = arith.constant 0 : i32
      %dma_start3A_26 = tpu.memref_slice %arg4[%add3A_4, %dma_start3A_25] : memref<49152x128xf32, #tpu.memory_space<hbm>> -> memref<512x128xf32, #tpu.memory_space<hbm>>
      %dma_start3A_27 = arith.constant 0 : i32
      %dma_start3A_28 = tpu.memref_slice %arg4[%add3A_4, %dma_start3A_27] : memref<49152x128xf32, #tpu.memory_space<hbm>> -> memref<512x128xf32, #tpu.memory_space<hbm>>
      tpu.enqueue_dma source(%arg6 : memref<512x128xf32, #tpu.memory_space<vmem>>) target(%dma_start3A_28 : memref<512x128xf32, #tpu.memory_space<hbm>>) target_semaphore(%run_scoped3A : memref<!tpu.dma_semaphore, #tpu.memory_space<semaphore_mem>>)
      %dma_wait3A_29 = arith.constant 0 : i32
      %dma_wait3A_30 = tpu.memref_slice %arg4[%add3A_4, %dma_wait3A_29] : memref<49152x128xf32, #tpu.memory_space<hbm>> -> memref<512x128xf32, #tpu.memory_space<hbm>>
      %dma_wait3A_31 = arith.constant 0 : i32
      %dma_wait3A_32 = tpu.memref_slice %arg4[%add3A_4, %dma_wait3A_31] : memref<49152x128xf32, #tpu.memory_space<hbm>> -> memref<512x128xf32, #tpu.memory_space<hbm>>
      tpu.wait_dma2 semaphore(%run_scoped3A : memref<!tpu.dma_semaphore, #tpu.memory_space<semaphore_mem>>) src(%arg6 : memref<512x128xf32, #tpu.memory_space<vmem>>) dst(%dma_wait3A_32 : memref<512x128xf32, #tpu.memory_space<hbm>>)
      tpu.yield
    }) : () -> ()
    %add3A_9 = arith.constant 512 : i32
    %add3A_10 = arith.addi %mul3A_2, %add3A_9 : i32
    "tpu.region"() ({
      %run_scoped3A = tpu.sem_alloc : memref<!tpu.dma_semaphore, #tpu.memory_space<semaphore_mem>>
      %dma_start3A_25 = tpu.memref_slice %arg3[%add3A_10] : memref<49152xi32, #tpu.memory_space<hbm>> -> memref<512xi32, #tpu.memory_space<hbm>>
      %dma_start3A_26 = tpu.memref_slice %arg3[%add3A_10] : memref<49152xi32, #tpu.memory_space<hbm>> -> memref<512xi32, #tpu.memory_space<hbm>>
      tpu.enqueue_dma source(%dma_start3A_26 : memref<512xi32, #tpu.memory_space<hbm>>) target(%arg5 : memref<512xi32, #tpu.memory_space<vmem>>) target_semaphore(%run_scoped3A : memref<!tpu.dma_semaphore, #tpu.memory_space<semaphore_mem>>)
      %dma_wait3A_27 = tpu.memref_slice %arg3[%add3A_10] : memref<49152xi32, #tpu.memory_space<hbm>> -> memref<512xi32, #tpu.memory_space<hbm>>
      %dma_wait3A_28 = tpu.memref_slice %arg3[%add3A_10] : memref<49152xi32, #tpu.memory_space<hbm>> -> memref<512xi32, #tpu.memory_space<hbm>>
      tpu.wait_dma2 semaphore(%run_scoped3A : memref<!tpu.dma_semaphore, #tpu.memory_space<semaphore_mem>>) src(%dma_wait3A_28 : memref<512xi32, #tpu.memory_space<hbm>>) dst(%arg5 : memref<512xi32, #tpu.memory_space<vmem>>)
      tpu.yield
    }) : () -> ()
    %dma_start3A_11 = arith.constant 0 : i32
    %dma_start3A_12 = arith.constant 0 : i32
    %dma_start3A_13 = tpu.memref_slice %arg2[%dma_start3A_11, %dma_start3A_12] : memref<8192x128xf32, #tpu.memory_space<hbm>> -> memref<8192x128xf32, #tpu.memory_space<hbm>>
    tpu.enqueue_indirect_dma source(%dma_start3A_13 : memref<8192x128xf32, #tpu.memory_space<hbm>>) target(%arg6 : memref<512x128xf32, #tpu.memory_space<vmem>>) offsets(%arg5 : memref<512xi32, #tpu.memory_space<vmem>>) semaphore(%arg7 : memref<!tpu.dma_semaphore, #tpu.memory_space<semaphore_mem>>)
    %dma_wait3A_14 = arith.constant 0 : i32
    %dma_wait3A_15 = arith.constant 0 : i32
    %dma_wait3A_16 = tpu.memref_slice %arg2[%dma_wait3A_14, %dma_wait3A_15] : memref<8192x128xf32, #tpu.memory_space<hbm>> -> memref<8192x128xf32, #tpu.memory_space<hbm>>
    tpu.wait_indirect_dma semaphore(%arg7 : memref<!tpu.dma_semaphore, #tpu.memory_space<semaphore_mem>>) src(%dma_wait3A_16 : memref<8192x128xf32, #tpu.memory_space<hbm>>) dst(%arg6 : memref<512x128xf32, #tpu.memory_space<vmem>>)
    "tpu.region"() ({
      %run_scoped3A = tpu.sem_alloc : memref<!tpu.dma_semaphore, #tpu.memory_space<semaphore_mem>>
      %dma_start3A_25 = arith.constant 0 : i32
      %dma_start3A_26 = tpu.memref_slice %arg4[%add3A_10, %dma_start3A_25] : memref<49152x128xf32, #tpu.memory_space<hbm>> -> memref<512x128xf32, #tpu.memory_space<hbm>>
      %dma_start3A_27 = arith.constant 0 : i32
      %dma_start3A_28 = tpu.memref_slice %arg4[%add3A_10, %dma_start3A_27] : memref<49152x128xf32, #tpu.memory_space<hbm>> -> memref<512x128xf32, #tpu.memory_space<hbm>>
      tpu.enqueue_dma source(%arg6 : memref<512x128xf32, #tpu.memory_space<vmem>>) target(%dma_start3A_28 : memref<512x128xf32, #tpu.memory_space<hbm>>) target_semaphore(%run_scoped3A : memref<!tpu.dma_semaphore, #tpu.memory_space<semaphore_mem>>)
      %dma_wait3A_29 = arith.constant 0 : i32
      %dma_wait3A_30 = tpu.memref_slice %arg4[%add3A_10, %dma_wait3A_29] : memref<49152x128xf32, #tpu.memory_space<hbm>> -> memref<512x128xf32, #tpu.memory_space<hbm>>
      %dma_wait3A_31 = arith.constant 0 : i32
      %dma_wait3A_32 = tpu.memref_slice %arg4[%add3A_10, %dma_wait3A_31] : memref<49152x128xf32, #tpu.memory_space<hbm>> -> memref<512x128xf32, #tpu.memory_space<hbm>>
      tpu.wait_dma2 semaphore(%run_scoped3A : memref<!tpu.dma_semaphore, #tpu.memory_space<semaphore_mem>>) src(%arg6 : memref<512x128xf32, #tpu.memory_space<vmem>>) dst(%dma_wait3A_32 : memref<512x128xf32, #tpu.memory_space<hbm>>)
      tpu.yield
    }) : () -> ()
    %add3A_17 = arith.constant 1024 : i32
    %add3A_18 = arith.addi %mul3A_2, %add3A_17 : i32
    "tpu.region"() ({
      %run_scoped3A = tpu.sem_alloc : memref<!tpu.dma_semaphore, #tpu.memory_space<semaphore_mem>>
      %dma_start3A_25 = tpu.memref_slice %arg3[%add3A_18] : memref<49152xi32, #tpu.memory_space<hbm>> -> memref<512xi32, #tpu.memory_space<hbm>>
      %dma_start3A_26 = tpu.memref_slice %arg3[%add3A_18] : memref<49152xi32, #tpu.memory_space<hbm>> -> memref<512xi32, #tpu.memory_space<hbm>>
      tpu.enqueue_dma source(%dma_start3A_26 : memref<512xi32, #tpu.memory_space<hbm>>) target(%arg5 : memref<512xi32, #tpu.memory_space<vmem>>) target_semaphore(%run_scoped3A : memref<!tpu.dma_semaphore, #tpu.memory_space<semaphore_mem>>)
      %dma_wait3A_27 = tpu.memref_slice %arg3[%add3A_18] : memref<49152xi32, #tpu.memory_space<hbm>> -> memref<512xi32, #tpu.memory_space<hbm>>
      %dma_wait3A_28 = tpu.memref_slice %arg3[%add3A_18] : memref<49152xi32, #tpu.memory_space<hbm>> -> memref<512xi32, #tpu.memory_space<hbm>>
      tpu.wait_dma2 semaphore(%run_scoped3A : memref<!tpu.dma_semaphore, #tpu.memory_space<semaphore_mem>>) src(%dma_wait3A_28 : memref<512xi32, #tpu.memory_space<hbm>>) dst(%arg5 : memref<512xi32, #tpu.memory_space<vmem>>)
      tpu.yield
    }) : () -> ()
    %dma_start3A_19 = arith.constant 0 : i32
    %dma_start3A_20 = arith.constant 0 : i32
    %dma_start3A_21 = tpu.memref_slice %arg2[%dma_start3A_19, %dma_start3A_20] : memref<8192x128xf32, #tpu.memory_space<hbm>> -> memref<8192x128xf32, #tpu.memory_space<hbm>>
    tpu.enqueue_indirect_dma source(%dma_start3A_21 : memref<8192x128xf32, #tpu.memory_space<hbm>>) target(%arg6 : memref<512x128xf32, #tpu.memory_space<vmem>>) offsets(%arg5 : memref<512xi32, #tpu.memory_space<vmem>>) semaphore(%arg7 : memref<!tpu.dma_semaphore, #tpu.memory_space<semaphore_mem>>)
    %dma_wait3A_22 = arith.constant 0 : i32
    %dma_wait3A_23 = arith.constant 0 : i32
    %dma_wait3A_24 = tpu.memref_slice %arg2[%dma_wait3A_22, %dma_wait3A_23] : memref<8192x128xf32, #tpu.memory_space<hbm>> -> memref<8192x128xf32, #tpu.memory_space<hbm>>
    tpu.wait_indirect_dma semaphore(%arg7 : memref<!tpu.dma_semaphore, #tpu.memory_space<semaphore_mem>>) src(%dma_wait3A_24 : memref<8192x128xf32, #tpu.memory_space<hbm>>) dst(%arg6 : memref<512x128xf32, #tpu.memory_space<vmem>>)
    "tpu.region"() ({
      %run_scoped3A = tpu.sem_alloc : memref<!tpu.dma_semaphore, #tpu.memory_space<semaphore_mem>>
      %dma_start3A_25 = arith.constant 0 : i32
      %dma_start3A_26 = tpu.memref_slice %arg4[%add3A_18, %dma_start3A_25] : memref<49152x128xf32, #tpu.memory_space<hbm>> -> memref<512x128xf32, #tpu.memory_space<hbm>>
      %dma_start3A_27 = arith.constant 0 : i32
      %dma_start3A_28 = tpu.memref_slice %arg4[%add3A_18, %dma_start3A_27] : memref<49152x128xf32, #tpu.memory_space<hbm>> -> memref<512x128xf32, #tpu.memory_space<hbm>>
      tpu.enqueue_dma source(%arg6 : memref<512x128xf32, #tpu.memory_space<vmem>>) target(%dma_start3A_28 : memref<512x128xf32, #tpu.memory_space<hbm>>) target_semaphore(%run_scoped3A : memref<!tpu.dma_semaphore, #tpu.memory_space<semaphore_mem>>)
      %dma_wait3A_29 = arith.constant 0 : i32
      %dma_wait3A_30 = tpu.memref_slice %arg4[%add3A_18, %dma_wait3A_29] : memref<49152x128xf32, #tpu.memory_space<hbm>> -> memref<512x128xf32, #tpu.memory_space<hbm>>
      %dma_wait3A_31 = arith.constant 0 : i32
      %dma_wait3A_32 = tpu.memref_slice %arg4[%add3A_18, %dma_wait3A_31] : memref<49152x128xf32, #tpu.memory_space<hbm>> -> memref<512x128xf32, #tpu.memory_space<hbm>>
      tpu.wait_dma2 semaphore(%run_scoped3A : memref<!tpu.dma_semaphore, #tpu.memory_space<semaphore_mem>>) src(%arg6 : memref<512x128xf32, #tpu.memory_space<vmem>>) dst(%dma_wait3A_32 : memref<512x128xf32, #tpu.memory_space<hbm>>)
      tpu.yield
    }) : () -> ()
    return
  }
}

#map = affine_map<(d0, d1) -> (0, 0)>
#map1 = affine_map<(d0, d1) -> (0)>
module attributes {stable_mosaic.version = 14 : i64} {
  func.func @k(%arg0: i32, %arg1: i32, %arg2: memref<8192x128xf32, #tpu.memory_space<hbm>>, %arg3: memref<49152xi32, #tpu.memory_space<hbm>>, %arg4: memref<49152x128xf32, #tpu.memory_space<hbm>>, %arg5: memref<512xi32, #tpu.memory_space<vmem>>, %arg6: memref<512x128xf32, #tpu.memory_space<vmem>>, %arg7: memref<!tpu.dma_semaphore, #tpu.memory_space<semaphore_mem>>) attributes {dimension_semantics = [#tpu.dimension_semantics<core_parallel>, #tpu.dimension_semantics<subcore_parallel>], iteration_bounds = array<i64: 2, 16>, scalar_prefetch = 0 : i64, scratch_operands = 3 : i64, tpu.core_type = #tpu.core_type<sc_vector_subcore>, window_params = [{transform_indices = #map}, {transform_indices = #map1}, {transform_indices = #map}]} {
    %mul3A = arith.constant 2 : i32
    %mul3A_0 = arith.muli %arg1, %mul3A : i32
    %add3A = arith.addi %mul3A_0, %arg0 : i32
    %mul3A_1 = arith.constant 1536 : i32
    %mul3A_2 = arith.muli %add3A, %mul3A_1 : i32
    %add3A_3 = arith.constant 0 : i32
    %add3A_4 = arith.addi %mul3A_2, %add3A_3 : i32
    "tpu.region"() ({
      %run_scoped3A = tpu.sem_alloc : memref<!tpu.dma_semaphore, #tpu.memory_space<semaphore_mem>>
      %dma_start3A_25 = tpu.memref_slice %arg3[%add3A_4] : memref<49152xi32, #tpu.memory_space<hbm>> -> memref<512xi32, #tpu.memory_space<hbm>>
      %dma_start3A_26 = tpu.memref_slice %arg3[%add3A_4] : memref<49152xi32, #tpu.memory_space<hbm>> -> memref<512xi32, #tpu.memory_space<hbm>>
      tpu.enqueue_dma source(%dma_start3A_26 : memref<512xi32, #tpu.memory_space<hbm>>) target(%arg5 : memref<512xi32, #tpu.memory_space<vmem>>) target_semaphore(%run_scoped3A : memref<!tpu.dma_semaphore, #tpu.memory_space<semaphore_mem>>)
      %dma_wait3A_27 = tpu.memref_slice %arg3[%add3A_4] : memref<49152xi32, #tpu.memory_space<hbm>> -> memref<512xi32, #tpu.memory_space<hbm>>
      %dma_wait3A_28 = tpu.memref_slice %arg3[%add3A_4] : memref<49152xi32, #tpu.memory_space<hbm>> -> memref<512xi32, #tpu.memory_space<hbm>>
      tpu.wait_dma2 semaphore(%run_scoped3A : memref<!tpu.dma_semaphore, #tpu.memory_space<semaphore_mem>>) src(%dma_wait3A_28 : memref<512xi32, #tpu.memory_space<hbm>>) dst(%arg5 : memref<512xi32, #tpu.memory_space<vmem>>)
      tpu.yield
    }) : () -> ()
    %dma_start3A = arith.constant 0 : i32
    %dma_start3A_5 = arith.constant 0 : i32
    %dma_start3A_6 = tpu.memref_slice %arg2[%dma_start3A, %dma_start3A_5] : memref<8192x128xf32, #tpu.memory_space<hbm>> -> memref<8192x128xf32, #tpu.memory_space<hbm>>
    tpu.enqueue_indirect_dma source(%dma_start3A_6 : memref<8192x128xf32, #tpu.memory_space<hbm>>) target(%arg6 : memref<512x128xf32, #tpu.memory_space<vmem>>) offsets(%arg5 : memref<512xi32, #tpu.memory_space<vmem>>) semaphore(%arg7 : memref<!tpu.dma_semaphore, #tpu.memory_space<semaphore_mem>>)
    %dma_wait3A = arith.constant 0 : i32
    %dma_wait3A_7 = arith.constant 0 : i32
    %dma_wait3A_8 = tpu.memref_slice %arg2[%dma_wait3A, %dma_wait3A_7] : memref<8192x128xf32, #tpu.memory_space<hbm>> -> memref<8192x128xf32, #tpu.memory_space<hbm>>
    tpu.wait_indirect_dma semaphore(%arg7 : memref<!tpu.dma_semaphore, #tpu.memory_space<semaphore_mem>>) src(%dma_wait3A_8 : memref<8192x128xf32, #tpu.memory_space<hbm>>) dst(%arg6 : memref<512x128xf32, #tpu.memory_space<vmem>>)
    "tpu.region"() ({
      %run_scoped3A = tpu.sem_alloc : memref<!tpu.dma_semaphore, #tpu.memory_space<semaphore_mem>>
      %dma_start3A_25 = arith.constant 0 : i32
      %dma_start3A_26 = tpu.memref_slice %arg4[%add3A_4, %dma_start3A_25] : memref<49152x128xf32, #tpu.memory_space<hbm>> -> memref<512x128xf32, #tpu.memory_space<hbm>>
      %dma_start3A_27 = arith.constant 0 : i32
      %dma_start3A_28 = tpu.memref_slice %arg4[%add3A_4, %dma_start3A_27] : memref<49152x128xf32, #tpu.memory_space<hbm>> -> memref<512x128xf32, #tpu.memory_space<hbm>>
      tpu.enqueue_dma source(%arg6 : memref<512x128xf32, #tpu.memory_space<vmem>>) target(%dma_start3A_28 : memref<512x128xf32, #tpu.memory_space<hbm>>) target_semaphore(%run_scoped3A : memref<!tpu.dma_semaphore, #tpu.memory_space<semaphore_mem>>)
      %dma_wait3A_29 = arith.constant 0 : i32
      %dma_wait3A_30 = tpu.memref_slice %arg4[%add3A_4, %dma_wait3A_29] : memref<49152x128xf32, #tpu.memory_space<hbm>> -> memref<512x128xf32, #tpu.memory_space<hbm>>
      %dma_wait3A_31 = arith.constant 0 : i32
      %dma_wait3A_32 = tpu.memref_slice %arg4[%add3A_4, %dma_wait3A_31] : memref<49152x128xf32, #tpu.memory_space<hbm>> -> memref<512x128xf32, #tpu.memory_space<hbm>>
      tpu.wait_dma2 semaphore(%run_scoped3A : memref<!tpu.dma_semaphore, #tpu.memory_space<semaphore_mem>>) src(%arg6 : memref<512x128xf32, #tpu.memory_space<vmem>>) dst(%dma_wait3A_32 : memref<512x128xf32, #tpu.memory_space<hbm>>)
      tpu.yield
    }) : () -> ()
    %add3A_9 = arith.constant 512 : i32
    %add3A_10 = arith.addi %mul3A_2, %add3A_9 : i32
    "tpu.region"() ({
      %run_scoped3A = tpu.sem_alloc : memref<!tpu.dma_semaphore, #tpu.memory_space<semaphore_mem>>
      %dma_start3A_25 = tpu.memref_slice %arg3[%add3A_10] : memref<49152xi32, #tpu.memory_space<hbm>> -> memref<512xi32, #tpu.memory_space<hbm>>
      %dma_start3A_26 = tpu.memref_slice %arg3[%add3A_10] : memref<49152xi32, #tpu.memory_space<hbm>> -> memref<512xi32, #tpu.memory_space<hbm>>
      tpu.enqueue_dma source(%dma_start3A_26 : memref<512xi32, #tpu.memory_space<hbm>>) target(%arg5 : memref<512xi32, #tpu.memory_space<vmem>>) target_semaphore(%run_scoped3A : memref<!tpu.dma_semaphore, #tpu.memory_space<semaphore_mem>>)
      %dma_wait3A_27 = tpu.memref_slice %arg3[%add3A_10] : memref<49152xi32, #tpu.memory_space<hbm>> -> memref<512xi32, #tpu.memory_space<hbm>>
      %dma_wait3A_28 = tpu.memref_slice %arg3[%add3A_10] : memref<49152xi32, #tpu.memory_space<hbm>> -> memref<512xi32, #tpu.memory_space<hbm>>
      tpu.wait_dma2 semaphore(%run_scoped3A : memref<!tpu.dma_semaphore, #tpu.memory_space<semaphore_mem>>) src(%dma_wait3A_28 : memref<512xi32, #tpu.memory_space<hbm>>) dst(%arg5 : memref<512xi32, #tpu.memory_space<vmem>>)
      tpu.yield
    }) : () -> ()
    %dma_start3A_11 = arith.constant 0 : i32
    %dma_start3A_12 = arith.constant 0 : i32
    %dma_start3A_13 = tpu.memref_slice %arg2[%dma_start3A_11, %dma_start3A_12] : memref<8192x128xf32, #tpu.memory_space<hbm>> -> memref<8192x128xf32, #tpu.memory_space<hbm>>
    tpu.enqueue_indirect_dma source(%dma_start3A_13 : memref<8192x128xf32, #tpu.memory_space<hbm>>) target(%arg6 : memref<512x128xf32, #tpu.memory_space<vmem>>) offsets(%arg5 : memref<512xi32, #tpu.memory_space<vmem>>) semaphore(%arg7 : memref<!tpu.dma_semaphore, #tpu.memory_space<semaphore_mem>>)
    %dma_wait3A_14 = arith.constant 0 : i32
    %dma_wait3A_15 = arith.constant 0 : i32
    %dma_wait3A_16 = tpu.memref_slice %arg2[%dma_wait3A_14, %dma_wait3A_15] : memref<8192x128xf32, #tpu.memory_space<hbm>> -> memref<8192x128xf32, #tpu.memory_space<hbm>>
    tpu.wait_indirect_dma semaphore(%arg7 : memref<!tpu.dma_semaphore, #tpu.memory_space<semaphore_mem>>) src(%dma_wait3A_16 : memref<8192x128xf32, #tpu.memory_space<hbm>>) dst(%arg6 : memref<512x128xf32, #tpu.memory_space<vmem>>)
    "tpu.region"() ({
      %run_scoped3A = tpu.sem_alloc : memref<!tpu.dma_semaphore, #tpu.memory_space<semaphore_mem>>
      %dma_start3A_25 = arith.constant 0 : i32
      %dma_start3A_26 = tpu.memref_slice %arg4[%add3A_10, %dma_start3A_25] : memref<49152x128xf32, #tpu.memory_space<hbm>> -> memref<512x128xf32, #tpu.memory_space<hbm>>
      %dma_start3A_27 = arith.constant 0 : i32
      %dma_start3A_28 = tpu.memref_slice %arg4[%add3A_10, %dma_start3A_27] : memref<49152x128xf32, #tpu.memory_space<hbm>> -> memref<512x128xf32, #tpu.memory_space<hbm>>
      tpu.enqueue_dma source(%arg6 : memref<512x128xf32, #tpu.memory_space<vmem>>) target(%dma_start3A_28 : memref<512x128xf32, #tpu.memory_space<hbm>>) target_semaphore(%run_scoped3A : memref<!tpu.dma_semaphore, #tpu.memory_space<semaphore_mem>>)
      %dma_wait3A_29 = arith.constant 0 : i32
      %dma_wait3A_30 = tpu.memref_slice %arg4[%add3A_10, %dma_wait3A_29] : memref<49152x128xf32, #tpu.memory_space<hbm>> -> memref<512x128xf32, #tpu.memory_space<hbm>>
      %dma_wait3A_31 = arith.constant 0 : i32
      %dma_wait3A_32 = tpu.memref_slice %arg4[%add3A_10, %dma_wait3A_31] : memref<49152x128xf32, #tpu.memory_space<hbm>> -> memref<512x128xf32, #tpu.memory_space<hbm>>
      tpu.wait_dma2 semaphore(%run_scoped3A : memref<!tpu.dma_semaphore, #tpu.memory_space<semaphore_mem>>) src(%arg6 : memref<512x128xf32, #tpu.memory_space<vmem>>) dst(%dma_wait3A_32 : memref<512x128xf32, #tpu.memory_space<hbm>>)
      tpu.yield
    }) : () -> ()
    %add3A_17 = arith.constant 1024 : i32
    %add3A_18 = arith.addi %mul3A_2, %add3A_17 : i32
    "tpu.region"() ({
      %run_scoped3A = tpu.sem_alloc : memref<!tpu.dma_semaphore, #tpu.memory_space<semaphore_mem>>
      %dma_start3A_25 = tpu.memref_slice %arg3[%add3A_18] : memref<49152xi32, #tpu.memory_space<hbm>> -> memref<512xi32, #tpu.memory_space<hbm>>
      %dma_start3A_26 = tpu.memref_slice %arg3[%add3A_18] : memref<49152xi32, #tpu.memory_space<hbm>> -> memref<512xi32, #tpu.memory_space<hbm>>
      tpu.enqueue_dma source(%dma_start3A_26 : memref<512xi32, #tpu.memory_space<hbm>>) target(%arg5 : memref<512xi32, #tpu.memory_space<vmem>>) target_semaphore(%run_scoped3A : memref<!tpu.dma_semaphore, #tpu.memory_space<semaphore_mem>>)
      %dma_wait3A_27 = tpu.memref_slice %arg3[%add3A_18] : memref<49152xi32, #tpu.memory_space<hbm>> -> memref<512xi32, #tpu.memory_space<hbm>>
      %dma_wait3A_28 = tpu.memref_slice %arg3[%add3A_18] : memref<49152xi32, #tpu.memory_space<hbm>> -> memref<512xi32, #tpu.memory_space<hbm>>
      tpu.wait_dma2 semaphore(%run_scoped3A : memref<!tpu.dma_semaphore, #tpu.memory_space<semaphore_mem>>) src(%dma_wait3A_28 : memref<512xi32, #tpu.memory_space<hbm>>) dst(%arg5 : memref<512xi32, #tpu.memory_space<vmem>>)
      tpu.yield
    }) : () -> ()
    %dma_start3A_19 = arith.constant 0 : i32
    %dma_start3A_20 = arith.constant 0 : i32
    %dma_start3A_21 = tpu.memref_slice %arg2[%dma_start3A_19, %dma_start3A_20] : memref<8192x128xf32, #tpu.memory_space<hbm>> -> memref<8192x128xf32, #tpu.memory_space<hbm>>
    tpu.enqueue_indirect_dma source(%dma_start3A_21 : memref<8192x128xf32, #tpu.memory_space<hbm>>) target(%arg6 : memref<512x128xf32, #tpu.memory_space<vmem>>) offsets(%arg5 : memref<512xi32, #tpu.memory_space<vmem>>) semaphore(%arg7 : memref<!tpu.dma_semaphore, #tpu.memory_space<semaphore_mem>>)
    %dma_wait3A_22 = arith.constant 0 : i32
    %dma_wait3A_23 = arith.constant 0 : i32
    %dma_wait3A_24 = tpu.memref_slice %arg2[%dma_wait3A_22, %dma_wait3A_23] : memref<8192x128xf32, #tpu.memory_space<hbm>> -> memref<8192x128xf32, #tpu.memory_space<hbm>>
    tpu.wait_indirect_dma semaphore(%arg7 : memref<!tpu.dma_semaphore, #tpu.memory_space<semaphore_mem>>) src(%dma_wait3A_24 : memref<8192x128xf32, #tpu.memory_space<hbm>>) dst(%arg6 : memref<512x128xf32, #tpu.memory_space<vmem>>)
    "tpu.region"() ({
      %run_scoped3A = tpu.sem_alloc : memref<!tpu.dma_semaphore, #tpu.memory_space<semaphore_mem>>
      %dma_start3A_25 = arith.constant 0 : i32
      %dma_start3A_26 = tpu.memref_slice %arg4[%add3A_18, %dma_start3A_25] : memref<49152x128xf32, #tpu.memory_space<hbm>> -> memref<512x128xf32, #tpu.memory_space<hbm>>
      %dma_start3A_27 = arith.constant 0 : i32
      %dma_start3A_28 = tpu.memref_slice %arg4[%add3A_18, %dma_start3A_27] : memref<49152x128xf32, #tpu.memory_space<hbm>> -> memref<512x128xf32, #tpu.memory_space<hbm>>
      tpu.enqueue_dma source(%arg6 : memref<512x128xf32, #tpu.memory_space<vmem>>) target(%dma_start3A_28 : memref<512x128xf32, #tpu.memory_space<hbm>>) target_semaphore(%run_scoped3A : memref<!tpu.dma_semaphore, #tpu.memory_space<semaphore_mem>>)
      %dma_wait3A_29 = arith.constant 0 : i32
      %dma_wait3A_30 = tpu.memref_slice %arg4[%add3A_18, %dma_wait3A_29] : memref<49152x128xf32, #tpu.memory_space<hbm>> -> memref<512x128xf32, #tpu.memory_space<hbm>>
      %dma_wait3A_31 = arith.constant 0 : i32
      %dma_wait3A_32 = tpu.memref_slice %arg4[%add3A_18, %dma_wait3A_31] : memref<49152x128xf32, #tpu.memory_space<hbm>> -> memref<512x128xf32, #tpu.memory_space<hbm>>
      tpu.wait_dma2 semaphore(%run_scoped3A : memref<!tpu.dma_semaphore, #tpu.memory_space<semaphore_mem>>) src(%arg6 : memref<512x128xf32, #tpu.memory_space<vmem>>) dst(%dma_wait3A_32 : memref<512x128xf32, #tpu.memory_space<hbm>>)
      tpu.yield
    }) : () -> ()
    return
  }
}

module attributes {stable_mosaic.version = 14 : i64} {
  func.func @_fps_body(%arg0: memref<4x3x64x128xf32, #tpu.memory_space<vmem>>, %arg1: memref<4x4096x3xf32, #tpu.memory_space<vmem>>) attributes {dimension_semantics = [], scalar_prefetch = 0 : i64, scratch_operands = 0 : i64, tpu.core_type = #tpu.core_type<tc>} {
    %get3A = arith.constant 0 : index
    %get3A_0 = arith.constant 0 : index
    %get3A_1 = arith.constant 0 : index
    %get3A_2 = arith.constant 0 : index
    %get3A_3 = vector.load %arg0[%get3A, %get3A_0, %get3A_1, %get3A_2] : memref<4x3x64x128xf32, #tpu.memory_space<vmem>>, vector<4x1x64x128xf32>
    %get3A_4 = vector.shape_cast %get3A_3 : vector<4x1x64x128xf32> to vector<4x64x128xf32>
    %get3A_5 = arith.constant 0 : index
    %get3A_6 = arith.constant 1 : index
    %get3A_7 = arith.constant 0 : index
    %get3A_8 = arith.constant 0 : index
    %get3A_9 = vector.load %arg0[%get3A_5, %get3A_6, %get3A_7, %get3A_8] : memref<4x3x64x128xf32, #tpu.memory_space<vmem>>, vector<4x1x64x128xf32>
    %get3A_10 = vector.shape_cast %get3A_9 : vector<4x1x64x128xf32> to vector<4x64x128xf32>
    %get3A_11 = arith.constant 0 : index
    %get3A_12 = arith.constant 2 : index
    %get3A_13 = arith.constant 0 : index
    %get3A_14 = arith.constant 0 : index
    %get3A_15 = vector.load %arg0[%get3A_11, %get3A_12, %get3A_13, %get3A_14] : memref<4x3x64x128xf32, #tpu.memory_space<vmem>>, vector<4x1x64x128xf32>
    %get3A_16 = vector.shape_cast %get3A_15 : vector<4x1x64x128xf32> to vector<4x64x128xf32>
    %iota3A = tpu.iota {dimensions = array<i32: 1>} : vector<4x64x128xi32>
    %mul3A = arith.constant 128 : i32
    %mul3A_17 = vector.broadcast %mul3A : i32 to vector<4x64x128xi32>
    %mul3A_18 = arith.muli %iota3A, %mul3A_17 : vector<4x64x128xi32>
    %iota3A_19 = tpu.iota {dimensions = array<i32: 2>} : vector<4x64x128xi32>
    %add3A = arith.addi %mul3A_18, %iota3A_19 : vector<4x64x128xi32>
    %broadcast_in_dim3A = arith.constant 1.000000e+10 : f32
    %broadcast_in_dim3A_20 = vector.broadcast %broadcast_in_dim3A : f32 to vector<4x64x128xf32>
    %broadcast_in_dim3A_21 = arith.constant 0 : i32
    %broadcast_in_dim3A_22 = vector.broadcast %broadcast_in_dim3A_21 : i32 to vector<4x1x1xi32>
    %scan3A = arith.constant 0 : i32
    %scan3A_23 = arith.constant 4096 : i32
    %scan3A_24 = arith.addi %scan3A, %scan3A_23 : i32
    %scan3A_25 = arith.constant 1 : i32
    %scan3A_26:2 = scf.for %scan3A_28 = %scan3A to %scan3A_24 step %scan3A_25 iter_args(%scan3A_29 = %broadcast_in_dim3A_22, %scan3A_30 = %broadcast_in_dim3A_20) -> (vector<4x1x1xi32>, vector<4x64x128xf32>)  : i32 {
      %eq3A = vector.broadcast %scan3A_29 : vector<4x1x1xi32> to vector<4x64x128xi32>
      %eq3A_31 = arith.cmpi eq, %add3A, %eq3A : vector<4x64x128xi32>
      %broadcast_in_dim3A_32 = arith.constant 0.000000e+00 : f32
      %broadcast_in_dim3A_33 = vector.broadcast %broadcast_in_dim3A_32 : f32 to vector<4x64x128xf32>
      %select_n3A = arith.select %eq3A_31, %get3A_4, %broadcast_in_dim3A_33 : vector<4x64x128xi1>, vector<4x64x128xf32>
      %reduce_sum3A = arith.constant dense<0.000000e+00> : vector<4xf32>
      %reduce_sum3A_34 = vector.multi_reduction <add>, %select_n3A, %reduce_sum3A [1, 2] : vector<4x64x128xf32> to vector<4xf32>
      %broadcast_in_dim3A_35 = vector.shape_cast %reduce_sum3A_34 : vector<4xf32> to vector<4x1x1xf32>
      %select_n3A_36 = arith.select %eq3A_31, %get3A_10, %broadcast_in_dim3A_33 : vector<4x64x128xi1>, vector<4x64x128xf32>
      %reduce_sum3A_37 = arith.constant dense<0.000000e+00> : vector<4xf32>
      %reduce_sum3A_38 = vector.multi_reduction <add>, %select_n3A_36, %reduce_sum3A_37 [1, 2] : vector<4x64x128xf32> to vector<4xf32>
      %broadcast_in_dim3A_39 = vector.shape_cast %reduce_sum3A_38 : vector<4xf32> to vector<4x1x1xf32>
      %select_n3A_40 = arith.select %eq3A_31, %get3A_16, %broadcast_in_dim3A_33 : vector<4x64x128xi1>, vector<4x64x128xf32>
      %reduce_sum3A_41 = arith.constant dense<0.000000e+00> : vector<4xf32>
      %reduce_sum3A_42 = vector.multi_reduction <add>, %select_n3A_40, %reduce_sum3A_41 [1, 2] : vector<4x64x128xf32> to vector<4xf32>
      %broadcast_in_dim3A_43 = vector.shape_cast %reduce_sum3A_42 : vector<4xf32> to vector<4x1x1xf32>
      %slice3A = vector.extract_strided_slice %broadcast_in_dim3A_35 {offsets = [0, 0, 0], sizes = [1, 1, 1], strides = [1, 1, 1]} : vector<4x1x1xf32> to vector<1x1x1xf32>
      %squeeze3A = vector.shape_cast %slice3A : vector<1x1x1xf32> to vector<1x1xf32>
      %slice3A_44 = vector.extract_strided_slice %broadcast_in_dim3A_39 {offsets = [0, 0, 0], sizes = [1, 1, 1], strides = [1, 1, 1]} : vector<4x1x1xf32> to vector<1x1x1xf32>
      %squeeze3A_45 = vector.shape_cast %slice3A_44 : vector<1x1x1xf32> to vector<1x1xf32>
      %slice3A_46 = vector.extract_strided_slice %broadcast_in_dim3A_43 {offsets = [0, 0, 0], sizes = [1, 1, 1], strides = [1, 1, 1]} : vector<4x1x1xf32> to vector<1x1x1xf32>
      %squeeze3A_47 = vector.shape_cast %slice3A_46 : vector<1x1x1xf32> to vector<1x1xf32>
      %concatenate3A = tpu.concatenate %squeeze3A, %squeeze3A_45, %squeeze3A_47 in 1 : vector<1x1xf32>, vector<1x1xf32>, vector<1x1xf32> -> vector<1x3xf32>
      %swap3A = arith.constant 0 : index
      %swap3A_48 = arith.index_cast %scan3A_28 : i32 to index
      %swap3A_49 = arith.constant 0 : index
      %swap3A_50 = vector.load %arg1[%swap3A, %swap3A_48, %swap3A_49] : memref<4x4096x3xf32, #tpu.memory_space<vmem>>, vector<1x1x3xf32>
      %swap3A_51 = vector.shape_cast %swap3A_50 : vector<1x1x3xf32> to vector<1x3xf32>
      %swap3A_52 = vector.shape_cast %concatenate3A : vector<1x3xf32> to vector<1x1x3xf32>
      tpu.vector_store %arg1[%swap3A, %swap3A_48, %swap3A_49], %swap3A_52 {strides = array<i32>} : memref<4x4096x3xf32, #tpu.memory_space<vmem>>, vector<1x1x3xf32>,
      %slice3A_53 = vector.extract_strided_slice %broadcast_in_dim3A_35 {offsets = [1, 0, 0], sizes = [1, 1, 1], strides = [1, 1, 1]} : vector<4x1x1xf32> to vector<1x1x1xf32>
      %squeeze3A_54 = vector.shape_cast %slice3A_53 : vector<1x1x1xf32> to vector<1x1xf32>
      %slice3A_55 = vector.extract_strided_slice %broadcast_in_dim3A_39 {offsets = [1, 0, 0], sizes = [1, 1, 1], strides = [1, 1, 1]} : vector<4x1x1xf32> to vector<1x1x1xf32>
      %squeeze3A_56 = vector.shape_cast %slice3A_55 : vector<1x1x1xf32> to vector<1x1xf32>
      %slice3A_57 = vector.extract_strided_slice %broadcast_in_dim3A_43 {offsets = [1, 0, 0], sizes = [1, 1, 1], strides = [1, 1, 1]} : vector<4x1x1xf32> to vector<1x1x1xf32>
      %squeeze3A_58 = vector.shape_cast %slice3A_57 : vector<1x1x1xf32> to vector<1x1xf32>
      %concatenate3A_59 = tpu.concatenate %squeeze3A_54, %squeeze3A_56, %squeeze3A_58 in 1 : vector<1x1xf32>, vector<1x1xf32>, vector<1x1xf32> -> vector<1x3xf32>
      %swap3A_60 = arith.constant 1 : index
      %swap3A_61 = arith.index_cast %scan3A_28 : i32 to index
      %swap3A_62 = arith.constant 0 : index
      %swap3A_63 = vector.load %arg1[%swap3A_60, %swap3A_61, %swap3A_62] : memref<4x4096x3xf32, #tpu.memory_space<vmem>>, vector<1x1x3xf32>
      %swap3A_64 = vector.shape_cast %swap3A_63 : vector<1x1x3xf32> to vector<1x3xf32>
      %swap3A_65 = vector.shape_cast %concatenate3A_59 : vector<1x3xf32> to vector<1x1x3xf32>
      tpu.vector_store %arg1[%swap3A_60, %swap3A_61, %swap3A_62], %swap3A_65 {strides = array<i32>} : memref<4x4096x3xf32, #tpu.memory_space<vmem>>, vector<1x1x3xf32>,
      %slice3A_66 = vector.extract_strided_slice %broadcast_in_dim3A_35 {offsets = [2, 0, 0], sizes = [1, 1, 1], strides = [1, 1, 1]} : vector<4x1x1xf32> to vector<1x1x1xf32>
      %squeeze3A_67 = vector.shape_cast %slice3A_66 : vector<1x1x1xf32> to vector<1x1xf32>
      %slice3A_68 = vector.extract_strided_slice %broadcast_in_dim3A_39 {offsets = [2, 0, 0], sizes = [1, 1, 1], strides = [1, 1, 1]} : vector<4x1x1xf32> to vector<1x1x1xf32>
      %squeeze3A_69 = vector.shape_cast %slice3A_68 : vector<1x1x1xf32> to vector<1x1xf32>
      %slice3A_70 = vector.extract_strided_slice %broadcast_in_dim3A_43 {offsets = [2, 0, 0], sizes = [1, 1, 1], strides = [1, 1, 1]} : vector<4x1x1xf32> to vector<1x1x1xf32>
      %squeeze3A_71 = vector.shape_cast %slice3A_70 : vector<1x1x1xf32> to vector<1x1xf32>
      %concatenate3A_72 = tpu.concatenate %squeeze3A_67, %squeeze3A_69, %squeeze3A_71 in 1 : vector<1x1xf32>, vector<1x1xf32>, vector<1x1xf32> -> vector<1x3xf32>
      %swap3A_73 = arith.constant 2 : index
      %swap3A_74 = arith.index_cast %scan3A_28 : i32 to index
      %swap3A_75 = arith.constant 0 : index
      %swap3A_76 = vector.load %arg1[%swap3A_73, %swap3A_74, %swap3A_75] : memref<4x4096x3xf32, #tpu.memory_space<vmem>>, vector<1x1x3xf32>
      %swap3A_77 = vector.shape_cast %swap3A_76 : vector<1x1x3xf32> to vector<1x3xf32>
      %swap3A_78 = vector.shape_cast %concatenate3A_72 : vector<1x3xf32> to vector<1x1x3xf32>
      tpu.vector_store %arg1[%swap3A_73, %swap3A_74, %swap3A_75], %swap3A_78 {strides = array<i32>} : memref<4x4096x3xf32, #tpu.memory_space<vmem>>, vector<1x1x3xf32>,
      %slice3A_79 = vector.extract_strided_slice %broadcast_in_dim3A_35 {offsets = [3, 0, 0], sizes = [1, 1, 1], strides = [1, 1, 1]} : vector<4x1x1xf32> to vector<1x1x1xf32>
      %squeeze3A_80 = vector.shape_cast %slice3A_79 : vector<1x1x1xf32> to vector<1x1xf32>
      %slice3A_81 = vector.extract_strided_slice %broadcast_in_dim3A_39 {offsets = [3, 0, 0], sizes = [1, 1, 1], strides = [1, 1, 1]} : vector<4x1x1xf32> to vector<1x1x1xf32>
      %squeeze3A_82 = vector.shape_cast %slice3A_81 : vector<1x1x1xf32> to vector<1x1xf32>
      %slice3A_83 = vector.extract_strided_slice %broadcast_in_dim3A_43 {offsets = [3, 0, 0], sizes = [1, 1, 1], strides = [1, 1, 1]} : vector<4x1x1xf32> to vector<1x1x1xf32>
      %squeeze3A_84 = vector.shape_cast %slice3A_83 : vector<1x1x1xf32> to vector<1x1xf32>
      %concatenate3A_85 = tpu.concatenate %squeeze3A_80, %squeeze3A_82, %squeeze3A_84 in 1 : vector<1x1xf32>, vector<1x1xf32>, vector<1x1xf32> -> vector<1x3xf32>
      %swap3A_86 = arith.constant 3 : index
      %swap3A_87 = arith.index_cast %scan3A_28 : i32 to index
      %swap3A_88 = arith.constant 0 : index
      %swap3A_89 = vector.load %arg1[%swap3A_86, %swap3A_87, %swap3A_88] : memref<4x4096x3xf32, #tpu.memory_space<vmem>>, vector<1x1x3xf32>
      %swap3A_90 = vector.shape_cast %swap3A_89 : vector<1x1x3xf32> to vector<1x3xf32>
      %swap3A_91 = vector.shape_cast %concatenate3A_85 : vector<1x3xf32> to vector<1x1x3xf32>
      tpu.vector_store %arg1[%swap3A_86, %swap3A_87, %swap3A_88], %swap3A_91 {strides = array<i32>} : memref<4x4096x3xf32, #tpu.memory_space<vmem>>, vector<1x1x3xf32>,
      %sub3A = vector.broadcast %broadcast_in_dim3A_35 : vector<4x1x1xf32> to vector<4x64x128xf32>
      %sub3A_92 = arith.subf %get3A_4, %sub3A : vector<4x64x128xf32>
      %sub3A_93 = vector.broadcast %broadcast_in_dim3A_39 : vector<4x1x1xf32> to vector<4x64x128xf32>
      %sub3A_94 = arith.subf %get3A_10, %sub3A_93 : vector<4x64x128xf32>
      %sub3A_95 = vector.broadcast %broadcast_in_dim3A_43 : vector<4x1x1xf32> to vector<4x64x128xf32>
      %sub3A_96 = arith.subf %get3A_16, %sub3A_95 : vector<4x64x128xf32>
      %mul3A_97 = arith.mulf %sub3A_92, %sub3A_92 : vector<4x64x128xf32>
      %mul3A_98 = arith.mulf %sub3A_94, %sub3A_94 : vector<4x64x128xf32>
      %add3A_99 = arith.addf %mul3A_97, %mul3A_98 : vector<4x64x128xf32>
      %mul3A_100 = arith.mulf %sub3A_96, %sub3A_96 : vector<4x64x128xf32>
      %add3A_101 = arith.addf %add3A_99, %mul3A_100 : vector<4x64x128xf32>
      %min3A = arith.minimumf %scan3A_30, %add3A_101 : vector<4x64x128xf32>
      %reduce_max3A = arith.constant dense<0xFF800000> : vector<4xf32>
      %reduce_max3A_102 = vector.multi_reduction <maximumf>, %min3A, %reduce_max3A [1, 2] : vector<4x64x128xf32> to vector<4xf32>
      %broadcast_in_dim3A_103 = vector.shape_cast %reduce_max3A_102 : vector<4xf32> to vector<4x1x1xf32>
      %eq3A_104 = vector.broadcast %broadcast_in_dim3A_103 : vector<4x1x1xf32> to vector<4x64x128xf32>
      %eq3A_105 = arith.cmpf oeq, %min3A, %eq3A_104 : vector<4x64x128xf32>
      %jit3A = arith.constant 8192 : i32
      %broadcast_in_dim3A_106 = vector.broadcast %jit3A : i32 to vector<4x64x128xi32>
      %select_n3A_107 = arith.select %eq3A_105, %add3A, %broadcast_in_dim3A_106 : vector<4x64x128xi1>, vector<4x64x128xi32>
      %reduce_min3A = arith.constant dense<2147483647> : vector<4xi32>
      %reduce_min3A_108 = vector.multi_reduction <minsi>, %select_n3A_107, %reduce_min3A [1, 2] : vector<4x64x128xi32> to vector<4xi32>
      %broadcast_in_dim3A_109 = vector.shape_cast %reduce_min3A_108 : vector<4xi32> to vector<4x1x1xi32>
      scf.yield %broadcast_in_dim3A_109, %min3A : vector<4x1x1xi32>, vector<4x64x128xf32>
    }
    %scan3A_27 = arith.constant 4096 : i32
    return
  }
}

module attributes {stable_mosaic.version = 14 : i64} {
  func.func @_neighbor_body(%arg0: i32, %arg1: i32, %arg2: memref<1x256x3xf32, #tpu.memory_space<vmem>>, %arg3: memref<1x3x8192xf32, #tpu.memory_space<vmem>>, %arg4: memref<1x256x16xi32, #tpu.memory_space<vmem>>) attributes {dimension_semantics = [#tpu.dimension_semantics<parallel>, #tpu.dimension_semantics<parallel>], iteration_bounds = array<i64: 2, 16>, scalar_prefetch = 0 : i64, scratch_operands = 0 : i64, tpu.core_type = #tpu.core_type<tc>, window_params = [{transform_indices = @transform_0, window_bounds = array<i64: 1, 256, 3>}, {transform_indices = @transform_1, window_bounds = array<i64: 1, 3, 8192>}, {transform_indices = @transform_2, window_bounds = array<i64: 1, 256, 16>}]} {
    %get3A = arith.constant 0 : index
    %get3A_0 = arith.constant 0 : index
    %get3A_1 = arith.constant 0 : index
    %get3A_2 = vector.load %arg2[%get3A, %get3A_0, %get3A_1] : memref<1x256x3xf32, #tpu.memory_space<vmem>>, vector<1x256x3xf32>
    %get3A_3 = vector.shape_cast %get3A_2 : vector<1x256x3xf32> to vector<256x3xf32>
    %get3A_4 = arith.constant 0 : index
    %get3A_5 = arith.constant 0 : index
    %get3A_6 = arith.constant 0 : index
    %get3A_7 = vector.load %arg3[%get3A_4, %get3A_5, %get3A_6] : memref<1x3x8192xf32, #tpu.memory_space<vmem>>, vector<1x3x8192xf32>
    %get3A_8 = vector.shape_cast %get3A_7 : vector<1x3x8192xf32> to vector<3x8192xf32>
    %dot_general3A = arith.constant dense<0.000000e+00> : vector<256x8192xf32>
    %dot_general3A_9 = tpu.matmul %get3A_3, %get3A_8, %dot_general3A {dimension_numbers = #tpu.dot_dimension_numbers<[1], [0], [0], [1], [0, 0, 1, 1], [], []>, transpose_lhs_hint = false} : vector<256x3xf32>, vector<3x8192xf32>, vector<256x8192xf32> -> vector<256x8192xf32>
    %mul3A = arith.mulf %get3A_3, %get3A_3 : vector<256x3xf32>
    %reduce_sum3A = arith.constant dense<0.000000e+00> : vector<256xf32>
    %reduce_sum3A_10 = vector.multi_reduction <add>, %mul3A, %reduce_sum3A [1] : vector<256x3xf32> to vector<256xf32>
    %broadcast_in_dim3A = vector.shape_cast %reduce_sum3A_10 : vector<256xf32> to vector<256x1xf32>
    %mul3A_11 = arith.mulf %get3A_8, %get3A_8 : vector<3x8192xf32>
    %reduce_sum3A_12 = arith.constant dense<0.000000e+00> : vector<8192xf32>
    %reduce_sum3A_13 = vector.multi_reduction <add>, %mul3A_11, %reduce_sum3A_12 [0] : vector<3x8192xf32> to vector<8192xf32>
    %broadcast_in_dim3A_14 = vector.shape_cast %reduce_sum3A_13 : vector<8192xf32> to vector<1x8192xf32>
    %mul3A_15 = arith.constant -2.000000e+00 : f32
    %mul3A_16 = vector.broadcast %mul3A_15 : f32 to vector<256x8192xf32>
    %mul3A_17 = arith.mulf %mul3A_16, %dot_general3A_9 : vector<256x8192xf32>
    %add3A = vector.broadcast %broadcast_in_dim3A : vector<256x1xf32> to vector<256x8192xf32>
    %add3A_18 = arith.addf %mul3A_17, %add3A : vector<256x8192xf32>
    %add3A_19 = vector.broadcast %broadcast_in_dim3A_14 : vector<1x8192xf32> to vector<256x8192xf32>
    %add3A_20 = arith.addf %add3A_18, %add3A_19 : vector<256x8192xf32>
    %iota3A = tpu.iota {dimensions = array<i32: 1>} : vector<256x8192xi32>
    %gt3A = arith.constant 6.400000e-05 : f32
    %gt3A_21 = vector.broadcast %gt3A : f32 to vector<256x8192xf32>
    %gt3A_22 = arith.cmpf ogt, %add3A_20, %gt3A_21 : vector<256x8192xf32>
    %jit3A = arith.constant 8192 : i32
    %broadcast_in_dim3A_23 = vector.broadcast %jit3A : i32 to vector<256x8192xi32>
    %select_n3A = arith.select %gt3A_22, %broadcast_in_dim3A_23, %iota3A : vector<256x8192xi1>, vector<256x8192xi32>
    %reduce_min3A = arith.constant dense<2147483647> : vector<256xi32>
    %reduce_min3A_24 = vector.multi_reduction <minsi>, %select_n3A, %reduce_min3A [1] : vector<256x8192xi32> to vector<256xi32>
    %broadcast_in_dim3A_25 = vector.shape_cast %reduce_min3A_24 : vector<256xi32> to vector<256x1xi32>
    %eq3A = vector.broadcast %broadcast_in_dim3A_25 : vector<256x1xi32> to vector<256x8192xi32>
    %eq3A_26 = arith.cmpi eq, %select_n3A, %eq3A : vector<256x8192xi32>
    %jit3A_27 = arith.constant 8192 : i32
    %broadcast_in_dim3A_28 = vector.broadcast %jit3A_27 : i32 to vector<256x8192xi32>
    %select_n3A_29 = arith.select %eq3A_26, %broadcast_in_dim3A_28, %select_n3A : vector<256x8192xi1>, vector<256x8192xi32>
    %reduce_min3A_30 = arith.constant dense<2147483647> : vector<256xi32>
    %reduce_min3A_31 = vector.multi_reduction <minsi>, %select_n3A_29, %reduce_min3A_30 [1] : vector<256x8192xi32> to vector<256xi32>
    %broadcast_in_dim3A_32 = vector.shape_cast %reduce_min3A_31 : vector<256xi32> to vector<256x1xi32>
    %eq3A_33 = vector.broadcast %broadcast_in_dim3A_32 : vector<256x1xi32> to vector<256x8192xi32>
    %eq3A_34 = arith.cmpi eq, %select_n3A_29, %eq3A_33 : vector<256x8192xi32>
    %jit3A_35 = arith.constant 8192 : i32
    %broadcast_in_dim3A_36 = vector.broadcast %jit3A_35 : i32 to vector<256x8192xi32>
    %select_n3A_37 = arith.select %eq3A_34, %broadcast_in_dim3A_36, %select_n3A_29 : vector<256x8192xi1>, vector<256x8192xi32>
    %reduce_min3A_38 = arith.constant dense<2147483647> : vector<256xi32>
    %reduce_min3A_39 = vector.multi_reduction <minsi>, %select_n3A_37, %reduce_min3A_38 [1] : vector<256x8192xi32> to vector<256xi32>
    %broadcast_in_dim3A_40 = vector.shape_cast %reduce_min3A_39 : vector<256xi32> to vector<256x1xi32>
    %eq3A_41 = vector.broadcast %broadcast_in_dim3A_40 : vector<256x1xi32> to vector<256x8192xi32>
    %eq3A_42 = arith.cmpi eq, %select_n3A_37, %eq3A_41 : vector<256x8192xi32>
    %jit3A_43 = arith.constant 8192 : i32
    %broadcast_in_dim3A_44 = vector.broadcast %jit3A_43 : i32 to vector<256x8192xi32>
    %select_n3A_45 = arith.select %eq3A_42, %broadcast_in_dim3A_44, %select_n3A_37 : vector<256x8192xi1>, vector<256x8192xi32>
    %reduce_min3A_46 = arith.constant dense<2147483647> : vector<256xi32>
    %reduce_min3A_47 = vector.multi_reduction <minsi>, %select_n3A_45, %reduce_min3A_46 [1] : vector<256x8192xi32> to vector<256xi32>
    %broadcast_in_dim3A_48 = vector.shape_cast %reduce_min3A_47 : vector<256xi32> to vector<256x1xi32>
    %eq3A_49 = vector.broadcast %broadcast_in_dim3A_48 : vector<256x1xi32> to vector<256x8192xi32>
    %eq3A_50 = arith.cmpi eq, %select_n3A_45, %eq3A_49 : vector<256x8192xi32>
    %jit3A_51 = arith.constant 8192 : i32
    %broadcast_in_dim3A_52 = vector.broadcast %jit3A_51 : i32 to vector<256x8192xi32>
    %select_n3A_53 = arith.select %eq3A_50, %broadcast_in_dim3A_52, %select_n3A_45 : vector<256x8192xi1>, vector<256x8192xi32>
    %reduce_min3A_54 = arith.constant dense<2147483647> : vector<256xi32>
    %reduce_min3A_55 = vector.multi_reduction <minsi>, %select_n3A_53, %reduce_min3A_54 [1] : vector<256x8192xi32> to vector<256xi32>
    %broadcast_in_dim3A_56 = vector.shape_cast %reduce_min3A_55 : vector<256xi32> to vector<256x1xi32>
    %eq3A_57 = vector.broadcast %broadcast_in_dim3A_56 : vector<256x1xi32> to vector<256x8192xi32>
    %eq3A_58 = arith.cmpi eq, %select_n3A_53, %eq3A_57 : vector<256x8192xi32>
    %jit3A_59 = arith.constant 8192 : i32
    %broadcast_in_dim3A_60 = vector.broadcast %jit3A_59 : i32 to vector<256x8192xi32>
    %select_n3A_61 = arith.select %eq3A_58, %broadcast_in_dim3A_60, %select_n3A_53 : vector<256x8192xi1>, vector<256x8192xi32>
    %reduce_min3A_62 = arith.constant dense<2147483647> : vector<256xi32>
    %reduce_min3A_63 = vector.multi_reduction <minsi>, %select_n3A_61, %reduce_min3A_62 [1] : vector<256x8192xi32> to vector<256xi32>
    %broadcast_in_dim3A_64 = vector.shape_cast %reduce_min3A_63 : vector<256xi32> to vector<256x1xi32>
    %eq3A_65 = vector.broadcast %broadcast_in_dim3A_64 : vector<256x1xi32> to vector<256x8192xi32>
    %eq3A_66 = arith.cmpi eq, %select_n3A_61, %eq3A_65 : vector<256x8192xi32>
    %jit3A_67 = arith.constant 8192 : i32
    %broadcast_in_dim3A_68 = vector.broadcast %jit3A_67 : i32 to vector<256x8192xi32>
    %select_n3A_69 = arith.select %eq3A_66, %broadcast_in_dim3A_68, %select_n3A_61 : vector<256x8192xi1>, vector<256x8192xi32>
    %reduce_min3A_70 = arith.constant dense<2147483647> : vector<256xi32>
    %reduce_min3A_71 = vector.multi_reduction <minsi>, %select_n3A_69, %reduce_min3A_70 [1] : vector<256x8192xi32> to vector<256xi32>
    %broadcast_in_dim3A_72 = vector.shape_cast %reduce_min3A_71 : vector<256xi32> to vector<256x1xi32>
    %eq3A_73 = vector.broadcast %broadcast_in_dim3A_72 : vector<256x1xi32> to vector<256x8192xi32>
    %eq3A_74 = arith.cmpi eq, %select_n3A_69, %eq3A_73 : vector<256x8192xi32>
    %jit3A_75 = arith.constant 8192 : i32
    %broadcast_in_dim3A_76 = vector.broadcast %jit3A_75 : i32 to vector<256x8192xi32>
    %select_n3A_77 = arith.select %eq3A_74, %broadcast_in_dim3A_76, %select_n3A_69 : vector<256x8192xi1>, vector<256x8192xi32>
    %reduce_min3A_78 = arith.constant dense<2147483647> : vector<256xi32>
    %reduce_min3A_79 = vector.multi_reduction <minsi>, %select_n3A_77, %reduce_min3A_78 [1] : vector<256x8192xi32> to vector<256xi32>
    %broadcast_in_dim3A_80 = vector.shape_cast %reduce_min3A_79 : vector<256xi32> to vector<256x1xi32>
    %eq3A_81 = vector.broadcast %broadcast_in_dim3A_80 : vector<256x1xi32> to vector<256x8192xi32>
    %eq3A_82 = arith.cmpi eq, %select_n3A_77, %eq3A_81 : vector<256x8192xi32>
    %jit3A_83 = arith.constant 8192 : i32
    %broadcast_in_dim3A_84 = vector.broadcast %jit3A_83 : i32 to vector<256x8192xi32>
    %select_n3A_85 = arith.select %eq3A_82, %broadcast_in_dim3A_84, %select_n3A_77 : vector<256x8192xi1>, vector<256x8192xi32>
    %reduce_min3A_86 = arith.constant dense<2147483647> : vector<256xi32>
    %reduce_min3A_87 = vector.multi_reduction <minsi>, %select_n3A_85, %reduce_min3A_86 [1] : vector<256x8192xi32> to vector<256xi32>
    %broadcast_in_dim3A_88 = vector.shape_cast %reduce_min3A_87 : vector<256xi32> to vector<256x1xi32>
    %eq3A_89 = vector.broadcast %broadcast_in_dim3A_88 : vector<256x1xi32> to vector<256x8192xi32>
    %eq3A_90 = arith.cmpi eq, %select_n3A_85, %eq3A_89 : vector<256x8192xi32>
    %jit3A_91 = arith.constant 8192 : i32
    %broadcast_in_dim3A_92 = vector.broadcast %jit3A_91 : i32 to vector<256x8192xi32>
    %select_n3A_93 = arith.select %eq3A_90, %broadcast_in_dim3A_92, %select_n3A_85 : vector<256x8192xi1>, vector<256x8192xi32>
    %reduce_min3A_94 = arith.constant dense<2147483647> : vector<256xi32>
    %reduce_min3A_95 = vector.multi_reduction <minsi>, %select_n3A_93, %reduce_min3A_94 [1] : vector<256x8192xi32> to vector<256xi32>
    %broadcast_in_dim3A_96 = vector.shape_cast %reduce_min3A_95 : vector<256xi32> to vector<256x1xi32>
    %eq3A_97 = vector.broadcast %broadcast_in_dim3A_96 : vector<256x1xi32> to vector<256x8192xi32>
    %eq3A_98 = arith.cmpi eq, %select_n3A_93, %eq3A_97 : vector<256x8192xi32>
    %jit3A_99 = arith.constant 8192 : i32
    %broadcast_in_dim3A_100 = vector.broadcast %jit3A_99 : i32 to vector<256x8192xi32>
    %select_n3A_101 = arith.select %eq3A_98, %broadcast_in_dim3A_100, %select_n3A_93 : vector<256x8192xi1>, vector<256x8192xi32>
    %reduce_min3A_102 = arith.constant dense<2147483647> : vector<256xi32>
    %reduce_min3A_103 = vector.multi_reduction <minsi>, %select_n3A_101, %reduce_min3A_102 [1] : vector<256x8192xi32> to vector<256xi32>
    %broadcast_in_dim3A_104 = vector.shape_cast %reduce_min3A_103 : vector<256xi32> to vector<256x1xi32>
    %eq3A_105 = vector.broadcast %broadcast_in_dim3A_104 : vector<256x1xi32> to vector<256x8192xi32>
    %eq3A_106 = arith.cmpi eq, %select_n3A_101, %eq3A_105 : vector<256x8192xi32>
    %jit3A_107 = arith.constant 8192 : i32
    %broadcast_in_dim3A_108 = vector.broadcast %jit3A_107 : i32 to vector<256x8192xi32>
    %select_n3A_109 = arith.select %eq3A_106, %broadcast_in_dim3A_108, %select_n3A_101 : vector<256x8192xi1>, vector<256x8192xi32>
    %reduce_min3A_110 = arith.constant dense<2147483647> : vector<256xi32>
    %reduce_min3A_111 = vector.multi_reduction <minsi>, %select_n3A_109, %reduce_min3A_110 [1] : vector<256x8192xi32> to vector<256xi32>
    %broadcast_in_dim3A_112 = vector.shape_cast %reduce_min3A_111 : vector<256xi32> to vector<256x1xi32>
    %eq3A_113 = vector.broadcast %broadcast_in_dim3A_112 : vector<256x1xi32> to vector<256x8192xi32>
    %eq3A_114 = arith.cmpi eq, %select_n3A_109, %eq3A_113 : vector<256x8192xi32>
    %jit3A_115 = arith.constant 8192 : i32
    %broadcast_in_dim3A_116 = vector.broadcast %jit3A_115 : i32 to vector<256x8192xi32>
    %select_n3A_117 = arith.select %eq3A_114, %broadcast_in_dim3A_116, %select_n3A_109 : vector<256x8192xi1>, vector<256x8192xi32>
    %reduce_min3A_118 = arith.constant dense<2147483647> : vector<256xi32>
    %reduce_min3A_119 = vector.multi_reduction <minsi>, %select_n3A_117, %reduce_min3A_118 [1] : vector<256x8192xi32> to vector<256xi32>
    %broadcast_in_dim3A_120 = vector.shape_cast %reduce_min3A_119 : vector<256xi32> to vector<256x1xi32>
    %eq3A_121 = vector.broadcast %broadcast_in_dim3A_120 : vector<256x1xi32> to vector<256x8192xi32>
    %eq3A_122 = arith.cmpi eq, %select_n3A_117, %eq3A_121 : vector<256x8192xi32>
    %jit3A_123 = arith.constant 8192 : i32
    %broadcast_in_dim3A_124 = vector.broadcast %jit3A_123 : i32 to vector<256x8192xi32>
    %select_n3A_125 = arith.select %eq3A_122, %broadcast_in_dim3A_124, %select_n3A_117 : vector<256x8192xi1>, vector<256x8192xi32>
    %reduce_min3A_126 = arith.constant dense<2147483647> : vector<256xi32>
    %reduce_min3A_127 = vector.multi_reduction <minsi>, %select_n3A_125, %reduce_min3A_126 [1] : vector<256x8192xi32> to vector<256xi32>
    %broadcast_in_dim3A_128 = vector.shape_cast %reduce_min3A_127 : vector<256xi32> to vector<256x1xi32>
    %eq3A_129 = vector.broadcast %broadcast_in_dim3A_128 : vector<256x1xi32> to vector<256x8192xi32>
    %eq3A_130 = arith.cmpi eq, %select_n3A_125, %eq3A_129 : vector<256x8192xi32>
    %jit3A_131 = arith.constant 8192 : i32
    %broadcast_in_dim3A_132 = vector.broadcast %jit3A_131 : i32 to vector<256x8192xi32>
    %select_n3A_133 = arith.select %eq3A_130, %broadcast_in_dim3A_132, %select_n3A_125 : vector<256x8192xi1>, vector<256x8192xi32>
    %reduce_min3A_134 = arith.constant dense<2147483647> : vector<256xi32>
    %reduce_min3A_135 = vector.multi_reduction <minsi>, %select_n3A_133, %reduce_min3A_134 [1] : vector<256x8192xi32> to vector<256xi32>
    %broadcast_in_dim3A_136 = vector.shape_cast %reduce_min3A_135 : vector<256xi32> to vector<256x1xi32>
    %eq3A_137 = vector.broadcast %broadcast_in_dim3A_136 : vector<256x1xi32> to vector<256x8192xi32>
    %eq3A_138 = arith.cmpi eq, %select_n3A_133, %eq3A_137 : vector<256x8192xi32>
    %jit3A_139 = arith.constant 8192 : i32
    %broadcast_in_dim3A_140 = vector.broadcast %jit3A_139 : i32 to vector<256x8192xi32>
    %select_n3A_141 = arith.select %eq3A_138, %broadcast_in_dim3A_140, %select_n3A_133 : vector<256x8192xi1>, vector<256x8192xi32>
    %reduce_min3A_142 = arith.constant dense<2147483647> : vector<256xi32>
    %reduce_min3A_143 = vector.multi_reduction <minsi>, %select_n3A_141, %reduce_min3A_142 [1] : vector<256x8192xi32> to vector<256xi32>
    %broadcast_in_dim3A_144 = vector.shape_cast %reduce_min3A_143 : vector<256xi32> to vector<256x1xi32>
    %eq3A_145 = arith.constant 8192 : i32
    %eq3A_146 = vector.broadcast %eq3A_145 : i32 to vector<256x1xi32>
    %eq3A_147 = arith.cmpi eq, %broadcast_in_dim3A_25, %eq3A_146 : vector<256x1xi32>
    %select_n3A_148 = arith.select %eq3A_147, %broadcast_in_dim3A_25, %broadcast_in_dim3A_25 : vector<256x1xi1>, vector<256x1xi32>
    %eq3A_149 = arith.constant 8192 : i32
    %eq3A_150 = vector.broadcast %eq3A_149 : i32 to vector<256x1xi32>
    %eq3A_151 = arith.cmpi eq, %broadcast_in_dim3A_32, %eq3A_150 : vector<256x1xi32>
    %select_n3A_152 = arith.select %eq3A_151, %broadcast_in_dim3A_25, %broadcast_in_dim3A_32 : vector<256x1xi1>, vector<256x1xi32>
    %eq3A_153 = arith.constant 8192 : i32
    %eq3A_154 = vector.broadcast %eq3A_153 : i32 to vector<256x1xi32>
    %eq3A_155 = arith.cmpi eq, %broadcast_in_dim3A_40, %eq3A_154 : vector<256x1xi32>
    %select_n3A_156 = arith.select %eq3A_155, %broadcast_in_dim3A_25, %broadcast_in_dim3A_40 : vector<256x1xi1>, vector<256x1xi32>
    %eq3A_157 = arith.constant 8192 : i32
    %eq3A_158 = vector.broadcast %eq3A_157 : i32 to vector<256x1xi32>
    %eq3A_159 = arith.cmpi eq, %broadcast_in_dim3A_48, %eq3A_158 : vector<256x1xi32>
    %select_n3A_160 = arith.select %eq3A_159, %broadcast_in_dim3A_25, %broadcast_in_dim3A_48 : vector<256x1xi1>, vector<256x1xi32>
    %eq3A_161 = arith.constant 8192 : i32
    %eq3A_162 = vector.broadcast %eq3A_161 : i32 to vector<256x1xi32>
    %eq3A_163 = arith.cmpi eq, %broadcast_in_dim3A_56, %eq3A_162 : vector<256x1xi32>
    %select_n3A_164 = arith.select %eq3A_163, %broadcast_in_dim3A_25, %broadcast_in_dim3A_56 : vector<256x1xi1>, vector<256x1xi32>
    %eq3A_165 = arith.constant 8192 : i32
    %eq3A_166 = vector.broadcast %eq3A_165 : i32 to vector<256x1xi32>
    %eq3A_167 = arith.cmpi eq, %broadcast_in_dim3A_64, %eq3A_166 : vector<256x1xi32>
    %select_n3A_168 = arith.select %eq3A_167, %broadcast_in_dim3A_25, %broadcast_in_dim3A_64 : vector<256x1xi1>, vector<256x1xi32>
    %eq3A_169 = arith.constant 8192 : i32
    %eq3A_170 = vector.broadcast %eq3A_169 : i32 to vector<256x1xi32>
    %eq3A_171 = arith.cmpi eq, %broadcast_in_dim3A_72, %eq3A_170 : vector<256x1xi32>
    %select_n3A_172 = arith.select %eq3A_171, %broadcast_in_dim3A_25, %broadcast_in_dim3A_72 : vector<256x1xi1>, vector<256x1xi32>
    %eq3A_173 = arith.constant 8192 : i32
    %eq3A_174 = vector.broadcast %eq3A_173 : i32 to vector<256x1xi32>
    %eq3A_175 = arith.cmpi eq, %broadcast_in_dim3A_80, %eq3A_174 : vector<256x1xi32>
    %select_n3A_176 = arith.select %eq3A_175, %broadcast_in_dim3A_25, %broadcast_in_dim3A_80 : vector<256x1xi1>, vector<256x1xi32>
    %eq3A_177 = arith.constant 8192 : i32
    %eq3A_178 = vector.broadcast %eq3A_177 : i32 to vector<256x1xi32>
    %eq3A_179 = arith.cmpi eq, %broadcast_in_dim3A_88, %eq3A_178 : vector<256x1xi32>
    %select_n3A_180 = arith.select %eq3A_179, %broadcast_in_dim3A_25, %broadcast_in_dim3A_88 : vector<256x1xi1>, vector<256x1xi32>
    %eq3A_181 = arith.constant 8192 : i32
    %eq3A_182 = vector.broadcast %eq3A_181 : i32 to vector<256x1xi32>
    %eq3A_183 = arith.cmpi eq, %broadcast_in_dim3A_96, %eq3A_182 : vector<256x1xi32>
    %select_n3A_184 = arith.select %eq3A_183, %broadcast_in_dim3A_25, %broadcast_in_dim3A_96 : vector<256x1xi1>, vector<256x1xi32>
    %eq3A_185 = arith.constant 8192 : i32
    %eq3A_186 = vector.broadcast %eq3A_185 : i32 to vector<256x1xi32>
    %eq3A_187 = arith.cmpi eq, %broadcast_in_dim3A_104, %eq3A_186 : vector<256x1xi32>
    %select_n3A_188 = arith.select %eq3A_187, %broadcast_in_dim3A_25, %broadcast_in_dim3A_104 : vector<256x1xi1>, vector<256x1xi32>
    %eq3A_189 = arith.constant 8192 : i32
    %eq3A_190 = vector.broadcast %eq3A_189 : i32 to vector<256x1xi32>
    %eq3A_191 = arith.cmpi eq, %broadcast_in_dim3A_112, %eq3A_190 : vector<256x1xi32>
    %select_n3A_192 = arith.select %eq3A_191, %broadcast_in_dim3A_25, %broadcast_in_dim3A_112 : vector<256x1xi1>, vector<256x1xi32>
    %eq3A_193 = arith.constant 8192 : i32
    %eq3A_194 = vector.broadcast %eq3A_193 : i32 to vector<256x1xi32>
    %eq3A_195 = arith.cmpi eq, %broadcast_in_dim3A_120, %eq3A_194 : vector<256x1xi32>
    %select_n3A_196 = arith.select %eq3A_195, %broadcast_in_dim3A_25, %broadcast_in_dim3A_120 : vector<256x1xi1>, vector<256x1xi32>
    %eq3A_197 = arith.constant 8192 : i32
    %eq3A_198 = vector.broadcast %eq3A_197 : i32 to vector<256x1xi32>
    %eq3A_199 = arith.cmpi eq, %broadcast_in_dim3A_128, %eq3A_198 : vector<256x1xi32>
    %select_n3A_200 = arith.select %eq3A_199, %broadcast_in_dim3A_25, %broadcast_in_dim3A_128 : vector<256x1xi1>, vector<256x1xi32>
    %eq3A_201 = arith.constant 8192 : i32
    %eq3A_202 = vector.broadcast %eq3A_201 : i32 to vector<256x1xi32>
    %eq3A_203 = arith.cmpi eq, %broadcast_in_dim3A_136, %eq3A_202 : vector<256x1xi32>
    %select_n3A_204 = arith.select %eq3A_203, %broadcast_in_dim3A_25, %broadcast_in_dim3A_136 : vector<256x1xi1>, vector<256x1xi32>
    %eq3A_205 = arith.constant 8192 : i32
    %eq3A_206 = vector.broadcast %eq3A_205 : i32 to vector<256x1xi32>
    %eq3A_207 = arith.cmpi eq, %broadcast_in_dim3A_144, %eq3A_206 : vector<256x1xi32>
    %select_n3A_208 = arith.select %eq3A_207, %broadcast_in_dim3A_25, %broadcast_in_dim3A_144 : vector<256x1xi1>, vector<256x1xi32>
    %concatenate3A = tpu.concatenate %select_n3A_148, %select_n3A_152, %select_n3A_156, %select_n3A_160, %select_n3A_164, %select_n3A_168, %select_n3A_172, %select_n3A_176, %select_n3A_180, %select_n3A_184, %select_n3A_188, %select_n3A_192, %select_n3A_196, %select_n3A_200, %select_n3A_204, %select_n3A_208 in 1 : vector<256x1xi32>, vector<256x1xi32>, vector<256x1xi32>, vector<256x1xi32>, vector<256x1xi32>, vector<256x1xi32>, vector<256x1xi32>, vector<256x1xi32>, vector<256x1xi32>, vector<256x1xi32>, vector<256x1xi32>, vector<256x1xi32>, vector<256x1xi32>, vector<256x1xi32>, vector<256x1xi32>, vector<256x1xi32> -> vector<256x16xi32>
    %min3A = arith.constant 8191 : i32
    %min3A_209 = vector.broadcast %min3A : i32 to vector<256x16xi32>
    %min3A_210 = arith.minsi %concatenate3A, %min3A_209 : vector<256x16xi32>
    %mul3A_211 = arith.constant 8192 : i32
    %mul3A_212 = arith.muli %arg0, %mul3A_211 : i32
    %add3A_213 = vector.broadcast %mul3A_212 : i32 to vector<256x16xi32>
    %add3A_214 = arith.addi %min3A_210, %add3A_213 : vector<256x16xi32>
    %swap3A = arith.constant 0 : index
    %swap3A_215 = arith.constant 0 : index
    %swap3A_216 = arith.constant 0 : index
    %swap3A_217 = vector.load %arg4[%swap3A, %swap3A_215, %swap3A_216] : memref<1x256x16xi32, #tpu.memory_space<vmem>>, vector<1x256x16xi32>
    %swap3A_218 = vector.shape_cast %swap3A_217 : vector<1x256x16xi32> to vector<256x16xi32>
    %swap3A_219 = vector.shape_cast %add3A_214 : vector<256x16xi32> to vector<1x256x16xi32>
    tpu.vector_store %arg4[%swap3A, %swap3A_215, %swap3A_216], %swap3A_219 {strides = array<i32>} : memref<1x256x16xi32, #tpu.memory_space<vmem>>, vector<1x256x16xi32>,
    return
  }
  func.func @transform_0(%arg0: i32, %arg1: i32) -> (i32, i32, i32) {
    %c0_i32 = arith.constant 0 : i32
    %c0_i32_0 = arith.constant 0 : i32
    return %arg0, %arg1, %c0_i32 : i32, i32, i32
  }
  func.func @transform_1(%arg0: i32, %arg1: i32) -> (i32, i32, i32) {
    %c0_i32 = arith.constant 0 : i32
    %c0_i32_0 = arith.constant 0 : i32
    %c0_i32_1 = arith.constant 0 : i32
    return %arg0, %c0_i32, %c0_i32_0 : i32, i32, i32
  }
  func.func @transform_2(%arg0: i32, %arg1: i32) -> (i32, i32, i32) {
    %c0_i32 = arith.constant 0 : i32
    %c0_i32_0 = arith.constant 0 : i32
    return %arg0, %arg1, %c0_i32 : i32, i32, i32
  }
}

module attributes {stable_mosaic.version = 14 : i64} {
  func.func @_fps_body(%arg0: memref<4x3x32x128xf32, #tpu.memory_space<vmem>>, %arg1: memref<4x1024x3xf32, #tpu.memory_space<vmem>>) attributes {dimension_semantics = [], scalar_prefetch = 0 : i64, scratch_operands = 0 : i64, tpu.core_type = #tpu.core_type<tc>} {
    %get3A = arith.constant 0 : index
    %get3A_0 = arith.constant 0 : index
    %get3A_1 = arith.constant 0 : index
    %get3A_2 = arith.constant 0 : index
    %get3A_3 = vector.load %arg0[%get3A, %get3A_0, %get3A_1, %get3A_2] : memref<4x3x32x128xf32, #tpu.memory_space<vmem>>, vector<4x1x32x128xf32>
    %get3A_4 = vector.shape_cast %get3A_3 : vector<4x1x32x128xf32> to vector<4x32x128xf32>
    %get3A_5 = arith.constant 0 : index
    %get3A_6 = arith.constant 1 : index
    %get3A_7 = arith.constant 0 : index
    %get3A_8 = arith.constant 0 : index
    %get3A_9 = vector.load %arg0[%get3A_5, %get3A_6, %get3A_7, %get3A_8] : memref<4x3x32x128xf32, #tpu.memory_space<vmem>>, vector<4x1x32x128xf32>
    %get3A_10 = vector.shape_cast %get3A_9 : vector<4x1x32x128xf32> to vector<4x32x128xf32>
    %get3A_11 = arith.constant 0 : index
    %get3A_12 = arith.constant 2 : index
    %get3A_13 = arith.constant 0 : index
    %get3A_14 = arith.constant 0 : index
    %get3A_15 = vector.load %arg0[%get3A_11, %get3A_12, %get3A_13, %get3A_14] : memref<4x3x32x128xf32, #tpu.memory_space<vmem>>, vector<4x1x32x128xf32>
    %get3A_16 = vector.shape_cast %get3A_15 : vector<4x1x32x128xf32> to vector<4x32x128xf32>
    %iota3A = tpu.iota {dimensions = array<i32: 1>} : vector<4x32x128xi32>
    %mul3A = arith.constant 128 : i32
    %mul3A_17 = vector.broadcast %mul3A : i32 to vector<4x32x128xi32>
    %mul3A_18 = arith.muli %iota3A, %mul3A_17 : vector<4x32x128xi32>
    %iota3A_19 = tpu.iota {dimensions = array<i32: 2>} : vector<4x32x128xi32>
    %add3A = arith.addi %mul3A_18, %iota3A_19 : vector<4x32x128xi32>
    %broadcast_in_dim3A = arith.constant 1.000000e+10 : f32
    %broadcast_in_dim3A_20 = vector.broadcast %broadcast_in_dim3A : f32 to vector<4x32x128xf32>
    %broadcast_in_dim3A_21 = arith.constant 0 : i32
    %broadcast_in_dim3A_22 = vector.broadcast %broadcast_in_dim3A_21 : i32 to vector<4x1x1xi32>
    %scan3A = arith.constant 0 : i32
    %scan3A_23 = arith.constant 1024 : i32
    %scan3A_24 = arith.addi %scan3A, %scan3A_23 : i32
    %scan3A_25 = arith.constant 1 : i32
    %scan3A_26:2 = scf.for %scan3A_28 = %scan3A to %scan3A_24 step %scan3A_25 iter_args(%scan3A_29 = %broadcast_in_dim3A_22, %scan3A_30 = %broadcast_in_dim3A_20) -> (vector<4x1x1xi32>, vector<4x32x128xf32>)  : i32 {
      %eq3A = vector.broadcast %scan3A_29 : vector<4x1x1xi32> to vector<4x32x128xi32>
      %eq3A_31 = arith.cmpi eq, %add3A, %eq3A : vector<4x32x128xi32>
      %broadcast_in_dim3A_32 = arith.constant 0.000000e+00 : f32
      %broadcast_in_dim3A_33 = vector.broadcast %broadcast_in_dim3A_32 : f32 to vector<4x32x128xf32>
      %select_n3A = arith.select %eq3A_31, %get3A_4, %broadcast_in_dim3A_33 : vector<4x32x128xi1>, vector<4x32x128xf32>
      %reduce_sum3A = arith.constant dense<0.000000e+00> : vector<4xf32>
      %reduce_sum3A_34 = vector.multi_reduction <add>, %select_n3A, %reduce_sum3A [1, 2] : vector<4x32x128xf32> to vector<4xf32>
      %broadcast_in_dim3A_35 = vector.shape_cast %reduce_sum3A_34 : vector<4xf32> to vector<4x1x1xf32>
      %select_n3A_36 = arith.select %eq3A_31, %get3A_10, %broadcast_in_dim3A_33 : vector<4x32x128xi1>, vector<4x32x128xf32>
      %reduce_sum3A_37 = arith.constant dense<0.000000e+00> : vector<4xf32>
      %reduce_sum3A_38 = vector.multi_reduction <add>, %select_n3A_36, %reduce_sum3A_37 [1, 2] : vector<4x32x128xf32> to vector<4xf32>
      %broadcast_in_dim3A_39 = vector.shape_cast %reduce_sum3A_38 : vector<4xf32> to vector<4x1x1xf32>
      %select_n3A_40 = arith.select %eq3A_31, %get3A_16, %broadcast_in_dim3A_33 : vector<4x32x128xi1>, vector<4x32x128xf32>
      %reduce_sum3A_41 = arith.constant dense<0.000000e+00> : vector<4xf32>
      %reduce_sum3A_42 = vector.multi_reduction <add>, %select_n3A_40, %reduce_sum3A_41 [1, 2] : vector<4x32x128xf32> to vector<4xf32>
      %broadcast_in_dim3A_43 = vector.shape_cast %reduce_sum3A_42 : vector<4xf32> to vector<4x1x1xf32>
      %slice3A = vector.extract_strided_slice %broadcast_in_dim3A_35 {offsets = [0, 0, 0], sizes = [1, 1, 1], strides = [1, 1, 1]} : vector<4x1x1xf32> to vector<1x1x1xf32>
      %squeeze3A = vector.shape_cast %slice3A : vector<1x1x1xf32> to vector<1x1xf32>
      %slice3A_44 = vector.extract_strided_slice %broadcast_in_dim3A_39 {offsets = [0, 0, 0], sizes = [1, 1, 1], strides = [1, 1, 1]} : vector<4x1x1xf32> to vector<1x1x1xf32>
      %squeeze3A_45 = vector.shape_cast %slice3A_44 : vector<1x1x1xf32> to vector<1x1xf32>
      %slice3A_46 = vector.extract_strided_slice %broadcast_in_dim3A_43 {offsets = [0, 0, 0], sizes = [1, 1, 1], strides = [1, 1, 1]} : vector<4x1x1xf32> to vector<1x1x1xf32>
      %squeeze3A_47 = vector.shape_cast %slice3A_46 : vector<1x1x1xf32> to vector<1x1xf32>
      %concatenate3A = tpu.concatenate %squeeze3A, %squeeze3A_45, %squeeze3A_47 in 1 : vector<1x1xf32>, vector<1x1xf32>, vector<1x1xf32> -> vector<1x3xf32>
      %swap3A = arith.constant 0 : index
      %swap3A_48 = arith.index_cast %scan3A_28 : i32 to index
      %swap3A_49 = arith.constant 0 : index
      %swap3A_50 = vector.load %arg1[%swap3A, %swap3A_48, %swap3A_49] : memref<4x1024x3xf32, #tpu.memory_space<vmem>>, vector<1x1x3xf32>
      %swap3A_51 = vector.shape_cast %swap3A_50 : vector<1x1x3xf32> to vector<1x3xf32>
      %swap3A_52 = vector.shape_cast %concatenate3A : vector<1x3xf32> to vector<1x1x3xf32>
      tpu.vector_store %arg1[%swap3A, %swap3A_48, %swap3A_49], %swap3A_52 {strides = array<i32>} : memref<4x1024x3xf32, #tpu.memory_space<vmem>>, vector<1x1x3xf32>,
      %slice3A_53 = vector.extract_strided_slice %broadcast_in_dim3A_35 {offsets = [1, 0, 0], sizes = [1, 1, 1], strides = [1, 1, 1]} : vector<4x1x1xf32> to vector<1x1x1xf32>
      %squeeze3A_54 = vector.shape_cast %slice3A_53 : vector<1x1x1xf32> to vector<1x1xf32>
      %slice3A_55 = vector.extract_strided_slice %broadcast_in_dim3A_39 {offsets = [1, 0, 0], sizes = [1, 1, 1], strides = [1, 1, 1]} : vector<4x1x1xf32> to vector<1x1x1xf32>
      %squeeze3A_56 = vector.shape_cast %slice3A_55 : vector<1x1x1xf32> to vector<1x1xf32>
      %slice3A_57 = vector.extract_strided_slice %broadcast_in_dim3A_43 {offsets = [1, 0, 0], sizes = [1, 1, 1], strides = [1, 1, 1]} : vector<4x1x1xf32> to vector<1x1x1xf32>
      %squeeze3A_58 = vector.shape_cast %slice3A_57 : vector<1x1x1xf32> to vector<1x1xf32>
      %concatenate3A_59 = tpu.concatenate %squeeze3A_54, %squeeze3A_56, %squeeze3A_58 in 1 : vector<1x1xf32>, vector<1x1xf32>, vector<1x1xf32> -> vector<1x3xf32>
      %swap3A_60 = arith.constant 1 : index
      %swap3A_61 = arith.index_cast %scan3A_28 : i32 to index
      %swap3A_62 = arith.constant 0 : index
      %swap3A_63 = vector.load %arg1[%swap3A_60, %swap3A_61, %swap3A_62] : memref<4x1024x3xf32, #tpu.memory_space<vmem>>, vector<1x1x3xf32>
      %swap3A_64 = vector.shape_cast %swap3A_63 : vector<1x1x3xf32> to vector<1x3xf32>
      %swap3A_65 = vector.shape_cast %concatenate3A_59 : vector<1x3xf32> to vector<1x1x3xf32>
      tpu.vector_store %arg1[%swap3A_60, %swap3A_61, %swap3A_62], %swap3A_65 {strides = array<i32>} : memref<4x1024x3xf32, #tpu.memory_space<vmem>>, vector<1x1x3xf32>,
      %slice3A_66 = vector.extract_strided_slice %broadcast_in_dim3A_35 {offsets = [2, 0, 0], sizes = [1, 1, 1], strides = [1, 1, 1]} : vector<4x1x1xf32> to vector<1x1x1xf32>
      %squeeze3A_67 = vector.shape_cast %slice3A_66 : vector<1x1x1xf32> to vector<1x1xf32>
      %slice3A_68 = vector.extract_strided_slice %broadcast_in_dim3A_39 {offsets = [2, 0, 0], sizes = [1, 1, 1], strides = [1, 1, 1]} : vector<4x1x1xf32> to vector<1x1x1xf32>
      %squeeze3A_69 = vector.shape_cast %slice3A_68 : vector<1x1x1xf32> to vector<1x1xf32>
      %slice3A_70 = vector.extract_strided_slice %broadcast_in_dim3A_43 {offsets = [2, 0, 0], sizes = [1, 1, 1], strides = [1, 1, 1]} : vector<4x1x1xf32> to vector<1x1x1xf32>
      %squeeze3A_71 = vector.shape_cast %slice3A_70 : vector<1x1x1xf32> to vector<1x1xf32>
      %concatenate3A_72 = tpu.concatenate %squeeze3A_67, %squeeze3A_69, %squeeze3A_71 in 1 : vector<1x1xf32>, vector<1x1xf32>, vector<1x1xf32> -> vector<1x3xf32>
      %swap3A_73 = arith.constant 2 : index
      %swap3A_74 = arith.index_cast %scan3A_28 : i32 to index
      %swap3A_75 = arith.constant 0 : index
      %swap3A_76 = vector.load %arg1[%swap3A_73, %swap3A_74, %swap3A_75] : memref<4x1024x3xf32, #tpu.memory_space<vmem>>, vector<1x1x3xf32>
      %swap3A_77 = vector.shape_cast %swap3A_76 : vector<1x1x3xf32> to vector<1x3xf32>
      %swap3A_78 = vector.shape_cast %concatenate3A_72 : vector<1x3xf32> to vector<1x1x3xf32>
      tpu.vector_store %arg1[%swap3A_73, %swap3A_74, %swap3A_75], %swap3A_78 {strides = array<i32>} : memref<4x1024x3xf32, #tpu.memory_space<vmem>>, vector<1x1x3xf32>,
      %slice3A_79 = vector.extract_strided_slice %broadcast_in_dim3A_35 {offsets = [3, 0, 0], sizes = [1, 1, 1], strides = [1, 1, 1]} : vector<4x1x1xf32> to vector<1x1x1xf32>
      %squeeze3A_80 = vector.shape_cast %slice3A_79 : vector<1x1x1xf32> to vector<1x1xf32>
      %slice3A_81 = vector.extract_strided_slice %broadcast_in_dim3A_39 {offsets = [3, 0, 0], sizes = [1, 1, 1], strides = [1, 1, 1]} : vector<4x1x1xf32> to vector<1x1x1xf32>
      %squeeze3A_82 = vector.shape_cast %slice3A_81 : vector<1x1x1xf32> to vector<1x1xf32>
      %slice3A_83 = vector.extract_strided_slice %broadcast_in_dim3A_43 {offsets = [3, 0, 0], sizes = [1, 1, 1], strides = [1, 1, 1]} : vector<4x1x1xf32> to vector<1x1x1xf32>
      %squeeze3A_84 = vector.shape_cast %slice3A_83 : vector<1x1x1xf32> to vector<1x1xf32>
      %concatenate3A_85 = tpu.concatenate %squeeze3A_80, %squeeze3A_82, %squeeze3A_84 in 1 : vector<1x1xf32>, vector<1x1xf32>, vector<1x1xf32> -> vector<1x3xf32>
      %swap3A_86 = arith.constant 3 : index
      %swap3A_87 = arith.index_cast %scan3A_28 : i32 to index
      %swap3A_88 = arith.constant 0 : index
      %swap3A_89 = vector.load %arg1[%swap3A_86, %swap3A_87, %swap3A_88] : memref<4x1024x3xf32, #tpu.memory_space<vmem>>, vector<1x1x3xf32>
      %swap3A_90 = vector.shape_cast %swap3A_89 : vector<1x1x3xf32> to vector<1x3xf32>
      %swap3A_91 = vector.shape_cast %concatenate3A_85 : vector<1x3xf32> to vector<1x1x3xf32>
      tpu.vector_store %arg1[%swap3A_86, %swap3A_87, %swap3A_88], %swap3A_91 {strides = array<i32>} : memref<4x1024x3xf32, #tpu.memory_space<vmem>>, vector<1x1x3xf32>,
      %sub3A = vector.broadcast %broadcast_in_dim3A_35 : vector<4x1x1xf32> to vector<4x32x128xf32>
      %sub3A_92 = arith.subf %get3A_4, %sub3A : vector<4x32x128xf32>
      %sub3A_93 = vector.broadcast %broadcast_in_dim3A_39 : vector<4x1x1xf32> to vector<4x32x128xf32>
      %sub3A_94 = arith.subf %get3A_10, %sub3A_93 : vector<4x32x128xf32>
      %sub3A_95 = vector.broadcast %broadcast_in_dim3A_43 : vector<4x1x1xf32> to vector<4x32x128xf32>
      %sub3A_96 = arith.subf %get3A_16, %sub3A_95 : vector<4x32x128xf32>
      %mul3A_97 = arith.mulf %sub3A_92, %sub3A_92 : vector<4x32x128xf32>
      %mul3A_98 = arith.mulf %sub3A_94, %sub3A_94 : vector<4x32x128xf32>
      %add3A_99 = arith.addf %mul3A_97, %mul3A_98 : vector<4x32x128xf32>
      %mul3A_100 = arith.mulf %sub3A_96, %sub3A_96 : vector<4x32x128xf32>
      %add3A_101 = arith.addf %add3A_99, %mul3A_100 : vector<4x32x128xf32>
      %min3A = arith.minimumf %scan3A_30, %add3A_101 : vector<4x32x128xf32>
      %reduce_max3A = arith.constant dense<0xFF800000> : vector<4xf32>
      %reduce_max3A_102 = vector.multi_reduction <maximumf>, %min3A, %reduce_max3A [1, 2] : vector<4x32x128xf32> to vector<4xf32>
      %broadcast_in_dim3A_103 = vector.shape_cast %reduce_max3A_102 : vector<4xf32> to vector<4x1x1xf32>
      %eq3A_104 = vector.broadcast %broadcast_in_dim3A_103 : vector<4x1x1xf32> to vector<4x32x128xf32>
      %eq3A_105 = arith.cmpf oeq, %min3A, %eq3A_104 : vector<4x32x128xf32>
      %jit3A = arith.constant 4096 : i32
      %broadcast_in_dim3A_106 = vector.broadcast %jit3A : i32 to vector<4x32x128xi32>
      %select_n3A_107 = arith.select %eq3A_105, %add3A, %broadcast_in_dim3A_106 : vector<4x32x128xi1>, vector<4x32x128xi32>
      %reduce_min3A = arith.constant dense<2147483647> : vector<4xi32>
      %reduce_min3A_108 = vector.multi_reduction <minsi>, %select_n3A_107, %reduce_min3A [1, 2] : vector<4x32x128xi32> to vector<4xi32>
      %broadcast_in_dim3A_109 = vector.shape_cast %reduce_min3A_108 : vector<4xi32> to vector<4x1x1xi32>
      scf.yield %broadcast_in_dim3A_109, %min3A : vector<4x1x1xi32>, vector<4x32x128xf32>
    }
    %scan3A_27 = arith.constant 1024 : i32
    return
  }
}

module attributes {stable_mosaic.version = 14 : i64} {
  func.func @_neighbor_body(%arg0: i32, %arg1: i32, %arg2: memref<1x256x3xf32, #tpu.memory_space<vmem>>, %arg3: memref<1x3x4096xf32, #tpu.memory_space<vmem>>, %arg4: memref<1x256x16xi32, #tpu.memory_space<vmem>>) attributes {dimension_semantics = [#tpu.dimension_semantics<parallel>, #tpu.dimension_semantics<parallel>], iteration_bounds = array<i64: 2, 4>, scalar_prefetch = 0 : i64, scratch_operands = 0 : i64, tpu.core_type = #tpu.core_type<tc>, window_params = [{transform_indices = @transform_0, window_bounds = array<i64: 1, 256, 3>}, {transform_indices = @transform_1, window_bounds = array<i64: 1, 3, 4096>}, {transform_indices = @transform_2, window_bounds = array<i64: 1, 256, 16>}]} {
    %get3A = arith.constant 0 : index
    %get3A_0 = arith.constant 0 : index
    %get3A_1 = arith.constant 0 : index
    %get3A_2 = vector.load %arg2[%get3A, %get3A_0, %get3A_1] : memref<1x256x3xf32, #tpu.memory_space<vmem>>, vector<1x256x3xf32>
    %get3A_3 = vector.shape_cast %get3A_2 : vector<1x256x3xf32> to vector<256x3xf32>
    %get3A_4 = arith.constant 0 : index
    %get3A_5 = arith.constant 0 : index
    %get3A_6 = arith.constant 0 : index
    %get3A_7 = vector.load %arg3[%get3A_4, %get3A_5, %get3A_6] : memref<1x3x4096xf32, #tpu.memory_space<vmem>>, vector<1x3x4096xf32>
    %get3A_8 = vector.shape_cast %get3A_7 : vector<1x3x4096xf32> to vector<3x4096xf32>
    %dot_general3A = arith.constant dense<0.000000e+00> : vector<256x4096xf32>
    %dot_general3A_9 = tpu.matmul %get3A_3, %get3A_8, %dot_general3A {dimension_numbers = #tpu.dot_dimension_numbers<[1], [0], [0], [1], [0, 0, 1, 1], [], []>, transpose_lhs_hint = false} : vector<256x3xf32>, vector<3x4096xf32>, vector<256x4096xf32> -> vector<256x4096xf32>
    %mul3A = arith.mulf %get3A_3, %get3A_3 : vector<256x3xf32>
    %reduce_sum3A = arith.constant dense<0.000000e+00> : vector<256xf32>
    %reduce_sum3A_10 = vector.multi_reduction <add>, %mul3A, %reduce_sum3A [1] : vector<256x3xf32> to vector<256xf32>
    %broadcast_in_dim3A = vector.shape_cast %reduce_sum3A_10 : vector<256xf32> to vector<256x1xf32>
    %mul3A_11 = arith.mulf %get3A_8, %get3A_8 : vector<3x4096xf32>
    %reduce_sum3A_12 = arith.constant dense<0.000000e+00> : vector<4096xf32>
    %reduce_sum3A_13 = vector.multi_reduction <add>, %mul3A_11, %reduce_sum3A_12 [0] : vector<3x4096xf32> to vector<4096xf32>
    %broadcast_in_dim3A_14 = vector.shape_cast %reduce_sum3A_13 : vector<4096xf32> to vector<1x4096xf32>
    %mul3A_15 = arith.constant -2.000000e+00 : f32
    %mul3A_16 = vector.broadcast %mul3A_15 : f32 to vector<256x4096xf32>
    %mul3A_17 = arith.mulf %mul3A_16, %dot_general3A_9 : vector<256x4096xf32>
    %add3A = vector.broadcast %broadcast_in_dim3A : vector<256x1xf32> to vector<256x4096xf32>
    %add3A_18 = arith.addf %mul3A_17, %add3A : vector<256x4096xf32>
    %add3A_19 = vector.broadcast %broadcast_in_dim3A_14 : vector<1x4096xf32> to vector<256x4096xf32>
    %add3A_20 = arith.addf %add3A_18, %add3A_19 : vector<256x4096xf32>
    %iota3A = tpu.iota {dimensions = array<i32: 1>} : vector<256x4096xi32>
    %gt3A = arith.constant 2.560000e-04 : f32
    %gt3A_21 = vector.broadcast %gt3A : f32 to vector<256x4096xf32>
    %gt3A_22 = arith.cmpf ogt, %add3A_20, %gt3A_21 : vector<256x4096xf32>
    %jit3A = arith.constant 4096 : i32
    %broadcast_in_dim3A_23 = vector.broadcast %jit3A : i32 to vector<256x4096xi32>
    %select_n3A = arith.select %gt3A_22, %broadcast_in_dim3A_23, %iota3A : vector<256x4096xi1>, vector<256x4096xi32>
    %reduce_min3A = arith.constant dense<2147483647> : vector<256xi32>
    %reduce_min3A_24 = vector.multi_reduction <minsi>, %select_n3A, %reduce_min3A [1] : vector<256x4096xi32> to vector<256xi32>
    %broadcast_in_dim3A_25 = vector.shape_cast %reduce_min3A_24 : vector<256xi32> to vector<256x1xi32>
    %eq3A = vector.broadcast %broadcast_in_dim3A_25 : vector<256x1xi32> to vector<256x4096xi32>
    %eq3A_26 = arith.cmpi eq, %select_n3A, %eq3A : vector<256x4096xi32>
    %jit3A_27 = arith.constant 4096 : i32
    %broadcast_in_dim3A_28 = vector.broadcast %jit3A_27 : i32 to vector<256x4096xi32>
    %select_n3A_29 = arith.select %eq3A_26, %broadcast_in_dim3A_28, %select_n3A : vector<256x4096xi1>, vector<256x4096xi32>
    %reduce_min3A_30 = arith.constant dense<2147483647> : vector<256xi32>
    %reduce_min3A_31 = vector.multi_reduction <minsi>, %select_n3A_29, %reduce_min3A_30 [1] : vector<256x4096xi32> to vector<256xi32>
    %broadcast_in_dim3A_32 = vector.shape_cast %reduce_min3A_31 : vector<256xi32> to vector<256x1xi32>
    %eq3A_33 = vector.broadcast %broadcast_in_dim3A_32 : vector<256x1xi32> to vector<256x4096xi32>
    %eq3A_34 = arith.cmpi eq, %select_n3A_29, %eq3A_33 : vector<256x4096xi32>
    %jit3A_35 = arith.constant 4096 : i32
    %broadcast_in_dim3A_36 = vector.broadcast %jit3A_35 : i32 to vector<256x4096xi32>
    %select_n3A_37 = arith.select %eq3A_34, %broadcast_in_dim3A_36, %select_n3A_29 : vector<256x4096xi1>, vector<256x4096xi32>
    %reduce_min3A_38 = arith.constant dense<2147483647> : vector<256xi32>
    %reduce_min3A_39 = vector.multi_reduction <minsi>, %select_n3A_37, %reduce_min3A_38 [1] : vector<256x4096xi32> to vector<256xi32>
    %broadcast_in_dim3A_40 = vector.shape_cast %reduce_min3A_39 : vector<256xi32> to vector<256x1xi32>
    %eq3A_41 = vector.broadcast %broadcast_in_dim3A_40 : vector<256x1xi32> to vector<256x4096xi32>
    %eq3A_42 = arith.cmpi eq, %select_n3A_37, %eq3A_41 : vector<256x4096xi32>
    %jit3A_43 = arith.constant 4096 : i32
    %broadcast_in_dim3A_44 = vector.broadcast %jit3A_43 : i32 to vector<256x4096xi32>
    %select_n3A_45 = arith.select %eq3A_42, %broadcast_in_dim3A_44, %select_n3A_37 : vector<256x4096xi1>, vector<256x4096xi32>
    %reduce_min3A_46 = arith.constant dense<2147483647> : vector<256xi32>
    %reduce_min3A_47 = vector.multi_reduction <minsi>, %select_n3A_45, %reduce_min3A_46 [1] : vector<256x4096xi32> to vector<256xi32>
    %broadcast_in_dim3A_48 = vector.shape_cast %reduce_min3A_47 : vector<256xi32> to vector<256x1xi32>
    %eq3A_49 = vector.broadcast %broadcast_in_dim3A_48 : vector<256x1xi32> to vector<256x4096xi32>
    %eq3A_50 = arith.cmpi eq, %select_n3A_45, %eq3A_49 : vector<256x4096xi32>
    %jit3A_51 = arith.constant 4096 : i32
    %broadcast_in_dim3A_52 = vector.broadcast %jit3A_51 : i32 to vector<256x4096xi32>
    %select_n3A_53 = arith.select %eq3A_50, %broadcast_in_dim3A_52, %select_n3A_45 : vector<256x4096xi1>, vector<256x4096xi32>
    %reduce_min3A_54 = arith.constant dense<2147483647> : vector<256xi32>
    %reduce_min3A_55 = vector.multi_reduction <minsi>, %select_n3A_53, %reduce_min3A_54 [1] : vector<256x4096xi32> to vector<256xi32>
    %broadcast_in_dim3A_56 = vector.shape_cast %reduce_min3A_55 : vector<256xi32> to vector<256x1xi32>
    %eq3A_57 = vector.broadcast %broadcast_in_dim3A_56 : vector<256x1xi32> to vector<256x4096xi32>
    %eq3A_58 = arith.cmpi eq, %select_n3A_53, %eq3A_57 : vector<256x4096xi32>
    %jit3A_59 = arith.constant 4096 : i32
    %broadcast_in_dim3A_60 = vector.broadcast %jit3A_59 : i32 to vector<256x4096xi32>
    %select_n3A_61 = arith.select %eq3A_58, %broadcast_in_dim3A_60, %select_n3A_53 : vector<256x4096xi1>, vector<256x4096xi32>
    %reduce_min3A_62 = arith.constant dense<2147483647> : vector<256xi32>
    %reduce_min3A_63 = vector.multi_reduction <minsi>, %select_n3A_61, %reduce_min3A_62 [1] : vector<256x4096xi32> to vector<256xi32>
    %broadcast_in_dim3A_64 = vector.shape_cast %reduce_min3A_63 : vector<256xi32> to vector<256x1xi32>
    %eq3A_65 = vector.broadcast %broadcast_in_dim3A_64 : vector<256x1xi32> to vector<256x4096xi32>
    %eq3A_66 = arith.cmpi eq, %select_n3A_61, %eq3A_65 : vector<256x4096xi32>
    %jit3A_67 = arith.constant 4096 : i32
    %broadcast_in_dim3A_68 = vector.broadcast %jit3A_67 : i32 to vector<256x4096xi32>
    %select_n3A_69 = arith.select %eq3A_66, %broadcast_in_dim3A_68, %select_n3A_61 : vector<256x4096xi1>, vector<256x4096xi32>
    %reduce_min3A_70 = arith.constant dense<2147483647> : vector<256xi32>
    %reduce_min3A_71 = vector.multi_reduction <minsi>, %select_n3A_69, %reduce_min3A_70 [1] : vector<256x4096xi32> to vector<256xi32>
    %broadcast_in_dim3A_72 = vector.shape_cast %reduce_min3A_71 : vector<256xi32> to vector<256x1xi32>
    %eq3A_73 = vector.broadcast %broadcast_in_dim3A_72 : vector<256x1xi32> to vector<256x4096xi32>
    %eq3A_74 = arith.cmpi eq, %select_n3A_69, %eq3A_73 : vector<256x4096xi32>
    %jit3A_75 = arith.constant 4096 : i32
    %broadcast_in_dim3A_76 = vector.broadcast %jit3A_75 : i32 to vector<256x4096xi32>
    %select_n3A_77 = arith.select %eq3A_74, %broadcast_in_dim3A_76, %select_n3A_69 : vector<256x4096xi1>, vector<256x4096xi32>
    %reduce_min3A_78 = arith.constant dense<2147483647> : vector<256xi32>
    %reduce_min3A_79 = vector.multi_reduction <minsi>, %select_n3A_77, %reduce_min3A_78 [1] : vector<256x4096xi32> to vector<256xi32>
    %broadcast_in_dim3A_80 = vector.shape_cast %reduce_min3A_79 : vector<256xi32> to vector<256x1xi32>
    %eq3A_81 = vector.broadcast %broadcast_in_dim3A_80 : vector<256x1xi32> to vector<256x4096xi32>
    %eq3A_82 = arith.cmpi eq, %select_n3A_77, %eq3A_81 : vector<256x4096xi32>
    %jit3A_83 = arith.constant 4096 : i32
    %broadcast_in_dim3A_84 = vector.broadcast %jit3A_83 : i32 to vector<256x4096xi32>
    %select_n3A_85 = arith.select %eq3A_82, %broadcast_in_dim3A_84, %select_n3A_77 : vector<256x4096xi1>, vector<256x4096xi32>
    %reduce_min3A_86 = arith.constant dense<2147483647> : vector<256xi32>
    %reduce_min3A_87 = vector.multi_reduction <minsi>, %select_n3A_85, %reduce_min3A_86 [1] : vector<256x4096xi32> to vector<256xi32>
    %broadcast_in_dim3A_88 = vector.shape_cast %reduce_min3A_87 : vector<256xi32> to vector<256x1xi32>
    %eq3A_89 = vector.broadcast %broadcast_in_dim3A_88 : vector<256x1xi32> to vector<256x4096xi32>
    %eq3A_90 = arith.cmpi eq, %select_n3A_85, %eq3A_89 : vector<256x4096xi32>
    %jit3A_91 = arith.constant 4096 : i32
    %broadcast_in_dim3A_92 = vector.broadcast %jit3A_91 : i32 to vector<256x4096xi32>
    %select_n3A_93 = arith.select %eq3A_90, %broadcast_in_dim3A_92, %select_n3A_85 : vector<256x4096xi1>, vector<256x4096xi32>
    %reduce_min3A_94 = arith.constant dense<2147483647> : vector<256xi32>
    %reduce_min3A_95 = vector.multi_reduction <minsi>, %select_n3A_93, %reduce_min3A_94 [1] : vector<256x4096xi32> to vector<256xi32>
    %broadcast_in_dim3A_96 = vector.shape_cast %reduce_min3A_95 : vector<256xi32> to vector<256x1xi32>
    %eq3A_97 = vector.broadcast %broadcast_in_dim3A_96 : vector<256x1xi32> to vector<256x4096xi32>
    %eq3A_98 = arith.cmpi eq, %select_n3A_93, %eq3A_97 : vector<256x4096xi32>
    %jit3A_99 = arith.constant 4096 : i32
    %broadcast_in_dim3A_100 = vector.broadcast %jit3A_99 : i32 to vector<256x4096xi32>
    %select_n3A_101 = arith.select %eq3A_98, %broadcast_in_dim3A_100, %select_n3A_93 : vector<256x4096xi1>, vector<256x4096xi32>
    %reduce_min3A_102 = arith.constant dense<2147483647> : vector<256xi32>
    %reduce_min3A_103 = vector.multi_reduction <minsi>, %select_n3A_101, %reduce_min3A_102 [1] : vector<256x4096xi32> to vector<256xi32>
    %broadcast_in_dim3A_104 = vector.shape_cast %reduce_min3A_103 : vector<256xi32> to vector<256x1xi32>
    %eq3A_105 = vector.broadcast %broadcast_in_dim3A_104 : vector<256x1xi32> to vector<256x4096xi32>
    %eq3A_106 = arith.cmpi eq, %select_n3A_101, %eq3A_105 : vector<256x4096xi32>
    %jit3A_107 = arith.constant 4096 : i32
    %broadcast_in_dim3A_108 = vector.broadcast %jit3A_107 : i32 to vector<256x4096xi32>
    %select_n3A_109 = arith.select %eq3A_106, %broadcast_in_dim3A_108, %select_n3A_101 : vector<256x4096xi1>, vector<256x4096xi32>
    %reduce_min3A_110 = arith.constant dense<2147483647> : vector<256xi32>
    %reduce_min3A_111 = vector.multi_reduction <minsi>, %select_n3A_109, %reduce_min3A_110 [1] : vector<256x4096xi32> to vector<256xi32>
    %broadcast_in_dim3A_112 = vector.shape_cast %reduce_min3A_111 : vector<256xi32> to vector<256x1xi32>
    %eq3A_113 = vector.broadcast %broadcast_in_dim3A_112 : vector<256x1xi32> to vector<256x4096xi32>
    %eq3A_114 = arith.cmpi eq, %select_n3A_109, %eq3A_113 : vector<256x4096xi32>
    %jit3A_115 = arith.constant 4096 : i32
    %broadcast_in_dim3A_116 = vector.broadcast %jit3A_115 : i32 to vector<256x4096xi32>
    %select_n3A_117 = arith.select %eq3A_114, %broadcast_in_dim3A_116, %select_n3A_109 : vector<256x4096xi1>, vector<256x4096xi32>
    %reduce_min3A_118 = arith.constant dense<2147483647> : vector<256xi32>
    %reduce_min3A_119 = vector.multi_reduction <minsi>, %select_n3A_117, %reduce_min3A_118 [1] : vector<256x4096xi32> to vector<256xi32>
    %broadcast_in_dim3A_120 = vector.shape_cast %reduce_min3A_119 : vector<256xi32> to vector<256x1xi32>
    %eq3A_121 = vector.broadcast %broadcast_in_dim3A_120 : vector<256x1xi32> to vector<256x4096xi32>
    %eq3A_122 = arith.cmpi eq, %select_n3A_117, %eq3A_121 : vector<256x4096xi32>
    %jit3A_123 = arith.constant 4096 : i32
    %broadcast_in_dim3A_124 = vector.broadcast %jit3A_123 : i32 to vector<256x4096xi32>
    %select_n3A_125 = arith.select %eq3A_122, %broadcast_in_dim3A_124, %select_n3A_117 : vector<256x4096xi1>, vector<256x4096xi32>
    %reduce_min3A_126 = arith.constant dense<2147483647> : vector<256xi32>
    %reduce_min3A_127 = vector.multi_reduction <minsi>, %select_n3A_125, %reduce_min3A_126 [1] : vector<256x4096xi32> to vector<256xi32>
    %broadcast_in_dim3A_128 = vector.shape_cast %reduce_min3A_127 : vector<256xi32> to vector<256x1xi32>
    %eq3A_129 = vector.broadcast %broadcast_in_dim3A_128 : vector<256x1xi32> to vector<256x4096xi32>
    %eq3A_130 = arith.cmpi eq, %select_n3A_125, %eq3A_129 : vector<256x4096xi32>
    %jit3A_131 = arith.constant 4096 : i32
    %broadcast_in_dim3A_132 = vector.broadcast %jit3A_131 : i32 to vector<256x4096xi32>
    %select_n3A_133 = arith.select %eq3A_130, %broadcast_in_dim3A_132, %select_n3A_125 : vector<256x4096xi1>, vector<256x4096xi32>
    %reduce_min3A_134 = arith.constant dense<2147483647> : vector<256xi32>
    %reduce_min3A_135 = vector.multi_reduction <minsi>, %select_n3A_133, %reduce_min3A_134 [1] : vector<256x4096xi32> to vector<256xi32>
    %broadcast_in_dim3A_136 = vector.shape_cast %reduce_min3A_135 : vector<256xi32> to vector<256x1xi32>
    %eq3A_137 = vector.broadcast %broadcast_in_dim3A_136 : vector<256x1xi32> to vector<256x4096xi32>
    %eq3A_138 = arith.cmpi eq, %select_n3A_133, %eq3A_137 : vector<256x4096xi32>
    %jit3A_139 = arith.constant 4096 : i32
    %broadcast_in_dim3A_140 = vector.broadcast %jit3A_139 : i32 to vector<256x4096xi32>
    %select_n3A_141 = arith.select %eq3A_138, %broadcast_in_dim3A_140, %select_n3A_133 : vector<256x4096xi1>, vector<256x4096xi32>
    %reduce_min3A_142 = arith.constant dense<2147483647> : vector<256xi32>
    %reduce_min3A_143 = vector.multi_reduction <minsi>, %select_n3A_141, %reduce_min3A_142 [1] : vector<256x4096xi32> to vector<256xi32>
    %broadcast_in_dim3A_144 = vector.shape_cast %reduce_min3A_143 : vector<256xi32> to vector<256x1xi32>
    %eq3A_145 = arith.constant 4096 : i32
    %eq3A_146 = vector.broadcast %eq3A_145 : i32 to vector<256x1xi32>
    %eq3A_147 = arith.cmpi eq, %broadcast_in_dim3A_25, %eq3A_146 : vector<256x1xi32>
    %select_n3A_148 = arith.select %eq3A_147, %broadcast_in_dim3A_25, %broadcast_in_dim3A_25 : vector<256x1xi1>, vector<256x1xi32>
    %eq3A_149 = arith.constant 4096 : i32
    %eq3A_150 = vector.broadcast %eq3A_149 : i32 to vector<256x1xi32>
    %eq3A_151 = arith.cmpi eq, %broadcast_in_dim3A_32, %eq3A_150 : vector<256x1xi32>
    %select_n3A_152 = arith.select %eq3A_151, %broadcast_in_dim3A_25, %broadcast_in_dim3A_32 : vector<256x1xi1>, vector<256x1xi32>
    %eq3A_153 = arith.constant 4096 : i32
    %eq3A_154 = vector.broadcast %eq3A_153 : i32 to vector<256x1xi32>
    %eq3A_155 = arith.cmpi eq, %broadcast_in_dim3A_40, %eq3A_154 : vector<256x1xi32>
    %select_n3A_156 = arith.select %eq3A_155, %broadcast_in_dim3A_25, %broadcast_in_dim3A_40 : vector<256x1xi1>, vector<256x1xi32>
    %eq3A_157 = arith.constant 4096 : i32
    %eq3A_158 = vector.broadcast %eq3A_157 : i32 to vector<256x1xi32>
    %eq3A_159 = arith.cmpi eq, %broadcast_in_dim3A_48, %eq3A_158 : vector<256x1xi32>
    %select_n3A_160 = arith.select %eq3A_159, %broadcast_in_dim3A_25, %broadcast_in_dim3A_48 : vector<256x1xi1>, vector<256x1xi32>
    %eq3A_161 = arith.constant 4096 : i32
    %eq3A_162 = vector.broadcast %eq3A_161 : i32 to vector<256x1xi32>
    %eq3A_163 = arith.cmpi eq, %broadcast_in_dim3A_56, %eq3A_162 : vector<256x1xi32>
    %select_n3A_164 = arith.select %eq3A_163, %broadcast_in_dim3A_25, %broadcast_in_dim3A_56 : vector<256x1xi1>, vector<256x1xi32>
    %eq3A_165 = arith.constant 4096 : i32
    %eq3A_166 = vector.broadcast %eq3A_165 : i32 to vector<256x1xi32>
    %eq3A_167 = arith.cmpi eq, %broadcast_in_dim3A_64, %eq3A_166 : vector<256x1xi32>
    %select_n3A_168 = arith.select %eq3A_167, %broadcast_in_dim3A_25, %broadcast_in_dim3A_64 : vector<256x1xi1>, vector<256x1xi32>
    %eq3A_169 = arith.constant 4096 : i32
    %eq3A_170 = vector.broadcast %eq3A_169 : i32 to vector<256x1xi32>
    %eq3A_171 = arith.cmpi eq, %broadcast_in_dim3A_72, %eq3A_170 : vector<256x1xi32>
    %select_n3A_172 = arith.select %eq3A_171, %broadcast_in_dim3A_25, %broadcast_in_dim3A_72 : vector<256x1xi1>, vector<256x1xi32>
    %eq3A_173 = arith.constant 4096 : i32
    %eq3A_174 = vector.broadcast %eq3A_173 : i32 to vector<256x1xi32>
    %eq3A_175 = arith.cmpi eq, %broadcast_in_dim3A_80, %eq3A_174 : vector<256x1xi32>
    %select_n3A_176 = arith.select %eq3A_175, %broadcast_in_dim3A_25, %broadcast_in_dim3A_80 : vector<256x1xi1>, vector<256x1xi32>
    %eq3A_177 = arith.constant 4096 : i32
    %eq3A_178 = vector.broadcast %eq3A_177 : i32 to vector<256x1xi32>
    %eq3A_179 = arith.cmpi eq, %broadcast_in_dim3A_88, %eq3A_178 : vector<256x1xi32>
    %select_n3A_180 = arith.select %eq3A_179, %broadcast_in_dim3A_25, %broadcast_in_dim3A_88 : vector<256x1xi1>, vector<256x1xi32>
    %eq3A_181 = arith.constant 4096 : i32
    %eq3A_182 = vector.broadcast %eq3A_181 : i32 to vector<256x1xi32>
    %eq3A_183 = arith.cmpi eq, %broadcast_in_dim3A_96, %eq3A_182 : vector<256x1xi32>
    %select_n3A_184 = arith.select %eq3A_183, %broadcast_in_dim3A_25, %broadcast_in_dim3A_96 : vector<256x1xi1>, vector<256x1xi32>
    %eq3A_185 = arith.constant 4096 : i32
    %eq3A_186 = vector.broadcast %eq3A_185 : i32 to vector<256x1xi32>
    %eq3A_187 = arith.cmpi eq, %broadcast_in_dim3A_104, %eq3A_186 : vector<256x1xi32>
    %select_n3A_188 = arith.select %eq3A_187, %broadcast_in_dim3A_25, %broadcast_in_dim3A_104 : vector<256x1xi1>, vector<256x1xi32>
    %eq3A_189 = arith.constant 4096 : i32
    %eq3A_190 = vector.broadcast %eq3A_189 : i32 to vector<256x1xi32>
    %eq3A_191 = arith.cmpi eq, %broadcast_in_dim3A_112, %eq3A_190 : vector<256x1xi32>
    %select_n3A_192 = arith.select %eq3A_191, %broadcast_in_dim3A_25, %broadcast_in_dim3A_112 : vector<256x1xi1>, vector<256x1xi32>
    %eq3A_193 = arith.constant 4096 : i32
    %eq3A_194 = vector.broadcast %eq3A_193 : i32 to vector<256x1xi32>
    %eq3A_195 = arith.cmpi eq, %broadcast_in_dim3A_120, %eq3A_194 : vector<256x1xi32>
    %select_n3A_196 = arith.select %eq3A_195, %broadcast_in_dim3A_25, %broadcast_in_dim3A_120 : vector<256x1xi1>, vector<256x1xi32>
    %eq3A_197 = arith.constant 4096 : i32
    %eq3A_198 = vector.broadcast %eq3A_197 : i32 to vector<256x1xi32>
    %eq3A_199 = arith.cmpi eq, %broadcast_in_dim3A_128, %eq3A_198 : vector<256x1xi32>
    %select_n3A_200 = arith.select %eq3A_199, %broadcast_in_dim3A_25, %broadcast_in_dim3A_128 : vector<256x1xi1>, vector<256x1xi32>
    %eq3A_201 = arith.constant 4096 : i32
    %eq3A_202 = vector.broadcast %eq3A_201 : i32 to vector<256x1xi32>
    %eq3A_203 = arith.cmpi eq, %broadcast_in_dim3A_136, %eq3A_202 : vector<256x1xi32>
    %select_n3A_204 = arith.select %eq3A_203, %broadcast_in_dim3A_25, %broadcast_in_dim3A_136 : vector<256x1xi1>, vector<256x1xi32>
    %eq3A_205 = arith.constant 4096 : i32
    %eq3A_206 = vector.broadcast %eq3A_205 : i32 to vector<256x1xi32>
    %eq3A_207 = arith.cmpi eq, %broadcast_in_dim3A_144, %eq3A_206 : vector<256x1xi32>
    %select_n3A_208 = arith.select %eq3A_207, %broadcast_in_dim3A_25, %broadcast_in_dim3A_144 : vector<256x1xi1>, vector<256x1xi32>
    %concatenate3A = tpu.concatenate %select_n3A_148, %select_n3A_152, %select_n3A_156, %select_n3A_160, %select_n3A_164, %select_n3A_168, %select_n3A_172, %select_n3A_176, %select_n3A_180, %select_n3A_184, %select_n3A_188, %select_n3A_192, %select_n3A_196, %select_n3A_200, %select_n3A_204, %select_n3A_208 in 1 : vector<256x1xi32>, vector<256x1xi32>, vector<256x1xi32>, vector<256x1xi32>, vector<256x1xi32>, vector<256x1xi32>, vector<256x1xi32>, vector<256x1xi32>, vector<256x1xi32>, vector<256x1xi32>, vector<256x1xi32>, vector<256x1xi32>, vector<256x1xi32>, vector<256x1xi32>, vector<256x1xi32>, vector<256x1xi32> -> vector<256x16xi32>
    %min3A = arith.constant 4095 : i32
    %min3A_209 = vector.broadcast %min3A : i32 to vector<256x16xi32>
    %min3A_210 = arith.minsi %concatenate3A, %min3A_209 : vector<256x16xi32>
    %mul3A_211 = arith.constant 4096 : i32
    %mul3A_212 = arith.muli %arg0, %mul3A_211 : i32
    %add3A_213 = vector.broadcast %mul3A_212 : i32 to vector<256x16xi32>
    %add3A_214 = arith.addi %min3A_210, %add3A_213 : vector<256x16xi32>
    %swap3A = arith.constant 0 : index
    %swap3A_215 = arith.constant 0 : index
    %swap3A_216 = arith.constant 0 : index
    %swap3A_217 = vector.load %arg4[%swap3A, %swap3A_215, %swap3A_216] : memref<1x256x16xi32, #tpu.memory_space<vmem>>, vector<1x256x16xi32>
    %swap3A_218 = vector.shape_cast %swap3A_217 : vector<1x256x16xi32> to vector<256x16xi32>
    %swap3A_219 = vector.shape_cast %add3A_214 : vector<256x16xi32> to vector<1x256x16xi32>
    tpu.vector_store %arg4[%swap3A, %swap3A_215, %swap3A_216], %swap3A_219 {strides = array<i32>} : memref<1x256x16xi32, #tpu.memory_space<vmem>>, vector<1x256x16xi32>,
    return
  }
  func.func @transform_0(%arg0: i32, %arg1: i32) -> (i32, i32, i32) {
    %c0_i32 = arith.constant 0 : i32
    %c0_i32_0 = arith.constant 0 : i32
    return %arg0, %arg1, %c0_i32 : i32, i32, i32
  }
  func.func @transform_1(%arg0: i32, %arg1: i32) -> (i32, i32, i32) {
    %c0_i32 = arith.constant 0 : i32
    %c0_i32_0 = arith.constant 0 : i32
    %c0_i32_1 = arith.constant 0 : i32
    return %arg0, %c0_i32, %c0_i32_0 : i32, i32, i32
  }
  func.func @transform_2(%arg0: i32, %arg1: i32) -> (i32, i32, i32) {
    %c0_i32 = arith.constant 0 : i32
    %c0_i32_0 = arith.constant 0 : i32
    return %arg0, %arg1, %c0_i32 : i32, i32, i32
  }
}

module attributes {stable_mosaic.version = 14 : i64} {
  func.func @_grouped_lin_body(%arg0: i32, %arg1: memref<256x16x128xf32, #tpu.memory_space<vmem>>, %arg2: memref<256x128xf32, #tpu.memory_space<vmem>>, %arg3: memref<16x128xf32, #tpu.memory_space<vmem>>, %arg4: memref<256x16x16xf32, #tpu.memory_space<vmem>>, %arg5: memref<2x16xf32, #tpu.memory_space<vmem>>) attributes {dimension_semantics = [#tpu.dimension_semantics<arbitrary>], iteration_bounds = array<i64: 32>, scalar_prefetch = 0 : i64, scratch_operands = 0 : i64, tpu.core_type = #tpu.core_type<tc>, window_params = [{transform_indices = @transform_0, window_bounds = array<i64: 256, 16, 128>}, {transform_indices = @transform_1, window_bounds = array<i64: 256, 128>}, {pipeline_mode = #tpu.pipeline_mode<synchronous>, transform_indices = @transform_2, window_bounds = array<i64: 16, 128>}, {transform_indices = @transform_3, window_bounds = array<i64: 256, 16, 16>}, {pipeline_mode = #tpu.pipeline_mode<synchronous>, transform_indices = @transform_4, window_bounds = array<i64: 2, 16>}]} {
    %get3A = arith.constant 0 : index
    %get3A_0 = arith.constant 0 : index
    %get3A_1 = arith.constant 0 : index
    %get3A_2 = vector.load %arg1[%get3A, %get3A_0, %get3A_1] : memref<256x16x128xf32, #tpu.memory_space<vmem>>, vector<256x16x128xf32>
    %get3A_3 = arith.constant 0 : index
    %get3A_4 = arith.constant 0 : index
    %get3A_5 = vector.load %arg2[%get3A_3, %get3A_4] : memref<256x128xf32, #tpu.memory_space<vmem>>, vector<256x128xf32>
    %broadcast_in_dim3A = vector.shape_cast %get3A_5 : vector<256x128xf32> to vector<256x1x128xf32>
    %sub3A = vector.broadcast %broadcast_in_dim3A : vector<256x1x128xf32> to vector<256x16x128xf32>
    %sub3A_6 = arith.subf %get3A_2, %sub3A : vector<256x16x128xf32>
    %reshape3A = vector.shape_cast %sub3A_6 : vector<256x16x128xf32> to vector<4096x128xf32>
    %get3A_7 = arith.constant 0 : index
    %get3A_8 = arith.constant 0 : index
    %get3A_9 = vector.load %arg3[%get3A_7, %get3A_8] : memref<16x128xf32, #tpu.memory_space<vmem>>, vector<16x128xf32>
    %dot_general3A = arith.constant dense<0.000000e+00> : vector<4096x16xf32>
    %dot_general3A_10 = tpu.matmul %reshape3A, %get3A_9, %dot_general3A {dimension_numbers = #tpu.dot_dimension_numbers<[1], [1], [0], [0], [0, 0, 1, 0], [], []>, transpose_lhs_hint = false} : vector<4096x128xf32>, vector<16x128xf32>, vector<4096x16xf32> -> vector<4096x16xf32>
    %reshape3A_11 = vector.shape_cast %dot_general3A_10 : vector<4096x16xf32> to vector<256x16x16xf32>
    %swap3A = arith.constant 0 : index
    %swap3A_12 = arith.constant 0 : index
    %swap3A_13 = arith.constant 0 : index
    %swap3A_14 = vector.load %arg4[%swap3A, %swap3A_12, %swap3A_13] : memref<256x16x16xf32, #tpu.memory_space<vmem>>, vector<256x16x16xf32>
    tpu.vector_store %arg4[%swap3A, %swap3A_12, %swap3A_13], %reshape3A_11 {strides = array<i32>} : memref<256x16x16xf32, #tpu.memory_space<vmem>>, vector<256x16x16xf32>,
    %reduce_sum3A = arith.constant dense<0.000000e+00> : vector<16xf32>
    %reduce_sum3A_15 = vector.multi_reduction <add>, %dot_general3A_10, %reduce_sum3A [0] : vector<4096x16xf32> to vector<16xf32>
    %broadcast_in_dim3A_16 = vector.shape_cast %reduce_sum3A_15 : vector<16xf32> to vector<1x16xf32>
    %mul3A = arith.mulf %dot_general3A_10, %dot_general3A_10 : vector<4096x16xf32>
    %reduce_sum3A_17 = arith.constant dense<0.000000e+00> : vector<16xf32>
    %reduce_sum3A_18 = vector.multi_reduction <add>, %mul3A, %reduce_sum3A_17 [0] : vector<4096x16xf32> to vector<16xf32>
    %broadcast_in_dim3A_19 = vector.shape_cast %reduce_sum3A_18 : vector<16xf32> to vector<1x16xf32>
    %eq3A = arith.constant 0 : i32
    %eq3A_20 = arith.cmpi eq, %arg0, %eq3A : i32
    %convert_element_type3A = arith.extui %eq3A_20 : i1 to i32
    %cond3A = arith.constant 0 : i32
    %cond3A_21 = arith.cmpi ne, %convert_element_type3A, %cond3A : i32
    scf.if %cond3A_21 {
      %broadcast_in_dim3A_28 = arith.constant 0.000000e+00 : f32
      %broadcast_in_dim3A_29 = vector.broadcast %broadcast_in_dim3A_28 : f32 to vector<2x16xf32>
      %swap3A_30 = arith.constant 0 : index
      %swap3A_31 = arith.constant 0 : index
      %swap3A_32 = vector.load %arg5[%swap3A_30, %swap3A_31] : memref<2x16xf32, #tpu.memory_space<vmem>>, vector<2x16xf32>
      tpu.vector_store %arg5[%swap3A_30, %swap3A_31], %broadcast_in_dim3A_29 {strides = array<i32>} : memref<2x16xf32, #tpu.memory_space<vmem>>, vector<2x16xf32>,
    } else {
    }
    %get3A_22 = arith.constant 0 : index
    %get3A_23 = arith.constant 0 : index
    %get3A_24 = vector.load %arg5[%get3A_22, %get3A_23] : memref<2x16xf32, #tpu.memory_space<vmem>>, vector<2x16xf32>
    %concatenate3A = tpu.concatenate %broadcast_in_dim3A_16, %broadcast_in_dim3A_19 in 0 : vector<1x16xf32>, vector<1x16xf32> -> vector<2x16xf32>
    %add3A = arith.addf %get3A_24, %concatenate3A : vector<2x16xf32>
    %swap3A_25 = arith.constant 0 : index
    %swap3A_26 = arith.constant 0 : index
    %swap3A_27 = vector.load %arg5[%swap3A_25, %swap3A_26] : memref<2x16xf32, #tpu.memory_space<vmem>>, vector<2x16xf32>
    tpu.vector_store %arg5[%swap3A_25, %swap3A_26], %add3A {strides = array<i32>} : memref<2x16xf32, #tpu.memory_space<vmem>>, vector<2x16xf32>,
    return
  }
  func.func @transform_0(%arg0: i32) -> (i32, i32, i32) {
    %c0_i32 = arith.constant 0 : i32
    %c0_i32_0 = arith.constant 0 : i32
    %c0_i32_1 = arith.constant 0 : i32
    return %arg0, %c0_i32, %c0_i32_0 : i32, i32, i32
  }
  func.func @transform_1(%arg0: i32) -> (i32, i32) {
    %c0_i32 = arith.constant 0 : i32
    %c0_i32_0 = arith.constant 0 : i32
    return %arg0, %c0_i32 : i32, i32
  }
  func.func @transform_2(%arg0: i32) -> (i32, i32) {
    %c0_i32 = arith.constant 0 : i32
    %c0_i32_0 = arith.constant 0 : i32
    %c0_i32_1 = arith.constant 0 : i32
    return %c0_i32, %c0_i32_0 : i32, i32
  }
  func.func @transform_3(%arg0: i32) -> (i32, i32, i32) {
    %c0_i32 = arith.constant 0 : i32
    %c0_i32_0 = arith.constant 0 : i32
    %c0_i32_1 = arith.constant 0 : i32
    return %arg0, %c0_i32, %c0_i32_0 : i32, i32, i32
  }
  func.func @transform_4(%arg0: i32) -> (i32, i32) {
    %c0_i32 = arith.constant 0 : i32
    %c0_i32_0 = arith.constant 0 : i32
    %c0_i32_1 = arith.constant 0 : i32
    return %c0_i32, %c0_i32_0 : i32, i32
  }
}

module attributes {stable_mosaic.version = 14 : i64} {
  func.func @_norm_lin_body(%arg0: i32, %arg1: memref<256x16x16xf32, #tpu.memory_space<vmem>>, %arg2: memref<2x16xf32, #tpu.memory_space<vmem>>, %arg3: memref<1x16xf32, #tpu.memory_space<vmem>>, %arg4: memref<1x16xf32, #tpu.memory_space<vmem>>, %arg5: memref<32x16xf32, #tpu.memory_space<vmem>>, %arg6: memref<256x16x32xf32, #tpu.memory_space<vmem>>, %arg7: memref<2x32xf32, #tpu.memory_space<vmem>>) attributes {dimension_semantics = [#tpu.dimension_semantics<arbitrary>], iteration_bounds = array<i64: 32>, scalar_prefetch = 0 : i64, scratch_operands = 0 : i64, tpu.core_type = #tpu.core_type<tc>, window_params = [{transform_indices = @transform_0, window_bounds = array<i64: 256, 16, 16>}, {pipeline_mode = #tpu.pipeline_mode<synchronous>, transform_indices = @transform_1, window_bounds = array<i64: 2, 16>}, {pipeline_mode = #tpu.pipeline_mode<synchronous>, transform_indices = @transform_2, window_bounds = array<i64: 1, 16>}, {pipeline_mode = #tpu.pipeline_mode<synchronous>, transform_indices = @transform_3, window_bounds = array<i64: 1, 16>}, {pipeline_mode = #tpu.pipeline_mode<synchronous>, transform_indices = @transform_4, window_bounds = array<i64: 32, 16>}, {transform_indices = @transform_5, window_bounds = array<i64: 256, 16, 32>}, {pipeline_mode = #tpu.pipeline_mode<synchronous>, transform_indices = @transform_6, window_bounds = array<i64: 2, 32>}]} {
    %get3A = arith.constant 0 : index
    %get3A_0 = arith.constant 0 : index
    %get3A_1 = arith.constant 0 : index
    %get3A_2 = vector.load %arg1[%get3A, %get3A_0, %get3A_1] : memref<256x16x16xf32, #tpu.memory_space<vmem>>, vector<256x16x16xf32>
    %get3A_3 = arith.constant 0 : index
    %get3A_4 = arith.constant 0 : index
    %get3A_5 = vector.load %arg2[%get3A_3, %get3A_4] : memref<2x16xf32, #tpu.memory_space<vmem>>, vector<2x16xf32>
    %get3A_6 = arith.constant 0 : index
    %get3A_7 = arith.constant 0 : index
    %get3A_8 = vector.load %arg3[%get3A_6, %get3A_7] : memref<1x16xf32, #tpu.memory_space<vmem>>, vector<1x16xf32>
    %get3A_9 = arith.constant 0 : index
    %get3A_10 = arith.constant 0 : index
    %get3A_11 = vector.load %arg4[%get3A_9, %get3A_10] : memref<1x16xf32, #tpu.memory_space<vmem>>, vector<1x16xf32>
    %slice3A = vector.extract_strided_slice %get3A_5 {offsets = [0, 0], sizes = [1, 16], strides = [1, 1]} : vector<2x16xf32> to vector<1x16xf32>
    %div3A = arith.constant 1.310720e+05 : f32
    %div3A_12 = vector.broadcast %div3A : f32 to vector<1x16xf32>
    %div3A_13 = arith.divf %slice3A, %div3A_12 : vector<1x16xf32>
    %reshape3A = vector.shape_cast %div3A_13 : vector<1x16xf32> to vector<1x1x16xf32>
    %slice3A_14 = vector.extract_strided_slice %get3A_5 {offsets = [1, 0], sizes = [1, 16], strides = [1, 1]} : vector<2x16xf32> to vector<1x16xf32>
    %div3A_15 = arith.constant 1.310720e+05 : f32
    %div3A_16 = vector.broadcast %div3A_15 : f32 to vector<1x16xf32>
    %div3A_17 = arith.divf %slice3A_14, %div3A_16 : vector<1x16xf32>
    %reshape3A_18 = vector.shape_cast %div3A_17 : vector<1x16xf32> to vector<1x1x16xf32>
    %mul3A = arith.mulf %reshape3A, %reshape3A : vector<1x1x16xf32>
    %sub3A = arith.subf %reshape3A_18, %mul3A : vector<1x1x16xf32>
    %reshape3A_19 = vector.shape_cast %get3A_8 : vector<1x16xf32> to vector<1x1x16xf32>
    %sub3A_20 = vector.broadcast %reshape3A : vector<1x1x16xf32> to vector<256x16x16xf32>
    %sub3A_21 = arith.subf %get3A_2, %sub3A_20 : vector<256x16x16xf32>
    %mul3A_22 = vector.broadcast %reshape3A_19 : vector<1x1x16xf32> to vector<256x16x16xf32>
    %mul3A_23 = arith.mulf %mul3A_22, %sub3A_21 : vector<256x16x16xf32>
    %add3A = arith.constant 9.99999974E-6 : f32
    %add3A_24 = vector.broadcast %add3A : f32 to vector<1x1x16xf32>
    %add3A_25 = arith.addf %sub3A, %add3A_24 : vector<1x1x16xf32>
    %sqrt3A = math.sqrt %add3A_25 : vector<1x1x16xf32>
    %div3A_26 = vector.broadcast %sqrt3A : vector<1x1x16xf32> to vector<256x16x16xf32>
    %div3A_27 = arith.divf %mul3A_23, %div3A_26 : vector<256x16x16xf32>
    %reshape3A_28 = vector.shape_cast %get3A_11 : vector<1x16xf32> to vector<1x1x16xf32>
    %add3A_29 = vector.broadcast %reshape3A_28 : vector<1x1x16xf32> to vector<256x16x16xf32>
    %add3A_30 = arith.addf %div3A_27, %add3A_29 : vector<256x16x16xf32>
    %max3A = arith.constant 0.000000e+00 : f32
    %max3A_31 = vector.broadcast %max3A : f32 to vector<256x16x16xf32>
    %max3A_32 = arith.maximumf %add3A_30, %max3A_31 : vector<256x16x16xf32>
    %reshape3A_33 = vector.shape_cast %max3A_32 : vector<256x16x16xf32> to vector<4096x16xf32>
    %get3A_34 = arith.constant 0 : index
    %get3A_35 = arith.constant 0 : index
    %get3A_36 = vector.load %arg5[%get3A_34, %get3A_35] : memref<32x16xf32, #tpu.memory_space<vmem>>, vector<32x16xf32>
    %dot_general3A = arith.constant dense<0.000000e+00> : vector<4096x32xf32>
    %dot_general3A_37 = tpu.matmul %reshape3A_33, %get3A_36, %dot_general3A {dimension_numbers = #tpu.dot_dimension_numbers<[1], [1], [0], [0], [0, 0, 1, 0], [], []>, transpose_lhs_hint = false} : vector<4096x16xf32>, vector<32x16xf32>, vector<4096x32xf32> -> vector<4096x32xf32>
    %reshape3A_38 = vector.shape_cast %dot_general3A_37 : vector<4096x32xf32> to vector<256x16x32xf32>
    %swap3A = arith.constant 0 : index
    %swap3A_39 = arith.constant 0 : index
    %swap3A_40 = arith.constant 0 : index
    %swap3A_41 = vector.load %arg6[%swap3A, %swap3A_39, %swap3A_40] : memref<256x16x32xf32, #tpu.memory_space<vmem>>, vector<256x16x32xf32>
    tpu.vector_store %arg6[%swap3A, %swap3A_39, %swap3A_40], %reshape3A_38 {strides = array<i32>} : memref<256x16x32xf32, #tpu.memory_space<vmem>>, vector<256x16x32xf32>,
    %reduce_sum3A = arith.constant dense<0.000000e+00> : vector<32xf32>
    %reduce_sum3A_42 = vector.multi_reduction <add>, %dot_general3A_37, %reduce_sum3A [0] : vector<4096x32xf32> to vector<32xf32>
    %broadcast_in_dim3A = vector.shape_cast %reduce_sum3A_42 : vector<32xf32> to vector<1x32xf32>
    %mul3A_43 = arith.mulf %dot_general3A_37, %dot_general3A_37 : vector<4096x32xf32>
    %reduce_sum3A_44 = arith.constant dense<0.000000e+00> : vector<32xf32>
    %reduce_sum3A_45 = vector.multi_reduction <add>, %mul3A_43, %reduce_sum3A_44 [0] : vector<4096x32xf32> to vector<32xf32>
    %broadcast_in_dim3A_46 = vector.shape_cast %reduce_sum3A_45 : vector<32xf32> to vector<1x32xf32>
    %eq3A = arith.constant 0 : i32
    %eq3A_47 = arith.cmpi eq, %arg0, %eq3A : i32
    %convert_element_type3A = arith.extui %eq3A_47 : i1 to i32
    %cond3A = arith.constant 0 : i32
    %cond3A_48 = arith.cmpi ne, %convert_element_type3A, %cond3A : i32
    scf.if %cond3A_48 {
      %broadcast_in_dim3A_56 = arith.constant 0.000000e+00 : f32
      %broadcast_in_dim3A_57 = vector.broadcast %broadcast_in_dim3A_56 : f32 to vector<2x32xf32>
      %swap3A_58 = arith.constant 0 : index
      %swap3A_59 = arith.constant 0 : index
      %swap3A_60 = vector.load %arg7[%swap3A_58, %swap3A_59] : memref<2x32xf32, #tpu.memory_space<vmem>>, vector<2x32xf32>
      tpu.vector_store %arg7[%swap3A_58, %swap3A_59], %broadcast_in_dim3A_57 {strides = array<i32>} : memref<2x32xf32, #tpu.memory_space<vmem>>, vector<2x32xf32>,
    } else {
    }
    %get3A_49 = arith.constant 0 : index
    %get3A_50 = arith.constant 0 : index
    %get3A_51 = vector.load %arg7[%get3A_49, %get3A_50] : memref<2x32xf32, #tpu.memory_space<vmem>>, vector<2x32xf32>
    %concatenate3A = tpu.concatenate %broadcast_in_dim3A, %broadcast_in_dim3A_46 in 0 : vector<1x32xf32>, vector<1x32xf32> -> vector<2x32xf32>
    %add3A_52 = arith.addf %get3A_51, %concatenate3A : vector<2x32xf32>
    %swap3A_53 = arith.constant 0 : index
    %swap3A_54 = arith.constant 0 : index
    %swap3A_55 = vector.load %arg7[%swap3A_53, %swap3A_54] : memref<2x32xf32, #tpu.memory_space<vmem>>, vector<2x32xf32>
    tpu.vector_store %arg7[%swap3A_53, %swap3A_54], %add3A_52 {strides = array<i32>} : memref<2x32xf32, #tpu.memory_space<vmem>>, vector<2x32xf32>,
    return
  }
  func.func @transform_0(%arg0: i32) -> (i32, i32, i32) {
    %c0_i32 = arith.constant 0 : i32
    %c0_i32_0 = arith.constant 0 : i32
    %c0_i32_1 = arith.constant 0 : i32
    return %arg0, %c0_i32, %c0_i32_0 : i32, i32, i32
  }
  func.func @transform_1(%arg0: i32) -> (i32, i32) {
    %c0_i32 = arith.constant 0 : i32
    %c0_i32_0 = arith.constant 0 : i32
    %c0_i32_1 = arith.constant 0 : i32
    return %c0_i32, %c0_i32_0 : i32, i32
  }
  func.func @transform_2(%arg0: i32) -> (i32, i32) {
    %c0_i32 = arith.constant 0 : i32
    %c0_i32_0 = arith.constant 0 : i32
    %c0_i32_1 = arith.constant 0 : i32
    return %c0_i32, %c0_i32_0 : i32, i32
  }
  func.func @transform_3(%arg0: i32) -> (i32, i32) {
    %c0_i32 = arith.constant 0 : i32
    %c0_i32_0 = arith.constant 0 : i32
    %c0_i32_1 = arith.constant 0 : i32
    return %c0_i32, %c0_i32_0 : i32, i32
  }
  func.func @transform_4(%arg0: i32) -> (i32, i32) {
    %c0_i32 = arith.constant 0 : i32
    %c0_i32_0 = arith.constant 0 : i32
    %c0_i32_1 = arith.constant 0 : i32
    return %c0_i32, %c0_i32_0 : i32, i32
  }
  func.func @transform_5(%arg0: i32) -> (i32, i32, i32) {
    %c0_i32 = arith.constant 0 : i32
    %c0_i32_0 = arith.constant 0 : i32
    %c0_i32_1 = arith.constant 0 : i32
    return %arg0, %c0_i32, %c0_i32_0 : i32, i32, i32
  }
  func.func @transform_6(%arg0: i32) -> (i32, i32) {
    %c0_i32 = arith.constant 0 : i32
    %c0_i32_0 = arith.constant 0 : i32
    %c0_i32_1 = arith.constant 0 : i32
    return %c0_i32, %c0_i32_0 : i32, i32
  }
}

module attributes {stable_mosaic.version = 14 : i64} {
  func.func @_norm_max_body(%arg0: i32, %arg1: memref<256x16x32xf32, #tpu.memory_space<vmem>>, %arg2: memref<2x32xf32, #tpu.memory_space<vmem>>, %arg3: memref<1x32xf32, #tpu.memory_space<vmem>>, %arg4: memref<1x32xf32, #tpu.memory_space<vmem>>, %arg5: memref<256x32xf32, #tpu.memory_space<vmem>>) attributes {dimension_semantics = [#tpu.dimension_semantics<arbitrary>], iteration_bounds = array<i64: 32>, scalar_prefetch = 0 : i64, scratch_operands = 0 : i64, tpu.core_type = #tpu.core_type<tc>, window_params = [{transform_indices = @transform_0, window_bounds = array<i64: 256, 16, 32>}, {pipeline_mode = #tpu.pipeline_mode<synchronous>, transform_indices = @transform_1, window_bounds = array<i64: 2, 32>}, {pipeline_mode = #tpu.pipeline_mode<synchronous>, transform_indices = @transform_2, window_bounds = array<i64: 1, 32>}, {pipeline_mode = #tpu.pipeline_mode<synchronous>, transform_indices = @transform_3, window_bounds = array<i64: 1, 32>}, {transform_indices = @transform_4, window_bounds = array<i64: 256, 32>}]} {
    %get3A = arith.constant 0 : index
    %get3A_0 = arith.constant 0 : index
    %get3A_1 = arith.constant 0 : index
    %get3A_2 = vector.load %arg1[%get3A, %get3A_0, %get3A_1] : memref<256x16x32xf32, #tpu.memory_space<vmem>>, vector<256x16x32xf32>
    %get3A_3 = arith.constant 0 : index
    %get3A_4 = arith.constant 0 : index
    %get3A_5 = vector.load %arg2[%get3A_3, %get3A_4] : memref<2x32xf32, #tpu.memory_space<vmem>>, vector<2x32xf32>
    %get3A_6 = arith.constant 0 : index
    %get3A_7 = arith.constant 0 : index
    %get3A_8 = vector.load %arg3[%get3A_6, %get3A_7] : memref<1x32xf32, #tpu.memory_space<vmem>>, vector<1x32xf32>
    %get3A_9 = arith.constant 0 : index
    %get3A_10 = arith.constant 0 : index
    %get3A_11 = vector.load %arg4[%get3A_9, %get3A_10] : memref<1x32xf32, #tpu.memory_space<vmem>>, vector<1x32xf32>
    %slice3A = vector.extract_strided_slice %get3A_5 {offsets = [0, 0], sizes = [1, 32], strides = [1, 1]} : vector<2x32xf32> to vector<1x32xf32>
    %div3A = arith.constant 1.310720e+05 : f32
    %div3A_12 = vector.broadcast %div3A : f32 to vector<1x32xf32>
    %div3A_13 = arith.divf %slice3A, %div3A_12 : vector<1x32xf32>
    %reshape3A = vector.shape_cast %div3A_13 : vector<1x32xf32> to vector<1x1x32xf32>
    %slice3A_14 = vector.extract_strided_slice %get3A_5 {offsets = [1, 0], sizes = [1, 32], strides = [1, 1]} : vector<2x32xf32> to vector<1x32xf32>
    %div3A_15 = arith.constant 1.310720e+05 : f32
    %div3A_16 = vector.broadcast %div3A_15 : f32 to vector<1x32xf32>
    %div3A_17 = arith.divf %slice3A_14, %div3A_16 : vector<1x32xf32>
    %reshape3A_18 = vector.shape_cast %div3A_17 : vector<1x32xf32> to vector<1x1x32xf32>
    %mul3A = arith.mulf %reshape3A, %reshape3A : vector<1x1x32xf32>
    %sub3A = arith.subf %reshape3A_18, %mul3A : vector<1x1x32xf32>
    %reshape3A_19 = vector.shape_cast %get3A_8 : vector<1x32xf32> to vector<1x1x32xf32>
    %sub3A_20 = vector.broadcast %reshape3A : vector<1x1x32xf32> to vector<256x16x32xf32>
    %sub3A_21 = arith.subf %get3A_2, %sub3A_20 : vector<256x16x32xf32>
    %mul3A_22 = vector.broadcast %reshape3A_19 : vector<1x1x32xf32> to vector<256x16x32xf32>
    %mul3A_23 = arith.mulf %mul3A_22, %sub3A_21 : vector<256x16x32xf32>
    %add3A = arith.constant 9.99999974E-6 : f32
    %add3A_24 = vector.broadcast %add3A : f32 to vector<1x1x32xf32>
    %add3A_25 = arith.addf %sub3A, %add3A_24 : vector<1x1x32xf32>
    %sqrt3A = math.sqrt %add3A_25 : vector<1x1x32xf32>
    %div3A_26 = vector.broadcast %sqrt3A : vector<1x1x32xf32> to vector<256x16x32xf32>
    %div3A_27 = arith.divf %mul3A_23, %div3A_26 : vector<256x16x32xf32>
    %reshape3A_28 = vector.shape_cast %get3A_11 : vector<1x32xf32> to vector<1x1x32xf32>
    %add3A_29 = vector.broadcast %reshape3A_28 : vector<1x1x32xf32> to vector<256x16x32xf32>
    %add3A_30 = arith.addf %div3A_27, %add3A_29 : vector<256x16x32xf32>
    %max3A = arith.constant 0.000000e+00 : f32
    %max3A_31 = vector.broadcast %max3A : f32 to vector<256x16x32xf32>
    %max3A_32 = arith.maximumf %add3A_30, %max3A_31 : vector<256x16x32xf32>
    %reduce_max3A = arith.constant dense<0xFF800000> : vector<256x32xf32>
    %reduce_max3A_33 = vector.multi_reduction <maximumf>, %max3A_32, %reduce_max3A [1] : vector<256x16x32xf32> to vector<256x32xf32>
    %swap3A = arith.constant 0 : index
    %swap3A_34 = arith.constant 0 : index
    %swap3A_35 = vector.load %arg5[%swap3A, %swap3A_34] : memref<256x32xf32, #tpu.memory_space<vmem>>, vector<256x32xf32>
    tpu.vector_store %arg5[%swap3A, %swap3A_34], %reduce_max3A_33 {strides = array<i32>} : memref<256x32xf32, #tpu.memory_space<vmem>>, vector<256x32xf32>,
    return
  }
  func.func @transform_0(%arg0: i32) -> (i32, i32, i32) {
    %c0_i32 = arith.constant 0 : i32
    %c0_i32_0 = arith.constant 0 : i32
    %c0_i32_1 = arith.constant 0 : i32
    return %arg0, %c0_i32, %c0_i32_0 : i32, i32, i32
  }
  func.func @transform_1(%arg0: i32) -> (i32, i32) {
    %c0_i32 = arith.constant 0 : i32
    %c0_i32_0 = arith.constant 0 : i32
    %c0_i32_1 = arith.constant 0 : i32
    return %c0_i32, %c0_i32_0 : i32, i32
  }
  func.func @transform_2(%arg0: i32) -> (i32, i32) {
    %c0_i32 = arith.constant 0 : i32
    %c0_i32_0 = arith.constant 0 : i32
    %c0_i32_1 = arith.constant 0 : i32
    return %c0_i32, %c0_i32_0 : i32, i32
  }
  func.func @transform_3(%arg0: i32) -> (i32, i32) {
    %c0_i32 = arith.constant 0 : i32
    %c0_i32_0 = arith.constant 0 : i32
    %c0_i32_1 = arith.constant 0 : i32
    return %c0_i32, %c0_i32_0 : i32, i32
  }
  func.func @transform_4(%arg0: i32) -> (i32, i32) {
    %c0_i32 = arith.constant 0 : i32
    %c0_i32_0 = arith.constant 0 : i32
    return %arg0, %c0_i32 : i32, i32
  }
}

module attributes {stable_mosaic.version = 14 : i64} {
  func.func @_neighbor_body(%arg0: i32, %arg1: i32, %arg2: memref<1x256x3xf32, #tpu.memory_space<vmem>>, %arg3: memref<1x3x1024xf32, #tpu.memory_space<vmem>>, %arg4: memref<1x256x8xi32, #tpu.memory_space<vmem>>) attributes {dimension_semantics = [#tpu.dimension_semantics<parallel>, #tpu.dimension_semantics<parallel>], iteration_bounds = array<i64: 2, 16>, scalar_prefetch = 0 : i64, scratch_operands = 0 : i64, tpu.core_type = #tpu.core_type<tc>, window_params = [{transform_indices = @transform_0, window_bounds = array<i64: 1, 256, 3>}, {transform_indices = @transform_1, window_bounds = array<i64: 1, 3, 1024>}, {transform_indices = @transform_2, window_bounds = array<i64: 1, 256, 8>}]} {
    %get3A = arith.constant 0 : index
    %get3A_0 = arith.constant 0 : index
    %get3A_1 = arith.constant 0 : index
    %get3A_2 = vector.load %arg2[%get3A, %get3A_0, %get3A_1] : memref<1x256x3xf32, #tpu.memory_space<vmem>>, vector<1x256x3xf32>
    %get3A_3 = vector.shape_cast %get3A_2 : vector<1x256x3xf32> to vector<256x3xf32>
    %get3A_4 = arith.constant 0 : index
    %get3A_5 = arith.constant 0 : index
    %get3A_6 = arith.constant 0 : index
    %get3A_7 = vector.load %arg3[%get3A_4, %get3A_5, %get3A_6] : memref<1x3x1024xf32, #tpu.memory_space<vmem>>, vector<1x3x1024xf32>
    %get3A_8 = vector.shape_cast %get3A_7 : vector<1x3x1024xf32> to vector<3x1024xf32>
    %dot_general3A = arith.constant dense<0.000000e+00> : vector<256x1024xf32>
    %dot_general3A_9 = tpu.matmul %get3A_3, %get3A_8, %dot_general3A {dimension_numbers = #tpu.dot_dimension_numbers<[1], [0], [0], [1], [0, 0, 1, 1], [], []>, transpose_lhs_hint = false} : vector<256x3xf32>, vector<3x1024xf32>, vector<256x1024xf32> -> vector<256x1024xf32>
    %mul3A = arith.mulf %get3A_3, %get3A_3 : vector<256x3xf32>
    %reduce_sum3A = arith.constant dense<0.000000e+00> : vector<256xf32>
    %reduce_sum3A_10 = vector.multi_reduction <add>, %mul3A, %reduce_sum3A [1] : vector<256x3xf32> to vector<256xf32>
    %broadcast_in_dim3A = vector.shape_cast %reduce_sum3A_10 : vector<256xf32> to vector<256x1xf32>
    %mul3A_11 = arith.mulf %get3A_8, %get3A_8 : vector<3x1024xf32>
    %reduce_sum3A_12 = arith.constant dense<0.000000e+00> : vector<1024xf32>
    %reduce_sum3A_13 = vector.multi_reduction <add>, %mul3A_11, %reduce_sum3A_12 [0] : vector<3x1024xf32> to vector<1024xf32>
    %broadcast_in_dim3A_14 = vector.shape_cast %reduce_sum3A_13 : vector<1024xf32> to vector<1x1024xf32>
    %mul3A_15 = arith.constant -2.000000e+00 : f32
    %mul3A_16 = vector.broadcast %mul3A_15 : f32 to vector<256x1024xf32>
    %mul3A_17 = arith.mulf %mul3A_16, %dot_general3A_9 : vector<256x1024xf32>
    %add3A = vector.broadcast %broadcast_in_dim3A : vector<256x1xf32> to vector<256x1024xf32>
    %add3A_18 = arith.addf %mul3A_17, %add3A : vector<256x1024xf32>
    %add3A_19 = vector.broadcast %broadcast_in_dim3A_14 : vector<1x1024xf32> to vector<256x1024xf32>
    %add3A_20 = arith.addf %add3A_18, %add3A_19 : vector<256x1024xf32>
    %iota3A = tpu.iota {dimensions = array<i32: 1>} : vector<256x1024xi32>
    %gt3A = arith.constant 1.440000e-04 : f32
    %gt3A_21 = vector.broadcast %gt3A : f32 to vector<256x1024xf32>
    %gt3A_22 = arith.cmpf ogt, %add3A_20, %gt3A_21 : vector<256x1024xf32>
    %jit3A = arith.constant 1024 : i32
    %broadcast_in_dim3A_23 = vector.broadcast %jit3A : i32 to vector<256x1024xi32>
    %select_n3A = arith.select %gt3A_22, %broadcast_in_dim3A_23, %iota3A : vector<256x1024xi1>, vector<256x1024xi32>
    %reduce_min3A = arith.constant dense<2147483647> : vector<256xi32>
    %reduce_min3A_24 = vector.multi_reduction <minsi>, %select_n3A, %reduce_min3A [1] : vector<256x1024xi32> to vector<256xi32>
    %broadcast_in_dim3A_25 = vector.shape_cast %reduce_min3A_24 : vector<256xi32> to vector<256x1xi32>
    %eq3A = vector.broadcast %broadcast_in_dim3A_25 : vector<256x1xi32> to vector<256x1024xi32>
    %eq3A_26 = arith.cmpi eq, %select_n3A, %eq3A : vector<256x1024xi32>
    %jit3A_27 = arith.constant 1024 : i32
    %broadcast_in_dim3A_28 = vector.broadcast %jit3A_27 : i32 to vector<256x1024xi32>
    %select_n3A_29 = arith.select %eq3A_26, %broadcast_in_dim3A_28, %select_n3A : vector<256x1024xi1>, vector<256x1024xi32>
    %reduce_min3A_30 = arith.constant dense<2147483647> : vector<256xi32>
    %reduce_min3A_31 = vector.multi_reduction <minsi>, %select_n3A_29, %reduce_min3A_30 [1] : vector<256x1024xi32> to vector<256xi32>
    %broadcast_in_dim3A_32 = vector.shape_cast %reduce_min3A_31 : vector<256xi32> to vector<256x1xi32>
    %eq3A_33 = vector.broadcast %broadcast_in_dim3A_32 : vector<256x1xi32> to vector<256x1024xi32>
    %eq3A_34 = arith.cmpi eq, %select_n3A_29, %eq3A_33 : vector<256x1024xi32>
    %jit3A_35 = arith.constant 1024 : i32
    %broadcast_in_dim3A_36 = vector.broadcast %jit3A_35 : i32 to vector<256x1024xi32>
    %select_n3A_37 = arith.select %eq3A_34, %broadcast_in_dim3A_36, %select_n3A_29 : vector<256x1024xi1>, vector<256x1024xi32>
    %reduce_min3A_38 = arith.constant dense<2147483647> : vector<256xi32>
    %reduce_min3A_39 = vector.multi_reduction <minsi>, %select_n3A_37, %reduce_min3A_38 [1] : vector<256x1024xi32> to vector<256xi32>
    %broadcast_in_dim3A_40 = vector.shape_cast %reduce_min3A_39 : vector<256xi32> to vector<256x1xi32>
    %eq3A_41 = vector.broadcast %broadcast_in_dim3A_40 : vector<256x1xi32> to vector<256x1024xi32>
    %eq3A_42 = arith.cmpi eq, %select_n3A_37, %eq3A_41 : vector<256x1024xi32>
    %jit3A_43 = arith.constant 1024 : i32
    %broadcast_in_dim3A_44 = vector.broadcast %jit3A_43 : i32 to vector<256x1024xi32>
    %select_n3A_45 = arith.select %eq3A_42, %broadcast_in_dim3A_44, %select_n3A_37 : vector<256x1024xi1>, vector<256x1024xi32>
    %reduce_min3A_46 = arith.constant dense<2147483647> : vector<256xi32>
    %reduce_min3A_47 = vector.multi_reduction <minsi>, %select_n3A_45, %reduce_min3A_46 [1] : vector<256x1024xi32> to vector<256xi32>
    %broadcast_in_dim3A_48 = vector.shape_cast %reduce_min3A_47 : vector<256xi32> to vector<256x1xi32>
    %eq3A_49 = vector.broadcast %broadcast_in_dim3A_48 : vector<256x1xi32> to vector<256x1024xi32>
    %eq3A_50 = arith.cmpi eq, %select_n3A_45, %eq3A_49 : vector<256x1024xi32>
    %jit3A_51 = arith.constant 1024 : i32
    %broadcast_in_dim3A_52 = vector.broadcast %jit3A_51 : i32 to vector<256x1024xi32>
    %select_n3A_53 = arith.select %eq3A_50, %broadcast_in_dim3A_52, %select_n3A_45 : vector<256x1024xi1>, vector<256x1024xi32>
    %reduce_min3A_54 = arith.constant dense<2147483647> : vector<256xi32>
    %reduce_min3A_55 = vector.multi_reduction <minsi>, %select_n3A_53, %reduce_min3A_54 [1] : vector<256x1024xi32> to vector<256xi32>
    %broadcast_in_dim3A_56 = vector.shape_cast %reduce_min3A_55 : vector<256xi32> to vector<256x1xi32>
    %eq3A_57 = vector.broadcast %broadcast_in_dim3A_56 : vector<256x1xi32> to vector<256x1024xi32>
    %eq3A_58 = arith.cmpi eq, %select_n3A_53, %eq3A_57 : vector<256x1024xi32>
    %jit3A_59 = arith.constant 1024 : i32
    %broadcast_in_dim3A_60 = vector.broadcast %jit3A_59 : i32 to vector<256x1024xi32>
    %select_n3A_61 = arith.select %eq3A_58, %broadcast_in_dim3A_60, %select_n3A_53 : vector<256x1024xi1>, vector<256x1024xi32>
    %reduce_min3A_62 = arith.constant dense<2147483647> : vector<256xi32>
    %reduce_min3A_63 = vector.multi_reduction <minsi>, %select_n3A_61, %reduce_min3A_62 [1] : vector<256x1024xi32> to vector<256xi32>
    %broadcast_in_dim3A_64 = vector.shape_cast %reduce_min3A_63 : vector<256xi32> to vector<256x1xi32>
    %eq3A_65 = vector.broadcast %broadcast_in_dim3A_64 : vector<256x1xi32> to vector<256x1024xi32>
    %eq3A_66 = arith.cmpi eq, %select_n3A_61, %eq3A_65 : vector<256x1024xi32>
    %jit3A_67 = arith.constant 1024 : i32
    %broadcast_in_dim3A_68 = vector.broadcast %jit3A_67 : i32 to vector<256x1024xi32>
    %select_n3A_69 = arith.select %eq3A_66, %broadcast_in_dim3A_68, %select_n3A_61 : vector<256x1024xi1>, vector<256x1024xi32>
    %reduce_min3A_70 = arith.constant dense<2147483647> : vector<256xi32>
    %reduce_min3A_71 = vector.multi_reduction <minsi>, %select_n3A_69, %reduce_min3A_70 [1] : vector<256x1024xi32> to vector<256xi32>
    %broadcast_in_dim3A_72 = vector.shape_cast %reduce_min3A_71 : vector<256xi32> to vector<256x1xi32>
    %eq3A_73 = vector.broadcast %broadcast_in_dim3A_72 : vector<256x1xi32> to vector<256x1024xi32>
    %eq3A_74 = arith.cmpi eq, %select_n3A_69, %eq3A_73 : vector<256x1024xi32>
    %jit3A_75 = arith.constant 1024 : i32
    %broadcast_in_dim3A_76 = vector.broadcast %jit3A_75 : i32 to vector<256x1024xi32>
    %select_n3A_77 = arith.select %eq3A_74, %broadcast_in_dim3A_76, %select_n3A_69 : vector<256x1024xi1>, vector<256x1024xi32>
    %reduce_min3A_78 = arith.constant dense<2147483647> : vector<256xi32>
    %reduce_min3A_79 = vector.multi_reduction <minsi>, %select_n3A_77, %reduce_min3A_78 [1] : vector<256x1024xi32> to vector<256xi32>
    %broadcast_in_dim3A_80 = vector.shape_cast %reduce_min3A_79 : vector<256xi32> to vector<256x1xi32>
    %eq3A_81 = arith.constant 1024 : i32
    %eq3A_82 = vector.broadcast %eq3A_81 : i32 to vector<256x1xi32>
    %eq3A_83 = arith.cmpi eq, %broadcast_in_dim3A_25, %eq3A_82 : vector<256x1xi32>
    %select_n3A_84 = arith.select %eq3A_83, %broadcast_in_dim3A_25, %broadcast_in_dim3A_25 : vector<256x1xi1>, vector<256x1xi32>
    %eq3A_85 = arith.constant 1024 : i32
    %eq3A_86 = vector.broadcast %eq3A_85 : i32 to vector<256x1xi32>
    %eq3A_87 = arith.cmpi eq, %broadcast_in_dim3A_32, %eq3A_86 : vector<256x1xi32>
    %select_n3A_88 = arith.select %eq3A_87, %broadcast_in_dim3A_25, %broadcast_in_dim3A_32 : vector<256x1xi1>, vector<256x1xi32>
    %eq3A_89 = arith.constant 1024 : i32
    %eq3A_90 = vector.broadcast %eq3A_89 : i32 to vector<256x1xi32>
    %eq3A_91 = arith.cmpi eq, %broadcast_in_dim3A_40, %eq3A_90 : vector<256x1xi32>
    %select_n3A_92 = arith.select %eq3A_91, %broadcast_in_dim3A_25, %broadcast_in_dim3A_40 : vector<256x1xi1>, vector<256x1xi32>
    %eq3A_93 = arith.constant 1024 : i32
    %eq3A_94 = vector.broadcast %eq3A_93 : i32 to vector<256x1xi32>
    %eq3A_95 = arith.cmpi eq, %broadcast_in_dim3A_48, %eq3A_94 : vector<256x1xi32>
    %select_n3A_96 = arith.select %eq3A_95, %broadcast_in_dim3A_25, %broadcast_in_dim3A_48 : vector<256x1xi1>, vector<256x1xi32>
    %eq3A_97 = arith.constant 1024 : i32
    %eq3A_98 = vector.broadcast %eq3A_97 : i32 to vector<256x1xi32>
    %eq3A_99 = arith.cmpi eq, %broadcast_in_dim3A_56, %eq3A_98 : vector<256x1xi32>
    %select_n3A_100 = arith.select %eq3A_99, %broadcast_in_dim3A_25, %broadcast_in_dim3A_56 : vector<256x1xi1>, vector<256x1xi32>
    %eq3A_101 = arith.constant 1024 : i32
    %eq3A_102 = vector.broadcast %eq3A_101 : i32 to vector<256x1xi32>
    %eq3A_103 = arith.cmpi eq, %broadcast_in_dim3A_64, %eq3A_102 : vector<256x1xi32>
    %select_n3A_104 = arith.select %eq3A_103, %broadcast_in_dim3A_25, %broadcast_in_dim3A_64 : vector<256x1xi1>, vector<256x1xi32>
    %eq3A_105 = arith.constant 1024 : i32
    %eq3A_106 = vector.broadcast %eq3A_105 : i32 to vector<256x1xi32>
    %eq3A_107 = arith.cmpi eq, %broadcast_in_dim3A_72, %eq3A_106 : vector<256x1xi32>
    %select_n3A_108 = arith.select %eq3A_107, %broadcast_in_dim3A_25, %broadcast_in_dim3A_72 : vector<256x1xi1>, vector<256x1xi32>
    %eq3A_109 = arith.constant 1024 : i32
    %eq3A_110 = vector.broadcast %eq3A_109 : i32 to vector<256x1xi32>
    %eq3A_111 = arith.cmpi eq, %broadcast_in_dim3A_80, %eq3A_110 : vector<256x1xi32>
    %select_n3A_112 = arith.select %eq3A_111, %broadcast_in_dim3A_25, %broadcast_in_dim3A_80 : vector<256x1xi1>, vector<256x1xi32>
    %concatenate3A = tpu.concatenate %select_n3A_84, %select_n3A_88, %select_n3A_92, %select_n3A_96, %select_n3A_100, %select_n3A_104, %select_n3A_108, %select_n3A_112 in 1 : vector<256x1xi32>, vector<256x1xi32>, vector<256x1xi32>, vector<256x1xi32>, vector<256x1xi32>, vector<256x1xi32>, vector<256x1xi32>, vector<256x1xi32> -> vector<256x8xi32>
    %min3A = arith.constant 1023 : i32
    %min3A_113 = vector.broadcast %min3A : i32 to vector<256x8xi32>
    %min3A_114 = arith.minsi %concatenate3A, %min3A_113 : vector<256x8xi32>
    %mul3A_115 = arith.constant 1024 : i32
    %mul3A_116 = arith.muli %arg0, %mul3A_115 : i32
    %add3A_117 = vector.broadcast %mul3A_116 : i32 to vector<256x8xi32>
    %add3A_118 = arith.addi %min3A_114, %add3A_117 : vector<256x8xi32>
    %swap3A = arith.constant 0 : index
    %swap3A_119 = arith.constant 0 : index
    %swap3A_120 = arith.constant 0 : index
    %swap3A_121 = vector.load %arg4[%swap3A, %swap3A_119, %swap3A_120] : memref<1x256x8xi32, #tpu.memory_space<vmem>>, vector<1x256x8xi32>
    %swap3A_122 = vector.shape_cast %swap3A_121 : vector<1x256x8xi32> to vector<256x8xi32>
    %swap3A_123 = vector.shape_cast %add3A_118 : vector<256x8xi32> to vector<1x256x8xi32>
    tpu.vector_store %arg4[%swap3A, %swap3A_119, %swap3A_120], %swap3A_123 {strides = array<i32>} : memref<1x256x8xi32, #tpu.memory_space<vmem>>, vector<1x256x8xi32>,
    return
  }
  func.func @transform_0(%arg0: i32, %arg1: i32) -> (i32, i32, i32) {
    %c0_i32 = arith.constant 0 : i32
    %c0_i32_0 = arith.constant 0 : i32
    return %arg0, %arg1, %c0_i32 : i32, i32, i32
  }
  func.func @transform_1(%arg0: i32, %arg1: i32) -> (i32, i32, i32) {
    %c0_i32 = arith.constant 0 : i32
    %c0_i32_0 = arith.constant 0 : i32
    %c0_i32_1 = arith.constant 0 : i32
    return %arg0, %c0_i32, %c0_i32_0 : i32, i32, i32
  }
  func.func @transform_2(%arg0: i32, %arg1: i32) -> (i32, i32, i32) {
    %c0_i32 = arith.constant 0 : i32
    %c0_i32_0 = arith.constant 0 : i32
    return %arg0, %arg1, %c0_i32 : i32, i32, i32
  }
}

module attributes {stable_mosaic.version = 14 : i64} {
  func.func @_grouped_lin_body(%arg0: i32, %arg1: memref<256x16x128xf32, #tpu.memory_space<vmem>>, %arg2: memref<256x128xf32, #tpu.memory_space<vmem>>, %arg3: memref<32x128xf32, #tpu.memory_space<vmem>>, %arg4: memref<256x16x32xf32, #tpu.memory_space<vmem>>, %arg5: memref<2x32xf32, #tpu.memory_space<vmem>>) attributes {dimension_semantics = [#tpu.dimension_semantics<arbitrary>], iteration_bounds = array<i64: 8>, scalar_prefetch = 0 : i64, scratch_operands = 0 : i64, tpu.core_type = #tpu.core_type<tc>, window_params = [{transform_indices = @transform_0, window_bounds = array<i64: 256, 16, 128>}, {transform_indices = @transform_1, window_bounds = array<i64: 256, 128>}, {pipeline_mode = #tpu.pipeline_mode<synchronous>, transform_indices = @transform_2, window_bounds = array<i64: 32, 128>}, {transform_indices = @transform_3, window_bounds = array<i64: 256, 16, 32>}, {pipeline_mode = #tpu.pipeline_mode<synchronous>, transform_indices = @transform_4, window_bounds = array<i64: 2, 32>}]} {
    %get3A = arith.constant 0 : index
    %get3A_0 = arith.constant 0 : index
    %get3A_1 = arith.constant 0 : index
    %get3A_2 = vector.load %arg1[%get3A, %get3A_0, %get3A_1] : memref<256x16x128xf32, #tpu.memory_space<vmem>>, vector<256x16x128xf32>
    %get3A_3 = arith.constant 0 : index
    %get3A_4 = arith.constant 0 : index
    %get3A_5 = vector.load %arg2[%get3A_3, %get3A_4] : memref<256x128xf32, #tpu.memory_space<vmem>>, vector<256x128xf32>
    %broadcast_in_dim3A = vector.shape_cast %get3A_5 : vector<256x128xf32> to vector<256x1x128xf32>
    %sub3A = vector.broadcast %broadcast_in_dim3A : vector<256x1x128xf32> to vector<256x16x128xf32>
    %sub3A_6 = arith.subf %get3A_2, %sub3A : vector<256x16x128xf32>
    %reshape3A = vector.shape_cast %sub3A_6 : vector<256x16x128xf32> to vector<4096x128xf32>
    %get3A_7 = arith.constant 0 : index
    %get3A_8 = arith.constant 0 : index
    %get3A_9 = vector.load %arg3[%get3A_7, %get3A_8] : memref<32x128xf32, #tpu.memory_space<vmem>>, vector<32x128xf32>
    %dot_general3A = arith.constant dense<0.000000e+00> : vector<4096x32xf32>
    %dot_general3A_10 = tpu.matmul %reshape3A, %get3A_9, %dot_general3A {dimension_numbers = #tpu.dot_dimension_numbers<[1], [1], [0], [0], [0, 0, 1, 0], [], []>, transpose_lhs_hint = false} : vector<4096x128xf32>, vector<32x128xf32>, vector<4096x32xf32> -> vector<4096x32xf32>
    %reshape3A_11 = vector.shape_cast %dot_general3A_10 : vector<4096x32xf32> to vector<256x16x32xf32>
    %swap3A = arith.constant 0 : index
    %swap3A_12 = arith.constant 0 : index
    %swap3A_13 = arith.constant 0 : index
    %swap3A_14 = vector.load %arg4[%swap3A, %swap3A_12, %swap3A_13] : memref<256x16x32xf32, #tpu.memory_space<vmem>>, vector<256x16x32xf32>
    tpu.vector_store %arg4[%swap3A, %swap3A_12, %swap3A_13], %reshape3A_11 {strides = array<i32>} : memref<256x16x32xf32, #tpu.memory_space<vmem>>, vector<256x16x32xf32>,
    %reduce_sum3A = arith.constant dense<0.000000e+00> : vector<32xf32>
    %reduce_sum3A_15 = vector.multi_reduction <add>, %dot_general3A_10, %reduce_sum3A [0] : vector<4096x32xf32> to vector<32xf32>
    %broadcast_in_dim3A_16 = vector.shape_cast %reduce_sum3A_15 : vector<32xf32> to vector<1x32xf32>
    %mul3A = arith.mulf %dot_general3A_10, %dot_general3A_10 : vector<4096x32xf32>
    %reduce_sum3A_17 = arith.constant dense<0.000000e+00> : vector<32xf32>
    %reduce_sum3A_18 = vector.multi_reduction <add>, %mul3A, %reduce_sum3A_17 [0] : vector<4096x32xf32> to vector<32xf32>
    %broadcast_in_dim3A_19 = vector.shape_cast %reduce_sum3A_18 : vector<32xf32> to vector<1x32xf32>
    %eq3A = arith.constant 0 : i32
    %eq3A_20 = arith.cmpi eq, %arg0, %eq3A : i32
    %convert_element_type3A = arith.extui %eq3A_20 : i1 to i32
    %cond3A = arith.constant 0 : i32
    %cond3A_21 = arith.cmpi ne, %convert_element_type3A, %cond3A : i32
    scf.if %cond3A_21 {
      %broadcast_in_dim3A_28 = arith.constant 0.000000e+00 : f32
      %broadcast_in_dim3A_29 = vector.broadcast %broadcast_in_dim3A_28 : f32 to vector<2x32xf32>
      %swap3A_30 = arith.constant 0 : index
      %swap3A_31 = arith.constant 0 : index
      %swap3A_32 = vector.load %arg5[%swap3A_30, %swap3A_31] : memref<2x32xf32, #tpu.memory_space<vmem>>, vector<2x32xf32>
      tpu.vector_store %arg5[%swap3A_30, %swap3A_31], %broadcast_in_dim3A_29 {strides = array<i32>} : memref<2x32xf32, #tpu.memory_space<vmem>>, vector<2x32xf32>,
    } else {
    }
    %get3A_22 = arith.constant 0 : index
    %get3A_23 = arith.constant 0 : index
    %get3A_24 = vector.load %arg5[%get3A_22, %get3A_23] : memref<2x32xf32, #tpu.memory_space<vmem>>, vector<2x32xf32>
    %concatenate3A = tpu.concatenate %broadcast_in_dim3A_16, %broadcast_in_dim3A_19 in 0 : vector<1x32xf32>, vector<1x32xf32> -> vector<2x32xf32>
    %add3A = arith.addf %get3A_24, %concatenate3A : vector<2x32xf32>
    %swap3A_25 = arith.constant 0 : index
    %swap3A_26 = arith.constant 0 : index
    %swap3A_27 = vector.load %arg5[%swap3A_25, %swap3A_26] : memref<2x32xf32, #tpu.memory_space<vmem>>, vector<2x32xf32>
    tpu.vector_store %arg5[%swap3A_25, %swap3A_26], %add3A {strides = array<i32>} : memref<2x32xf32, #tpu.memory_space<vmem>>, vector<2x32xf32>,
    return
  }
  func.func @transform_0(%arg0: i32) -> (i32, i32, i32) {
    %c0_i32 = arith.constant 0 : i32
    %c0_i32_0 = arith.constant 0 : i32
    %c0_i32_1 = arith.constant 0 : i32
    return %arg0, %c0_i32, %c0_i32_0 : i32, i32, i32
  }
  func.func @transform_1(%arg0: i32) -> (i32, i32) {
    %c0_i32 = arith.constant 0 : i32
    %c0_i32_0 = arith.constant 0 : i32
    return %arg0, %c0_i32 : i32, i32
  }
  func.func @transform_2(%arg0: i32) -> (i32, i32) {
    %c0_i32 = arith.constant 0 : i32
    %c0_i32_0 = arith.constant 0 : i32
    %c0_i32_1 = arith.constant 0 : i32
    return %c0_i32, %c0_i32_0 : i32, i32
  }
  func.func @transform_3(%arg0: i32) -> (i32, i32, i32) {
    %c0_i32 = arith.constant 0 : i32
    %c0_i32_0 = arith.constant 0 : i32
    %c0_i32_1 = arith.constant 0 : i32
    return %arg0, %c0_i32, %c0_i32_0 : i32, i32, i32
  }
  func.func @transform_4(%arg0: i32) -> (i32, i32) {
    %c0_i32 = arith.constant 0 : i32
    %c0_i32_0 = arith.constant 0 : i32
    %c0_i32_1 = arith.constant 0 : i32
    return %c0_i32, %c0_i32_0 : i32, i32
  }
}

module attributes {stable_mosaic.version = 14 : i64} {
  func.func @_norm_lin_body(%arg0: i32, %arg1: memref<256x16x32xf32, #tpu.memory_space<vmem>>, %arg2: memref<2x32xf32, #tpu.memory_space<vmem>>, %arg3: memref<1x32xf32, #tpu.memory_space<vmem>>, %arg4: memref<1x32xf32, #tpu.memory_space<vmem>>, %arg5: memref<64x32xf32, #tpu.memory_space<vmem>>, %arg6: memref<256x16x64xf32, #tpu.memory_space<vmem>>, %arg7: memref<2x64xf32, #tpu.memory_space<vmem>>) attributes {dimension_semantics = [#tpu.dimension_semantics<arbitrary>], iteration_bounds = array<i64: 8>, scalar_prefetch = 0 : i64, scratch_operands = 0 : i64, tpu.core_type = #tpu.core_type<tc>, window_params = [{transform_indices = @transform_0, window_bounds = array<i64: 256, 16, 32>}, {pipeline_mode = #tpu.pipeline_mode<synchronous>, transform_indices = @transform_1, window_bounds = array<i64: 2, 32>}, {pipeline_mode = #tpu.pipeline_mode<synchronous>, transform_indices = @transform_2, window_bounds = array<i64: 1, 32>}, {pipeline_mode = #tpu.pipeline_mode<synchronous>, transform_indices = @transform_3, window_bounds = array<i64: 1, 32>}, {pipeline_mode = #tpu.pipeline_mode<synchronous>, transform_indices = @transform_4, window_bounds = array<i64: 64, 32>}, {transform_indices = @transform_5, window_bounds = array<i64: 256, 16, 64>}, {pipeline_mode = #tpu.pipeline_mode<synchronous>, transform_indices = @transform_6, window_bounds = array<i64: 2, 64>}]} {
    %get3A = arith.constant 0 : index
    %get3A_0 = arith.constant 0 : index
    %get3A_1 = arith.constant 0 : index
    %get3A_2 = vector.load %arg1[%get3A, %get3A_0, %get3A_1] : memref<256x16x32xf32, #tpu.memory_space<vmem>>, vector<256x16x32xf32>
    %get3A_3 = arith.constant 0 : index
    %get3A_4 = arith.constant 0 : index
    %get3A_5 = vector.load %arg2[%get3A_3, %get3A_4] : memref<2x32xf32, #tpu.memory_space<vmem>>, vector<2x32xf32>
    %get3A_6 = arith.constant 0 : index
    %get3A_7 = arith.constant 0 : index
    %get3A_8 = vector.load %arg3[%get3A_6, %get3A_7] : memref<1x32xf32, #tpu.memory_space<vmem>>, vector<1x32xf32>
    %get3A_9 = arith.constant 0 : index
    %get3A_10 = arith.constant 0 : index
    %get3A_11 = vector.load %arg4[%get3A_9, %get3A_10] : memref<1x32xf32, #tpu.memory_space<vmem>>, vector<1x32xf32>
    %slice3A = vector.extract_strided_slice %get3A_5 {offsets = [0, 0], sizes = [1, 32], strides = [1, 1]} : vector<2x32xf32> to vector<1x32xf32>
    %div3A = arith.constant 3.276800e+04 : f32
    %div3A_12 = vector.broadcast %div3A : f32 to vector<1x32xf32>
    %div3A_13 = arith.divf %slice3A, %div3A_12 : vector<1x32xf32>
    %reshape3A = vector.shape_cast %div3A_13 : vector<1x32xf32> to vector<1x1x32xf32>
    %slice3A_14 = vector.extract_strided_slice %get3A_5 {offsets = [1, 0], sizes = [1, 32], strides = [1, 1]} : vector<2x32xf32> to vector<1x32xf32>
    %div3A_15 = arith.constant 3.276800e+04 : f32
    %div3A_16 = vector.broadcast %div3A_15 : f32 to vector<1x32xf32>
    %div3A_17 = arith.divf %slice3A_14, %div3A_16 : vector<1x32xf32>
    %reshape3A_18 = vector.shape_cast %div3A_17 : vector<1x32xf32> to vector<1x1x32xf32>
    %mul3A = arith.mulf %reshape3A, %reshape3A : vector<1x1x32xf32>
    %sub3A = arith.subf %reshape3A_18, %mul3A : vector<1x1x32xf32>
    %reshape3A_19 = vector.shape_cast %get3A_8 : vector<1x32xf32> to vector<1x1x32xf32>
    %sub3A_20 = vector.broadcast %reshape3A : vector<1x1x32xf32> to vector<256x16x32xf32>
    %sub3A_21 = arith.subf %get3A_2, %sub3A_20 : vector<256x16x32xf32>
    %mul3A_22 = vector.broadcast %reshape3A_19 : vector<1x1x32xf32> to vector<256x16x32xf32>
    %mul3A_23 = arith.mulf %mul3A_22, %sub3A_21 : vector<256x16x32xf32>
    %add3A = arith.constant 9.99999974E-6 : f32
    %add3A_24 = vector.broadcast %add3A : f32 to vector<1x1x32xf32>
    %add3A_25 = arith.addf %sub3A, %add3A_24 : vector<1x1x32xf32>
    %sqrt3A = math.sqrt %add3A_25 : vector<1x1x32xf32>
    %div3A_26 = vector.broadcast %sqrt3A : vector<1x1x32xf32> to vector<256x16x32xf32>
    %div3A_27 = arith.divf %mul3A_23, %div3A_26 : vector<256x16x32xf32>
    %reshape3A_28 = vector.shape_cast %get3A_11 : vector<1x32xf32> to vector<1x1x32xf32>
    %add3A_29 = vector.broadcast %reshape3A_28 : vector<1x1x32xf32> to vector<256x16x32xf32>
    %add3A_30 = arith.addf %div3A_27, %add3A_29 : vector<256x16x32xf32>
    %max3A = arith.constant 0.000000e+00 : f32
    %max3A_31 = vector.broadcast %max3A : f32 to vector<256x16x32xf32>
    %max3A_32 = arith.maximumf %add3A_30, %max3A_31 : vector<256x16x32xf32>
    %reshape3A_33 = vector.shape_cast %max3A_32 : vector<256x16x32xf32> to vector<4096x32xf32>
    %get3A_34 = arith.constant 0 : index
    %get3A_35 = arith.constant 0 : index
    %get3A_36 = vector.load %arg5[%get3A_34, %get3A_35] : memref<64x32xf32, #tpu.memory_space<vmem>>, vector<64x32xf32>
    %dot_general3A = arith.constant dense<0.000000e+00> : vector<4096x64xf32>
    %dot_general3A_37 = tpu.matmul %reshape3A_33, %get3A_36, %dot_general3A {dimension_numbers = #tpu.dot_dimension_numbers<[1], [1], [0], [0], [0, 0, 1, 0], [], []>, transpose_lhs_hint = false} : vector<4096x32xf32>, vector<64x32xf32>, vector<4096x64xf32> -> vector<4096x64xf32>
    %reshape3A_38 = vector.shape_cast %dot_general3A_37 : vector<4096x64xf32> to vector<256x16x64xf32>
    %swap3A = arith.constant 0 : index
    %swap3A_39 = arith.constant 0 : index
    %swap3A_40 = arith.constant 0 : index
    %swap3A_41 = vector.load %arg6[%swap3A, %swap3A_39, %swap3A_40] : memref<256x16x64xf32, #tpu.memory_space<vmem>>, vector<256x16x64xf32>
    tpu.vector_store %arg6[%swap3A, %swap3A_39, %swap3A_40], %reshape3A_38 {strides = array<i32>} : memref<256x16x64xf32, #tpu.memory_space<vmem>>, vector<256x16x64xf32>,
    %reduce_sum3A = arith.constant dense<0.000000e+00> : vector<64xf32>
    %reduce_sum3A_42 = vector.multi_reduction <add>, %dot_general3A_37, %reduce_sum3A [0] : vector<4096x64xf32> to vector<64xf32>
    %broadcast_in_dim3A = vector.shape_cast %reduce_sum3A_42 : vector<64xf32> to vector<1x64xf32>
    %mul3A_43 = arith.mulf %dot_general3A_37, %dot_general3A_37 : vector<4096x64xf32>
    %reduce_sum3A_44 = arith.constant dense<0.000000e+00> : vector<64xf32>
    %reduce_sum3A_45 = vector.multi_reduction <add>, %mul3A_43, %reduce_sum3A_44 [0] : vector<4096x64xf32> to vector<64xf32>
    %broadcast_in_dim3A_46 = vector.shape_cast %reduce_sum3A_45 : vector<64xf32> to vector<1x64xf32>
    %eq3A = arith.constant 0 : i32
    %eq3A_47 = arith.cmpi eq, %arg0, %eq3A : i32
    %convert_element_type3A = arith.extui %eq3A_47 : i1 to i32
    %cond3A = arith.constant 0 : i32
    %cond3A_48 = arith.cmpi ne, %convert_element_type3A, %cond3A : i32
    scf.if %cond3A_48 {
      %broadcast_in_dim3A_56 = arith.constant 0.000000e+00 : f32
      %broadcast_in_dim3A_57 = vector.broadcast %broadcast_in_dim3A_56 : f32 to vector<2x64xf32>
      %swap3A_58 = arith.constant 0 : index
      %swap3A_59 = arith.constant 0 : index
      %swap3A_60 = vector.load %arg7[%swap3A_58, %swap3A_59] : memref<2x64xf32, #tpu.memory_space<vmem>>, vector<2x64xf32>
      tpu.vector_store %arg7[%swap3A_58, %swap3A_59], %broadcast_in_dim3A_57 {strides = array<i32>} : memref<2x64xf32, #tpu.memory_space<vmem>>, vector<2x64xf32>,
    } else {
    }
    %get3A_49 = arith.constant 0 : index
    %get3A_50 = arith.constant 0 : index
    %get3A_51 = vector.load %arg7[%get3A_49, %get3A_50] : memref<2x64xf32, #tpu.memory_space<vmem>>, vector<2x64xf32>
    %concatenate3A = tpu.concatenate %broadcast_in_dim3A, %broadcast_in_dim3A_46 in 0 : vector<1x64xf32>, vector<1x64xf32> -> vector<2x64xf32>
    %add3A_52 = arith.addf %get3A_51, %concatenate3A : vector<2x64xf32>
    %swap3A_53 = arith.constant 0 : index
    %swap3A_54 = arith.constant 0 : index
    %swap3A_55 = vector.load %arg7[%swap3A_53, %swap3A_54] : memref<2x64xf32, #tpu.memory_space<vmem>>, vector<2x64xf32>
    tpu.vector_store %arg7[%swap3A_53, %swap3A_54], %add3A_52 {strides = array<i32>} : memref<2x64xf32, #tpu.memory_space<vmem>>, vector<2x64xf32>,
    return
  }
  func.func @transform_0(%arg0: i32) -> (i32, i32, i32) {
    %c0_i32 = arith.constant 0 : i32
    %c0_i32_0 = arith.constant 0 : i32
    %c0_i32_1 = arith.constant 0 : i32
    return %arg0, %c0_i32, %c0_i32_0 : i32, i32, i32
  }
  func.func @transform_1(%arg0: i32) -> (i32, i32) {
    %c0_i32 = arith.constant 0 : i32
    %c0_i32_0 = arith.constant 0 : i32
    %c0_i32_1 = arith.constant 0 : i32
    return %c0_i32, %c0_i32_0 : i32, i32
  }
  func.func @transform_2(%arg0: i32) -> (i32, i32) {
    %c0_i32 = arith.constant 0 : i32
    %c0_i32_0 = arith.constant 0 : i32
    %c0_i32_1 = arith.constant 0 : i32
    return %c0_i32, %c0_i32_0 : i32, i32
  }
  func.func @transform_3(%arg0: i32) -> (i32, i32) {
    %c0_i32 = arith.constant 0 : i32
    %c0_i32_0 = arith.constant 0 : i32
    %c0_i32_1 = arith.constant 0 : i32
    return %c0_i32, %c0_i32_0 : i32, i32
  }
  func.func @transform_4(%arg0: i32) -> (i32, i32) {
    %c0_i32 = arith.constant 0 : i32
    %c0_i32_0 = arith.constant 0 : i32
    %c0_i32_1 = arith.constant 0 : i32
    return %c0_i32, %c0_i32_0 : i32, i32
  }
  func.func @transform_5(%arg0: i32) -> (i32, i32, i32) {
    %c0_i32 = arith.constant 0 : i32
    %c0_i32_0 = arith.constant 0 : i32
    %c0_i32_1 = arith.constant 0 : i32
    return %arg0, %c0_i32, %c0_i32_0 : i32, i32, i32
  }
  func.func @transform_6(%arg0: i32) -> (i32, i32) {
    %c0_i32 = arith.constant 0 : i32
    %c0_i32_0 = arith.constant 0 : i32
    %c0_i32_1 = arith.constant 0 : i32
    return %c0_i32, %c0_i32_0 : i32, i32
  }
}

module attributes {stable_mosaic.version = 14 : i64} {
  func.func @_norm_max_body(%arg0: i32, %arg1: memref<256x16x64xf32, #tpu.memory_space<vmem>>, %arg2: memref<2x64xf32, #tpu.memory_space<vmem>>, %arg3: memref<1x64xf32, #tpu.memory_space<vmem>>, %arg4: memref<1x64xf32, #tpu.memory_space<vmem>>, %arg5: memref<256x64xf32, #tpu.memory_space<vmem>>) attributes {dimension_semantics = [#tpu.dimension_semantics<arbitrary>], iteration_bounds = array<i64: 8>, scalar_prefetch = 0 : i64, scratch_operands = 0 : i64, tpu.core_type = #tpu.core_type<tc>, window_params = [{transform_indices = @transform_0, window_bounds = array<i64: 256, 16, 64>}, {pipeline_mode = #tpu.pipeline_mode<synchronous>, transform_indices = @transform_1, window_bounds = array<i64: 2, 64>}, {pipeline_mode = #tpu.pipeline_mode<synchronous>, transform_indices = @transform_2, window_bounds = array<i64: 1, 64>}, {pipeline_mode = #tpu.pipeline_mode<synchronous>, transform_indices = @transform_3, window_bounds = array<i64: 1, 64>}, {transform_indices = @transform_4, window_bounds = array<i64: 256, 64>}]} {
    %get3A = arith.constant 0 : index
    %get3A_0 = arith.constant 0 : index
    %get3A_1 = arith.constant 0 : index
    %get3A_2 = vector.load %arg1[%get3A, %get3A_0, %get3A_1] : memref<256x16x64xf32, #tpu.memory_space<vmem>>, vector<256x16x64xf32>
    %get3A_3 = arith.constant 0 : index
    %get3A_4 = arith.constant 0 : index
    %get3A_5 = vector.load %arg2[%get3A_3, %get3A_4] : memref<2x64xf32, #tpu.memory_space<vmem>>, vector<2x64xf32>
    %get3A_6 = arith.constant 0 : index
    %get3A_7 = arith.constant 0 : index
    %get3A_8 = vector.load %arg3[%get3A_6, %get3A_7] : memref<1x64xf32, #tpu.memory_space<vmem>>, vector<1x64xf32>
    %get3A_9 = arith.constant 0 : index
    %get3A_10 = arith.constant 0 : index
    %get3A_11 = vector.load %arg4[%get3A_9, %get3A_10] : memref<1x64xf32, #tpu.memory_space<vmem>>, vector<1x64xf32>
    %slice3A = vector.extract_strided_slice %get3A_5 {offsets = [0, 0], sizes = [1, 64], strides = [1, 1]} : vector<2x64xf32> to vector<1x64xf32>
    %div3A = arith.constant 3.276800e+04 : f32
    %div3A_12 = vector.broadcast %div3A : f32 to vector<1x64xf32>
    %div3A_13 = arith.divf %slice3A, %div3A_12 : vector<1x64xf32>
    %reshape3A = vector.shape_cast %div3A_13 : vector<1x64xf32> to vector<1x1x64xf32>
    %slice3A_14 = vector.extract_strided_slice %get3A_5 {offsets = [1, 0], sizes = [1, 64], strides = [1, 1]} : vector<2x64xf32> to vector<1x64xf32>
    %div3A_15 = arith.constant 3.276800e+04 : f32
    %div3A_16 = vector.broadcast %div3A_15 : f32 to vector<1x64xf32>
    %div3A_17 = arith.divf %slice3A_14, %div3A_16 : vector<1x64xf32>
    %reshape3A_18 = vector.shape_cast %div3A_17 : vector<1x64xf32> to vector<1x1x64xf32>
    %mul3A = arith.mulf %reshape3A, %reshape3A : vector<1x1x64xf32>
    %sub3A = arith.subf %reshape3A_18, %mul3A : vector<1x1x64xf32>
    %reshape3A_19 = vector.shape_cast %get3A_8 : vector<1x64xf32> to vector<1x1x64xf32>
    %sub3A_20 = vector.broadcast %reshape3A : vector<1x1x64xf32> to vector<256x16x64xf32>
    %sub3A_21 = arith.subf %get3A_2, %sub3A_20 : vector<256x16x64xf32>
    %mul3A_22 = vector.broadcast %reshape3A_19 : vector<1x1x64xf32> to vector<256x16x64xf32>
    %mul3A_23 = arith.mulf %mul3A_22, %sub3A_21 : vector<256x16x64xf32>
    %add3A = arith.constant 9.99999974E-6 : f32
    %add3A_24 = vector.broadcast %add3A : f32 to vector<1x1x64xf32>
    %add3A_25 = arith.addf %sub3A, %add3A_24 : vector<1x1x64xf32>
    %sqrt3A = math.sqrt %add3A_25 : vector<1x1x64xf32>
    %div3A_26 = vector.broadcast %sqrt3A : vector<1x1x64xf32> to vector<256x16x64xf32>
    %div3A_27 = arith.divf %mul3A_23, %div3A_26 : vector<256x16x64xf32>
    %reshape3A_28 = vector.shape_cast %get3A_11 : vector<1x64xf32> to vector<1x1x64xf32>
    %add3A_29 = vector.broadcast %reshape3A_28 : vector<1x1x64xf32> to vector<256x16x64xf32>
    %add3A_30 = arith.addf %div3A_27, %add3A_29 : vector<256x16x64xf32>
    %max3A = arith.constant 0.000000e+00 : f32
    %max3A_31 = vector.broadcast %max3A : f32 to vector<256x16x64xf32>
    %max3A_32 = arith.maximumf %add3A_30, %max3A_31 : vector<256x16x64xf32>
    %reduce_max3A = arith.constant dense<0xFF800000> : vector<256x64xf32>
    %reduce_max3A_33 = vector.multi_reduction <maximumf>, %max3A_32, %reduce_max3A [1] : vector<256x16x64xf32> to vector<256x64xf32>
    %swap3A = arith.constant 0 : index
    %swap3A_34 = arith.constant 0 : index
    %swap3A_35 = vector.load %arg5[%swap3A, %swap3A_34] : memref<256x64xf32, #tpu.memory_space<vmem>>, vector<256x64xf32>
    tpu.vector_store %arg5[%swap3A, %swap3A_34], %reduce_max3A_33 {strides = array<i32>} : memref<256x64xf32, #tpu.memory_space<vmem>>, vector<256x64xf32>,
    return
  }
  func.func @transform_0(%arg0: i32) -> (i32, i32, i32) {
    %c0_i32 = arith.constant 0 : i32
    %c0_i32_0 = arith.constant 0 : i32
    %c0_i32_1 = arith.constant 0 : i32
    return %arg0, %c0_i32, %c0_i32_0 : i32, i32, i32
  }
  func.func @transform_1(%arg0: i32) -> (i32, i32) {
    %c0_i32 = arith.constant 0 : i32
    %c0_i32_0 = arith.constant 0 : i32
    %c0_i32_1 = arith.constant 0 : i32
    return %c0_i32, %c0_i32_0 : i32, i32
  }
  func.func @transform_2(%arg0: i32) -> (i32, i32) {
    %c0_i32 = arith.constant 0 : i32
    %c0_i32_0 = arith.constant 0 : i32
    %c0_i32_1 = arith.constant 0 : i32
    return %c0_i32, %c0_i32_0 : i32, i32
  }
  func.func @transform_3(%arg0: i32) -> (i32, i32) {
    %c0_i32 = arith.constant 0 : i32
    %c0_i32_0 = arith.constant 0 : i32
    %c0_i32_1 = arith.constant 0 : i32
    return %c0_i32, %c0_i32_0 : i32, i32
  }
  func.func @transform_4(%arg0: i32) -> (i32, i32) {
    %c0_i32 = arith.constant 0 : i32
    %c0_i32_0 = arith.constant 0 : i32
    return %arg0, %c0_i32 : i32, i32
  }
}

module attributes {stable_mosaic.version = 14 : i64} {
  func.func @_neighbor_body(%arg0: i32, %arg1: i32, %arg2: memref<1x256x3xf32, #tpu.memory_space<vmem>>, %arg3: memref<1x3x4096xf32, #tpu.memory_space<vmem>>, %arg4: memref<1x256x3xi32, #tpu.memory_space<vmem>>) attributes {dimension_semantics = [#tpu.dimension_semantics<parallel>, #tpu.dimension_semantics<parallel>], iteration_bounds = array<i64: 2, 32>, scalar_prefetch = 0 : i64, scratch_operands = 0 : i64, tpu.core_type = #tpu.core_type<tc>, window_params = [{transform_indices = @transform_0, window_bounds = array<i64: 1, 256, 3>}, {transform_indices = @transform_1, window_bounds = array<i64: 1, 3, 4096>}, {transform_indices = @transform_2, window_bounds = array<i64: 1, 256, 3>}]} {
    %get3A = arith.constant 0 : index
    %get3A_0 = arith.constant 0 : index
    %get3A_1 = arith.constant 0 : index
    %get3A_2 = vector.load %arg2[%get3A, %get3A_0, %get3A_1] : memref<1x256x3xf32, #tpu.memory_space<vmem>>, vector<1x256x3xf32>
    %get3A_3 = vector.shape_cast %get3A_2 : vector<1x256x3xf32> to vector<256x3xf32>
    %get3A_4 = arith.constant 0 : index
    %get3A_5 = arith.constant 0 : index
    %get3A_6 = arith.constant 0 : index
    %get3A_7 = vector.load %arg3[%get3A_4, %get3A_5, %get3A_6] : memref<1x3x4096xf32, #tpu.memory_space<vmem>>, vector<1x3x4096xf32>
    %get3A_8 = vector.shape_cast %get3A_7 : vector<1x3x4096xf32> to vector<3x4096xf32>
    %dot_general3A = arith.constant dense<0.000000e+00> : vector<256x4096xf32>
    %dot_general3A_9 = tpu.matmul %get3A_3, %get3A_8, %dot_general3A {dimension_numbers = #tpu.dot_dimension_numbers<[1], [0], [0], [1], [0, 0, 1, 1], [], []>, transpose_lhs_hint = false} : vector<256x3xf32>, vector<3x4096xf32>, vector<256x4096xf32> -> vector<256x4096xf32>
    %mul3A = arith.mulf %get3A_3, %get3A_3 : vector<256x3xf32>
    %reduce_sum3A = arith.constant dense<0.000000e+00> : vector<256xf32>
    %reduce_sum3A_10 = vector.multi_reduction <add>, %mul3A, %reduce_sum3A [1] : vector<256x3xf32> to vector<256xf32>
    %broadcast_in_dim3A = vector.shape_cast %reduce_sum3A_10 : vector<256xf32> to vector<256x1xf32>
    %mul3A_11 = arith.mulf %get3A_8, %get3A_8 : vector<3x4096xf32>
    %reduce_sum3A_12 = arith.constant dense<0.000000e+00> : vector<4096xf32>
    %reduce_sum3A_13 = vector.multi_reduction <add>, %mul3A_11, %reduce_sum3A_12 [0] : vector<3x4096xf32> to vector<4096xf32>
    %broadcast_in_dim3A_14 = vector.shape_cast %reduce_sum3A_13 : vector<4096xf32> to vector<1x4096xf32>
    %mul3A_15 = arith.constant -2.000000e+00 : f32
    %mul3A_16 = vector.broadcast %mul3A_15 : f32 to vector<256x4096xf32>
    %mul3A_17 = arith.mulf %mul3A_16, %dot_general3A_9 : vector<256x4096xf32>
    %add3A = vector.broadcast %broadcast_in_dim3A : vector<256x1xf32> to vector<256x4096xf32>
    %add3A_18 = arith.addf %mul3A_17, %add3A : vector<256x4096xf32>
    %add3A_19 = vector.broadcast %broadcast_in_dim3A_14 : vector<1x4096xf32> to vector<256x4096xf32>
    %add3A_20 = arith.addf %add3A_18, %add3A_19 : vector<256x4096xf32>
    %iota3A = tpu.iota {dimensions = array<i32: 1>} : vector<256x4096xi32>
    %reduce_min3A = arith.constant dense<0x7F800000> : vector<256xf32>
    %reduce_min3A_21 = vector.multi_reduction <minimumf>, %add3A_20, %reduce_min3A [1] : vector<256x4096xf32> to vector<256xf32>
    %broadcast_in_dim3A_22 = vector.shape_cast %reduce_min3A_21 : vector<256xf32> to vector<256x1xf32>
    %eq3A = vector.broadcast %broadcast_in_dim3A_22 : vector<256x1xf32> to vector<256x4096xf32>
    %eq3A_23 = arith.cmpf oeq, %add3A_20, %eq3A : vector<256x4096xf32>
    %jit3A = arith.constant 4096 : i32
    %broadcast_in_dim3A_24 = vector.broadcast %jit3A : i32 to vector<256x4096xi32>
    %select_n3A = arith.select %eq3A_23, %iota3A, %broadcast_in_dim3A_24 : vector<256x4096xi1>, vector<256x4096xi32>
    %reduce_min3A_25 = arith.constant dense<2147483647> : vector<256xi32>
    %reduce_min3A_26 = vector.multi_reduction <minsi>, %select_n3A, %reduce_min3A_25 [1] : vector<256x4096xi32> to vector<256xi32>
    %broadcast_in_dim3A_27 = vector.shape_cast %reduce_min3A_26 : vector<256xi32> to vector<256x1xi32>
    %eq3A_28 = vector.broadcast %broadcast_in_dim3A_27 : vector<256x1xi32> to vector<256x4096xi32>
    %eq3A_29 = arith.cmpi eq, %iota3A, %eq3A_28 : vector<256x4096xi32>
    %jit3A_30 = arith.constant 0x7F800000 : f32
    %broadcast_in_dim3A_31 = vector.broadcast %jit3A_30 : f32 to vector<256x4096xf32>
    %select_n3A_32 = arith.select %eq3A_29, %broadcast_in_dim3A_31, %add3A_20 : vector<256x4096xi1>, vector<256x4096xf32>
    %reduce_min3A_33 = arith.constant dense<0x7F800000> : vector<256xf32>
    %reduce_min3A_34 = vector.multi_reduction <minimumf>, %select_n3A_32, %reduce_min3A_33 [1] : vector<256x4096xf32> to vector<256xf32>
    %broadcast_in_dim3A_35 = vector.shape_cast %reduce_min3A_34 : vector<256xf32> to vector<256x1xf32>
    %eq3A_36 = vector.broadcast %broadcast_in_dim3A_35 : vector<256x1xf32> to vector<256x4096xf32>
    %eq3A_37 = arith.cmpf oeq, %select_n3A_32, %eq3A_36 : vector<256x4096xf32>
    %jit3A_38 = arith.constant 4096 : i32
    %broadcast_in_dim3A_39 = vector.broadcast %jit3A_38 : i32 to vector<256x4096xi32>
    %select_n3A_40 = arith.select %eq3A_37, %iota3A, %broadcast_in_dim3A_39 : vector<256x4096xi1>, vector<256x4096xi32>
    %reduce_min3A_41 = arith.constant dense<2147483647> : vector<256xi32>
    %reduce_min3A_42 = vector.multi_reduction <minsi>, %select_n3A_40, %reduce_min3A_41 [1] : vector<256x4096xi32> to vector<256xi32>
    %broadcast_in_dim3A_43 = vector.shape_cast %reduce_min3A_42 : vector<256xi32> to vector<256x1xi32>
    %eq3A_44 = vector.broadcast %broadcast_in_dim3A_43 : vector<256x1xi32> to vector<256x4096xi32>
    %eq3A_45 = arith.cmpi eq, %iota3A, %eq3A_44 : vector<256x4096xi32>
    %jit3A_46 = arith.constant 0x7F800000 : f32
    %broadcast_in_dim3A_47 = vector.broadcast %jit3A_46 : f32 to vector<256x4096xf32>
    %select_n3A_48 = arith.select %eq3A_45, %broadcast_in_dim3A_47, %select_n3A_32 : vector<256x4096xi1>, vector<256x4096xf32>
    %reduce_min3A_49 = arith.constant dense<0x7F800000> : vector<256xf32>
    %reduce_min3A_50 = vector.multi_reduction <minimumf>, %select_n3A_48, %reduce_min3A_49 [1] : vector<256x4096xf32> to vector<256xf32>
    %broadcast_in_dim3A_51 = vector.shape_cast %reduce_min3A_50 : vector<256xf32> to vector<256x1xf32>
    %eq3A_52 = vector.broadcast %broadcast_in_dim3A_51 : vector<256x1xf32> to vector<256x4096xf32>
    %eq3A_53 = arith.cmpf oeq, %select_n3A_48, %eq3A_52 : vector<256x4096xf32>
    %jit3A_54 = arith.constant 4096 : i32
    %broadcast_in_dim3A_55 = vector.broadcast %jit3A_54 : i32 to vector<256x4096xi32>
    %select_n3A_56 = arith.select %eq3A_53, %iota3A, %broadcast_in_dim3A_55 : vector<256x4096xi1>, vector<256x4096xi32>
    %reduce_min3A_57 = arith.constant dense<2147483647> : vector<256xi32>
    %reduce_min3A_58 = vector.multi_reduction <minsi>, %select_n3A_56, %reduce_min3A_57 [1] : vector<256x4096xi32> to vector<256xi32>
    %broadcast_in_dim3A_59 = vector.shape_cast %reduce_min3A_58 : vector<256xi32> to vector<256x1xi32>
    %concatenate3A = tpu.concatenate %broadcast_in_dim3A_27, %broadcast_in_dim3A_43, %broadcast_in_dim3A_59 in 1 : vector<256x1xi32>, vector<256x1xi32>, vector<256x1xi32> -> vector<256x3xi32>
    %mul3A_60 = arith.constant 4096 : i32
    %mul3A_61 = arith.muli %arg0, %mul3A_60 : i32
    %add3A_62 = vector.broadcast %mul3A_61 : i32 to vector<256x3xi32>
    %add3A_63 = arith.addi %concatenate3A, %add3A_62 : vector<256x3xi32>
    %swap3A = arith.constant 0 : index
    %swap3A_64 = arith.constant 0 : index
    %swap3A_65 = arith.constant 0 : index
    %swap3A_66 = vector.load %arg4[%swap3A, %swap3A_64, %swap3A_65] : memref<1x256x3xi32, #tpu.memory_space<vmem>>, vector<1x256x3xi32>
    %swap3A_67 = vector.shape_cast %swap3A_66 : vector<1x256x3xi32> to vector<256x3xi32>
    %swap3A_68 = vector.shape_cast %add3A_63 : vector<256x3xi32> to vector<1x256x3xi32>
    tpu.vector_store %arg4[%swap3A, %swap3A_64, %swap3A_65], %swap3A_68 {strides = array<i32>} : memref<1x256x3xi32, #tpu.memory_space<vmem>>, vector<1x256x3xi32>,
    return
  }
  func.func @transform_0(%arg0: i32, %arg1: i32) -> (i32, i32, i32) {
    %c0_i32 = arith.constant 0 : i32
    %c0_i32_0 = arith.constant 0 : i32
    return %arg0, %arg1, %c0_i32 : i32, i32, i32
  }
  func.func @transform_1(%arg0: i32, %arg1: i32) -> (i32, i32, i32) {
    %c0_i32 = arith.constant 0 : i32
    %c0_i32_0 = arith.constant 0 : i32
    %c0_i32_1 = arith.constant 0 : i32
    return %arg0, %c0_i32, %c0_i32_0 : i32, i32, i32
  }
  func.func @transform_2(%arg0: i32, %arg1: i32) -> (i32, i32, i32) {
    %c0_i32 = arith.constant 0 : i32
    %c0_i32_0 = arith.constant 0 : i32
    return %arg0, %arg1, %c0_i32 : i32, i32, i32
  }
}

module attributes {stable_mosaic.version = 14 : i64} {
  func.func @_grouped_lin_body(%arg0: i32, %arg1: memref<256x8x128xf32, #tpu.memory_space<vmem>>, %arg2: memref<256x128xf32, #tpu.memory_space<vmem>>, %arg3: memref<32x128xf32, #tpu.memory_space<vmem>>, %arg4: memref<256x8x32xf32, #tpu.memory_space<vmem>>, %arg5: memref<2x32xf32, #tpu.memory_space<vmem>>) attributes {dimension_semantics = [#tpu.dimension_semantics<arbitrary>], iteration_bounds = array<i64: 32>, scalar_prefetch = 0 : i64, scratch_operands = 0 : i64, tpu.core_type = #tpu.core_type<tc>, window_params = [{transform_indices = @transform_0, window_bounds = array<i64: 256, 8, 128>}, {transform_indices = @transform_1, window_bounds = array<i64: 256, 128>}, {pipeline_mode = #tpu.pipeline_mode<synchronous>, transform_indices = @transform_2, window_bounds = array<i64: 32, 128>}, {transform_indices = @transform_3, window_bounds = array<i64: 256, 8, 32>}, {pipeline_mode = #tpu.pipeline_mode<synchronous>, transform_indices = @transform_4, window_bounds = array<i64: 2, 32>}]} {
    %get3A = arith.constant 0 : index
    %get3A_0 = arith.constant 0 : index
    %get3A_1 = arith.constant 0 : index
    %get3A_2 = vector.load %arg1[%get3A, %get3A_0, %get3A_1] : memref<256x8x128xf32, #tpu.memory_space<vmem>>, vector<256x8x128xf32>
    %get3A_3 = arith.constant 0 : index
    %get3A_4 = arith.constant 0 : index
    %get3A_5 = vector.load %arg2[%get3A_3, %get3A_4] : memref<256x128xf32, #tpu.memory_space<vmem>>, vector<256x128xf32>
    %broadcast_in_dim3A = vector.shape_cast %get3A_5 : vector<256x128xf32> to vector<256x1x128xf32>
    %sub3A = vector.broadcast %broadcast_in_dim3A : vector<256x1x128xf32> to vector<256x8x128xf32>
    %sub3A_6 = arith.subf %get3A_2, %sub3A : vector<256x8x128xf32>
    %reshape3A = vector.shape_cast %sub3A_6 : vector<256x8x128xf32> to vector<2048x128xf32>
    %get3A_7 = arith.constant 0 : index
    %get3A_8 = arith.constant 0 : index
    %get3A_9 = vector.load %arg3[%get3A_7, %get3A_8] : memref<32x128xf32, #tpu.memory_space<vmem>>, vector<32x128xf32>
    %dot_general3A = arith.constant dense<0.000000e+00> : vector<2048x32xf32>
    %dot_general3A_10 = tpu.matmul %reshape3A, %get3A_9, %dot_general3A {dimension_numbers = #tpu.dot_dimension_numbers<[1], [1], [0], [0], [0, 0, 1, 0], [], []>, transpose_lhs_hint = false} : vector<2048x128xf32>, vector<32x128xf32>, vector<2048x32xf32> -> vector<2048x32xf32>
    %reshape3A_11 = vector.shape_cast %dot_general3A_10 : vector<2048x32xf32> to vector<256x8x32xf32>
    %swap3A = arith.constant 0 : index
    %swap3A_12 = arith.constant 0 : index
    %swap3A_13 = arith.constant 0 : index
    %swap3A_14 = vector.load %arg4[%swap3A, %swap3A_12, %swap3A_13] : memref<256x8x32xf32, #tpu.memory_space<vmem>>, vector<256x8x32xf32>
    tpu.vector_store %arg4[%swap3A, %swap3A_12, %swap3A_13], %reshape3A_11 {strides = array<i32>} : memref<256x8x32xf32, #tpu.memory_space<vmem>>, vector<256x8x32xf32>,
    %reduce_sum3A = arith.constant dense<0.000000e+00> : vector<32xf32>
    %reduce_sum3A_15 = vector.multi_reduction <add>, %dot_general3A_10, %reduce_sum3A [0] : vector<2048x32xf32> to vector<32xf32>
    %broadcast_in_dim3A_16 = vector.shape_cast %reduce_sum3A_15 : vector<32xf32> to vector<1x32xf32>
    %mul3A = arith.mulf %dot_general3A_10, %dot_general3A_10 : vector<2048x32xf32>
    %reduce_sum3A_17 = arith.constant dense<0.000000e+00> : vector<32xf32>
    %reduce_sum3A_18 = vector.multi_reduction <add>, %mul3A, %reduce_sum3A_17 [0] : vector<2048x32xf32> to vector<32xf32>
    %broadcast_in_dim3A_19 = vector.shape_cast %reduce_sum3A_18 : vector<32xf32> to vector<1x32xf32>
    %eq3A = arith.constant 0 : i32
    %eq3A_20 = arith.cmpi eq, %arg0, %eq3A : i32
    %convert_element_type3A = arith.extui %eq3A_20 : i1 to i32
    %cond3A = arith.constant 0 : i32
    %cond3A_21 = arith.cmpi ne, %convert_element_type3A, %cond3A : i32
    scf.if %cond3A_21 {
      %broadcast_in_dim3A_28 = arith.constant 0.000000e+00 : f32
      %broadcast_in_dim3A_29 = vector.broadcast %broadcast_in_dim3A_28 : f32 to vector<2x32xf32>
      %swap3A_30 = arith.constant 0 : index
      %swap3A_31 = arith.constant 0 : index
      %swap3A_32 = vector.load %arg5[%swap3A_30, %swap3A_31] : memref<2x32xf32, #tpu.memory_space<vmem>>, vector<2x32xf32>
      tpu.vector_store %arg5[%swap3A_30, %swap3A_31], %broadcast_in_dim3A_29 {strides = array<i32>} : memref<2x32xf32, #tpu.memory_space<vmem>>, vector<2x32xf32>,
    } else {
    }
    %get3A_22 = arith.constant 0 : index
    %get3A_23 = arith.constant 0 : index
    %get3A_24 = vector.load %arg5[%get3A_22, %get3A_23] : memref<2x32xf32, #tpu.memory_space<vmem>>, vector<2x32xf32>
    %concatenate3A = tpu.concatenate %broadcast_in_dim3A_16, %broadcast_in_dim3A_19 in 0 : vector<1x32xf32>, vector<1x32xf32> -> vector<2x32xf32>
    %add3A = arith.addf %get3A_24, %concatenate3A : vector<2x32xf32>
    %swap3A_25 = arith.constant 0 : index
    %swap3A_26 = arith.constant 0 : index
    %swap3A_27 = vector.load %arg5[%swap3A_25, %swap3A_26] : memref<2x32xf32, #tpu.memory_space<vmem>>, vector<2x32xf32>
    tpu.vector_store %arg5[%swap3A_25, %swap3A_26], %add3A {strides = array<i32>} : memref<2x32xf32, #tpu.memory_space<vmem>>, vector<2x32xf32>,
    return
  }
  func.func @transform_0(%arg0: i32) -> (i32, i32, i32) {
    %c0_i32 = arith.constant 0 : i32
    %c0_i32_0 = arith.constant 0 : i32
    %c0_i32_1 = arith.constant 0 : i32
    return %arg0, %c0_i32, %c0_i32_0 : i32, i32, i32
  }
  func.func @transform_1(%arg0: i32) -> (i32, i32) {
    %c0_i32 = arith.constant 0 : i32
    %c0_i32_0 = arith.constant 0 : i32
    return %arg0, %c0_i32 : i32, i32
  }
  func.func @transform_2(%arg0: i32) -> (i32, i32) {
    %c0_i32 = arith.constant 0 : i32
    %c0_i32_0 = arith.constant 0 : i32
    %c0_i32_1 = arith.constant 0 : i32
    return %c0_i32, %c0_i32_0 : i32, i32
  }
  func.func @transform_3(%arg0: i32) -> (i32, i32, i32) {
    %c0_i32 = arith.constant 0 : i32
    %c0_i32_0 = arith.constant 0 : i32
    %c0_i32_1 = arith.constant 0 : i32
    return %arg0, %c0_i32, %c0_i32_0 : i32, i32, i32
  }
  func.func @transform_4(%arg0: i32) -> (i32, i32) {
    %c0_i32 = arith.constant 0 : i32
    %c0_i32_0 = arith.constant 0 : i32
    %c0_i32_1 = arith.constant 0 : i32
    return %c0_i32, %c0_i32_0 : i32, i32
  }
}

module attributes {stable_mosaic.version = 14 : i64} {
  func.func @_su_b_body(%arg0: i32, %arg1: memref<256x8x32xf32, #tpu.memory_space<vmem>>, %arg2: memref<2x32xf32, #tpu.memory_space<vmem>>, %arg3: memref<1x32xf32, #tpu.memory_space<vmem>>, %arg4: memref<1x32xf32, #tpu.memory_space<vmem>>, %arg5: memref<256x32xf32, #tpu.memory_space<vmem>>, %arg6: memref<32x64xf32, #tpu.memory_space<vmem>>, %arg7: memref<256x32xf32, #tpu.memory_space<vmem>>, %arg8: memref<2x32xf32, #tpu.memory_space<vmem>>) attributes {dimension_semantics = [#tpu.dimension_semantics<arbitrary>], iteration_bounds = array<i64: 32>, scalar_prefetch = 0 : i64, scratch_operands = 0 : i64, tpu.core_type = #tpu.core_type<tc>, window_params = [{transform_indices = @transform_0, window_bounds = array<i64: 256, 8, 32>}, {pipeline_mode = #tpu.pipeline_mode<synchronous>, transform_indices = @transform_1, window_bounds = array<i64: 2, 32>}, {pipeline_mode = #tpu.pipeline_mode<synchronous>, transform_indices = @transform_2, window_bounds = array<i64: 1, 32>}, {pipeline_mode = #tpu.pipeline_mode<synchronous>, transform_indices = @transform_3, window_bounds = array<i64: 1, 32>}, {transform_indices = @transform_4, window_bounds = array<i64: 256, 32>}, {pipeline_mode = #tpu.pipeline_mode<synchronous>, transform_indices = @transform_5, window_bounds = array<i64: 32, 64>}, {transform_indices = @transform_6, window_bounds = array<i64: 256, 32>}, {pipeline_mode = #tpu.pipeline_mode<synchronous>, transform_indices = @transform_7, window_bounds = array<i64: 2, 32>}]} {
    %get3A = arith.constant 0 : index
    %get3A_0 = arith.constant 0 : index
    %get3A_1 = arith.constant 0 : index
    %get3A_2 = vector.load %arg1[%get3A, %get3A_0, %get3A_1] : memref<256x8x32xf32, #tpu.memory_space<vmem>>, vector<256x8x32xf32>
    %get3A_3 = arith.constant 0 : index
    %get3A_4 = arith.constant 0 : index
    %get3A_5 = vector.load %arg2[%get3A_3, %get3A_4] : memref<2x32xf32, #tpu.memory_space<vmem>>, vector<2x32xf32>
    %get3A_6 = arith.constant 0 : index
    %get3A_7 = arith.constant 0 : index
    %get3A_8 = vector.load %arg3[%get3A_6, %get3A_7] : memref<1x32xf32, #tpu.memory_space<vmem>>, vector<1x32xf32>
    %get3A_9 = arith.constant 0 : index
    %get3A_10 = arith.constant 0 : index
    %get3A_11 = vector.load %arg4[%get3A_9, %get3A_10] : memref<1x32xf32, #tpu.memory_space<vmem>>, vector<1x32xf32>
    %slice3A = vector.extract_strided_slice %get3A_5 {offsets = [0, 0], sizes = [1, 32], strides = [1, 1]} : vector<2x32xf32> to vector<1x32xf32>
    %div3A = arith.constant 6.553600e+04 : f32
    %div3A_12 = vector.broadcast %div3A : f32 to vector<1x32xf32>
    %div3A_13 = arith.divf %slice3A, %div3A_12 : vector<1x32xf32>
    %reshape3A = vector.shape_cast %div3A_13 : vector<1x32xf32> to vector<1x1x32xf32>
    %slice3A_14 = vector.extract_strided_slice %get3A_5 {offsets = [1, 0], sizes = [1, 32], strides = [1, 1]} : vector<2x32xf32> to vector<1x32xf32>
    %div3A_15 = arith.constant 6.553600e+04 : f32
    %div3A_16 = vector.broadcast %div3A_15 : f32 to vector<1x32xf32>
    %div3A_17 = arith.divf %slice3A_14, %div3A_16 : vector<1x32xf32>
    %reshape3A_18 = vector.shape_cast %div3A_17 : vector<1x32xf32> to vector<1x1x32xf32>
    %mul3A = arith.mulf %reshape3A, %reshape3A : vector<1x1x32xf32>
    %sub3A = arith.subf %reshape3A_18, %mul3A : vector<1x1x32xf32>
    %reshape3A_19 = vector.shape_cast %get3A_8 : vector<1x32xf32> to vector<1x1x32xf32>
    %sub3A_20 = vector.broadcast %reshape3A : vector<1x1x32xf32> to vector<256x8x32xf32>
    %sub3A_21 = arith.subf %get3A_2, %sub3A_20 : vector<256x8x32xf32>
    %mul3A_22 = vector.broadcast %reshape3A_19 : vector<1x1x32xf32> to vector<256x8x32xf32>
    %mul3A_23 = arith.mulf %mul3A_22, %sub3A_21 : vector<256x8x32xf32>
    %add3A = arith.constant 9.99999974E-6 : f32
    %add3A_24 = vector.broadcast %add3A : f32 to vector<1x1x32xf32>
    %add3A_25 = arith.addf %sub3A, %add3A_24 : vector<1x1x32xf32>
    %sqrt3A = math.sqrt %add3A_25 : vector<1x1x32xf32>
    %div3A_26 = vector.broadcast %sqrt3A : vector<1x1x32xf32> to vector<256x8x32xf32>
    %div3A_27 = arith.divf %mul3A_23, %div3A_26 : vector<256x8x32xf32>
    %reshape3A_28 = vector.shape_cast %get3A_11 : vector<1x32xf32> to vector<1x1x32xf32>
    %add3A_29 = vector.broadcast %reshape3A_28 : vector<1x1x32xf32> to vector<256x8x32xf32>
    %add3A_30 = arith.addf %div3A_27, %add3A_29 : vector<256x8x32xf32>
    %max3A = arith.constant 0.000000e+00 : f32
    %max3A_31 = vector.broadcast %max3A : f32 to vector<256x8x32xf32>
    %max3A_32 = arith.maximumf %add3A_30, %max3A_31 : vector<256x8x32xf32>
    %reduce_max3A = arith.constant dense<0xFF800000> : vector<256x32xf32>
    %reduce_max3A_33 = vector.multi_reduction <maximumf>, %max3A_32, %reduce_max3A [1] : vector<256x8x32xf32> to vector<256x32xf32>
    %get3A_34 = arith.constant 0 : index
    %get3A_35 = arith.constant 0 : index
    %get3A_36 = vector.load %arg5[%get3A_34, %get3A_35] : memref<256x32xf32, #tpu.memory_space<vmem>>, vector<256x32xf32>
    %concatenate3A = tpu.concatenate %reduce_max3A_33, %get3A_36 in 1 : vector<256x32xf32>, vector<256x32xf32> -> vector<256x64xf32>
    %get3A_37 = arith.constant 0 : index
    %get3A_38 = arith.constant 0 : index
    %get3A_39 = vector.load %arg6[%get3A_37, %get3A_38] : memref<32x64xf32, #tpu.memory_space<vmem>>, vector<32x64xf32>
    %dot_general3A = arith.constant dense<0.000000e+00> : vector<256x32xf32>
    %dot_general3A_40 = tpu.matmul %concatenate3A, %get3A_39, %dot_general3A {dimension_numbers = #tpu.dot_dimension_numbers<[1], [1], [0], [0], [0, 0, 1, 0], [], []>, transpose_lhs_hint = false} : vector<256x64xf32>, vector<32x64xf32>, vector<256x32xf32> -> vector<256x32xf32>
    %swap3A = arith.constant 0 : index
    %swap3A_41 = arith.constant 0 : index
    %swap3A_42 = vector.load %arg7[%swap3A, %swap3A_41] : memref<256x32xf32, #tpu.memory_space<vmem>>, vector<256x32xf32>
    tpu.vector_store %arg7[%swap3A, %swap3A_41], %dot_general3A_40 {strides = array<i32>} : memref<256x32xf32, #tpu.memory_space<vmem>>, vector<256x32xf32>,
    %reduce_sum3A = arith.constant dense<0.000000e+00> : vector<32xf32>
    %reduce_sum3A_43 = vector.multi_reduction <add>, %dot_general3A_40, %reduce_sum3A [0] : vector<256x32xf32> to vector<32xf32>
    %broadcast_in_dim3A = vector.shape_cast %reduce_sum3A_43 : vector<32xf32> to vector<1x32xf32>
    %mul3A_44 = arith.mulf %dot_general3A_40, %dot_general3A_40 : vector<256x32xf32>
    %reduce_sum3A_45 = arith.constant dense<0.000000e+00> : vector<32xf32>
    %reduce_sum3A_46 = vector.multi_reduction <add>, %mul3A_44, %reduce_sum3A_45 [0] : vector<256x32xf32> to vector<32xf32>
    %broadcast_in_dim3A_47 = vector.shape_cast %reduce_sum3A_46 : vector<32xf32> to vector<1x32xf32>
    %eq3A = arith.constant 0 : i32
    %eq3A_48 = arith.cmpi eq, %arg0, %eq3A : i32
    %convert_element_type3A = arith.extui %eq3A_48 : i1 to i32
    %cond3A = arith.constant 0 : i32
    %cond3A_49 = arith.cmpi ne, %convert_element_type3A, %cond3A : i32
    scf.if %cond3A_49 {
      %broadcast_in_dim3A_58 = arith.constant 0.000000e+00 : f32
      %broadcast_in_dim3A_59 = vector.broadcast %broadcast_in_dim3A_58 : f32 to vector<2x32xf32>
      %swap3A_60 = arith.constant 0 : index
      %swap3A_61 = arith.constant 0 : index
      %swap3A_62 = vector.load %arg8[%swap3A_60, %swap3A_61] : memref<2x32xf32, #tpu.memory_space<vmem>>, vector<2x32xf32>
      tpu.vector_store %arg8[%swap3A_60, %swap3A_61], %broadcast_in_dim3A_59 {strides = array<i32>} : memref<2x32xf32, #tpu.memory_space<vmem>>, vector<2x32xf32>,
    } else {
    }
    %get3A_50 = arith.constant 0 : index
    %get3A_51 = arith.constant 0 : index
    %get3A_52 = vector.load %arg8[%get3A_50, %get3A_51] : memref<2x32xf32, #tpu.memory_space<vmem>>, vector<2x32xf32>
    %concatenate3A_53 = tpu.concatenate %broadcast_in_dim3A, %broadcast_in_dim3A_47 in 0 : vector<1x32xf32>, vector<1x32xf32> -> vector<2x32xf32>
    %add3A_54 = arith.addf %get3A_52, %concatenate3A_53 : vector<2x32xf32>
    %swap3A_55 = arith.constant 0 : index
    %swap3A_56 = arith.constant 0 : index
    %swap3A_57 = vector.load %arg8[%swap3A_55, %swap3A_56] : memref<2x32xf32, #tpu.memory_space<vmem>>, vector<2x32xf32>
    tpu.vector_store %arg8[%swap3A_55, %swap3A_56], %add3A_54 {strides = array<i32>} : memref<2x32xf32, #tpu.memory_space<vmem>>, vector<2x32xf32>,
    return
  }
  func.func @transform_0(%arg0: i32) -> (i32, i32, i32) {
    %c0_i32 = arith.constant 0 : i32
    %c0_i32_0 = arith.constant 0 : i32
    %c0_i32_1 = arith.constant 0 : i32
    return %arg0, %c0_i32, %c0_i32_0 : i32, i32, i32
  }
  func.func @transform_1(%arg0: i32) -> (i32, i32) {
    %c0_i32 = arith.constant 0 : i32
    %c0_i32_0 = arith.constant 0 : i32
    %c0_i32_1 = arith.constant 0 : i32
    return %c0_i32, %c0_i32_0 : i32, i32
  }
  func.func @transform_2(%arg0: i32) -> (i32, i32) {
    %c0_i32 = arith.constant 0 : i32
    %c0_i32_0 = arith.constant 0 : i32
    %c0_i32_1 = arith.constant 0 : i32
    return %c0_i32, %c0_i32_0 : i32, i32
  }
  func.func @transform_3(%arg0: i32) -> (i32, i32) {
    %c0_i32 = arith.constant 0 : i32
    %c0_i32_0 = arith.constant 0 : i32
    %c0_i32_1 = arith.constant 0 : i32
    return %c0_i32, %c0_i32_0 : i32, i32
  }
  func.func @transform_4(%arg0: i32) -> (i32, i32) {
    %c0_i32 = arith.constant 0 : i32
    %c0_i32_0 = arith.constant 0 : i32
    return %arg0, %c0_i32 : i32, i32
  }
  func.func @transform_5(%arg0: i32) -> (i32, i32) {
    %c0_i32 = arith.constant 0 : i32
    %c0_i32_0 = arith.constant 0 : i32
    %c0_i32_1 = arith.constant 0 : i32
    return %c0_i32, %c0_i32_0 : i32, i32
  }
  func.func @transform_6(%arg0: i32) -> (i32, i32) {
    %c0_i32 = arith.constant 0 : i32
    %c0_i32_0 = arith.constant 0 : i32
    return %arg0, %c0_i32 : i32, i32
  }
  func.func @transform_7(%arg0: i32) -> (i32, i32) {
    %c0_i32 = arith.constant 0 : i32
    %c0_i32_0 = arith.constant 0 : i32
    %c0_i32_1 = arith.constant 0 : i32
    return %c0_i32, %c0_i32_0 : i32, i32
  }
}

module attributes {stable_mosaic.version = 14 : i64} {
  func.func @_su_c_body(%arg0: i32, %arg1: memref<256x32xf32, #tpu.memory_space<vmem>>, %arg2: memref<2x32xf32, #tpu.memory_space<vmem>>, %arg3: memref<1x32xf32, #tpu.memory_space<vmem>>, %arg4: memref<1x32xf32, #tpu.memory_space<vmem>>, %arg5: memref<256x3xf32, #tpu.memory_space<vmem>>, %arg6: memref<256x128xf32, #tpu.memory_space<vmem>>) attributes {dimension_semantics = [#tpu.dimension_semantics<arbitrary>], iteration_bounds = array<i64: 32>, scalar_prefetch = 0 : i64, scratch_operands = 0 : i64, tpu.core_type = #tpu.core_type<tc>, window_params = [{transform_indices = @transform_0, window_bounds = array<i64: 256, 32>}, {pipeline_mode = #tpu.pipeline_mode<synchronous>, transform_indices = @transform_1, window_bounds = array<i64: 2, 32>}, {pipeline_mode = #tpu.pipeline_mode<synchronous>, transform_indices = @transform_2, window_bounds = array<i64: 1, 32>}, {pipeline_mode = #tpu.pipeline_mode<synchronous>, transform_indices = @transform_3, window_bounds = array<i64: 1, 32>}, {transform_indices = @transform_4, window_bounds = array<i64: 256, 3>}, {transform_indices = @transform_5, window_bounds = array<i64: 256, 128>}]} {
    %get3A = arith.constant 0 : index
    %get3A_0 = arith.constant 0 : index
    %get3A_1 = vector.load %arg1[%get3A, %get3A_0] : memref<256x32xf32, #tpu.memory_space<vmem>>, vector<256x32xf32>
    %get3A_2 = arith.constant 0 : index
    %get3A_3 = arith.constant 0 : index
    %get3A_4 = vector.load %arg2[%get3A_2, %get3A_3] : memref<2x32xf32, #tpu.memory_space<vmem>>, vector<2x32xf32>
    %get3A_5 = arith.constant 0 : index
    %get3A_6 = arith.constant 0 : index
    %get3A_7 = vector.load %arg3[%get3A_5, %get3A_6] : memref<1x32xf32, #tpu.memory_space<vmem>>, vector<1x32xf32>
    %get3A_8 = arith.constant 0 : index
    %get3A_9 = arith.constant 0 : index
    %get3A_10 = vector.load %arg4[%get3A_8, %get3A_9] : memref<1x32xf32, #tpu.memory_space<vmem>>, vector<1x32xf32>
    %slice3A = vector.extract_strided_slice %get3A_4 {offsets = [0, 0], sizes = [1, 32], strides = [1, 1]} : vector<2x32xf32> to vector<1x32xf32>
    %div3A = arith.constant 8.192000e+03 : f32
    %div3A_11 = vector.broadcast %div3A : f32 to vector<1x32xf32>
    %div3A_12 = arith.divf %slice3A, %div3A_11 : vector<1x32xf32>
    %slice3A_13 = vector.extract_strided_slice %get3A_4 {offsets = [1, 0], sizes = [1, 32], strides = [1, 1]} : vector<2x32xf32> to vector<1x32xf32>
    %div3A_14 = arith.constant 8.192000e+03 : f32
    %div3A_15 = vector.broadcast %div3A_14 : f32 to vector<1x32xf32>
    %div3A_16 = arith.divf %slice3A_13, %div3A_15 : vector<1x32xf32>
    %mul3A = arith.mulf %div3A_12, %div3A_12 : vector<1x32xf32>
    %sub3A = arith.subf %div3A_16, %mul3A : vector<1x32xf32>
    %sub3A_17 = vector.broadcast %div3A_12 : vector<1x32xf32> to vector<256x32xf32>
    %sub3A_18 = arith.subf %get3A_1, %sub3A_17 : vector<256x32xf32>
    %mul3A_19 = vector.broadcast %get3A_7 : vector<1x32xf32> to vector<256x32xf32>
    %mul3A_20 = arith.mulf %mul3A_19, %sub3A_18 : vector<256x32xf32>
    %add3A = arith.constant 9.99999974E-6 : f32
    %add3A_21 = vector.broadcast %add3A : f32 to vector<1x32xf32>
    %add3A_22 = arith.addf %sub3A, %add3A_21 : vector<1x32xf32>
    %sqrt3A = math.sqrt %add3A_22 : vector<1x32xf32>
    %div3A_23 = vector.broadcast %sqrt3A : vector<1x32xf32> to vector<256x32xf32>
    %div3A_24 = arith.divf %mul3A_20, %div3A_23 : vector<256x32xf32>
    %add3A_25 = vector.broadcast %get3A_10 : vector<1x32xf32> to vector<256x32xf32>
    %add3A_26 = arith.addf %div3A_24, %add3A_25 : vector<256x32xf32>
    %max3A = arith.constant 0.000000e+00 : f32
    %max3A_27 = vector.broadcast %max3A : f32 to vector<256x32xf32>
    %max3A_28 = arith.maximumf %add3A_26, %max3A_27 : vector<256x32xf32>
    %get3A_29 = arith.constant 0 : index
    %get3A_30 = arith.constant 0 : index
    %get3A_31 = vector.load %arg5[%get3A_29, %get3A_30] : memref<256x3xf32, #tpu.memory_space<vmem>>, vector<256x3xf32>
    %broadcast_in_dim3A = arith.constant 0.000000e+00 : f32
    %broadcast_in_dim3A_32 = vector.broadcast %broadcast_in_dim3A : f32 to vector<256x93xf32>
    %concatenate3A = tpu.concatenate %max3A_28, %get3A_31, %broadcast_in_dim3A_32 in 1 : vector<256x32xf32>, vector<256x3xf32>, vector<256x93xf32> -> vector<256x128xf32>
    %swap3A = arith.constant 0 : index
    %swap3A_33 = arith.constant 0 : index
    %swap3A_34 = vector.load %arg6[%swap3A, %swap3A_33] : memref<256x128xf32, #tpu.memory_space<vmem>>, vector<256x128xf32>
    tpu.vector_store %arg6[%swap3A, %swap3A_33], %concatenate3A {strides = array<i32>} : memref<256x128xf32, #tpu.memory_space<vmem>>, vector<256x128xf32>,
    return
  }
  func.func @transform_0(%arg0: i32) -> (i32, i32) {
    %c0_i32 = arith.constant 0 : i32
    %c0_i32_0 = arith.constant 0 : i32
    return %arg0, %c0_i32 : i32, i32
  }
  func.func @transform_1(%arg0: i32) -> (i32, i32) {
    %c0_i32 = arith.constant 0 : i32
    %c0_i32_0 = arith.constant 0 : i32
    %c0_i32_1 = arith.constant 0 : i32
    return %c0_i32, %c0_i32_0 : i32, i32
  }
  func.func @transform_2(%arg0: i32) -> (i32, i32) {
    %c0_i32 = arith.constant 0 : i32
    %c0_i32_0 = arith.constant 0 : i32
    %c0_i32_1 = arith.constant 0 : i32
    return %c0_i32, %c0_i32_0 : i32, i32
  }
  func.func @transform_3(%arg0: i32) -> (i32, i32) {
    %c0_i32 = arith.constant 0 : i32
    %c0_i32_0 = arith.constant 0 : i32
    %c0_i32_1 = arith.constant 0 : i32
    return %c0_i32, %c0_i32_0 : i32, i32
  }
  func.func @transform_4(%arg0: i32) -> (i32, i32) {
    %c0_i32 = arith.constant 0 : i32
    %c0_i32_0 = arith.constant 0 : i32
    return %arg0, %c0_i32 : i32, i32
  }
  func.func @transform_5(%arg0: i32) -> (i32, i32) {
    %c0_i32 = arith.constant 0 : i32
    %c0_i32_0 = arith.constant 0 : i32
    return %arg0, %c0_i32 : i32, i32
  }
}

module attributes {stable_mosaic.version = 14 : i64} {
  func.func @_fp_a_body(%arg0: i32, %arg1: memref<512x3x128xf32, #tpu.memory_space<vmem>>, %arg2: memref<512x3xf32, #tpu.memory_space<vmem>>, %arg3: memref<512x10xf32, #tpu.memory_space<vmem>>, %arg4: memref<32x42xf32, #tpu.memory_space<vmem>>, %arg5: memref<512x32xf32, #tpu.memory_space<vmem>>, %arg6: memref<2x32xf32, #tpu.memory_space<vmem>>) attributes {dimension_semantics = [#tpu.dimension_semantics<arbitrary>], iteration_bounds = array<i64: 32>, scalar_prefetch = 0 : i64, scratch_operands = 0 : i64, tpu.core_type = #tpu.core_type<tc>, window_params = [{transform_indices = @transform_0, window_bounds = array<i64: 512, 3, 128>}, {transform_indices = @transform_1, window_bounds = array<i64: 512, 3>}, {transform_indices = @transform_2, window_bounds = array<i64: 512, 10>}, {pipeline_mode = #tpu.pipeline_mode<synchronous>, transform_indices = @transform_3, window_bounds = array<i64: 32, 42>}, {transform_indices = @transform_4, window_bounds = array<i64: 512, 32>}, {pipeline_mode = #tpu.pipeline_mode<synchronous>, transform_indices = @transform_5, window_bounds = array<i64: 2, 32>}]} {
    %get3A = arith.constant 0 : index
    %get3A_0 = arith.constant 0 : index
    %get3A_1 = arith.constant 0 : index
    %get3A_2 = vector.load %arg1[%get3A, %get3A_0, %get3A_1] : memref<512x3x128xf32, #tpu.memory_space<vmem>>, vector<512x3x128xf32>
    %get3A_3 = arith.constant 0 : index
    %get3A_4 = arith.constant 0 : index
    %get3A_5 = vector.load %arg2[%get3A_3, %get3A_4] : memref<512x3xf32, #tpu.memory_space<vmem>>, vector<512x3xf32>
    %get3A_6 = arith.constant 0 : index
    %get3A_7 = arith.constant 0 : index
    %get3A_8 = vector.load %arg3[%get3A_6, %get3A_7] : memref<512x10xf32, #tpu.memory_space<vmem>>, vector<512x10xf32>
    %slice3A = vector.extract_strided_slice %get3A_5 {offsets = [0, 0], sizes = [512, 1], strides = [1, 1]} : vector<512x3xf32> to vector<512x1xf32>
    %slice3A_9 = vector.extract_strided_slice %get3A_5 {offsets = [0, 1], sizes = [512, 1], strides = [1, 1]} : vector<512x3xf32> to vector<512x1xf32>
    %slice3A_10 = vector.extract_strided_slice %get3A_5 {offsets = [0, 2], sizes = [512, 1], strides = [1, 1]} : vector<512x3xf32> to vector<512x1xf32>
    %slice3A_11 = vector.extract_strided_slice %get3A_2 {offsets = [0, 0, 32], sizes = [512, 1, 1], strides = [1, 1, 1]} : vector<512x3x128xf32> to vector<512x1x1xf32>
    %squeeze3A = vector.shape_cast %slice3A_11 : vector<512x1x1xf32> to vector<512x1xf32>
    %sub3A = arith.subf %squeeze3A, %slice3A : vector<512x1xf32>
    %slice3A_12 = vector.extract_strided_slice %get3A_2 {offsets = [0, 0, 33], sizes = [512, 1, 1], strides = [1, 1, 1]} : vector<512x3x128xf32> to vector<512x1x1xf32>
    %squeeze3A_13 = vector.shape_cast %slice3A_12 : vector<512x1x1xf32> to vector<512x1xf32>
    %sub3A_14 = arith.subf %squeeze3A_13, %slice3A_9 : vector<512x1xf32>
    %slice3A_15 = vector.extract_strided_slice %get3A_2 {offsets = [0, 0, 34], sizes = [512, 1, 1], strides = [1, 1, 1]} : vector<512x3x128xf32> to vector<512x1x1xf32>
    %squeeze3A_16 = vector.shape_cast %slice3A_15 : vector<512x1x1xf32> to vector<512x1xf32>
    %sub3A_17 = arith.subf %squeeze3A_16, %slice3A_10 : vector<512x1xf32>
    %mul3A = arith.mulf %sub3A, %sub3A : vector<512x1xf32>
    %mul3A_18 = arith.mulf %sub3A_14, %sub3A_14 : vector<512x1xf32>
    %add3A = arith.addf %mul3A, %mul3A_18 : vector<512x1xf32>
    %mul3A_19 = arith.mulf %sub3A_17, %sub3A_17 : vector<512x1xf32>
    %add3A_20 = arith.addf %add3A, %mul3A_19 : vector<512x1xf32>
    %slice3A_21 = vector.extract_strided_slice %get3A_2 {offsets = [0, 1, 32], sizes = [512, 1, 1], strides = [1, 1, 1]} : vector<512x3x128xf32> to vector<512x1x1xf32>
    %squeeze3A_22 = vector.shape_cast %slice3A_21 : vector<512x1x1xf32> to vector<512x1xf32>
    %sub3A_23 = arith.subf %squeeze3A_22, %slice3A : vector<512x1xf32>
    %slice3A_24 = vector.extract_strided_slice %get3A_2 {offsets = [0, 1, 33], sizes = [512, 1, 1], strides = [1, 1, 1]} : vector<512x3x128xf32> to vector<512x1x1xf32>
    %squeeze3A_25 = vector.shape_cast %slice3A_24 : vector<512x1x1xf32> to vector<512x1xf32>
    %sub3A_26 = arith.subf %squeeze3A_25, %slice3A_9 : vector<512x1xf32>
    %slice3A_27 = vector.extract_strided_slice %get3A_2 {offsets = [0, 1, 34], sizes = [512, 1, 1], strides = [1, 1, 1]} : vector<512x3x128xf32> to vector<512x1x1xf32>
    %squeeze3A_28 = vector.shape_cast %slice3A_27 : vector<512x1x1xf32> to vector<512x1xf32>
    %sub3A_29 = arith.subf %squeeze3A_28, %slice3A_10 : vector<512x1xf32>
    %mul3A_30 = arith.mulf %sub3A_23, %sub3A_23 : vector<512x1xf32>
    %mul3A_31 = arith.mulf %sub3A_26, %sub3A_26 : vector<512x1xf32>
    %add3A_32 = arith.addf %mul3A_30, %mul3A_31 : vector<512x1xf32>
    %mul3A_33 = arith.mulf %sub3A_29, %sub3A_29 : vector<512x1xf32>
    %add3A_34 = arith.addf %add3A_32, %mul3A_33 : vector<512x1xf32>
    %slice3A_35 = vector.extract_strided_slice %get3A_2 {offsets = [0, 2, 32], sizes = [512, 1, 1], strides = [1, 1, 1]} : vector<512x3x128xf32> to vector<512x1x1xf32>
    %squeeze3A_36 = vector.shape_cast %slice3A_35 : vector<512x1x1xf32> to vector<512x1xf32>
    %sub3A_37 = arith.subf %squeeze3A_36, %slice3A : vector<512x1xf32>
    %slice3A_38 = vector.extract_strided_slice %get3A_2 {offsets = [0, 2, 33], sizes = [512, 1, 1], strides = [1, 1, 1]} : vector<512x3x128xf32> to vector<512x1x1xf32>
    %squeeze3A_39 = vector.shape_cast %slice3A_38 : vector<512x1x1xf32> to vector<512x1xf32>
    %sub3A_40 = arith.subf %squeeze3A_39, %slice3A_9 : vector<512x1xf32>
    %slice3A_41 = vector.extract_strided_slice %get3A_2 {offsets = [0, 2, 34], sizes = [512, 1, 1], strides = [1, 1, 1]} : vector<512x3x128xf32> to vector<512x1x1xf32>
    %squeeze3A_42 = vector.shape_cast %slice3A_41 : vector<512x1x1xf32> to vector<512x1xf32>
    %sub3A_43 = arith.subf %squeeze3A_42, %slice3A_10 : vector<512x1xf32>
    %mul3A_44 = arith.mulf %sub3A_37, %sub3A_37 : vector<512x1xf32>
    %mul3A_45 = arith.mulf %sub3A_40, %sub3A_40 : vector<512x1xf32>
    %add3A_46 = arith.addf %mul3A_44, %mul3A_45 : vector<512x1xf32>
    %mul3A_47 = arith.mulf %sub3A_43, %sub3A_43 : vector<512x1xf32>
    %add3A_48 = arith.addf %add3A_46, %mul3A_47 : vector<512x1xf32>
    %add3A_49 = arith.constant 9.99999993E-9 : f32
    %add3A_50 = vector.broadcast %add3A_49 : f32 to vector<512x1xf32>
    %add3A_51 = arith.addf %add3A_20, %add3A_50 : vector<512x1xf32>
    %div3A = arith.constant 1.000000e+00 : f32
    %div3A_52 = vector.broadcast %div3A : f32 to vector<512x1xf32>
    %div3A_53 = arith.divf %div3A_52, %add3A_51 : vector<512x1xf32>
    %add3A_54 = arith.constant 9.99999993E-9 : f32
    %add3A_55 = vector.broadcast %add3A_54 : f32 to vector<512x1xf32>
    %add3A_56 = arith.addf %add3A_34, %add3A_55 : vector<512x1xf32>
    %div3A_57 = arith.constant 1.000000e+00 : f32
    %div3A_58 = vector.broadcast %div3A_57 : f32 to vector<512x1xf32>
    %div3A_59 = arith.divf %div3A_58, %add3A_56 : vector<512x1xf32>
    %add3A_60 = arith.constant 9.99999993E-9 : f32
    %add3A_61 = vector.broadcast %add3A_60 : f32 to vector<512x1xf32>
    %add3A_62 = arith.addf %add3A_48, %add3A_61 : vector<512x1xf32>
    %div3A_63 = arith.constant 1.000000e+00 : f32
    %div3A_64 = vector.broadcast %div3A_63 : f32 to vector<512x1xf32>
    %div3A_65 = arith.divf %div3A_64, %add3A_62 : vector<512x1xf32>
    %add3A_66 = arith.addf %div3A_53, %div3A_59 : vector<512x1xf32>
    %add3A_67 = arith.addf %add3A_66, %div3A_65 : vector<512x1xf32>
    %div3A_68 = arith.divf %div3A_53, %add3A_67 : vector<512x1xf32>
    %div3A_69 = arith.divf %div3A_59, %add3A_67 : vector<512x1xf32>
    %div3A_70 = arith.divf %div3A_65, %add3A_67 : vector<512x1xf32>
    %slice3A_71 = vector.extract_strided_slice %get3A_2 {offsets = [0, 0, 0], sizes = [512, 1, 32], strides = [1, 1, 1]} : vector<512x3x128xf32> to vector<512x1x32xf32>
    %squeeze3A_72 = vector.shape_cast %slice3A_71 : vector<512x1x32xf32> to vector<512x32xf32>
    %mul3A_73 = vector.broadcast %div3A_68 : vector<512x1xf32> to vector<512x32xf32>
    %mul3A_74 = arith.mulf %squeeze3A_72, %mul3A_73 : vector<512x32xf32>
    %slice3A_75 = vector.extract_strided_slice %get3A_2 {offsets = [0, 1, 0], sizes = [512, 1, 32], strides = [1, 1, 1]} : vector<512x3x128xf32> to vector<512x1x32xf32>
    %squeeze3A_76 = vector.shape_cast %slice3A_75 : vector<512x1x32xf32> to vector<512x32xf32>
    %mul3A_77 = vector.broadcast %div3A_69 : vector<512x1xf32> to vector<512x32xf32>
    %mul3A_78 = arith.mulf %squeeze3A_76, %mul3A_77 : vector<512x32xf32>
    %add3A_79 = arith.addf %mul3A_74, %mul3A_78 : vector<512x32xf32>
    %slice3A_80 = vector.extract_strided_slice %get3A_2 {offsets = [0, 2, 0], sizes = [512, 1, 32], strides = [1, 1, 1]} : vector<512x3x128xf32> to vector<512x1x32xf32>
    %squeeze3A_81 = vector.shape_cast %slice3A_80 : vector<512x1x32xf32> to vector<512x32xf32>
    %mul3A_82 = vector.broadcast %div3A_70 : vector<512x1xf32> to vector<512x32xf32>
    %mul3A_83 = arith.mulf %squeeze3A_81, %mul3A_82 : vector<512x32xf32>
    %add3A_84 = arith.addf %add3A_79, %mul3A_83 : vector<512x32xf32>
    %concatenate3A = tpu.concatenate %add3A_84, %get3A_8 in 1 : vector<512x32xf32>, vector<512x10xf32> -> vector<512x42xf32>
    %get3A_85 = arith.constant 0 : index
    %get3A_86 = arith.constant 0 : index
    %get3A_87 = vector.load %arg4[%get3A_85, %get3A_86] : memref<32x42xf32, #tpu.memory_space<vmem>>, vector<32x42xf32>
    %dot_general3A = arith.constant dense<0.000000e+00> : vector<512x32xf32>
    %dot_general3A_88 = tpu.matmul %concatenate3A, %get3A_87, %dot_general3A {dimension_numbers = #tpu.dot_dimension_numbers<[1], [1], [0], [0], [0, 0, 1, 0], [], []>, transpose_lhs_hint = false} : vector<512x42xf32>, vector<32x42xf32>, vector<512x32xf32> -> vector<512x32xf32>
    %swap3A = arith.constant 0 : index
    %swap3A_89 = arith.constant 0 : index
    %swap3A_90 = vector.load %arg5[%swap3A, %swap3A_89] : memref<512x32xf32, #tpu.memory_space<vmem>>, vector<512x32xf32>
    tpu.vector_store %arg5[%swap3A, %swap3A_89], %dot_general3A_88 {strides = array<i32>} : memref<512x32xf32, #tpu.memory_space<vmem>>, vector<512x32xf32>,
    %reduce_sum3A = arith.constant dense<0.000000e+00> : vector<32xf32>
    %reduce_sum3A_91 = vector.multi_reduction <add>, %dot_general3A_88, %reduce_sum3A [0] : vector<512x32xf32> to vector<32xf32>
    %broadcast_in_dim3A = vector.shape_cast %reduce_sum3A_91 : vector<32xf32> to vector<1x32xf32>
    %mul3A_92 = arith.mulf %dot_general3A_88, %dot_general3A_88 : vector<512x32xf32>
    %reduce_sum3A_93 = arith.constant dense<0.000000e+00> : vector<32xf32>
    %reduce_sum3A_94 = vector.multi_reduction <add>, %mul3A_92, %reduce_sum3A_93 [0] : vector<512x32xf32> to vector<32xf32>
    %broadcast_in_dim3A_95 = vector.shape_cast %reduce_sum3A_94 : vector<32xf32> to vector<1x32xf32>
    %eq3A = arith.constant 0 : i32
    %eq3A_96 = arith.cmpi eq, %arg0, %eq3A : i32
    %convert_element_type3A = arith.extui %eq3A_96 : i1 to i32
    %cond3A = arith.constant 0 : i32
    %cond3A_97 = arith.cmpi ne, %convert_element_type3A, %cond3A : i32
    scf.if %cond3A_97 {
      %broadcast_in_dim3A_106 = arith.constant 0.000000e+00 : f32
      %broadcast_in_dim3A_107 = vector.broadcast %broadcast_in_dim3A_106 : f32 to vector<2x32xf32>
      %swap3A_108 = arith.constant 0 : index
      %swap3A_109 = arith.constant 0 : index
      %swap3A_110 = vector.load %arg6[%swap3A_108, %swap3A_109] : memref<2x32xf32, #tpu.memory_space<vmem>>, vector<2x32xf32>
      tpu.vector_store %arg6[%swap3A_108, %swap3A_109], %broadcast_in_dim3A_107 {strides = array<i32>} : memref<2x32xf32, #tpu.memory_space<vmem>>, vector<2x32xf32>,
    } else {
    }
    %get3A_98 = arith.constant 0 : index
    %get3A_99 = arith.constant 0 : index
    %get3A_100 = vector.load %arg6[%get3A_98, %get3A_99] : memref<2x32xf32, #tpu.memory_space<vmem>>, vector<2x32xf32>
    %concatenate3A_101 = tpu.concatenate %broadcast_in_dim3A, %broadcast_in_dim3A_95 in 0 : vector<1x32xf32>, vector<1x32xf32> -> vector<2x32xf32>
    %add3A_102 = arith.addf %get3A_100, %concatenate3A_101 : vector<2x32xf32>
    %swap3A_103 = arith.constant 0 : index
    %swap3A_104 = arith.constant 0 : index
    %swap3A_105 = vector.load %arg6[%swap3A_103, %swap3A_104] : memref<2x32xf32, #tpu.memory_space<vmem>>, vector<2x32xf32>
    tpu.vector_store %arg6[%swap3A_103, %swap3A_104], %add3A_102 {strides = array<i32>} : memref<2x32xf32, #tpu.memory_space<vmem>>, vector<2x32xf32>,
    return
  }
  func.func @transform_0(%arg0: i32) -> (i32, i32, i32) {
    %c0_i32 = arith.constant 0 : i32
    %c0_i32_0 = arith.constant 0 : i32
    %c0_i32_1 = arith.constant 0 : i32
    return %arg0, %c0_i32, %c0_i32_0 : i32, i32, i32
  }
  func.func @transform_1(%arg0: i32) -> (i32, i32) {
    %c0_i32 = arith.constant 0 : i32
    %c0_i32_0 = arith.constant 0 : i32
    return %arg0, %c0_i32 : i32, i32
  }
  func.func @transform_2(%arg0: i32) -> (i32, i32) {
    %c0_i32 = arith.constant 0 : i32
    %c0_i32_0 = arith.constant 0 : i32
    return %arg0, %c0_i32 : i32, i32
  }
  func.func @transform_3(%arg0: i32) -> (i32, i32) {
    %c0_i32 = arith.constant 0 : i32
    %c0_i32_0 = arith.constant 0 : i32
    %c0_i32_1 = arith.constant 0 : i32
    return %c0_i32, %c0_i32_0 : i32, i32
  }
  func.func @transform_4(%arg0: i32) -> (i32, i32) {
    %c0_i32 = arith.constant 0 : i32
    %c0_i32_0 = arith.constant 0 : i32
    return %arg0, %c0_i32 : i32, i32
  }
  func.func @transform_5(%arg0: i32) -> (i32, i32) {
    %c0_i32 = arith.constant 0 : i32
    %c0_i32_0 = arith.constant 0 : i32
    %c0_i32_1 = arith.constant 0 : i32
    return %c0_i32, %c0_i32_0 : i32, i32
  }
}

module attributes {stable_mosaic.version = 14 : i64} {
  func.func @_norm_relu_stats_body(%arg0: i32, %arg1: memref<512x32xf32, #tpu.memory_space<vmem>>, %arg2: memref<2x32xf32, #tpu.memory_space<vmem>>, %arg3: memref<1x32xf32, #tpu.memory_space<vmem>>, %arg4: memref<1x32xf32, #tpu.memory_space<vmem>>, %arg5: memref<512x32xf32, #tpu.memory_space<vmem>>, %arg6: memref<2x32xf32, #tpu.memory_space<vmem>>) attributes {dimension_semantics = [#tpu.dimension_semantics<arbitrary>], iteration_bounds = array<i64: 32>, scalar_prefetch = 0 : i64, scratch_operands = 0 : i64, tpu.core_type = #tpu.core_type<tc>, window_params = [{transform_indices = @transform_0, window_bounds = array<i64: 512, 32>}, {pipeline_mode = #tpu.pipeline_mode<synchronous>, transform_indices = @transform_1, window_bounds = array<i64: 2, 32>}, {pipeline_mode = #tpu.pipeline_mode<synchronous>, transform_indices = @transform_2, window_bounds = array<i64: 1, 32>}, {pipeline_mode = #tpu.pipeline_mode<synchronous>, transform_indices = @transform_3, window_bounds = array<i64: 1, 32>}, {transform_indices = @transform_4, window_bounds = array<i64: 512, 32>}, {pipeline_mode = #tpu.pipeline_mode<synchronous>, transform_indices = @transform_5, window_bounds = array<i64: 2, 32>}]} {
    %get3A = arith.constant 0 : index
    %get3A_0 = arith.constant 0 : index
    %get3A_1 = vector.load %arg1[%get3A, %get3A_0] : memref<512x32xf32, #tpu.memory_space<vmem>>, vector<512x32xf32>
    %get3A_2 = arith.constant 0 : index
    %get3A_3 = arith.constant 0 : index
    %get3A_4 = vector.load %arg2[%get3A_2, %get3A_3] : memref<2x32xf32, #tpu.memory_space<vmem>>, vector<2x32xf32>
    %get3A_5 = arith.constant 0 : index
    %get3A_6 = arith.constant 0 : index
    %get3A_7 = vector.load %arg3[%get3A_5, %get3A_6] : memref<1x32xf32, #tpu.memory_space<vmem>>, vector<1x32xf32>
    %get3A_8 = arith.constant 0 : index
    %get3A_9 = arith.constant 0 : index
    %get3A_10 = vector.load %arg4[%get3A_8, %get3A_9] : memref<1x32xf32, #tpu.memory_space<vmem>>, vector<1x32xf32>
    %slice3A = vector.extract_strided_slice %get3A_4 {offsets = [0, 0], sizes = [1, 32], strides = [1, 1]} : vector<2x32xf32> to vector<1x32xf32>
    %div3A = arith.constant 1.638400e+04 : f32
    %div3A_11 = vector.broadcast %div3A : f32 to vector<1x32xf32>
    %div3A_12 = arith.divf %slice3A, %div3A_11 : vector<1x32xf32>
    %slice3A_13 = vector.extract_strided_slice %get3A_4 {offsets = [1, 0], sizes = [1, 32], strides = [1, 1]} : vector<2x32xf32> to vector<1x32xf32>
    %div3A_14 = arith.constant 1.638400e+04 : f32
    %div3A_15 = vector.broadcast %div3A_14 : f32 to vector<1x32xf32>
    %div3A_16 = arith.divf %slice3A_13, %div3A_15 : vector<1x32xf32>
    %mul3A = arith.mulf %div3A_12, %div3A_12 : vector<1x32xf32>
    %sub3A = arith.subf %div3A_16, %mul3A : vector<1x32xf32>
    %sub3A_17 = vector.broadcast %div3A_12 : vector<1x32xf32> to vector<512x32xf32>
    %sub3A_18 = arith.subf %get3A_1, %sub3A_17 : vector<512x32xf32>
    %mul3A_19 = vector.broadcast %get3A_7 : vector<1x32xf32> to vector<512x32xf32>
    %mul3A_20 = arith.mulf %mul3A_19, %sub3A_18 : vector<512x32xf32>
    %add3A = arith.constant 9.99999974E-6 : f32
    %add3A_21 = vector.broadcast %add3A : f32 to vector<1x32xf32>
    %add3A_22 = arith.addf %sub3A, %add3A_21 : vector<1x32xf32>
    %sqrt3A = math.sqrt %add3A_22 : vector<1x32xf32>
    %div3A_23 = vector.broadcast %sqrt3A : vector<1x32xf32> to vector<512x32xf32>
    %div3A_24 = arith.divf %mul3A_20, %div3A_23 : vector<512x32xf32>
    %add3A_25 = vector.broadcast %get3A_10 : vector<1x32xf32> to vector<512x32xf32>
    %add3A_26 = arith.addf %div3A_24, %add3A_25 : vector<512x32xf32>
    %max3A = arith.constant 0.000000e+00 : f32
    %max3A_27 = vector.broadcast %max3A : f32 to vector<512x32xf32>
    %max3A_28 = arith.maximumf %add3A_26, %max3A_27 : vector<512x32xf32>
    %swap3A = arith.constant 0 : index
    %swap3A_29 = arith.constant 0 : index
    %swap3A_30 = vector.load %arg5[%swap3A, %swap3A_29] : memref<512x32xf32, #tpu.memory_space<vmem>>, vector<512x32xf32>
    tpu.vector_store %arg5[%swap3A, %swap3A_29], %max3A_28 {strides = array<i32>} : memref<512x32xf32, #tpu.memory_space<vmem>>, vector<512x32xf32>,
    %reduce_sum3A = arith.constant dense<0.000000e+00> : vector<32xf32>
    %reduce_sum3A_31 = vector.multi_reduction <add>, %max3A_28, %reduce_sum3A [0] : vector<512x32xf32> to vector<32xf32>
    %broadcast_in_dim3A = vector.shape_cast %reduce_sum3A_31 : vector<32xf32> to vector<1x32xf32>
    %mul3A_32 = arith.mulf %max3A_28, %max3A_28 : vector<512x32xf32>
    %reduce_sum3A_33 = arith.constant dense<0.000000e+00> : vector<32xf32>
    %reduce_sum3A_34 = vector.multi_reduction <add>, %mul3A_32, %reduce_sum3A_33 [0] : vector<512x32xf32> to vector<32xf32>
    %broadcast_in_dim3A_35 = vector.shape_cast %reduce_sum3A_34 : vector<32xf32> to vector<1x32xf32>
    %eq3A = arith.constant 0 : i32
    %eq3A_36 = arith.cmpi eq, %arg0, %eq3A : i32
    %convert_element_type3A = arith.extui %eq3A_36 : i1 to i32
    %cond3A = arith.constant 0 : i32
    %cond3A_37 = arith.cmpi ne, %convert_element_type3A, %cond3A : i32
    scf.if %cond3A_37 {
      %broadcast_in_dim3A_45 = arith.constant 0.000000e+00 : f32
      %broadcast_in_dim3A_46 = vector.broadcast %broadcast_in_dim3A_45 : f32 to vector<2x32xf32>
      %swap3A_47 = arith.constant 0 : index
      %swap3A_48 = arith.constant 0 : index
      %swap3A_49 = vector.load %arg6[%swap3A_47, %swap3A_48] : memref<2x32xf32, #tpu.memory_space<vmem>>, vector<2x32xf32>
      tpu.vector_store %arg6[%swap3A_47, %swap3A_48], %broadcast_in_dim3A_46 {strides = array<i32>} : memref<2x32xf32, #tpu.memory_space<vmem>>, vector<2x32xf32>,
    } else {
    }
    %get3A_38 = arith.constant 0 : index
    %get3A_39 = arith.constant 0 : index
    %get3A_40 = vector.load %arg6[%get3A_38, %get3A_39] : memref<2x32xf32, #tpu.memory_space<vmem>>, vector<2x32xf32>
    %concatenate3A = tpu.concatenate %broadcast_in_dim3A, %broadcast_in_dim3A_35 in 0 : vector<1x32xf32>, vector<1x32xf32> -> vector<2x32xf32>
    %add3A_41 = arith.addf %get3A_40, %concatenate3A : vector<2x32xf32>
    %swap3A_42 = arith.constant 0 : index
    %swap3A_43 = arith.constant 0 : index
    %swap3A_44 = vector.load %arg6[%swap3A_42, %swap3A_43] : memref<2x32xf32, #tpu.memory_space<vmem>>, vector<2x32xf32>
    tpu.vector_store %arg6[%swap3A_42, %swap3A_43], %add3A_41 {strides = array<i32>} : memref<2x32xf32, #tpu.memory_space<vmem>>, vector<2x32xf32>,
    return
  }
  func.func @transform_0(%arg0: i32) -> (i32, i32) {
    %c0_i32 = arith.constant 0 : i32
    %c0_i32_0 = arith.constant 0 : i32
    return %arg0, %c0_i32 : i32, i32
  }
  func.func @transform_1(%arg0: i32) -> (i32, i32) {
    %c0_i32 = arith.constant 0 : i32
    %c0_i32_0 = arith.constant 0 : i32
    %c0_i32_1 = arith.constant 0 : i32
    return %c0_i32, %c0_i32_0 : i32, i32
  }
  func.func @transform_2(%arg0: i32) -> (i32, i32) {
    %c0_i32 = arith.constant 0 : i32
    %c0_i32_0 = arith.constant 0 : i32
    %c0_i32_1 = arith.constant 0 : i32
    return %c0_i32, %c0_i32_0 : i32, i32
  }
  func.func @transform_3(%arg0: i32) -> (i32, i32) {
    %c0_i32 = arith.constant 0 : i32
    %c0_i32_0 = arith.constant 0 : i32
    %c0_i32_1 = arith.constant 0 : i32
    return %c0_i32, %c0_i32_0 : i32, i32
  }
  func.func @transform_4(%arg0: i32) -> (i32, i32) {
    %c0_i32 = arith.constant 0 : i32
    %c0_i32_0 = arith.constant 0 : i32
    return %arg0, %c0_i32 : i32, i32
  }
  func.func @transform_5(%arg0: i32) -> (i32, i32) {
    %c0_i32 = arith.constant 0 : i32
    %c0_i32_0 = arith.constant 0 : i32
    %c0_i32_1 = arith.constant 0 : i32
    return %c0_i32, %c0_i32_0 : i32, i32
  }
}

module attributes {stable_mosaic.version = 14 : i64} {
  func.func @_final_body(%arg0: i32, %arg1: memref<512x32xf32, #tpu.memory_space<vmem>>, %arg2: memref<2x32xf32, #tpu.memory_space<vmem>>, %arg3: memref<1x32xf32, #tpu.memory_space<vmem>>, %arg4: memref<1x32xf32, #tpu.memory_space<vmem>>, %arg5: memref<16x32xf32, #tpu.memory_space<vmem>>, %arg6: memref<1x16xf32, #tpu.memory_space<vmem>>, %arg7: memref<512x16xf32, #tpu.memory_space<vmem>>) attributes {dimension_semantics = [#tpu.dimension_semantics<arbitrary>], iteration_bounds = array<i64: 32>, scalar_prefetch = 0 : i64, scratch_operands = 0 : i64, tpu.core_type = #tpu.core_type<tc>, window_params = [{transform_indices = @transform_0, window_bounds = array<i64: 512, 32>}, {pipeline_mode = #tpu.pipeline_mode<synchronous>, transform_indices = @transform_1, window_bounds = array<i64: 2, 32>}, {pipeline_mode = #tpu.pipeline_mode<synchronous>, transform_indices = @transform_2, window_bounds = array<i64: 1, 32>}, {pipeline_mode = #tpu.pipeline_mode<synchronous>, transform_indices = @transform_3, window_bounds = array<i64: 1, 32>}, {pipeline_mode = #tpu.pipeline_mode<synchronous>, transform_indices = @transform_4, window_bounds = array<i64: 16, 32>}, {pipeline_mode = #tpu.pipeline_mode<synchronous>, transform_indices = @transform_5, window_bounds = array<i64: 1, 16>}, {transform_indices = @transform_6, window_bounds = array<i64: 512, 16>}]} {
    %get3A = arith.constant 0 : index
    %get3A_0 = arith.constant 0 : index
    %get3A_1 = vector.load %arg1[%get3A, %get3A_0] : memref<512x32xf32, #tpu.memory_space<vmem>>, vector<512x32xf32>
    %get3A_2 = arith.constant 0 : index
    %get3A_3 = arith.constant 0 : index
    %get3A_4 = vector.load %arg2[%get3A_2, %get3A_3] : memref<2x32xf32, #tpu.memory_space<vmem>>, vector<2x32xf32>
    %get3A_5 = arith.constant 0 : index
    %get3A_6 = arith.constant 0 : index
    %get3A_7 = vector.load %arg3[%get3A_5, %get3A_6] : memref<1x32xf32, #tpu.memory_space<vmem>>, vector<1x32xf32>
    %get3A_8 = arith.constant 0 : index
    %get3A_9 = arith.constant 0 : index
    %get3A_10 = vector.load %arg4[%get3A_8, %get3A_9] : memref<1x32xf32, #tpu.memory_space<vmem>>, vector<1x32xf32>
    %slice3A = vector.extract_strided_slice %get3A_4 {offsets = [0, 0], sizes = [1, 32], strides = [1, 1]} : vector<2x32xf32> to vector<1x32xf32>
    %div3A = arith.constant 1.638400e+04 : f32
    %div3A_11 = vector.broadcast %div3A : f32 to vector<1x32xf32>
    %div3A_12 = arith.divf %slice3A, %div3A_11 : vector<1x32xf32>
    %slice3A_13 = vector.extract_strided_slice %get3A_4 {offsets = [1, 0], sizes = [1, 32], strides = [1, 1]} : vector<2x32xf32> to vector<1x32xf32>
    %div3A_14 = arith.constant 1.638400e+04 : f32
    %div3A_15 = vector.broadcast %div3A_14 : f32 to vector<1x32xf32>
    %div3A_16 = arith.divf %slice3A_13, %div3A_15 : vector<1x32xf32>
    %mul3A = arith.mulf %div3A_12, %div3A_12 : vector<1x32xf32>
    %sub3A = arith.subf %div3A_16, %mul3A : vector<1x32xf32>
    %sub3A_17 = vector.broadcast %div3A_12 : vector<1x32xf32> to vector<512x32xf32>
    %sub3A_18 = arith.subf %get3A_1, %sub3A_17 : vector<512x32xf32>
    %mul3A_19 = vector.broadcast %get3A_7 : vector<1x32xf32> to vector<512x32xf32>
    %mul3A_20 = arith.mulf %mul3A_19, %sub3A_18 : vector<512x32xf32>
    %add3A = arith.constant 9.99999974E-6 : f32
    %add3A_21 = vector.broadcast %add3A : f32 to vector<1x32xf32>
    %add3A_22 = arith.addf %sub3A, %add3A_21 : vector<1x32xf32>
    %sqrt3A = math.sqrt %add3A_22 : vector<1x32xf32>
    %div3A_23 = vector.broadcast %sqrt3A : vector<1x32xf32> to vector<512x32xf32>
    %div3A_24 = arith.divf %mul3A_20, %div3A_23 : vector<512x32xf32>
    %add3A_25 = vector.broadcast %get3A_10 : vector<1x32xf32> to vector<512x32xf32>
    %add3A_26 = arith.addf %div3A_24, %add3A_25 : vector<512x32xf32>
    %max3A = arith.constant 0.000000e+00 : f32
    %max3A_27 = vector.broadcast %max3A : f32 to vector<512x32xf32>
    %max3A_28 = arith.maximumf %add3A_26, %max3A_27 : vector<512x32xf32>
    %get3A_29 = arith.constant 0 : index
    %get3A_30 = arith.constant 0 : index
    %get3A_31 = vector.load %arg5[%get3A_29, %get3A_30] : memref<16x32xf32, #tpu.memory_space<vmem>>, vector<16x32xf32>
    %dot_general3A = arith.constant dense<0.000000e+00> : vector<512x16xf32>
    %dot_general3A_32 = tpu.matmul %max3A_28, %get3A_31, %dot_general3A {dimension_numbers = #tpu.dot_dimension_numbers<[1], [1], [0], [0], [0, 0, 1, 0], [], []>, transpose_lhs_hint = false} : vector<512x32xf32>, vector<16x32xf32>, vector<512x16xf32> -> vector<512x16xf32>
    %get3A_33 = arith.constant 0 : index
    %get3A_34 = arith.constant 0 : index
    %get3A_35 = vector.load %arg6[%get3A_33, %get3A_34] : memref<1x16xf32, #tpu.memory_space<vmem>>, vector<1x16xf32>
    %add3A_36 = vector.broadcast %get3A_35 : vector<1x16xf32> to vector<512x16xf32>
    %add3A_37 = arith.addf %dot_general3A_32, %add3A_36 : vector<512x16xf32>
    %swap3A = arith.constant 0 : index
    %swap3A_38 = arith.constant 0 : index
    %swap3A_39 = vector.load %arg7[%swap3A, %swap3A_38] : memref<512x16xf32, #tpu.memory_space<vmem>>, vector<512x16xf32>
    tpu.vector_store %arg7[%swap3A, %swap3A_38], %add3A_37 {strides = array<i32>} : memref<512x16xf32, #tpu.memory_space<vmem>>, vector<512x16xf32>,
    return
  }
  func.func @transform_0(%arg0: i32) -> (i32, i32) {
    %c0_i32 = arith.constant 0 : i32
    %c0_i32_0 = arith.constant 0 : i32
    return %arg0, %c0_i32 : i32, i32
  }
  func.func @transform_1(%arg0: i32) -> (i32, i32) {
    %c0_i32 = arith.constant 0 : i32
    %c0_i32_0 = arith.constant 0 : i32
    %c0_i32_1 = arith.constant 0 : i32
    return %c0_i32, %c0_i32_0 : i32, i32
  }
  func.func @transform_2(%arg0: i32) -> (i32, i32) {
    %c0_i32 = arith.constant 0 : i32
    %c0_i32_0 = arith.constant 0 : i32
    %c0_i32_1 = arith.constant 0 : i32
    return %c0_i32, %c0_i32_0 : i32, i32
  }
  func.func @transform_3(%arg0: i32) -> (i32, i32) {
    %c0_i32 = arith.constant 0 : i32
    %c0_i32_0 = arith.constant 0 : i32
    %c0_i32_1 = arith.constant 0 : i32
    return %c0_i32, %c0_i32_0 : i32, i32
  }
  func.func @transform_4(%arg0: i32) -> (i32, i32) {
    %c0_i32 = arith.constant 0 : i32
    %c0_i32_0 = arith.constant 0 : i32
    %c0_i32_1 = arith.constant 0 : i32
    return %c0_i32, %c0_i32_0 : i32, i32
  }
  func.func @transform_5(%arg0: i32) -> (i32, i32) {
    %c0_i32 = arith.constant 0 : i32
    %c0_i32_0 = arith.constant 0 : i32
    %c0_i32_1 = arith.constant 0 : i32
    return %c0_i32, %c0_i32_0 : i32, i32
  }
  func.func @transform_6(%arg0: i32) -> (i32, i32) {
    %c0_i32 = arith.constant 0 : i32
    %c0_i32_0 = arith.constant 0 : i32
    return %arg0, %c0_i32 : i32, i32
  }
}

</mosaic_0001>

<sc_bundles>
// kernel: kernel.44.cloned.1.call-start
scs
__scs_entry_jumppad:
0x0: {  	(pc) =	sbr.rel $0x88, $3  }
0x1: {  	(tag) =	ssettag $0x0;
	lr =	simm.s32 $0x1  }
0x2: {  	[smem:$0x3F84] =	sst lr;
	_ =	strace $0xD0000000  }
0x3: {  	_ = 	snop  }
0x4: {  	_ = 	snop  }
0x5: {  	_ = 	snop  }
0x6: {  	_ = 	snop  }
0x7: {  	_ = 	snop  }
__scs_overlays_trampoline_lowered:
0x8: {  	[smem:$0x3F93] =	sst s0  }
0x9: {  	[smem:$0x3F94] =	sst s1  }
0xa: {  	[smem:$0x3F95] =	sst s2  }
0xb: {  	[smem:$0x3F96] =	sst s3  }
0xc: {  	[smem:$0x3F97] =	sst s4  }
0xd: {  	[smem:$0x3F98] =	sst s5  }
0xe: {  	[smem:$0x3F99] =	sst s6  }
0xf: {  	[smem:$0x3F9A] =	sst s7  }
0x10: {  	[smem:$0x3F9B] =	sst s8  }
0x11: {  	[smem:$0x3F9C] =	sst s9;
	s0 =	simm.s32 @!p0 $0x0  }
0x12: {  	s1 =	sld [smem:$0x3F82];
	s0 =	simm.s32 @p0 $0x1  }
0x13: {  	[smem:$0x3F9D] =	sst s0;
	s0 =	simm.s32 @!p1 $0x0  }
0x14: {  	s2 =	sld [smem:$0x3F81];
	s0 =	simm.s32 @p1 $0x1  }
0x15: {  	[smem:$0x3F9E] =	sst s0;
	s0 =	simm.s32 @!p2 $0x0  }
0x16: {  	s3 =	sld [smem:$0x3FDB];
	s0 =	simm.s32 @p2 $0x1  }
0x17: {  	s4 =	simm.s32 $0x1BF5;
	[smem:$0x3FA0] =	sst s0  }
0x18: {  	s0 =	sld [smem:$0x3F83];
	_ =	swait.ge [sflag:s4], $0x0  }
0x19: {  	s7 =	sld [smem:$0x3F84]  }
0x1a: {  	s8 =	sadd.s32 $0xFFFFE003, lr  }
0x1b: {  	s9 =	sadd.s32 $0xFFFFFEF7, lr;
	s5 =	simm.s32 $0xFFFFFFFF;
	p2 =	slt.u32 s8, $0xFFFFF086  }
0x1c: {  	p1 =	slt.u32 s9, $0xF7A;
	s5 =	simm.s32 @!p2 $0x0  }
0x1d: {  	s5 =	simm.s32 @p1 $0x1;
	p0 =	seq.s32 s7, s2  }
0x1e: {  	s7 =	smul.u32 @!p0 $0xF7A, s2;
	p2 =	seq.s32 @!p0 s5, $0x0  }
0x1f: {  	s9 =	smul.u32 $0xF7A, s1;
	s8 =	simm.s32 @!p0 $0x1BF5;
	p2 =	por !p2, p0  }
0x20: {  	[sflag:s8] =	ssyncset.s32 @!p0 $0xFFFFF086;
	s6 =	sadd.s32 @!p0 s3, s7;
	s7 =	simm.s32 @!p0 $0x108  }
0x21: {  	s3 =	sadd.s32 s3, s9;
	s6 =	sadd.s32 @!p0 $0x88, s6;
	s7 =	simm.s32 @p2 $0x1082  }
0x22: {  	[simem:s7], [sflag:s8] =	dma.local @!p0 [hbm:s6], $0xF7A  }
0x23: {  	s9 =	sor.u32 $0xD0000000, s2;
	s6 =	simm.s32 $0x108;
	_ =	swait.ge @!p0 [sflag:s8], $0x0  }
0x24: {  	s3 =	sadd.s32 $0x88, s3;
	s6 =	simm.s32 @!p1 $0x1082;
	[sflag:s4] =	ssyncset.s32 $0xFFFFF086  }
0x25: {  	[simem:s6], [sflag:s4] =	dma.local [hbm:s3], $0xF7A  }
0x26: {  	[smem:$0x3F84] =	sst s1;
	(tag) =	ssettag s2;
	_ =	strace s9  }
0x27: {  	s1 =	sld [smem:$0x3F94]  }
0x28: {  	s2 =	sld [smem:$0x3F95]  }
0x29: {  	s4 =	sld [smem:$0x3F97]  }
0x2a: {  	p0 =	seq.s32 s5, $0x0;
	s5 =	sld [smem:$0x3F98]  }
0x2b: {  	s6 =	sld [smem:$0x3F99]  }
0x2c: {  	s7 =	sld [smem:$0x3F9A]  }
0x2d: {  	s3 =	simm.s32 $0x108;
	s8 =	sld [smem:$0x3F9B]  }
0x2e: {  	s3 =	simm.s32 @!p0 $0x1082;
	s9 =	sld [smem:$0x3F9C]  }
0x2f: {  	lr =	sadd.s32 s0, s3;
	s0 =	sld [smem:$0x3F93]  }
0x30: {  	s3 =	sld [smem:$0x3F96]  }
0x31: {  	[smem:$0x3F9F] =	sst s10  }
0x32: {  	s10 =	sld [smem:$0x3F9D];
	_ =	sdelay $0x3  }
0x33: {  	p0 =	seq.s32 s10, $0x1;
	s10 =	sld [smem:$0x3F9F];
	_ =	sdelay $0x3  }
0x34: {  	[smem:$0x3F9F] =	sst s10  }
0x35: {  	s10 =	sld [smem:$0x3F9E];
	_ =	sdelay $0x3  }
0x36: {  	p1 =	seq.s32 s10, $0x1;
	s10 =	sld [smem:$0x3F9F];
	_ =	sdelay $0x3  }
0x37: {  	[smem:$0x3F9F] =	sst s10  }
0x38: {  	s10 =	sld [smem:$0x3FA0]  }
0x39: {  	_ = 	snop;
	(pc) =	sbr.ind lr, $3  }
0x3a: {  	_ = 	snop  }
0x3b: {  	_ = 	snop  }
0x3c: {  	p2 =	seq.s32 s10, $0x1;
	s10 =	sld [smem:$0x3F9F]  }
0x3d: {  	_ =	shalt  }
0x3e: {  	_ =	shalt  }
0x3f: {  	_ =	shalt  }
0x40: {  	_ =	shalt  }
0x41: {  	_ =	shalt  }
0x42: {  	_ =	shalt  }
0x43: {  	_ =	shalt  }
0x44: {  	_ =	shalt  }
0x45: {  	_ =	shalt  }
0x46: {  	_ =	shalt  }
0x47: {  	_ =	shalt  }
0x48: {  	_ =	shalt  }
0x49: {  	_ =	shalt  }
0x4a: {  	_ =	shalt  }
0x4b: {  	_ =	shalt  }
0x4c: {  	_ =	shalt  }
0x4d: {  	_ =	shalt  }
0x4e: {  	_ =	shalt  }
0x4f: {  	_ =	shalt  }
0x50: {  	_ =	shalt  }
0x51: {  	_ =	shalt  }
0x52: {  	_ =	shalt  }
0x53: {  	_ =	shalt  }
0x54: {  	_ =	shalt  }
0x55: {  	_ =	shalt  }
0x56: {  	_ =	shalt  }
0x57: {  	_ =	shalt  }
0x58: {  	_ =	shalt  }
0x59: {  	_ =	shalt  }
0x5a: {  	_ =	shalt  }
0x5b: {  	_ =	shalt  }
0x5c: {  	_ =	shalt  }
0x5d: {  	_ =	shalt  }
0x5e: {  	_ =	shalt  }
0x5f: {  	_ =	shalt  }
0x60: {  	_ =	shalt  }
0x61: {  	_ =	shalt  }
0x62: {  	_ =	shalt  }
0x63: {  	_ =	shalt  }
0x64: {  	_ =	shalt  }
0x65: {  	_ =	shalt  }
0x66: {  	_ =	shalt  }
0x67: {  	_ =	shalt  }
0x68: {  	_ =	shalt  }
0x69: {  	_ =	shalt  }
0x6a: {  	_ =	shalt  }
0x6b: {  	_ =	shalt  }
0x6c: {  	_ =	shalt  }
0x6d: {  	_ =	shalt  }
0x6e: {  	_ =	shalt  }
0x6f: {  	_ =	shalt  }
0x70: {  	_ =	shalt  }
0x71: {  	_ =	shalt  }
0x72: {  	_ =	shalt  }
0x73: {  	_ =	shalt  }
0x74: {  	_ =	shalt  }
0x75: {  	_ =	shalt  }
0x76: {  	_ =	shalt  }
0x77: {  	_ =	shalt  }
0x78: {  	_ =	shalt  }
0x79: {  	_ =	shalt  }
0x7a: {  	_ =	shalt  }
0x7b: {  	_ =	shalt  }
0x7c: {  	_ =	shalt  }
0x7d: {  	_ =	shalt  }
0x7e: {  	_ =	shalt  }
0x7f: {  	_ =	shalt  }
0x80: {  	_ =	shalt  }
0x81: {  	_ =	shalt  }
0x82: {  	_ =	shalt  }
0x83: {  	_ =	shalt  }
0x84: {  	_ =	shalt  }
0x85: {  	_ =	shalt  }
0x86: {  	_ =	shalt  }
0x87: {  	_ =	shalt  }
.Lfunc_end0:
.L_simem_size_0:
called_computation_lowered:
.L_overlay_start_0:
0x88: {  	s2 =	sld [smem:$0x3FD9]  }
0x89: {  	s3 =	sld [smem:$0x3FFE];
	_ =	sdelay $0x1  }
0x8a: {  	s1 =	srdreg.scid  }
0x8b: {  	s0 =	sand.u32 $0x1, s1  }
0x8c: {  	s17 =	sshll.u32 s0, $0xA;
	s2 =	sadd.s32 s3, s2  }
0x8d: {  	s2 =	sadd.s32 s2, s17  }
0x8e: {  	[smem:$0x3FAB] =	sst s2  }
0x8f: {  	_ = 	snop  }
0x90: {  	(tm) =	ssettm $0x1  }
0x91: {  	s18 =	sld [smem:$0x3FFB];
	_ =	sdelay $0x3  }
0x92: {  	_ =	strace s18  }
0x93: {  	s2 =	sld [smem:$0x3FFC];
	_ =	sdelay $0x3  }
0x94: {  	_ =	strace s2  }
0x95: {  	s2 =	sld [smem:$0x3FFD];
	_ =	sdelay $0x3  }
0x96: {  	_ =	strace s2  }
0x97: {  	_ =	strace $0x8FFFFFFF  }
0x98: {  	s19 =	sld [smem:$0x3FDB];
	_ =	sdelay $0x1  }
0x99: {  	s20 =	simm.s32 $_scs_section_size  }
0x9a: {  	s4 =	simm.s32 $_size__tile_overlayer_lowered;
	s5 =	simm.s32 $_tile_overlayer_lowered  }
0x9b: {  	s6 =	simm.s32 $0x1BFF;
	s21 =	sshll.u32 s5, $0x1;
	s3 =	sadd.s32 s20, s19  }
0x9c: {  	s22 =	simm.s32 $0x0;
	s4 =	sshll.u32 s4, $0x1;
	s5 =	sadd.s32 s21, s3  }
0x9d: {  	[timem:s22], [sflag:s6] =	dma.local [hbm:s5], s4  }
0x9e: {  	_ =	swait.ge [sflag:s6], s4  }
0x9f: {  	s4 =	ssub.s32 $0x0, s4;
	[sflag:s6] =	ssyncset.done $0x0  }
0xa0: {  	[sflag:s6] =	ssyncadd.s32 s4;
	_ =	sdelay $0x1  }
0xa1: {  	s23 =	simm.s32 $0x1B8B  }
0xa2: {  	_ =	swait.ge [sflag:s23], $0x1  }
0xa3: {  	[sflag:s23] =	ssyncset.done $0x0  }
0xa4: {  	[sflag:s23] =	ssyncadd.s32 $0xFFFFFFFF  }
0xa5: {  	s4 =	sld [smem:$0x0]  }
0xa6: {  	s5 =	sand.u32 $0xFFFFFFFE, s1  }
0xa7: {  	p0 =	sne.s32 s1, s5  }
0xa8: {  	s5 =	sshll.u32 @p0 s5, $0xE  }
0xa9: {  	s5 =	sadd.s32 @p0 $0x11B8D, s5;
	s6 =	sshll.u32 @p0 s4, $0x11  }
0xaa: {  	s5 =	sor.u32 @p0 s6, s5  }
0xab: {  	[sflag:s5] =	ssyncadd.remote.s32 @p0 $0x1;
	_ =	sdelay $0x1  }
0xac: {  	s5 =	simm.s32 @p0 $0x1B8D  }
0xad: {  	_ =	swait.eq @p0 [sflag:s5], $0x1  }
0xae: {  	[sflag:s5] =	ssyncadd.s32 @p0 $0xFFFFFFFF  }
0xaf: {  	s6 =	sshll.u32 @!p0 s1, $0xE  }
0xb0: {  	s6 =	sor.u32 @!p0 $0x4000, s6;
	s5 =	simm.s32 @!p0 $0x1B8D  }
0xb1: {  	s4 =	sshll.u32 @!p0 s4, $0x11;
	s6 =	sadd.s32 @!p0 $0x11B8D, s6;
	_ =	swait.eq @!p0 [sflag:s5], $0x1  }
0xb2: {  	s4 =	sor.u32 @!p0 s4, s6;
	[sflag:s5] =	ssyncadd.s32 @!p0 $0xFFFFFFFF  }
0xb3: {  	s25 =	simm.s32 $0x1B8E;
	s24 =	sld [smem:$0x3FFE];
	[sflag:s4] =	ssyncadd.remote.s32 @!p0 $0x1  }
0xb4: {  	s26 =	simm.s32 $execute0_lowered;
	[smem:$0x3FD2] =	sst s25  }
0xb5: {  	s5 =	sshll.u32 s26, $0x1;
	_ =	strace $0x80000049;
	[dreg:$0x1] =	wrdreg $0xFFFFFFFF  }
0xb6: {  	s28 =	simm.s32 $_size_execute0_lowered;
	s3 =	sadd.s32 s3, s5;
	[dreg:$0x0] =	wrdreg $0x0  }
0xb7: {  	s5 =	sshll.u32 s28, $0x1;
	[dreg:$0x2] =	wrdreg s3  }
0xb8: {  	[dreg:$0x3] =	wrdreg s5  }
0xb9: {  	[dreg:$0x4] =	wrdreg $0xC0  }
0xba: {  	_ =	task [dreg:s22], $0x5FFFF  }
0xbb: {  	[dreg:$0x1] =	wrdreg $0xFFFFFFFF  }
0xbc: {  	[dreg:$0x0] =	wrdreg $0x60  }
0xbd: {  	[dreg:$0x2] =	wrdreg s24  }
0xbe: {  	[dreg:$0x3] =	wrdreg $0x9  }
0xbf: {  	_ =	task.clear_ibuf [dreg:s22], $0x4FFFF;
	_ =	strace $0x90000049  }
0xc0: {  	s29 =	simm.s32 $0x9;
	_ =	strace $0x8000004B  }
0xc1: {  	_ =	swait.ge [sflag:s29], $0x1  }
0xc2: {  	[sflag:s29] =	ssyncadd.s32 $0xFFFFFFFF  }
0xc3: {  	_ =	strace $0x9000004B  }
0xc4: {  	_ =	sfence  }
0xc5: {  	s30 =	sld [smem:$0x0];
	_ =	sdelay $0x2  }
0xc6: {  	s31 =	sshll.u32 s1, $0xD;
	s1 =	sshrl.u32 s1, $0x2  }
0xc7: {  	s4 =	sand.u32 $0x4000, s31;
	s1 =	sadd.s32 s1, s30  }
0xc8: {  	s0 =	sor.u32 s4, s0;
	s1 =	sshll.u32 s1, $0x11  }
0xc9: {  	s0 =	sor.u32 s1, s0  }
0xca: {  	s0 =	sadd.s32 $0x8F2B, s0  }
0xcb: {  	[sflag:s0] =	ssyncadd.remote.s32 $0x1  }
0xcc: {  	_ =	sfence.sel $0xFFFF  }
0xcd: {  	[dreg:$0x0] =	wrdreg $0xFFFFFFFF;
	(pc) =	sbr.abs _section_cstart, $3  }
0xce: {  	[dreg:$0x1] =	wrdreg $0xFFFFFFFF  }
0xcf: {  	_ =	task.clear_ibuf [dreg:s22], $0x2FFFF;
	_ =	strace $0x9FFFFFFF  }
0xd0: {  	(tm) =	ssettm $0x7FFFFFFF  }
0xd1: {  	_ =	shalt  }
tec
execute0_lowered:
.L_overlay_start_1:
0x0: {  	(tag) =	ssettag $0x1  }
0x1: {  	s1 =	srdreg.scid  }
0x2: {  	s0 =	stileid.u32;
	s22 =	sand.u32 $0x1, s1  }
0x3: {  	s8 =	rddreg [dreg:$0x0];
	s3 =	sshll.u32 s0, $0xD;
	s4 =	sshll.u32 s22, $0xC  }
0x4: {  	s2 =	simm.s32 $0x0;
	s1 =	rddreg [dreg:$0x1];
	s24 =	sor.u32 s4, s3  }
0x5: {  	[smem:$0x7FF] =	sst s2;
	s21 =	sadd.s32 $0x3F2200, s8;
	s3 =	sshrl.u32 s24, $0x3  }
0x6: {  	_ =	strace $0x8000004A;
	s4 =	sadd.s32 s21, s3;
	s3 =	simm.s32 $0x2  }
0x7: {  	[tilespmem:s2], [sflag:$0x2] =	stream.linear.gather [hbm4b:s4+s2], $0x200, $0x38;
	[tilespmem:$0x10200] =	vst v63  }
0x8: {  	_ =	swait.ge [sflag:s3], $0x200  }
0x9: {  	s6 =	simm.s32 $0x200;
	[sflag:s3] =	ssyncset.done $0x0  }
0xa: {  	s7 =	simm.s32 $0x1;
	s5 =	sadd.s32 $0x1B2200, s8;
	[sflag:s3] =	ssyncadd.s32 $0xFFFFFE00  }
0xb: {  	[tilespmem:s6], [sflag:$0x1] =	stream.indirect.gather [hbm4b:s5+s6], $0x80, s2, s6, $0xb8;
	[tilespmem:$0x10200] =	vst v63  }
0xc: {  	_ =	swait.ge [sflag:s7], $0x10000  }
0xd: {  	s23 =	sadd.s32 $0x3F6200, s8;
	s28 =	sshll.u32 s24, $0x4;
	[sflag:s7] =	ssyncset.done $0x0  }
0xe: {  	s8 =	sadd.s32 s23, s28;
	[sflag:s7] =	ssyncadd.s32 $0xFFFF0000  }
0xf: {  	[hbm4b:s8+s2] =	stream.linear.scatter [tilespmem:s6], [sflag:$0x2], $0x10000, $0x38;
	[tilespmem:$0x10200] =	vst v63  }
0x10: {  	s10 =	sor.u32 $0x200, s24;
	_ =	swait.ge [sflag:s3], $0x10000  }
0x11: {  	s9 =	sshrl.u32 s10, $0x3;
	[sflag:s3] =	ssyncset.done $0x0  }
0x12: {  	s9 =	sadd.s32 s21, s9;
	[sflag:s3] =	ssyncadd.s32 $0xFFFF0000  }
0x13: {  	[tilespmem:s2], [sflag:$0x2] =	stream.linear.gather [hbm4b:s9+s2], $0x200, $0x38;
	[tilespmem:$0x10200] =	vst v63  }
0x14: {  	_ =	swait.ge [sflag:s3], $0x200  }
0x15: {  	[sflag:s3] =	ssyncset.done $0x0  }
0x16: {  	[sflag:s3] =	ssyncadd.s32 $0xFFFFFE00  }
0x17: {  	[tilespmem:s6], [sflag:$0x1] =	stream.indirect.gather [hbm4b:s5+s6], $0x80, s2, s6, $0xb8;
	[tilespmem:$0x10200] =	vst v63  }
0x18: {  	_ =	swait.ge [sflag:s7], $0x10000  }
0x19: {  	s10 =	sshll.u32 s10, $0x4;
	[sflag:s7] =	ssyncset.done $0x0  }
0x1a: {  	s10 =	sadd.s32 s23, s10;
	[sflag:s7] =	ssyncadd.s32 $0xFFFF0000  }
0x1b: {  	[hbm4b:s10+s2] =	stream.linear.scatter [tilespmem:s6], [sflag:$0x2], $0x10000, $0x38;
	[tilespmem:$0x10200] =	vst v63  }
0x1c: {  	s12 =	sor.u32 $0x400, s24;
	_ =	swait.ge [sflag:s3], $0x10000  }
0x1d: {  	s11 =	sshrl.u32 s12, $0x3;
	[sflag:s3] =	ssyncset.done $0x0  }
0x1e: {  	s11 =	sadd.s32 s21, s11;
	[sflag:s3] =	ssyncadd.s32 $0xFFFF0000  }
0x1f: {  	[tilespmem:s2], [sflag:$0x2] =	stream.linear.gather [hbm4b:s11+s2], $0x200, $0x38;
	[tilespmem:$0x10200] =	vst v63  }
0x20: {  	_ =	swait.ge [sflag:s3], $0x200  }
0x21: {  	[sflag:s3] =	ssyncset.done $0x0  }
0x22: {  	[sflag:s3] =	ssyncadd.s32 $0xFFFFFE00  }
0x23: {  	[tilespmem:s6], [sflag:$0x1] =	stream.indirect.gather [hbm4b:s5+s6], $0x80, s2, s6, $0xb8;
	[tilespmem:$0x10200] =	vst v63  }
0x24: {  	_ =	swait.ge [sflag:s7], $0x10000  }
0x25: {  	s12 =	sshll.u32 s12, $0x4;
	[sflag:s7] =	ssyncset.done $0x0  }
0x26: {  	s12 =	sadd.s32 s23, s12;
	[sflag:s7] =	ssyncadd.s32 $0xFFFF0000  }
0x27: {  	[hbm4b:s12+s2] =	stream.linear.scatter [tilespmem:s6], [sflag:$0x2], $0x10000, $0x38;
	[tilespmem:$0x10200] =	vst v63  }
0x28: {  	s14 =	sor.u32 $0x600, s24;
	_ =	swait.ge [sflag:s3], $0x10000  }
0x29: {  	s13 =	sshrl.u32 s14, $0x3;
	[sflag:s3] =	ssyncset.done $0x0  }
0x2a: {  	s13 =	sadd.s32 s21, s13;
	[sflag:s3] =	ssyncadd.s32 $0xFFFF0000  }
0x2b: {  	[tilespmem:s2], [sflag:$0x2] =	stream.linear.gather [hbm4b:s13+s2], $0x200, $0x38;
	[tilespmem:$0x10200] =	vst v63  }
0x2c: {  	_ =	swait.ge [sflag:s3], $0x200  }
0x2d: {  	[sflag:s3] =	ssyncset.done $0x0  }
0x2e: {  	[sflag:s3] =	ssyncadd.s32 $0xFFFFFE00  }
0x2f: {  	[tilespmem:s6], [sflag:$0x1] =	stream.indirect.gather [hbm4b:s5+s6], $0x80, s2, s6, $0xb8;
	[tilespmem:$0x10200] =	vst v63  }
0x30: {  	_ =	swait.ge [sflag:s7], $0x10000  }
0x31: {  	s14 =	sshll.u32 s14, $0x4;
	[sflag:s7] =	ssyncset.done $0x0  }
0x32: {  	s14 =	sadd.s32 s23, s14;
	[sflag:s7] =	ssyncadd.s32 $0xFFFF0000  }
0x33: {  	[hbm4b:s14+s2] =	stream.linear.scatter [tilespmem:s6], [sflag:$0x2], $0x10000, $0x38;
	[tilespmem:$0x10200] =	vst v63  }
0x34: {  	s16 =	sor.u32 $0x800, s24;
	_ =	swait.ge [sflag:s3], $0x10000  }
0x35: {  	s15 =	sshrl.u32 s16, $0x3;
	[sflag:s3] =	ssyncset.done $0x0  }
0x36: {  	s15 =	sadd.s32 s21, s15;
	[sflag:s3] =	ssyncadd.s32 $0xFFFF0000  }
0x37: {  	[tilespmem:s2], [sflag:$0x2] =	stream.linear.gather [hbm4b:s15+s2], $0x200, $0x38;
	[tilespmem:$0x10200] =	vst v63  }
0x38: {  	_ =	swait.ge [sflag:s3], $0x200  }
0x39: {  	[sflag:s3] =	ssyncset.done $0x0  }
0x3a: {  	[sflag:s3] =	ssyncadd.s32 $0xFFFFFE00  }
0x3b: {  	[tilespmem:s6], [sflag:$0x1] =	stream.indirect.gather [hbm4b:s5+s6], $0x80, s2, s6, $0xb8;
	[tilespmem:$0x10200] =	vst v63  }
0x3c: {  	_ =	swait.ge [sflag:s7], $0x10000  }
0x3d: {  	s16 =	sshll.u32 s16, $0x4;
	[sflag:s7] =	ssyncset.done $0x0  }
0x3e: {  	s16 =	sadd.s32 s23, s16;
	[sflag:s7] =	ssyncadd.s32 $0xFFFF0000  }
0x3f: {  	[hbm4b:s16+s2] =	stream.linear.scatter [tilespmem:s6], [sflag:$0x2], $0x10000, $0x38;
	[tilespmem:$0x10200] =	vst v63  }
0x40: {  	s18 =	sor.u32 $0xA00, s24;
	_ =	swait.ge [sflag:s3], $0x10000  }
0x41: {  	s17 =	sshrl.u32 s18, $0x3;
	[sflag:s3] =	ssyncset.done $0x0  }
0x42: {  	s17 =	sadd.s32 s21, s17;
	[sflag:s3] =	ssyncadd.s32 $0xFFFF0000  }
0x43: {  	[tilespmem:s2], [sflag:$0x2] =	stream.linear.gather [hbm4b:s17+s2], $0x200, $0x38;
	[tilespmem:$0x10200] =	vst v63  }
0x44: {  	_ =	swait.ge [sflag:s3], $0x200  }
0x45: {  	[sflag:s3] =	ssyncset.done $0x0  }
0x46: {  	[sflag:s3] =	ssyncadd.s32 $0xFFFFFE00  }
0x47: {  	[tilespmem:s6], [sflag:$0x1] =	stream.indirect.gather [hbm4b:s5+s6], $0x80, s2, s6, $0xb8;
	[tilespmem:$0x10200] =	vst v63  }
0x48: {  	_ =	swait.ge [sflag:s7], $0x10000  }
0x49: {  	s18 =	sshll.u32 s18, $0x4;
	[sflag:s7] =	ssyncset.done $0x0  }
0x4a: {  	s18 =	sadd.s32 s23, s18;
	[sflag:s7] =	ssyncadd.s32 $0xFFFF0000  }
0x4b: {  	[hbm4b:s18+s2] =	stream.linear.scatter [tilespmem:s6], [sflag:$0x2], $0x10000, $0x38;
	[tilespmem:$0x10200] =	vst v63  }
0x4c: {  	s20 =	sor.u32 $0xC00, s24;
	_ =	swait.ge [sflag:s3], $0x10000  }
0x4d: {  	s19 =	sshrl.u32 s20, $0x3;
	[sflag:s3] =	ssyncset.done $0x0  }
0x4e: {  	s19 =	sadd.s32 s21, s19;
	[sflag:s3] =	ssyncadd.s32 $0xFFFF0000  }
0x4f: {  	[tilespmem:s2], [sflag:$0x2] =	stream.linear.gather [hbm4b:s19+s2], $0x200, $0x38;
	[tilespmem:$0x10200] =	vst v63  }
0x50: {  	_ =	swait.ge [sflag:s3], $0x200  }
0x51: {  	[sflag:s3] =	ssyncset.done $0x0  }
0x52: {  	[sflag:s3] =	ssyncadd.s32 $0xFFFFFE00  }
0x53: {  	[tilespmem:s6], [sflag:$0x1] =	stream.indirect.gather [hbm4b:s5+s6], $0x80, s2, s6, $0xb8;
	[tilespmem:$0x10200] =	vst v63  }
0x54: {  	_ =	swait.ge [sflag:s7], $0x10000  }
0x55: {  	s20 =	sshll.u32 s20, $0x4;
	[sflag:s7] =	ssyncset.done $0x0  }
0x56: {  	s20 =	sadd.s32 s23, s20;
	[sflag:s7] =	ssyncadd.s32 $0xFFFF0000  }
0x57: {  	[hbm4b:s20+s2] =	stream.linear.scatter [tilespmem:s6], [sflag:$0x2], $0x10000, $0x38;
	[tilespmem:$0x10200] =	vst v63  }
0x58: {  	s24 =	sor.u32 $0xE00, s24;
	_ =	swait.ge [sflag:s3], $0x10000  }
0x59: {  	s25 =	sshrl.u32 s24, $0x3;
	[sflag:s3] =	ssyncset.done $0x0  }
0x5a: {  	s22 =	ssub.s32 $0x2, s22;
	s21 =	sadd.s32 s21, s25;
	[sflag:s3] =	ssyncadd.s32 $0xFFFF0000  }
0x5b: {  	[tilespmem:s2], [sflag:$0x2] =	stream.linear.gather [hbm4b:s21+s2], $0x200, $0x38;
	[tilespmem:$0x10200] =	vst v63  }
0x5c: {  	s29 =	sshrl.u32 s22, $0x1;
	_ =	swait.ge [sflag:s3], $0x200  }
0x5d: {  	s25 =	ssub.s32 s22, s29;
	[sflag:s3] =	ssyncset.done $0x0  }
0x5e: {  	s31 =	smax.u32 s25, $0x1;
	[sflag:s3] =	ssyncadd.s32 $0xFFFFFE00  }
0x5f: {  	[tilespmem:s6], [sflag:$0x1] =	stream.indirect.gather [hbm4b:s5+s6], $0x80, s2, s6, $0xb8;
	[tilespmem:$0x10200] =	vst v63  }
0x60: {  	p0 =	sne.s32 s31, $0x1;
	_ =	swait.ge [sflag:s7], $0x10000  }
.Ltmp0:
0x61: {  	s30 =	sshll.u32 s24, $0x4;
	[sflag:s7] =	ssyncset.done $0x0;
	(pc) =	sbr.rel @!p0 .LBB2_2-.Ltmp0, $4  }
0x62: {  	s22 =	sadd.s32 s23, s30;
	[sflag:s7] =	ssyncadd.s32 $0xFFFF0000  }
0x63: {  	[hbm4b:s22+s2] =	stream.linear.scatter [tilespmem:s6], [sflag:$0x2], $0x10000, $0x38;
	[tilespmem:$0x10200] =	vst v63  }
0x64: {  	_ =	swait.ge [sflag:s3], $0x10000  }
0x65: {  	s23 =	sadd.s32 $0xFFFFFFFF, s31;
	[sflag:s3] =	ssyncset.done $0x0  }
.LBB2_1:
0x66: {  	p0 =	sne.s32 s23, $0x1;
	s23 =	sadd.s32 $0xFFFFFFFF, s23;
	[sflag:s3] =	ssyncadd.s32 $0xFFFF0000  }
0x67: {  	[tilespmem:s2], [sflag:$0x2] =	stream.linear.gather [hbm4b:s4+s2], $0x200, $0x38;
	[tilespmem:$0x10200] =	vst v63  }
0x68: {  	_ =	swait.ge [sflag:s3], $0x200  }
0x69: {  	[sflag:s3] =	ssyncset.done $0x0  }
0x6a: {  	[sflag:s3] =	ssyncadd.s32 $0xFFFFFE00  }
0x6b: {  	[tilespmem:s6], [sflag:$0x1] =	stream.indirect.gather [hbm4b:s5+s6], $0x80, s2, s6, $0xb8;
	[tilespmem:$0x10200] =	vst v63  }
0x6c: {  	_ =	swait.ge [sflag:s7], $0x10000  }
0x6d: {  	[sflag:s7] =	ssyncset.done $0x0  }
0x6e: {  	[sflag:s7] =	ssyncadd.s32 $0xFFFF0000  }
0x6f: {  	[hbm4b:s8+s2] =	stream.linear.scatter [tilespmem:s6], [sflag:$0x2], $0x10000, $0x38;
	[tilespmem:$0x10200] =	vst v63  }
0x70: {  	_ =	swait.ge [sflag:s3], $0x10000  }
0x71: {  	[sflag:s3] =	ssyncset.done $0x0  }
0x72: {  	[sflag:s3] =	ssyncadd.s32 $0xFFFF0000  }
0x73: {  	[tilespmem:s2], [sflag:$0x2] =	stream.linear.gather [hbm4b:s9+s2], $0x200, $0x38;
	[tilespmem:$0x10200] =	vst v63  }
0x74: {  	_ =	swait.ge [sflag:s3], $0x200  }
0x75: {  	[sflag:s3] =	ssyncset.done $0x0  }
0x76: {  	[sflag:s3] =	ssyncadd.s32 $0xFFFFFE00  }
0x77: {  	[tilespmem:s6], [sflag:$0x1] =	stream.indirect.gather [hbm4b:s5+s6], $0x80, s2, s6, $0xb8;
	[tilespmem:$0x10200] =	vst v63  }
0x78: {  	_ =	swait.ge [sflag:s7], $0x10000  }
0x79: {  	[sflag:s7] =	ssyncset.done $0x0  }
0x7a: {  	[sflag:s7] =	ssyncadd.s32 $0xFFFF0000  }
0x7b: {  	[hbm4b:s10+s2] =	stream.linear.scatter [tilespmem:s6], [sflag:$0x2], $0x10000, $0x38;
	[tilespmem:$0x10200] =	vst v63  }
0x7c: {  	_ =	swait.ge [sflag:s3], $0x10000  }
0x7d: {  	[sflag:s3] =	ssyncset.done $0x0  }
0x7e: {  	[sflag:s3] =	ssyncadd.s32 $0xFFFF0000  }
0x7f: {  	[tilespmem:s2], [sflag:$0x2] =	stream.linear.gather [hbm4b:s11+s2], $0x200, $0x38;
	[tilespmem:$0x10200] =	vst v63  }
0x80: {  	_ =	swait.ge [sflag:s3], $0x200  }
0x81: {  	[sflag:s3] =	ssyncset.done $0x0  }
0x82: {  	[sflag:s3] =	ssyncadd.s32 $0xFFFFFE00  }
0x83: {  	[tilespmem:s6], [sflag:$0x1] =	stream.indirect.gather [hbm4b:s5+s6], $0x80, s2, s6, $0xb8;
	[tilespmem:$0x10200] =	vst v63  }
0x84: {  	_ =	swait.ge [sflag:s7], $0x10000  }
0x85: {  	[sflag:s7] =	ssyncset.done $0x0  }
0x86: {  	[sflag:s7] =	ssyncadd.s32 $0xFFFF0000  }
0x87: {  	[hbm4b:s12+s2] =	stream.linear.scatter [tilespmem:s6], [sflag:$0x2], $0x10000, $0x38;
	[tilespmem:$0x10200] =	vst v63  }
0x88: {  	_ =	swait.ge [sflag:s3], $0x10000  }
0x89: {  	[sflag:s3] =	ssyncset.done $0x0  }
0x8a: {  	[sflag:s3] =	ssyncadd.s32 $0xFFFF0000  }
0x8b: {  	[tilespmem:s2], [sflag:$0x2] =	stream.linear.gather [hbm4b:s13+s2], $0x200, $0x38;
	[tilespmem:$0x10200] =	vst v63  }
0x8c: {  	_ =	swait.ge [sflag:s3], $0x200  }
0x8d: {  	[sflag:s3] =	ssyncset.done $0x0  }
0x8e: {  	[sflag:s3] =	ssyncadd.s32 $0xFFFFFE00  }
0x8f: {  	[tilespmem:s6], [sflag:$0x1] =	stream.indirect.gather [hbm4b:s5+s6], $0x80, s2, s6, $0xb8;
	[tilespmem:$0x10200] =	vst v63  }
0x90: {  	_ =	swait.ge [sflag:s7], $0x10000  }
0x91: {  	[sflag:s7] =	ssyncset.done $0x0  }
0x92: {  	[sflag:s7] =	ssyncadd.s32 $0xFFFF0000  }
0x93: {  	[hbm4b:s14+s2] =	stream.linear.scatter [tilespmem:s6], [sflag:$0x2], $0x10000, $0x38;
	[tilespmem:$0x10200] =	vst v63  }
0x94: {  	_ =	swait.ge [sflag:s3], $0x10000  }
0x95: {  	[sflag:s3] =	ssyncset.done $0x0  }
0x96: {  	[sflag:s3] =	ssyncadd.s32 $0xFFFF0000  }
0x97: {  	[tilespmem:s2], [sflag:$0x2] =	stream.linear.gather [hbm4b:s15+s2], $0x200, $0x38;
	[tilespmem:$0x10200] =	vst v63  }
0x98: {  	_ =	swait.ge [sflag:s3], $0x200  }
0x99: {  	[sflag:s3] =	ssyncset.done $0x0  }
0x9a: {  	[sflag:s3] =	ssyncadd.s32 $0xFFFFFE00  }
0x9b: {  	[tilespmem:s6], [sflag:$0x1] =	stream.indirect.gather [hbm4b:s5+s6], $0x80, s2, s6, $0xb8;
	[tilespmem:$0x10200] =	vst v63  }
0x9c: {  	_ =	swait.ge [sflag:s7], $0x10000  }
0x9d: {  	[sflag:s7] =	ssyncset.done $0x0  }
0x9e: {  	[sflag:s7] =	ssyncadd.s32 $0xFFFF0000  }
0x9f: {  	[hbm4b:s16+s2] =	stream.linear.scatter [tilespmem:s6], [sflag:$0x2], $0x10000, $0x38;
	[tilespmem:$0x10200] =	vst v63  }
0xa0: {  	_ =	swait.ge [sflag:s3], $0x10000  }
0xa1: {  	[sflag:s3] =	ssyncset.done $0x0  }
0xa2: {  	[sflag:s3] =	ssyncadd.s32 $0xFFFF0000  }
0xa3: {  	[tilespmem:s2], [sflag:$0x2] =	stream.linear.gather [hbm4b:s17+s2], $0x200, $0x38;
	[tilespmem:$0x10200] =	vst v63  }
0xa4: {  	_ =	swait.ge [sflag:s3], $0x200  }
0xa5: {  	[sflag:s3] =	ssyncset.done $0x0  }
0xa6: {  	[sflag:s3] =	ssyncadd.s32 $0xFFFFFE00  }
0xa7: {  	[tilespmem:s6], [sflag:$0x1] =	stream.indirect.gather [hbm4b:s5+s6], $0x80, s2, s6, $0xb8;
	[tilespmem:$0x10200] =	vst v63  }
0xa8: {  	_ =	swait.ge [sflag:s7], $0x10000  }
0xa9: {  	[sflag:s7] =	ssyncset.done $0x0  }
0xaa: {  	[sflag:s7] =	ssyncadd.s32 $0xFFFF0000  }
0xab: {  	[hbm4b:s18+s2] =	stream.linear.scatter [tilespmem:s6], [sflag:$0x2], $0x10000, $0x38;
	[tilespmem:$0x10200] =	vst v63  }
0xac: {  	_ =	swait.ge [sflag:s3], $0x10000  }
0xad: {  	[sflag:s3] =	ssyncset.done $0x0  }
0xae: {  	[sflag:s3] =	ssyncadd.s32 $0xFFFF0000  }
0xaf: {  	[tilespmem:s2], [sflag:$0x2] =	stream.linear.gather [hbm4b:s19+s2], $0x200, $0x38;
	[tilespmem:$0x10200] =	vst v63  }
0xb0: {  	_ =	swait.ge [sflag:s3], $0x200  }
0xb1: {  	[sflag:s3] =	ssyncset.done $0x0  }
0xb2: {  	[sflag:s3] =	ssyncadd.s32 $0xFFFFFE00  }
0xb3: {  	[tilespmem:s6], [sflag:$0x1] =	stream.indirect.gather [hbm4b:s5+s6], $0x80, s2, s6, $0xb8;
	[tilespmem:$0x10200] =	vst v63  }
0xb4: {  	_ =	swait.ge [sflag:s7], $0x10000  }
0xb5: {  	[sflag:s7] =	ssyncset.done $0x0  }
0xb6: {  	[sflag:s7] =	ssyncadd.s32 $0xFFFF0000  }
0xb7: {  	[hbm4b:s20+s2] =	stream.linear.scatter [tilespmem:s6], [sflag:$0x2], $0x10000, $0x38;
	[tilespmem:$0x10200] =	vst v63  }
0xb8: {  	_ =	swait.ge [sflag:s3], $0x10000  }
0xb9: {  	[sflag:s3] =	ssyncset.done $0x0  }
0xba: {  	[sflag:s3] =	ssyncadd.s32 $0xFFFF0000  }
0xbb: {  	[tilespmem:s2], [sflag:$0x2] =	stream.linear.gather [hbm4b:s21+s2], $0x200, $0x38;
	[tilespmem:$0x10200] =	vst v63  }
0xbc: {  	_ =	swait.ge [sflag:s3], $0x200  }
0xbd: {  	[sflag:s3] =	ssyncset.done $0x0  }
0xbe: {  	[sflag:s3] =	ssyncadd.s32 $0xFFFFFE00  }
0xbf: {  	[tilespmem:s6], [sflag:$0x1] =	stream.indirect.gather [hbm4b:s5+s6], $0x80, s2, s6, $0xb8;
	[tilespmem:$0x10200] =	vst v63  }
0xc0: {  	_ =	swait.ge [sflag:s7], $0x10000  }
.Ltmp1:
0xc1: {  	[sflag:s7] =	ssyncset.done $0x0;
	(pc) =	sbr.rel @p0 .LBB2_1-.Ltmp1, $4  }
0xc2: {  	[sflag:s7] =	ssyncadd.s32 $0xFFFF0000  }
0xc3: {  	[hbm4b:s22+s2] =	stream.linear.scatter [tilespmem:s6], [sflag:$0x2], $0x10000, $0x38;
	[tilespmem:$0x10200] =	vst v63  }
0xc4: {  	_ =	swait.ge [sflag:s3], $0x10000  }
0xc5: {  	[sflag:s3] =	ssyncset.done $0x0  }
.LBB2_2:
0xc6: {  	[sflag:s3] =	ssyncadd.s32 $0xFFFF0000  }
0xc7: {  	_ =	sfence.sel $0x180000  }
0xc8: {  	[bflag:$0x0] =	sbarrier.arrive $0xFFFF  }
0xc9: {  	p0 =	sne.s32 s0, $0x0;
	_ =	strace $0x9000004A  }
0xca: {  	s0 =	sadd.s32 @!p0 $0x100000, s1;
	[bflag:$0x2] =	sbarrier.arrive $0xFFFF  }
0xcb: {  	[sflag:s0] =	ssyncadd.tile.s32 @!p0 $0x1;
	_ =	shalt  }
.Lfunc_end2:
_tile_overlayer_lowered:
.L_overlay_start_2:
0xcc: {  	(tag) =	ssettag $0x2  }
0xcd: {  	s0 =	rddreg [dreg:$0x0];
	s2 =	stileid.u32  }
0xce: {  	s1 =	rddreg [dreg:$0x1];
	p0 =	sne.s32 s2, $0x0  }
0xcf: {  	s3 =	rddreg [dreg:$0x2];
	[bflag:$0x3] =	sbarrier.arrive $0xFFFF;
	s2 =	simm.s32 @!p0 $0x1C02  }
0xd0: {  	[timem:s3], [sflag:s2] =	dma.local @!p0 [hbm:s0], s1  }
0xd1: {  	s0 =	simm.s32 @!p0 $0x2  }
0xd2: {  	_ =	swait.ge @!p0 [sflag:s0], s1  }
0xd3: {  	s1 =	ssub.s32 @!p0 $0x0, s1;
	[sflag:s0] =	ssyncset.done @!p0 $0x0  }
0xd4: {  	[sflag:s0] =	ssyncadd.s32 @!p0 s1  }
0xd5: {  	[bflag:$0x3] =	sbarrier.arrive $0xFFFF  }
0xd6: {  	_ =	shalt  }

// kernel: kernel.47.cloned.1.call-start
scs
__scs_entry_jumppad:
0x0: {  	(pc) =	sbr.rel $0x88, $3  }
0x1: {  	(tag) =	ssettag $0x0;
	lr =	simm.s32 $0x1  }
0x2: {  	[smem:$0x3F84] =	sst lr;
	_ =	strace $0xD0000000  }
0x3: {  	_ = 	snop  }
0x4: {  	_ = 	snop  }
0x5: {  	_ = 	snop  }
0x6: {  	_ = 	snop  }
0x7: {  	_ = 	snop  }
__scs_overlays_trampoline_lowered:
0x8: {  	[smem:$0x3F93] =	sst s0  }
0x9: {  	[smem:$0x3F94] =	sst s1  }
0xa: {  	[smem:$0x3F95] =	sst s2  }
0xb: {  	[smem:$0x3F96] =	sst s3  }
0xc: {  	[smem:$0x3F97] =	sst s4  }
0xd: {  	[smem:$0x3F98] =	sst s5  }
0xe: {  	[smem:$0x3F99] =	sst s6  }
0xf: {  	[smem:$0x3F9A] =	sst s7  }
0x10: {  	[smem:$0x3F9B] =	sst s8  }
0x11: {  	[smem:$0x3F9C] =	sst s9;
	s0 =	simm.s32 @!p0 $0x0  }
0x12: {  	s1 =	sld [smem:$0x3F82];
	s0 =	simm.s32 @p0 $0x1  }
0x13: {  	[smem:$0x3F9D] =	sst s0;
	s0 =	simm.s32 @!p1 $0x0  }
0x14: {  	s2 =	sld [smem:$0x3F81];
	s0 =	simm.s32 @p1 $0x1  }
0x15: {  	[smem:$0x3F9E] =	sst s0;
	s0 =	simm.s32 @!p2 $0x0  }
0x16: {  	s3 =	sld [smem:$0x3FDB];
	s0 =	simm.s32 @p2 $0x1  }
0x17: {  	s4 =	simm.s32 $0x1BF5;
	[smem:$0x3FA0] =	sst s0  }
0x18: {  	s0 =	sld [smem:$0x3F83];
	_ =	swait.ge [sflag:s4], $0x0  }
0x19: {  	s7 =	sld [smem:$0x3F84]  }
0x1a: {  	s8 =	sadd.s32 $0xFFFFE003, lr  }
0x1b: {  	s9 =	sadd.s32 $0xFFFFFEF7, lr;
	s5 =	simm.s32 $0xFFFFFFFF;
	p2 =	slt.u32 s8, $0xFFFFF086  }
0x1c: {  	p1 =	slt.u32 s9, $0xF7A;
	s5 =	simm.s32 @!p2 $0x0  }
0x1d: {  	s5 =	simm.s32 @p1 $0x1;
	p0 =	seq.s32 s7, s2  }
0x1e: {  	s7 =	smul.u32 @!p0 $0xF7A, s2;
	p2 =	seq.s32 @!p0 s5, $0x0  }
0x1f: {  	s9 =	smul.u32 $0xF7A, s1;
	s8 =	simm.s32 @!p0 $0x1BF5;
	p2 =	por !p2, p0  }
0x20: {  	[sflag:s8] =	ssyncset.s32 @!p0 $0xFFFFF086;
	s6 =	sadd.s32 @!p0 s3, s7;
	s7 =	simm.s32 @!p0 $0x108  }
0x21: {  	s3 =	sadd.s32 s3, s9;
	s6 =	sadd.s32 @!p0 $0x88, s6;
	s7 =	simm.s32 @p2 $0x1082  }
0x22: {  	[simem:s7], [sflag:s8] =	dma.local @!p0 [hbm:s6], $0xF7A  }
0x23: {  	s9 =	sor.u32 $0xD0000000, s2;
	s6 =	simm.s32 $0x108;
	_ =	swait.ge @!p0 [sflag:s8], $0x0  }
0x24: {  	s3 =	sadd.s32 $0x88, s3;
	s6 =	simm.s32 @!p1 $0x1082;
	[sflag:s4] =	ssyncset.s32 $0xFFFFF086  }
0x25: {  	[simem:s6], [sflag:s4] =	dma.local [hbm:s3], $0xF7A  }
0x26: {  	[smem:$0x3F84] =	sst s1;
	(tag) =	ssettag s2;
	_ =	strace s9  }
0x27: {  	s1 =	sld [smem:$0x3F94]  }
0x28: {  	s2 =	sld [smem:$0x3F95]  }
0x29: {  	s4 =	sld [smem:$0x3F97]  }
0x2a: {  	p0 =	seq.s32 s5, $0x0;
	s5 =	sld [smem:$0x3F98]  }
0x2b: {  	s6 =	sld [smem:$0x3F99]  }
0x2c: {  	s7 =	sld [smem:$0x3F9A]  }
0x2d: {  	s3 =	simm.s32 $0x108;
	s8 =	sld [smem:$0x3F9B]  }
0x2e: {  	s3 =	simm.s32 @!p0 $0x1082;
	s9 =	sld [smem:$0x3F9C]  }
0x2f: {  	lr =	sadd.s32 s0, s3;
	s0 =	sld [smem:$0x3F93]  }
0x30: {  	s3 =	sld [smem:$0x3F96]  }
0x31: {  	[smem:$0x3F9F] =	sst s10  }
0x32: {  	s10 =	sld [smem:$0x3F9D];
	_ =	sdelay $0x3  }
0x33: {  	p0 =	seq.s32 s10, $0x1;
	s10 =	sld [smem:$0x3F9F];
	_ =	sdelay $0x3  }
0x34: {  	[smem:$0x3F9F] =	sst s10  }
0x35: {  	s10 =	sld [smem:$0x3F9E];
	_ =	sdelay $0x3  }
0x36: {  	p1 =	seq.s32 s10, $0x1;
	s10 =	sld [smem:$0x3F9F];
	_ =	sdelay $0x3  }
0x37: {  	[smem:$0x3F9F] =	sst s10  }
0x38: {  	s10 =	sld [smem:$0x3FA0]  }
0x39: {  	_ = 	snop;
	(pc) =	sbr.ind lr, $3  }
0x3a: {  	_ = 	snop  }
0x3b: {  	_ = 	snop  }
0x3c: {  	p2 =	seq.s32 s10, $0x1;
	s10 =	sld [smem:$0x3F9F]  }
0x3d: {  	_ =	shalt  }
0x3e: {  	_ =	shalt  }
0x3f: {  	_ =	shalt  }
0x40: {  	_ =	shalt  }
0x41: {  	_ =	shalt  }
0x42: {  	_ =	shalt  }
0x43: {  	_ =	shalt  }
0x44: {  	_ =	shalt  }
0x45: {  	_ =	shalt  }
0x46: {  	_ =	shalt  }
0x47: {  	_ =	shalt  }
0x48: {  	_ =	shalt  }
0x49: {  	_ =	shalt  }
0x4a: {  	_ =	shalt  }
0x4b: {  	_ =	shalt  }
0x4c: {  	_ =	shalt  }
0x4d: {  	_ =	shalt  }
0x4e: {  	_ =	shalt  }
0x4f: {  	_ =	shalt  }
0x50: {  	_ =	shalt  }
0x51: {  	_ =	shalt  }
0x52: {  	_ =	shalt  }
0x53: {  	_ =	shalt  }
0x54: {  	_ =	shalt  }
0x55: {  	_ =	shalt  }
0x56: {  	_ =	shalt  }
0x57: {  	_ =	shalt  }
0x58: {  	_ =	shalt  }
0x59: {  	_ =	shalt  }
0x5a: {  	_ =	shalt  }
0x5b: {  	_ =	shalt  }
0x5c: {  	_ =	shalt  }
0x5d: {  	_ =	shalt  }
0x5e: {  	_ =	shalt  }
0x5f: {  	_ =	shalt  }
0x60: {  	_ =	shalt  }
0x61: {  	_ =	shalt  }
0x62: {  	_ =	shalt  }
0x63: {  	_ =	shalt  }
0x64: {  	_ =	shalt  }
0x65: {  	_ =	shalt  }
0x66: {  	_ =	shalt  }
0x67: {  	_ =	shalt  }
0x68: {  	_ =	shalt  }
0x69: {  	_ =	shalt  }
0x6a: {  	_ =	shalt  }
0x6b: {  	_ =	shalt  }
0x6c: {  	_ =	shalt  }
0x6d: {  	_ =	shalt  }
0x6e: {  	_ =	shalt  }
0x6f: {  	_ =	shalt  }
0x70: {  	_ =	shalt  }
0x71: {  	_ =	shalt  }
0x72: {  	_ =	shalt  }
0x73: {  	_ =	shalt  }
0x74: {  	_ =	shalt  }
0x75: {  	_ =	shalt  }
0x76: {  	_ =	shalt  }
0x77: {  	_ =	shalt  }
0x78: {  	_ =	shalt  }
0x79: {  	_ =	shalt  }
0x7a: {  	_ =	shalt  }
0x7b: {  	_ =	shalt  }
0x7c: {  	_ =	shalt  }
0x7d: {  	_ =	shalt  }
0x7e: {  	_ =	shalt  }
0x7f: {  	_ =	shalt  }
0x80: {  	_ =	shalt  }
0x81: {  	_ =	shalt  }
0x82: {  	_ =	shalt  }
0x83: {  	_ =	shalt  }
0x84: {  	_ =	shalt  }
0x85: {  	_ =	shalt  }
0x86: {  	_ =	shalt  }
0x87: {  	_ =	shalt  }
.Lfunc_end0:
.L_simem_size_0:
called_computation.1_lowered:
.L_overlay_start_0:
0x88: {  	s2 =	sld [smem:$0x3FD9]  }
0x89: {  	s3 =	sld [smem:$0x3FFE];
	_ =	sdelay $0x1  }
0x8a: {  	s1 =	srdreg.scid  }
0x8b: {  	s0 =	sand.u32 $0x1, s1  }
0x8c: {  	s15 =	sshll.u32 s0, $0xA;
	s2 =	sadd.s32 s3, s2  }
0x8d: {  	s2 =	sadd.s32 s2, s15  }
0x8e: {  	[smem:$0x3FAB] =	sst s2  }
0x8f: {  	_ = 	snop  }
0x90: {  	s2 =	sld [smem:$0x3FD0];
	_ =	sdelay $0x2  }
0x91: {  	s16 =	simm.s32 $0xB;
	s4 =	simm.s32 $0x10  }
0x92: {  	[smem:s4], [sflag:s16] =	dma.local [hbm:s2], $0x1  }
0x93: {  	_ =	swait.eq [sflag:s16], $0x1  }
0x94: {  	[sflag:s16] =	ssyncset.done $0x0  }
0x95: {  	[sflag:s16] =	ssyncadd.s32 $0xFFFFFFFF  }
0x96: {  	s17 =	sld [smem:$0x11];
	(tm) =	ssettm $0x1  }
0x97: {  	s18 =	sld [smem:$0x3FFB];
	_ =	sdelay $0x3  }
0x98: {  	_ =	strace s18  }
0x99: {  	s2 =	sld [smem:$0x3FFC];
	_ =	sdelay $0x3  }
0x9a: {  	_ =	strace s2  }
0x9b: {  	s2 =	sld [smem:$0x3FFD];
	_ =	sdelay $0x3  }
0x9c: {  	_ =	strace s2  }
0x9d: {  	_ =	strace $0x8FFFFFFF  }
0x9e: {  	s19 =	sld [smem:$0x3FDB];
	_ =	sdelay $0x1  }
0x9f: {  	s20 =	simm.s32 $_scs_section_size  }
0xa0: {  	s5 =	simm.s32 $_size__tile_overlayer_lowered;
	s6 =	simm.s32 $_tile_overlayer_lowered  }
0xa1: {  	s7 =	simm.s32 $0x1BFF;
	s21 =	sshll.u32 s6, $0x1;
	s4 =	sadd.s32 s20, s19  }
0xa2: {  	s22 =	simm.s32 $0x0;
	s5 =	sshll.u32 s5, $0x1;
	s6 =	sadd.s32 s21, s4  }
0xa3: {  	[timem:s22], [sflag:s7] =	dma.local [hbm:s6], s5  }
0xa4: {  	_ =	swait.ge [sflag:s7], s5  }
0xa5: {  	s5 =	ssub.s32 $0x0, s5;
	[sflag:s7] =	ssyncset.done $0x0  }
0xa6: {  	[sflag:s7] =	ssyncadd.s32 s5;
	_ =	sdelay $0x1  }
0xa7: {  	s23 =	simm.s32 $0x1B8B  }
0xa8: {  	_ =	swait.ge [sflag:s23], $0x1  }
0xa9: {  	[sflag:s23] =	ssyncset.done $0x0  }
0xaa: {  	[sflag:s23] =	ssyncadd.s32 $0xFFFFFFFF  }
0xab: {  	s5 =	sld [smem:$0x0]  }
0xac: {  	s6 =	sand.u32 $0xFFFFFFFE, s1  }
0xad: {  	p0 =	sne.s32 s1, s6  }
0xae: {  	s6 =	sshll.u32 @p0 s6, $0xE  }
0xaf: {  	s6 =	sadd.s32 @p0 $0x11B8D, s6;
	s7 =	sshll.u32 @p0 s5, $0x11  }
0xb0: {  	s6 =	sor.u32 @p0 s7, s6  }
0xb1: {  	[sflag:s6] =	ssyncadd.remote.s32 @p0 $0x1;
	_ =	sdelay $0x1  }
0xb2: {  	s6 =	simm.s32 @p0 $0x1B8D  }
0xb3: {  	_ =	swait.eq @p0 [sflag:s6], $0x1  }
0xb4: {  	[sflag:s6] =	ssyncadd.s32 @p0 $0xFFFFFFFF  }
0xb5: {  	s7 =	sshll.u32 @!p0 s1, $0xE  }
0xb6: {  	s7 =	sor.u32 @!p0 $0x4000, s7;
	s6 =	simm.s32 @!p0 $0x1B8D  }
0xb7: {  	s5 =	sshll.u32 @!p0 s5, $0x11;
	s7 =	sadd.s32 @!p0 $0x11B8D, s7;
	_ =	swait.eq @!p0 [sflag:s6], $0x1  }
0xb8: {  	s5 =	sor.u32 @!p0 s5, s7;
	[sflag:s6] =	ssyncadd.s32 @!p0 $0xFFFFFFFF  }
0xb9: {  	s25 =	simm.s32 $0x1B8E;
	s24 =	sld [smem:$0x3FFE];
	[sflag:s5] =	ssyncadd.remote.s32 @!p0 $0x1  }
0xba: {  	s26 =	simm.s32 $execute0_lowered;
	[smem:$0x3FD2] =	sst s25  }
0xbb: {  	s6 =	sshll.u32 s26, $0x1;
	_ =	strace $0x8000004F;
	[dreg:$0x1] =	wrdreg $0xFFFFFFFF  }
0xbc: {  	s28 =	simm.s32 $_size_execute0_lowered;
	s4 =	sadd.s32 s4, s6;
	[dreg:$0x0] =	wrdreg $0x0  }
0xbd: {  	s6 =	sshll.u32 s28, $0x1;
	[dreg:$0x2] =	wrdreg s4  }
0xbe: {  	[dreg:$0x3] =	wrdreg s6  }
0xbf: {  	[dreg:$0x4] =	wrdreg $0xC0  }
0xc0: {  	_ =	task [dreg:s22], $0x5FFFF  }
0xc1: {  	[dreg:$0x1] =	wrdreg $0xFFFFFFFF  }
0xc2: {  	[dreg:$0x0] =	wrdreg $0x60  }
0xc3: {  	[dreg:$0x2] =	wrdreg s24  }
0xc4: {  	[dreg:$0x3] =	wrdreg s17  }
0xc5: {  	[dreg:$0x4] =	wrdreg $0x9  }
0xc6: {  	_ =	task.clear_ibuf [dreg:s22], $0x5FFFF;
	_ =	strace $0x9000004F  }
0xc7: {  	s29 =	simm.s32 $0x9;
	_ =	strace $0x80000051  }
0xc8: {  	_ =	swait.ge [sflag:s29], $0x1  }
0xc9: {  	[sflag:s29] =	ssyncadd.s32 $0xFFFFFFFF  }
0xca: {  	_ =	strace $0x90000051  }
0xcb: {  	_ =	sfence  }
0xcc: {  	s30 =	sld [smem:$0x0];
	_ =	sdelay $0x2  }
0xcd: {  	s31 =	sshll.u32 s1, $0xD;
	s1 =	sshrl.u32 s1, $0x2  }
0xce: {  	s4 =	sand.u32 $0x4000, s31;
	s1 =	sadd.s32 s1, s30  }
0xcf: {  	s0 =	sor.u32 s4, s0;
	s1 =	sshll.u32 s1, $0x11  }
0xd0: {  	s0 =	sor.u32 s1, s0  }
0xd1: {  	s0 =	sadd.s32 $0x8F2B, s0  }
0xd2: {  	[sflag:s0] =	ssyncadd.remote.s32 $0x1  }
0xd3: {  	_ =	sfence.sel $0xFFFF  }
0xd4: {  	[dreg:$0x0] =	wrdreg $0xFFFFFFFF;
	(pc) =	sbr.abs _section_cstart, $3  }
0xd5: {  	[dreg:$0x1] =	wrdreg $0xFFFFFFFF  }
0xd6: {  	_ =	task.clear_ibuf [dreg:s22], $0x2FFFF;
	_ =	strace $0x9FFFFFFF  }
0xd7: {  	(tm) =	ssettm $0x7FFFFFFF  }
tec
execute0_lowered:
.L_overlay_start_1:
0x0: {  	(tag) =	ssettag $0x1  }
0x1: {  	s1 =	srdreg.scid  }
0x2: {  	s8 =	rddreg [dreg:$0x0];
	s0 =	stileid.u32;
	s10 =	sand.u32 $0x1, s1  }
0x3: {  	s9 =	rddreg [dreg:$0x1];
	s3 =	sshll.u32 s0, $0xB;
	s4 =	sshll.u32 s10, $0xA  }
0x4: {  	s2 =	simm.s32 $0x0;
	s1 =	rddreg [dreg:$0x2];
	s11 =	sor.u32 s4, s3  }
0x5: {  	[smem:$0x7FF] =	sst s2;
	s3 =	sshrl.u32 s11, $0x3  }
0x6: {  	_ =	strace $0x80000050;
	s4 =	sadd.s32 s9, s3;
	s3 =	simm.s32 $0x2  }
0x7: {  	[tilespmem:s2], [sflag:$0x2] =	stream.linear.gather [hbm4b:s4+s2], $0x200, $0x38;
	[tilespmem:$0x10200] =	vst v63  }
0x8: {  	_ =	swait.ge [sflag:s3], $0x200  }
0x9: {  	s6 =	simm.s32 $0x200;
	[sflag:s3] =	ssyncset.done $0x0  }
0xa: {  	s7 =	simm.s32 $0x1;
	s5 =	sadd.s32 $0x1CE200, s8;
	[sflag:s3] =	ssyncadd.s32 $0xFFFFFE00  }
0xb: {  	[tilespmem:s6], [sflag:$0x1] =	stream.indirect.gather [hbm4b:s5+s6], $0x80, s2, s6, $0xb8;
	[tilespmem:$0x10200] =	vst v63  }
0xc: {  	_ =	swait.ge [sflag:s7], $0x10000  }
0xd: {  	s12 =	sadd.s32 $0x26E200, s8;
	s28 =	sshll.u32 s11, $0x4;
	[sflag:s7] =	ssyncset.done $0x0  }
0xe: {  	s8 =	sadd.s32 s12, s28;
	[sflag:s7] =	ssyncadd.s32 $0xFFFF0000  }
0xf: {  	[hbm4b:s8+s2] =	stream.linear.scatter [tilespmem:s6], [sflag:$0x2], $0x10000, $0x38;
	[tilespmem:$0x10200] =	vst v63  }
0x10: {  	s11 =	sor.u32 $0x200, s11;
	_ =	swait.ge [sflag:s3], $0x10000  }
0x11: {  	s13 =	sshrl.u32 s11, $0x3;
	[sflag:s3] =	ssyncset.done $0x0  }
0x12: {  	s10 =	ssub.s32 $0x2, s10;
	s9 =	sadd.s32 s9, s13;
	[sflag:s3] =	ssyncadd.s32 $0xFFFF0000  }
0x13: {  	[tilespmem:s2], [sflag:$0x2] =	stream.linear.gather [hbm4b:s9+s2], $0x200, $0x38;
	[tilespmem:$0x10200] =	vst v63  }
0x14: {  	s29 =	sshrl.u32 s10, $0x1;
	_ =	swait.ge [sflag:s3], $0x200  }
0x15: {  	s13 =	ssub.s32 s10, s29;
	[sflag:s3] =	ssyncset.done $0x0  }
0x16: {  	s31 =	smax.u32 s13, $0x1;
	[sflag:s3] =	ssyncadd.s32 $0xFFFFFE00  }
0x17: {  	[tilespmem:s6], [sflag:$0x1] =	stream.indirect.gather [hbm4b:s5+s6], $0x80, s2, s6, $0xb8;
	[tilespmem:$0x10200] =	vst v63  }
0x18: {  	p0 =	sne.s32 s31, $0x1;
	_ =	swait.ge [sflag:s7], $0x10000  }
.Ltmp0:
0x19: {  	s30 =	sshll.u32 s11, $0x4;
	[sflag:s7] =	ssyncset.done $0x0;
	(pc) =	sbr.rel @!p0 .LBB2_2-.Ltmp0, $4  }
0x1a: {  	s10 =	sadd.s32 s12, s30;
	[sflag:s7] =	ssyncadd.s32 $0xFFFF0000  }
0x1b: {  	[hbm4b:s10+s2] =	stream.linear.scatter [tilespmem:s6], [sflag:$0x2], $0x10000, $0x38;
	[tilespmem:$0x10200] =	vst v63  }
0x1c: {  	_ =	swait.ge [sflag:s3], $0x10000  }
0x1d: {  	s11 =	sadd.s32 $0xFFFFFFFF, s31;
	[sflag:s3] =	ssyncset.done $0x0  }
.LBB2_1:
0x1e: {  	p0 =	sne.s32 s11, $0x1;
	s11 =	sadd.s32 $0xFFFFFFFF, s11;
	[sflag:s3] =	ssyncadd.s32 $0xFFFF0000  }
0x1f: {  	[tilespmem:s2], [sflag:$0x2] =	stream.linear.gather [hbm4b:s4+s2], $0x200, $0x38;
	[tilespmem:$0x10200] =	vst v63  }
0x20: {  	_ =	swait.ge [sflag:s3], $0x200  }
0x21: {  	[sflag:s3] =	ssyncset.done $0x0  }
0x22: {  	[sflag:s3] =	ssyncadd.s32 $0xFFFFFE00  }
0x23: {  	[tilespmem:s6], [sflag:$0x1] =	stream.indirect.gather [hbm4b:s5+s6], $0x80, s2, s6, $0xb8;
	[tilespmem:$0x10200] =	vst v63  }
0x24: {  	_ =	swait.ge [sflag:s7], $0x10000  }
0x25: {  	[sflag:s7] =	ssyncset.done $0x0  }
0x26: {  	[sflag:s7] =	ssyncadd.s32 $0xFFFF0000  }
0x27: {  	[hbm4b:s8+s2] =	stream.linear.scatter [tilespmem:s6], [sflag:$0x2], $0x10000, $0x38;
	[tilespmem:$0x10200] =	vst v63  }
0x28: {  	_ =	swait.ge [sflag:s3], $0x10000  }
0x29: {  	[sflag:s3] =	ssyncset.done $0x0  }
0x2a: {  	[sflag:s3] =	ssyncadd.s32 $0xFFFF0000  }
0x2b: {  	[tilespmem:s2], [sflag:$0x2] =	stream.linear.gather [hbm4b:s9+s2], $0x200, $0x38;
	[tilespmem:$0x10200] =	vst v63  }
0x2c: {  	_ =	swait.ge [sflag:s3], $0x200  }
0x2d: {  	[sflag:s3] =	ssyncset.done $0x0  }
0x2e: {  	[sflag:s3] =	ssyncadd.s32 $0xFFFFFE00  }
0x2f: {  	[tilespmem:s6], [sflag:$0x1] =	stream.indirect.gather [hbm4b:s5+s6], $0x80, s2, s6, $0xb8;
	[tilespmem:$0x10200] =	vst v63  }
0x30: {  	_ =	swait.ge [sflag:s7], $0x10000  }
.Ltmp1:
0x31: {  	[sflag:s7] =	ssyncset.done $0x0;
	(pc) =	sbr.rel @p0 .LBB2_1-.Ltmp1, $4  }
0x32: {  	[sflag:s7] =	ssyncadd.s32 $0xFFFF0000  }
0x33: {  	[hbm4b:s10+s2] =	stream.linear.scatter [tilespmem:s6], [sflag:$0x2], $0x10000, $0x38;
	[tilespmem:$0x10200] =	vst v63  }
0x34: {  	_ =	swait.ge [sflag:s3], $0x10000  }
0x35: {  	[sflag:s3] =	ssyncset.done $0x0  }
.LBB2_2:
0x36: {  	[sflag:s3] =	ssyncadd.s32 $0xFFFF0000  }
0x37: {  	_ =	sfence.sel $0x180000  }
0x38: {  	[bflag:$0x0] =	sbarrier.arrive $0xFFFF  }
0x39: {  	p0 =	sne.s32 s0, $0x0;
	_ =	strace $0x90000050  }
0x3a: {  	s0 =	sadd.s32 @!p0 $0x100000, s1;
	[bflag:$0x2] =	sbarrier.arrive $0xFFFF  }
0x3b: {  	[sflag:s0] =	ssyncadd.tile.s32 @!p0 $0x1;
	_ =	shalt  }
.Lfunc_end2:
_tile_overlayer_lowered:
.L_overlay_start_2:
0x3c: {  	(tag) =	ssettag $0x2  }
0x3d: {  	s0 =	rddreg [dreg:$0x0];
	s2 =	stileid.u32  }
0x3e: {  	s1 =	rddreg [dreg:$0x1];
	p0 =	sne.s32 s2, $0x0  }
0x3f: {  	s3 =	rddreg [dreg:$0x2];
	[bflag:$0x3] =	sbarrier.arrive $0xFFFF;
	s2 =	simm.s32 @!p0 $0x1C02  }
0x40: {  	[timem:s3], [sflag:s2] =	dma.local @!p0 [hbm:s0], s1  }
0x41: {  	s0 =	simm.s32 @!p0 $0x2  }
0x42: {  	_ =	swait.ge @!p0 [sflag:s0], s1  }
0x43: {  	s1 =	ssub.s32 @!p0 $0x0, s1;
	[sflag:s0] =	ssyncset.done @!p0 $0x0  }
0x44: {  	[sflag:s0] =	ssyncadd.s32 @!p0 s1  }
0x45: {  	[bflag:$0x3] =	sbarrier.arrive $0xFFFF  }
0x46: {  	_ =	shalt  }

// kernel: kernel.50.cloned.1.call-start
scs
__scs_entry_jumppad:
0x0: {  	(pc) =	sbr.rel $0x88, $3  }
0x1: {  	(tag) =	ssettag $0x0;
	lr =	simm.s32 $0x1  }
0x2: {  	[smem:$0x3F84] =	sst lr;
	_ =	strace $0xD0000000  }
0x3: {  	_ = 	snop  }
0x4: {  	_ = 	snop  }
0x5: {  	_ = 	snop  }
0x6: {  	_ = 	snop  }
0x7: {  	_ = 	snop  }
__scs_overlays_trampoline_lowered:
0x8: {  	[smem:$0x3F93] =	sst s0  }
0x9: {  	[smem:$0x3F94] =	sst s1  }
0xa: {  	[smem:$0x3F95] =	sst s2  }
0xb: {  	[smem:$0x3F96] =	sst s3  }
0xc: {  	[smem:$0x3F97] =	sst s4  }
0xd: {  	[smem:$0x3F98] =	sst s5  }
0xe: {  	[smem:$0x3F99] =	sst s6  }
0xf: {  	[smem:$0x3F9A] =	sst s7  }
0x10: {  	[smem:$0x3F9B] =	sst s8  }
0x11: {  	[smem:$0x3F9C] =	sst s9;
	s0 =	simm.s32 @!p0 $0x0  }
0x12: {  	s1 =	sld [smem:$0x3F82];
	s0 =	simm.s32 @p0 $0x1  }
0x13: {  	[smem:$0x3F9D] =	sst s0;
	s0 =	simm.s32 @!p1 $0x0  }
0x14: {  	s2 =	sld [smem:$0x3F81];
	s0 =	simm.s32 @p1 $0x1  }
0x15: {  	[smem:$0x3F9E] =	sst s0;
	s0 =	simm.s32 @!p2 $0x0  }
0x16: {  	s3 =	sld [smem:$0x3FDB];
	s0 =	simm.s32 @p2 $0x1  }
0x17: {  	s4 =	simm.s32 $0x1BF5;
	[smem:$0x3FA0] =	sst s0  }
0x18: {  	s0 =	sld [smem:$0x3F83];
	_ =	swait.ge [sflag:s4], $0x0  }
0x19: {  	s7 =	sld [smem:$0x3F84]  }
0x1a: {  	s8 =	sadd.s32 $0xFFFFE003, lr  }
0x1b: {  	s9 =	sadd.s32 $0xFFFFFEF7, lr;
	s5 =	simm.s32 $0xFFFFFFFF;
	p2 =	slt.u32 s8, $0xFFFFF086  }
0x1c: {  	p1 =	slt.u32 s9, $0xF7A;
	s5 =	simm.s32 @!p2 $0x0  }
0x1d: {  	s5 =	simm.s32 @p1 $0x1;
	p0 =	seq.s32 s7, s2  }
0x1e: {  	s7 =	smul.u32 @!p0 $0xF7A, s2;
	p2 =	seq.s32 @!p0 s5, $0x0  }
0x1f: {  	s9 =	smul.u32 $0xF7A, s1;
	s8 =	simm.s32 @!p0 $0x1BF5;
	p2 =	por !p2, p0  }
0x20: {  	[sflag:s8] =	ssyncset.s32 @!p0 $0xFFFFF086;
	s6 =	sadd.s32 @!p0 s3, s7;
	s7 =	simm.s32 @!p0 $0x108  }
0x21: {  	s3 =	sadd.s32 s3, s9;
	s6 =	sadd.s32 @!p0 $0x88, s6;
	s7 =	simm.s32 @p2 $0x1082  }
0x22: {  	[simem:s7], [sflag:s8] =	dma.local @!p0 [hbm:s6], $0xF7A  }
0x23: {  	s9 =	sor.u32 $0xD0000000, s2;
	s6 =	simm.s32 $0x108;
	_ =	swait.ge @!p0 [sflag:s8], $0x0  }
0x24: {  	s3 =	sadd.s32 $0x88, s3;
	s6 =	simm.s32 @!p1 $0x1082;
	[sflag:s4] =	ssyncset.s32 $0xFFFFF086  }
0x25: {  	[simem:s6], [sflag:s4] =	dma.local [hbm:s3], $0xF7A  }
0x26: {  	[smem:$0x3F84] =	sst s1;
	(tag) =	ssettag s2;
	_ =	strace s9  }
0x27: {  	s1 =	sld [smem:$0x3F94]  }
0x28: {  	s2 =	sld [smem:$0x3F95]  }
0x29: {  	s4 =	sld [smem:$0x3F97]  }
0x2a: {  	p0 =	seq.s32 s5, $0x0;
	s5 =	sld [smem:$0x3F98]  }
0x2b: {  	s6 =	sld [smem:$0x3F99]  }
0x2c: {  	s7 =	sld [smem:$0x3F9A]  }
0x2d: {  	s3 =	simm.s32 $0x108;
	s8 =	sld [smem:$0x3F9B]  }
0x2e: {  	s3 =	simm.s32 @!p0 $0x1082;
	s9 =	sld [smem:$0x3F9C]  }
0x2f: {  	lr =	sadd.s32 s0, s3;
	s0 =	sld [smem:$0x3F93]  }
0x30: {  	s3 =	sld [smem:$0x3F96]  }
0x31: {  	[smem:$0x3F9F] =	sst s10  }
0x32: {  	s10 =	sld [smem:$0x3F9D];
	_ =	sdelay $0x3  }
0x33: {  	p0 =	seq.s32 s10, $0x1;
	s10 =	sld [smem:$0x3F9F];
	_ =	sdelay $0x3  }
0x34: {  	[smem:$0x3F9F] =	sst s10  }
0x35: {  	s10 =	sld [smem:$0x3F9E];
	_ =	sdelay $0x3  }
0x36: {  	p1 =	seq.s32 s10, $0x1;
	s10 =	sld [smem:$0x3F9F];
	_ =	sdelay $0x3  }
0x37: {  	[smem:$0x3F9F] =	sst s10  }
0x38: {  	s10 =	sld [smem:$0x3FA0]  }
0x39: {  	_ = 	snop;
	(pc) =	sbr.ind lr, $3  }
0x3a: {  	_ = 	snop  }
0x3b: {  	_ = 	snop  }
0x3c: {  	p2 =	seq.s32 s10, $0x1;
	s10 =	sld [smem:$0x3F9F]  }
0x3d: {  	_ =	shalt  }
0x3e: {  	_ =	shalt  }
0x3f: {  	_ =	shalt  }
0x40: {  	_ =	shalt  }
0x41: {  	_ =	shalt  }
0x42: {  	_ =	shalt  }
0x43: {  	_ =	shalt  }
0x44: {  	_ =	shalt  }
0x45: {  	_ =	shalt  }
0x46: {  	_ =	shalt  }
0x47: {  	_ =	shalt  }
0x48: {  	_ =	shalt  }
0x49: {  	_ =	shalt  }
0x4a: {  	_ =	shalt  }
0x4b: {  	_ =	shalt  }
0x4c: {  	_ =	shalt  }
0x4d: {  	_ =	shalt  }
0x4e: {  	_ =	shalt  }
0x4f: {  	_ =	shalt  }
0x50: {  	_ =	shalt  }
0x51: {  	_ =	shalt  }
0x52: {  	_ =	shalt  }
0x53: {  	_ =	shalt  }
0x54: {  	_ =	shalt  }
0x55: {  	_ =	shalt  }
0x56: {  	_ =	shalt  }
0x57: {  	_ =	shalt  }
0x58: {  	_ =	shalt  }
0x59: {  	_ =	shalt  }
0x5a: {  	_ =	shalt  }
0x5b: {  	_ =	shalt  }
0x5c: {  	_ =	shalt  }
0x5d: {  	_ =	shalt  }
0x5e: {  	_ =	shalt  }
0x5f: {  	_ =	shalt  }
0x60: {  	_ =	shalt  }
0x61: {  	_ =	shalt  }
0x62: {  	_ =	shalt  }
0x63: {  	_ =	shalt  }
0x64: {  	_ =	shalt  }
0x65: {  	_ =	shalt  }
0x66: {  	_ =	shalt  }
0x67: {  	_ =	shalt  }
0x68: {  	_ =	shalt  }
0x69: {  	_ =	shalt  }
0x6a: {  	_ =	shalt  }
0x6b: {  	_ =	shalt  }
0x6c: {  	_ =	shalt  }
0x6d: {  	_ =	shalt  }
0x6e: {  	_ =	shalt  }
0x6f: {  	_ =	shalt  }
0x70: {  	_ =	shalt  }
0x71: {  	_ =	shalt  }
0x72: {  	_ =	shalt  }
0x73: {  	_ =	shalt  }
0x74: {  	_ =	shalt  }
0x75: {  	_ =	shalt  }
0x76: {  	_ =	shalt  }
0x77: {  	_ =	shalt  }
0x78: {  	_ =	shalt  }
0x79: {  	_ =	shalt  }
0x7a: {  	_ =	shalt  }
0x7b: {  	_ =	shalt  }
0x7c: {  	_ =	shalt  }
0x7d: {  	_ =	shalt  }
0x7e: {  	_ =	shalt  }
0x7f: {  	_ =	shalt  }
0x80: {  	_ =	shalt  }
0x81: {  	_ =	shalt  }
0x82: {  	_ =	shalt  }
0x83: {  	_ =	shalt  }
0x84: {  	_ =	shalt  }
0x85: {  	_ =	shalt  }
0x86: {  	_ =	shalt  }
0x87: {  	_ =	shalt  }
.Lfunc_end0:
.L_simem_size_0:
called_computation.2_lowered:
.L_overlay_start_0:
0x88: {  	s2 =	sld [smem:$0x3FD9]  }
0x89: {  	s3 =	sld [smem:$0x3FFE];
	_ =	sdelay $0x1  }
0x8a: {  	s1 =	srdreg.scid  }
0x8b: {  	s0 =	sand.u32 $0x1, s1  }
0x8c: {  	s14 =	sshll.u32 s0, $0xA;
	s2 =	sadd.s32 s3, s2  }
0x8d: {  	s2 =	sadd.s32 s2, s14  }
0x8e: {  	[smem:$0x3FAB] =	sst s2  }
0x8f: {  	_ = 	snop  }
0x90: {  	s2 =	sld [smem:$0x3FD0];
	_ =	sdelay $0x2  }
0x91: {  	s15 =	simm.s32 $0xB;
	s4 =	simm.s32 $0x10  }
0x92: {  	[smem:s4], [sflag:s15] =	dma.local [hbm:s2], $0x1  }
0x93: {  	_ =	swait.eq [sflag:s15], $0x1  }
0x94: {  	[sflag:s15] =	ssyncset.done $0x0  }
0x95: {  	[sflag:s15] =	ssyncadd.s32 $0xFFFFFFFF  }
0x96: {  	s16 =	sld [smem:$0x10];
	(tm) =	ssettm $0x1  }
0x97: {  	s17 =	sld [smem:$0x3FFB];
	_ =	sdelay $0x3  }
0x98: {  	_ =	strace s17  }
0x99: {  	s3 =	sld [smem:$0x3FFC];
	_ =	sdelay $0x3  }
0x9a: {  	_ =	strace s3  }
0x9b: {  	s3 =	sld [smem:$0x3FFD];
	_ =	sdelay $0x3  }
0x9c: {  	_ =	strace s3  }
0x9d: {  	_ =	strace $0x8FFFFFFF  }
0x9e: {  	s18 =	sld [smem:$0x3FDB];
	_ =	sdelay $0x1  }
0x9f: {  	s19 =	simm.s32 $_scs_section_size  }
0xa0: {  	s5 =	simm.s32 $_size__tile_overlayer_lowered;
	s6 =	simm.s32 $_tile_overlayer_lowered  }
0xa1: {  	s22 =	simm.s32 $0x1BFF;
	s21 =	sshll.u32 s6, $0x1;
	s3 =	sadd.s32 s19, s18  }
0xa2: {  	s7 =	simm.s32 $0x0;
	s20 =	sshll.u32 s5, $0x1;
	s5 =	sadd.s32 s21, s3  }
0xa3: {  	[timem:s7], [sflag:s22] =	dma.local [hbm:s5], s20  }
0xa4: {  	_ =	swait.ge [sflag:s22], s20  }
0xa5: {  	s4 =	ssub.s32 $0x0, s20;
	[sflag:s22] =	ssyncset.done $0x0  }
0xa6: {  	[sflag:s22] =	ssyncadd.s32 s4;
	_ =	sdelay $0x1  }
0xa7: {  	s23 =	simm.s32 $0x1B8B  }
0xa8: {  	_ =	swait.ge [sflag:s23], $0x1  }
0xa9: {  	[sflag:s23] =	ssyncset.done $0x0  }
0xaa: {  	s25 =	simm.s32 $0x1B8E;
	s24 =	sld [smem:$0x3FFE];
	[sflag:s23] =	ssyncadd.s32 $0xFFFFFFFF  }
0xab: {  	s26 =	simm.s32 $execute0_lowered;
	[smem:$0x3FD2] =	sst s25  }
0xac: {  	s5 =	sshll.u32 s26, $0x1;
	_ =	strace $0x80000052;
	[dreg:$0x1] =	wrdreg $0xFFFFFFFF  }
0xad: {  	s28 =	simm.s32 $_size_execute0_lowered;
	s3 =	sadd.s32 s3, s5;
	[dreg:$0x0] =	wrdreg $0x0  }
0xae: {  	s5 =	sshll.u32 s28, $0x1;
	[dreg:$0x2] =	wrdreg s3  }
0xaf: {  	[dreg:$0x3] =	wrdreg s5  }
0xb0: {  	[dreg:$0x4] =	wrdreg $0xC0  }
0xb1: {  	_ =	task [dreg:s7], $0x5FFFF  }
0xb2: {  	[dreg:$0x1] =	wrdreg $0xFFFFFFFF  }
0xb3: {  	[dreg:$0x0] =	wrdreg $0x60  }
0xb4: {  	[dreg:$0x2] =	wrdreg s16  }
0xb5: {  	[dreg:$0x3] =	wrdreg s24  }
0xb6: {  	[dreg:$0x4] =	wrdreg $0x9  }
0xb7: {  	_ =	task.clear_ibuf [dreg:s7], $0x5FFFF;
	_ =	strace $0x90000052  }
0xb8: {  	s29 =	simm.s32 $0x9;
	_ =	strace $0x80000054  }
0xb9: {  	_ =	swait.ge [sflag:s29], $0x1  }
0xba: {  	[sflag:s29] =	ssyncadd.s32 $0xFFFFFFFF  }
0xbb: {  	_ =	strace $0x90000054  }
0xbc: {  	_ =	sfence  }
0xbd: {  	s30 =	sld [smem:$0x0];
	_ =	sdelay $0x2  }
0xbe: {  	s31 =	sshll.u32 s1, $0xD;
	s1 =	sshrl.u32 s1, $0x2  }
0xbf: {  	s3 =	sand.u32 $0x4000, s31;
	s1 =	sadd.s32 s1, s30  }
0xc0: {  	s0 =	sor.u32 s3, s0;
	s1 =	sshll.u32 s1, $0x11  }
0xc1: {  	s0 =	sor.u32 s1, s0  }
0xc2: {  	s0 =	sadd.s32 $0x8F2B, s0  }
0xc3: {  	[sflag:s0] =	ssyncadd.remote.s32 $0x1  }
0xc4: {  	_ =	sfence.sel $0xFFFF  }
0xc5: {  	[dreg:$0x0] =	wrdreg $0xFFFFFFFF;
	(pc) =	sbr.abs _section_cstart, $3  }
0xc6: {  	[dreg:$0x1] =	wrdreg $0xFFFFFFFF  }
0xc7: {  	_ =	task.clear_ibuf [dreg:s7], $0x2FFFF;
	_ =	strace $0x9FFFFFFF  }
0xc8: {  	(tm) =	ssettm $0x7FFFFFFF  }
0xc9: {  	_ =	shalt  }
tec
execute0_lowered:
.L_overlay_start_1:
0x0: {  	(tag) =	ssettag $0x1  }
0x1: {  	s1 =	srdreg.scid  }
0x2: {  	s2 =	rddreg [dreg:$0x0];
	s0 =	stileid.u32;
	s14 =	sand.u32 $0x1, s1  }
0x3: {  	s8 =	rddreg [dreg:$0x1];
	s4 =	sshll.u32 s0, $0xC;
	s5 =	sshll.u32 s14, $0xB  }
0x4: {  	s3 =	simm.s32 $0x0;
	s1 =	rddreg [dreg:$0x2];
	s13 =	sor.u32 s5, s4  }
0x5: {  	[smem:$0x7FF] =	sst s3;
	s15 =	sadd.s32 $0xAF400, s8;
	s4 =	sshrl.u32 s13, $0x3  }
0x6: {  	_ =	strace $0x80000053;
	s5 =	sadd.s32 s15, s4;
	s4 =	simm.s32 $0x2  }
0x7: {  	[tilespmem:s3], [sflag:$0x2] =	stream.linear.gather [hbm4b:s5+s3], $0x200, $0x38;
	[tilespmem:$0x10200] =	vst v63  }
0x8: {  	_ =	swait.ge [sflag:s4], $0x200  }
0x9: {  	[sflag:s4] =	ssyncset.done $0x0  }
0xa: {  	s6 =	simm.s32 $0x200;
	s7 =	simm.s32 $0x1;
	[sflag:s4] =	ssyncadd.s32 $0xFFFFFE00  }
0xb: {  	[tilespmem:s6], [sflag:$0x1] =	stream.indirect.gather [hbm4b:s2+s6], $0x80, s3, s6, $0xb8;
	[tilespmem:$0x10200] =	vst v63  }
0xc: {  	_ =	swait.ge [sflag:s7], $0x10000  }
0xd: {  	s16 =	sadd.s32 $0x1AE200, s8;
	s29 =	sshll.u32 s13, $0x4;
	[sflag:s7] =	ssyncset.done $0x0  }
0xe: {  	s8 =	sadd.s32 s16, s29;
	[sflag:s7] =	ssyncadd.s32 $0xFFFF0000  }
0xf: {  	[hbm4b:s8+s3] =	stream.linear.scatter [tilespmem:s6], [sflag:$0x2], $0x10000, $0x38;
	[tilespmem:$0x10200] =	vst v63  }
0x10: {  	s10 =	sor.u32 $0x200, s13;
	_ =	swait.ge [sflag:s4], $0x10000  }
0x11: {  	s9 =	sshrl.u32 s10, $0x3;
	[sflag:s4] =	ssyncset.done $0x0  }
0x12: {  	s9 =	sadd.s32 s15, s9;
	[sflag:s4] =	ssyncadd.s32 $0xFFFF0000  }
0x13: {  	[tilespmem:s3], [sflag:$0x2] =	stream.linear.gather [hbm4b:s9+s3], $0x200, $0x38;
	[tilespmem:$0x10200] =	vst v63  }
0x14: {  	_ =	swait.ge [sflag:s4], $0x200  }
0x15: {  	[sflag:s4] =	ssyncset.done $0x0  }
0x16: {  	[sflag:s4] =	ssyncadd.s32 $0xFFFFFE00  }
0x17: {  	[tilespmem:s6], [sflag:$0x1] =	stream.indirect.gather [hbm4b:s2+s6], $0x80, s3, s6, $0xb8;
	[tilespmem:$0x10200] =	vst v63  }
0x18: {  	_ =	swait.ge [sflag:s7], $0x10000  }
0x19: {  	s10 =	sshll.u32 s10, $0x4;
	[sflag:s7] =	ssyncset.done $0x0  }
0x1a: {  	s10 =	sadd.s32 s16, s10;
	[sflag:s7] =	ssyncadd.s32 $0xFFFF0000  }
0x1b: {  	[hbm4b:s10+s3] =	stream.linear.scatter [tilespmem:s6], [sflag:$0x2], $0x10000, $0x38;
	[tilespmem:$0x10200] =	vst v63  }
0x1c: {  	s12 =	sor.u32 $0x400, s13;
	_ =	swait.ge [sflag:s4], $0x10000  }
0x1d: {  	s11 =	sshrl.u32 s12, $0x3;
	[sflag:s4] =	ssyncset.done $0x0  }
0x1e: {  	s11 =	sadd.s32 s15, s11;
	[sflag:s4] =	ssyncadd.s32 $0xFFFF0000  }
0x1f: {  	[tilespmem:s3], [sflag:$0x2] =	stream.linear.gather [hbm4b:s11+s3], $0x200, $0x38;
	[tilespmem:$0x10200] =	vst v63  }
0x20: {  	_ =	swait.ge [sflag:s4], $0x200  }
0x21: {  	[sflag:s4] =	ssyncset.done $0x0  }
0x22: {  	[sflag:s4] =	ssyncadd.s32 $0xFFFFFE00  }
0x23: {  	[tilespmem:s6], [sflag:$0x1] =	stream.indirect.gather [hbm4b:s2+s6], $0x80, s3, s6, $0xb8;
	[tilespmem:$0x10200] =	vst v63  }
0x24: {  	_ =	swait.ge [sflag:s7], $0x10000  }
0x25: {  	s12 =	sshll.u32 s12, $0x4;
	[sflag:s7] =	ssyncset.done $0x0  }
0x26: {  	s12 =	sadd.s32 s16, s12;
	[sflag:s7] =	ssyncadd.s32 $0xFFFF0000  }
0x27: {  	[hbm4b:s12+s3] =	stream.linear.scatter [tilespmem:s6], [sflag:$0x2], $0x10000, $0x38;
	[tilespmem:$0x10200] =	vst v63  }
0x28: {  	s17 =	sor.u32 $0x600, s13;
	_ =	swait.ge [sflag:s4], $0x10000  }
0x29: {  	s13 =	sshrl.u32 s17, $0x3;
	[sflag:s4] =	ssyncset.done $0x0  }
0x2a: {  	s14 =	ssub.s32 $0x2, s14;
	s13 =	sadd.s32 s15, s13;
	[sflag:s4] =	ssyncadd.s32 $0xFFFF0000  }
0x2b: {  	[tilespmem:s3], [sflag:$0x2] =	stream.linear.gather [hbm4b:s13+s3], $0x200, $0x38;
	[tilespmem:$0x10200] =	vst v63  }
0x2c: {  	s30 =	sshrl.u32 s14, $0x1;
	_ =	swait.ge [sflag:s4], $0x200  }
0x2d: {  	s15 =	ssub.s32 s14, s30;
	[sflag:s4] =	ssyncset.done $0x0  }
0x2e: {  	s15 =	smax.u32 s15, $0x1;
	[sflag:s4] =	ssyncadd.s32 $0xFFFFFE00  }
0x2f: {  	[tilespmem:s6], [sflag:$0x1] =	stream.indirect.gather [hbm4b:s2+s6], $0x80, s3, s6, $0xb8;
	[tilespmem:$0x10200] =	vst v63  }
0x30: {  	p0 =	sne.s32 s15, $0x1;
	_ =	swait.ge [sflag:s7], $0x10000  }
.Ltmp0:
0x31: {  	s31 =	sshll.u32 s17, $0x4;
	[sflag:s7] =	ssyncset.done $0x0;
	(pc) =	sbr.rel @!p0 .LBB2_2-.Ltmp0, $4  }
0x32: {  	s14 =	sadd.s32 s16, s31;
	[sflag:s7] =	ssyncadd.s32 $0xFFFF0000  }
0x33: {  	[hbm4b:s14+s3] =	stream.linear.scatter [tilespmem:s6], [sflag:$0x2], $0x10000, $0x38;
	[tilespmem:$0x10200] =	vst v63  }
0x34: {  	_ =	swait.ge [sflag:s4], $0x10000  }
0x35: {  	s15 =	sadd.s32 $0xFFFFFFFF, s15;
	[sflag:s4] =	ssyncset.done $0x0  }
.LBB2_1:
0x36: {  	p0 =	sne.s32 s15, $0x1;
	s15 =	sadd.s32 $0xFFFFFFFF, s15;
	[sflag:s4] =	ssyncadd.s32 $0xFFFF0000  }
0x37: {  	[tilespmem:s3], [sflag:$0x2] =	stream.linear.gather [hbm4b:s5+s3], $0x200, $0x38;
	[tilespmem:$0x10200] =	vst v63  }
0x38: {  	_ =	swait.ge [sflag:s4], $0x200  }
0x39: {  	[sflag:s4] =	ssyncset.done $0x0  }
0x3a: {  	[sflag:s4] =	ssyncadd.s32 $0xFFFFFE00  }
0x3b: {  	[tilespmem:s6], [sflag:$0x1] =	stream.indirect.gather [hbm4b:s2+s6], $0x80, s3, s6, $0xb8;
	[tilespmem:$0x10200] =	vst v63  }
0x3c: {  	_ =	swait.ge [sflag:s7], $0x10000  }
0x3d: {  	[sflag:s7] =	ssyncset.done $0x0  }
0x3e: {  	[sflag:s7] =	ssyncadd.s32 $0xFFFF0000  }
0x3f: {  	[hbm4b:s8+s3] =	stream.linear.scatter [tilespmem:s6], [sflag:$0x2], $0x10000, $0x38;
	[tilespmem:$0x10200] =	vst v63  }
0x40: {  	_ =	swait.ge [sflag:s4], $0x10000  }
0x41: {  	[sflag:s4] =	ssyncset.done $0x0  }
0x42: {  	[sflag:s4] =	ssyncadd.s32 $0xFFFF0000  }
0x43: {  	[tilespmem:s3], [sflag:$0x2] =	stream.linear.gather [hbm4b:s9+s3], $0x200, $0x38;
	[tilespmem:$0x10200] =	vst v63  }
0x44: {  	_ =	swait.ge [sflag:s4], $0x200  }
0x45: {  	[sflag:s4] =	ssyncset.done $0x0  }
0x46: {  	[sflag:s4] =	ssyncadd.s32 $0xFFFFFE00  }
0x47: {  	[tilespmem:s6], [sflag:$0x1] =	stream.indirect.gather [hbm4b:s2+s6], $0x80, s3, s6, $0xb8;
	[tilespmem:$0x10200] =	vst v63  }
0x48: {  	_ =	swait.ge [sflag:s7], $0x10000  }
0x49: {  	[sflag:s7] =	ssyncset.done $0x0  }
0x4a: {  	[sflag:s7] =	ssyncadd.s32 $0xFFFF0000  }
0x4b: {  	[hbm4b:s10+s3] =	stream.linear.scatter [tilespmem:s6], [sflag:$0x2], $0x10000, $0x38;
	[tilespmem:$0x10200] =	vst v63  }
0x4c: {  	_ =	swait.ge [sflag:s4], $0x10000  }
0x4d: {  	[sflag:s4] =	ssyncset.done $0x0  }
0x4e: {  	[sflag:s4] =	ssyncadd.s32 $0xFFFF0000  }
0x4f: {  	[tilespmem:s3], [sflag:$0x2] =	stream.linear.gather [hbm4b:s11+s3], $0x200, $0x38;
	[tilespmem:$0x10200] =	vst v63  }
0x50: {  	_ =	swait.ge [sflag:s4], $0x200  }
0x51: {  	[sflag:s4] =	ssyncset.done $0x0  }
0x52: {  	[sflag:s4] =	ssyncadd.s32 $0xFFFFFE00  }
0x53: {  	[tilespmem:s6], [sflag:$0x1] =	stream.indirect.gather [hbm4b:s2+s6], $0x80, s3, s6, $0xb8;
	[tilespmem:$0x10200] =	vst v63  }
0x54: {  	_ =	swait.ge [sflag:s7], $0x10000  }
0x55: {  	[sflag:s7] =	ssyncset.done $0x0  }
0x56: {  	[sflag:s7] =	ssyncadd.s32 $0xFFFF0000  }
0x57: {  	[hbm4b:s12+s3] =	stream.linear.scatter [tilespmem:s6], [sflag:$0x2], $0x10000, $0x38;
	[tilespmem:$0x10200] =	vst v63  }
0x58: {  	_ =	swait.ge [sflag:s4], $0x10000  }
0x59: {  	[sflag:s4] =	ssyncset.done $0x0  }
0x5a: {  	[sflag:s4] =	ssyncadd.s32 $0xFFFF0000  }
0x5b: {  	[tilespmem:s3], [sflag:$0x2] =	stream.linear.gather [hbm4b:s13+s3], $0x200, $0x38;
	[tilespmem:$0x10200] =	vst v63  }
0x5c: {  	_ =	swait.ge [sflag:s4], $0x200  }
0x5d: {  	[sflag:s4] =	ssyncset.done $0x0  }
0x5e: {  	[sflag:s4] =	ssyncadd.s32 $0xFFFFFE00  }
0x5f: {  	[tilespmem:s6], [sflag:$0x1] =	stream.indirect.gather [hbm4b:s2+s6], $0x80, s3, s6, $0xb8;
	[tilespmem:$0x10200] =	vst v63  }
0x60: {  	_ =	swait.ge [sflag:s7], $0x10000  }
.Ltmp1:
0x61: {  	[sflag:s7] =	ssyncset.done $0x0;
	(pc) =	sbr.rel @p0 .LBB2_1-.Ltmp1, $4  }
0x62: {  	[sflag:s7] =	ssyncadd.s32 $0xFFFF0000  }
0x63: {  	[hbm4b:s14+s3] =	stream.linear.scatter [tilespmem:s6], [sflag:$0x2], $0x10000, $0x38;
	[tilespmem:$0x10200] =	vst v63  }
0x64: {  	_ =	swait.ge [sflag:s4], $0x10000  }
0x65: {  	[sflag:s4] =	ssyncset.done $0x0  }
.LBB2_2:
0x66: {  	[sflag:s4] =	ssyncadd.s32 $0xFFFF0000  }
0x67: {  	_ =	sfence.sel $0x180000  }
0x68: {  	[bflag:$0x0] =	sbarrier.arrive $0xFFFF  }
0x69: {  	p0 =	sne.s32 s0, $0x0;
	_ =	strace $0x90000053  }
0x6a: {  	s0 =	sadd.s32 @!p0 $0x100000, s1;
	[bflag:$0x2] =	sbarrier.arrive $0xFFFF  }
0x6b: {  	[sflag:s0] =	ssyncadd.tile.s32 @!p0 $0x1;
	_ =	shalt  }
.Lfunc_end2:
_tile_overlayer_lowered:
.L_overlay_start_2:
0x6c: {  	(tag) =	ssettag $0x2  }
0x6d: {  	s0 =	rddreg [dreg:$0x0];
	s2 =	stileid.u32  }
0x6e: {  	s1 =	rddreg [dreg:$0x1];
	p0 =	sne.s32 s2, $0x0  }
0x6f: {  	s3 =	rddreg [dreg:$0x2];
	[bflag:$0x3] =	sbarrier.arrive $0xFFFF;
	s2 =	simm.s32 @!p0 $0x1C02  }
0x70: {  	[timem:s3], [sflag:s2] =	dma.local @!p0 [hbm:s0], s1  }
0x71: {  	s0 =	simm.s32 @!p0 $0x2  }
0x72: {  	_ =	swait.ge @!p0 [sflag:s0], s1  }
0x73: {  	s1 =	ssub.s32 @!p0 $0x0, s1;
	[sflag:s0] =	ssyncset.done @!p0 $0x0  }
0x74: {  	[sflag:s0] =	ssyncadd.s32 @!p0 s1  }
0x75: {  	[bflag:$0x3] =	sbarrier.arrive $0xFFFF  }
0x76: {  	_ =	shalt  }

// kernel: kernel.53.cloned.1.call-start
scs
__scs_entry_jumppad:
0x0: {  	(pc) =	sbr.rel $0x88, $3  }
0x1: {  	(tag) =	ssettag $0x0;
	lr =	simm.s32 $0x1  }
0x2: {  	[smem:$0x3F84] =	sst lr;
	_ =	strace $0xD0000000  }
0x3: {  	_ = 	snop  }
0x4: {  	_ = 	snop  }
0x5: {  	_ = 	snop  }
0x6: {  	_ = 	snop  }
0x7: {  	_ = 	snop  }
__scs_overlays_trampoline_lowered:
0x8: {  	[smem:$0x3F93] =	sst s0  }
0x9: {  	[smem:$0x3F94] =	sst s1  }
0xa: {  	[smem:$0x3F95] =	sst s2  }
0xb: {  	[smem:$0x3F96] =	sst s3  }
0xc: {  	[smem:$0x3F97] =	sst s4  }
0xd: {  	[smem:$0x3F98] =	sst s5  }
0xe: {  	[smem:$0x3F99] =	sst s6  }
0xf: {  	[smem:$0x3F9A] =	sst s7  }
0x10: {  	[smem:$0x3F9B] =	sst s8  }
0x11: {  	[smem:$0x3F9C] =	sst s9;
	s0 =	simm.s32 @!p0 $0x0  }
0x12: {  	s1 =	sld [smem:$0x3F82];
	s0 =	simm.s32 @p0 $0x1  }
0x13: {  	[smem:$0x3F9D] =	sst s0;
	s0 =	simm.s32 @!p1 $0x0  }
0x14: {  	s2 =	sld [smem:$0x3F81];
	s0 =	simm.s32 @p1 $0x1  }
0x15: {  	[smem:$0x3F9E] =	sst s0;
	s0 =	simm.s32 @!p2 $0x0  }
0x16: {  	s3 =	sld [smem:$0x3FDB];
	s0 =	simm.s32 @p2 $0x1  }
0x17: {  	s4 =	simm.s32 $0x1BF5;
	[smem:$0x3FA0] =	sst s0  }
0x18: {  	s0 =	sld [smem:$0x3F83];
	_ =	swait.ge [sflag:s4], $0x0  }
0x19: {  	s7 =	sld [smem:$0x3F84]  }
0x1a: {  	s8 =	sadd.s32 $0xFFFFE003, lr  }
0x1b: {  	s9 =	sadd.s32 $0xFFFFFEF7, lr;
	s5 =	simm.s32 $0xFFFFFFFF;
	p2 =	slt.u32 s8, $0xFFFFF086  }
0x1c: {  	p1 =	slt.u32 s9, $0xF7A;
	s5 =	simm.s32 @!p2 $0x0  }
0x1d: {  	s5 =	simm.s32 @p1 $0x1;
	p0 =	seq.s32 s7, s2  }
0x1e: {  	s7 =	smul.u32 @!p0 $0xF7A, s2;
	p2 =	seq.s32 @!p0 s5, $0x0  }
0x1f: {  	s9 =	smul.u32 $0xF7A, s1;
	s8 =	simm.s32 @!p0 $0x1BF5;
	p2 =	por !p2, p0  }
0x20: {  	[sflag:s8] =	ssyncset.s32 @!p0 $0xFFFFF086;
	s6 =	sadd.s32 @!p0 s3, s7;
	s7 =	simm.s32 @!p0 $0x108  }
0x21: {  	s3 =	sadd.s32 s3, s9;
	s6 =	sadd.s32 @!p0 $0x88, s6;
	s7 =	simm.s32 @p2 $0x1082  }
0x22: {  	[simem:s7], [sflag:s8] =	dma.local @!p0 [hbm:s6], $0xF7A  }
0x23: {  	s9 =	sor.u32 $0xD0000000, s2;
	s6 =	simm.s32 $0x108;
	_ =	swait.ge @!p0 [sflag:s8], $0x0  }
0x24: {  	s3 =	sadd.s32 $0x88, s3;
	s6 =	simm.s32 @!p1 $0x1082;
	[sflag:s4] =	ssyncset.s32 $0xFFFFF086  }
0x25: {  	[simem:s6], [sflag:s4] =	dma.local [hbm:s3], $0xF7A  }
0x26: {  	[smem:$0x3F84] =	sst s1;
	(tag) =	ssettag s2;
	_ =	strace s9  }
0x27: {  	s1 =	sld [smem:$0x3F94]  }
0x28: {  	s2 =	sld [smem:$0x3F95]  }
0x29: {  	s4 =	sld [smem:$0x3F97]  }
0x2a: {  	p0 =	seq.s32 s5, $0x0;
	s5 =	sld [smem:$0x3F98]  }
0x2b: {  	s6 =	sld [smem:$0x3F99]  }
0x2c: {  	s7 =	sld [smem:$0x3F9A]  }
0x2d: {  	s3 =	simm.s32 $0x108;
	s8 =	sld [smem:$0x3F9B]  }
0x2e: {  	s3 =	simm.s32 @!p0 $0x1082;
	s9 =	sld [smem:$0x3F9C]  }
0x2f: {  	lr =	sadd.s32 s0, s3;
	s0 =	sld [smem:$0x3F93]  }
0x30: {  	s3 =	sld [smem:$0x3F96]  }
0x31: {  	[smem:$0x3F9F] =	sst s10  }
0x32: {  	s10 =	sld [smem:$0x3F9D];
	_ =	sdelay $0x3  }
0x33: {  	p0 =	seq.s32 s10, $0x1;
	s10 =	sld [smem:$0x3F9F];
	_ =	sdelay $0x3  }
0x34: {  	[smem:$0x3F9F] =	sst s10  }
0x35: {  	s10 =	sld [smem:$0x3F9E];
	_ =	sdelay $0x3  }
0x36: {  	p1 =	seq.s32 s10, $0x1;
	s10 =	sld [smem:$0x3F9F];
	_ =	sdelay $0x3  }
0x37: {  	[smem:$0x3F9F] =	sst s10  }
0x38: {  	s10 =	sld [smem:$0x3FA0]  }
0x39: {  	_ = 	snop;
	(pc) =	sbr.ind lr, $3  }
0x3a: {  	_ = 	snop  }
0x3b: {  	_ = 	snop  }
0x3c: {  	p2 =	seq.s32 s10, $0x1;
	s10 =	sld [smem:$0x3F9F]  }
0x3d: {  	_ =	shalt  }
0x3e: {  	_ =	shalt  }
0x3f: {  	_ =	shalt  }
0x40: {  	_ =	shalt  }
0x41: {  	_ =	shalt  }
0x42: {  	_ =	shalt  }
0x43: {  	_ =	shalt  }
0x44: {  	_ =	shalt  }
0x45: {  	_ =	shalt  }
0x46: {  	_ =	shalt  }
0x47: {  	_ =	shalt  }
0x48: {  	_ =	shalt  }
0x49: {  	_ =	shalt  }
0x4a: {  	_ =	shalt  }
0x4b: {  	_ =	shalt  }
0x4c: {  	_ =	shalt  }
0x4d: {  	_ =	shalt  }
0x4e: {  	_ =	shalt  }
0x4f: {  	_ =	shalt  }
0x50: {  	_ =	shalt  }
0x51: {  	_ =	shalt  }
0x52: {  	_ =	shalt  }
0x53: {  	_ =	shalt  }
0x54: {  	_ =	shalt  }
0x55: {  	_ =	shalt  }
0x56: {  	_ =	shalt  }
0x57: {  	_ =	shalt  }
0x58: {  	_ =	shalt  }
0x59: {  	_ =	shalt  }
0x5a: {  	_ =	shalt  }
0x5b: {  	_ =	shalt  }
0x5c: {  	_ =	shalt  }
0x5d: {  	_ =	shalt  }
0x5e: {  	_ =	shalt  }
0x5f: {  	_ =	shalt  }
0x60: {  	_ =	shalt  }
0x61: {  	_ =	shalt  }
0x62: {  	_ =	shalt  }
0x63: {  	_ =	shalt  }
0x64: {  	_ =	shalt  }
0x65: {  	_ =	shalt  }
0x66: {  	_ =	shalt  }
0x67: {  	_ =	shalt  }
0x68: {  	_ =	shalt  }
0x69: {  	_ =	shalt  }
0x6a: {  	_ =	shalt  }
0x6b: {  	_ =	shalt  }
0x6c: {  	_ =	shalt  }
0x6d: {  	_ =	shalt  }
0x6e: {  	_ =	shalt  }
0x6f: {  	_ =	shalt  }
0x70: {  	_ =	shalt  }
0x71: {  	_ =	shalt  }
0x72: {  	_ =	shalt  }
0x73: {  	_ =	shalt  }
0x74: {  	_ =	shalt  }
0x75: {  	_ =	shalt  }
0x76: {  	_ =	shalt  }
0x77: {  	_ =	shalt  }
0x78: {  	_ =	shalt  }
0x79: {  	_ =	shalt  }
0x7a: {  	_ =	shalt  }
0x7b: {  	_ =	shalt  }
0x7c: {  	_ =	shalt  }
0x7d: {  	_ =	shalt  }
0x7e: {  	_ =	shalt  }
0x7f: {  	_ =	shalt  }
0x80: {  	_ =	shalt  }
0x81: {  	_ =	shalt  }
0x82: {  	_ =	shalt  }
0x83: {  	_ =	shalt  }
0x84: {  	_ =	shalt  }
0x85: {  	_ =	shalt  }
0x86: {  	_ =	shalt  }
0x87: {  	_ =	shalt  }
.Lfunc_end0:
.L_simem_size_0:
called_computation.3_lowered:
.L_overlay_start_0:
0x88: {  	s2 =	sld [smem:$0x3FD9]  }
0x89: {  	s3 =	sld [smem:$0x3FFE];
	_ =	sdelay $0x1  }
0x8a: {  	s1 =	srdreg.scid  }
0x8b: {  	s0 =	sand.u32 $0x1, s1  }
0x8c: {  	s17 =	sshll.u32 s0, $0xA;
	s2 =	sadd.s32 s3, s2  }
0x8d: {  	s2 =	sadd.s32 s2, s17  }
0x8e: {  	[smem:$0x3FAB] =	sst s2  }
0x8f: {  	_ = 	snop  }
0x90: {  	(tm) =	ssettm $0x1  }
0x91: {  	s18 =	sld [smem:$0x3FFB];
	_ =	sdelay $0x3  }
0x92: {  	_ =	strace s18  }
0x93: {  	s2 =	sld [smem:$0x3FFC];
	_ =	sdelay $0x3  }
0x94: {  	_ =	strace s2  }
0x95: {  	s2 =	sld [smem:$0x3FFD];
	_ =	sdelay $0x3  }
0x96: {  	_ =	strace s2  }
0x97: {  	_ =	strace $0x8FFFFFFF  }
0x98: {  	s19 =	sld [smem:$0x3FDB];
	_ =	sdelay $0x1  }
0x99: {  	s20 =	simm.s32 $_scs_section_size  }
0x9a: {  	s4 =	simm.s32 $_size__tile_overlayer_lowered;
	s5 =	simm.s32 $_tile_overlayer_lowered  }
0x9b: {  	s6 =	simm.s32 $0x1BFF;
	s21 =	sshll.u32 s5, $0x1;
	s3 =	sadd.s32 s20, s19  }
0x9c: {  	s22 =	simm.s32 $0x0;
	s4 =	sshll.u32 s4, $0x1;
	s5 =	sadd.s32 s21, s3  }
0x9d: {  	[timem:s22], [sflag:s6] =	dma.local [hbm:s5], s4  }
0x9e: {  	_ =	swait.ge [sflag:s6], s4  }
0x9f: {  	s4 =	ssub.s32 $0x0, s4;
	[sflag:s6] =	ssyncset.done $0x0  }
0xa0: {  	[sflag:s6] =	ssyncadd.s32 s4;
	_ =	sdelay $0x1  }
0xa1: {  	s23 =	simm.s32 $0x1B8B  }
0xa2: {  	_ =	swait.ge [sflag:s23], $0x1  }
0xa3: {  	[sflag:s23] =	ssyncset.done $0x0  }
0xa4: {  	[sflag:s23] =	ssyncadd.s32 $0xFFFFFFFF  }
0xa5: {  	s4 =	sld [smem:$0x0]  }
0xa6: {  	s5 =	sand.u32 $0xFFFFFFFE, s1  }
0xa7: {  	p0 =	sne.s32 s1, s5  }
0xa8: {  	s5 =	sshll.u32 @p0 s5, $0xE  }
0xa9: {  	s5 =	sadd.s32 @p0 $0x11B8D, s5;
	s6 =	sshll.u32 @p0 s4, $0x11  }
0xaa: {  	s5 =	sor.u32 @p0 s6, s5  }
0xab: {  	[sflag:s5] =	ssyncadd.remote.s32 @p0 $0x1;
	_ =	sdelay $0x1  }
0xac: {  	s5 =	simm.s32 @p0 $0x1B8D  }
0xad: {  	_ =	swait.eq @p0 [sflag:s5], $0x1  }
0xae: {  	[sflag:s5] =	ssyncadd.s32 @p0 $0xFFFFFFFF  }
0xaf: {  	s6 =	sshll.u32 @!p0 s1, $0xE  }
0xb0: {  	s6 =	sor.u32 @!p0 $0x4000, s6;
	s5 =	simm.s32 @!p0 $0x1B8D  }
0xb1: {  	s4 =	sshll.u32 @!p0 s4, $0x11;
	s6 =	sadd.s32 @!p0 $0x11B8D, s6;
	_ =	swait.eq @!p0 [sflag:s5], $0x1  }
0xb2: {  	s4 =	sor.u32 @!p0 s4, s6;
	[sflag:s5] =	ssyncadd.s32 @!p0 $0xFFFFFFFF  }
0xb3: {  	s25 =	simm.s32 $0x1B8E;
	s24 =	sld [smem:$0x3FFE];
	[sflag:s4] =	ssyncadd.remote.s32 @!p0 $0x1  }
0xb4: {  	s26 =	simm.s32 $execute0_lowered;
	[smem:$0x3FD2] =	sst s25  }
0xb5: {  	s5 =	sshll.u32 s26, $0x1;
	_ =	strace $0x80000058;
	[dreg:$0x1] =	wrdreg $0xFFFFFFFF  }
0xb6: {  	s28 =	simm.s32 $_size_execute0_lowered;
	s3 =	sadd.s32 s3, s5;
	[dreg:$0x0] =	wrdreg $0x0  }
0xb7: {  	s5 =	sshll.u32 s28, $0x1;
	[dreg:$0x2] =	wrdreg s3  }
0xb8: {  	[dreg:$0x3] =	wrdreg s5  }
0xb9: {  	[dreg:$0x4] =	wrdreg $0xC0  }
0xba: {  	_ =	task [dreg:s22], $0x5FFFF  }
0xbb: {  	[dreg:$0x1] =	wrdreg $0xFFFFFFFF  }
0xbc: {  	[dreg:$0x0] =	wrdreg $0x60  }
0xbd: {  	[dreg:$0x2] =	wrdreg s24  }
0xbe: {  	[dreg:$0x3] =	wrdreg $0x9  }
0xbf: {  	_ =	task.clear_ibuf [dreg:s22], $0x4FFFF;
	_ =	strace $0x90000058  }
0xc0: {  	s29 =	simm.s32 $0x9;
	_ =	strace $0x8000005A  }
0xc1: {  	_ =	swait.ge [sflag:s29], $0x1  }
0xc2: {  	[sflag:s29] =	ssyncadd.s32 $0xFFFFFFFF  }
0xc3: {  	_ =	strace $0x9000005A  }
0xc4: {  	_ =	sfence  }
0xc5: {  	s30 =	sld [smem:$0x0];
	_ =	sdelay $0x2  }
0xc6: {  	s31 =	sshll.u32 s1, $0xD;
	s1 =	sshrl.u32 s1, $0x2  }
0xc7: {  	s4 =	sand.u32 $0x4000, s31;
	s1 =	sadd.s32 s1, s30  }
0xc8: {  	s0 =	sor.u32 s4, s0;
	s1 =	sshll.u32 s1, $0x11  }
0xc9: {  	s0 =	sor.u32 s1, s0  }
0xca: {  	s0 =	sadd.s32 $0x8F2B, s0  }
0xcb: {  	[sflag:s0] =	ssyncadd.remote.s32 $0x1  }
0xcc: {  	_ =	sfence.sel $0xFFFF  }
0xcd: {  	[dreg:$0x0] =	wrdreg $0xFFFFFFFF;
	(pc) =	sbr.abs _section_cstart, $3  }
0xce: {  	[dreg:$0x1] =	wrdreg $0xFFFFFFFF  }
0xcf: {  	_ =	task.clear_ibuf [dreg:s22], $0x2FFFF;
	_ =	strace $0x9FFFFFFF  }
0xd0: {  	(tm) =	ssettm $0x7FFFFFFF  }
0xd1: {  	_ =	shalt  }
tec
execute0_lowered:
.L_overlay_start_1:
0x0: {  	(tag) =	ssettag $0x1  }
0x1: {  	s1 =	srdreg.scid;
	s0 =	stileid.u32  }
0x2: {  	s12 =	sand.u32 $0x1, s1;
	s28 =	sshll.u32 s0, $0x1  }
0x3: {  	s8 =	sor.u32 s12, s28  }
0x4: {  	s9 =	rddreg [dreg:$0x0];
	s11 =	smul.u32 $0x600, s8  }
0x5: {  	s2 =	simm.s32 $0x0;
	s1 =	rddreg [dreg:$0x1]  }
0x6: {  	[smem:$0x7FF] =	sst s2;
	s13 =	sadd.s32 $0xB3400, s9;
	s3 =	sshrl.u32 s11, $0x3  }
0x7: {  	_ =	strace $0x80000059;
	s4 =	sadd.s32 s13, s3;
	s3 =	simm.s32 $0x2  }
0x8: {  	[tilespmem:s2], [sflag:$0x2] =	stream.linear.gather [hbm4b:s4+s2], $0x200, $0x38;
	[tilespmem:$0x10200] =	vst v63  }
0x9: {  	_ =	swait.ge [sflag:s3], $0x200  }
0xa: {  	s6 =	simm.s32 $0x200;
	[sflag:s3] =	ssyncset.done $0x0  }
0xb: {  	s7 =	simm.s32 $0x1;
	s5 =	sadd.s32 $0x14E200, s9;
	[sflag:s3] =	ssyncadd.s32 $0xFFFFFE00  }
0xc: {  	[tilespmem:s6], [sflag:$0x1] =	stream.indirect.gather [hbm4b:s5+s6], $0x80, s2, s6, $0xb8;
	[tilespmem:$0x10200] =	vst v63  }
0xd: {  	s8 =	smul.u32 $0x6000, s8;
	_ =	swait.ge [sflag:s7], $0x10000  }
0xe: {  	s14 =	sadd.s32 $0x18E200, s9;
	[sflag:s7] =	ssyncset.done $0x0  }
0xf: {  	s8 =	sadd.s32 s14, s8;
	[sflag:s7] =	ssyncadd.s32 $0xFFFF0000  }
0x10: {  	[hbm4b:s8+s2] =	stream.linear.scatter [tilespmem:s6], [sflag:$0x2], $0x10000, $0x38;
	[tilespmem:$0x10200] =	vst v63  }
0x11: {  	s10 =	sadd.s32 $0x200, s11;
	_ =	swait.ge [sflag:s3], $0x10000  }
0x12: {  	s29 =	sshrl.u32 s10, $0x3;
	[sflag:s3] =	ssyncset.done $0x0  }
0x13: {  	s9 =	sadd.s32 s13, s29;
	[sflag:s3] =	ssyncadd.s32 $0xFFFF0000  }
0x14: {  	[tilespmem:s2], [sflag:$0x2] =	stream.linear.gather [hbm4b:s9+s2], $0x200, $0x38;
	[tilespmem:$0x10200] =	vst v63  }
0x15: {  	_ =	swait.ge [sflag:s3], $0x200  }
0x16: {  	[sflag:s3] =	ssyncset.done $0x0  }
0x17: {  	[sflag:s3] =	ssyncadd.s32 $0xFFFFFE00  }
0x18: {  	[tilespmem:s6], [sflag:$0x1] =	stream.indirect.gather [hbm4b:s5+s6], $0x80, s2, s6, $0xb8;
	[tilespmem:$0x10200] =	vst v63  }
0x19: {  	_ =	swait.ge [sflag:s7], $0x10000  }
0x1a: {  	s10 =	sshll.u32 s10, $0x4;
	[sflag:s7] =	ssyncset.done $0x0  }
0x1b: {  	s10 =	sadd.s32 s14, s10;
	[sflag:s7] =	ssyncadd.s32 $0xFFFF0000  }
0x1c: {  	[hbm4b:s10+s2] =	stream.linear.scatter [tilespmem:s6], [sflag:$0x2], $0x10000, $0x38;
	[tilespmem:$0x10200] =	vst v63  }
0x1d: {  	s15 =	sadd.s32 $0x400, s11;
	_ =	swait.ge [sflag:s3], $0x10000  }
0x1e: {  	s11 =	sshrl.u32 s15, $0x3;
	[sflag:s3] =	ssyncset.done $0x0  }
0x1f: {  	s12 =	ssub.s32 $0x2, s12;
	s11 =	sadd.s32 s13, s11;
	[sflag:s3] =	ssyncadd.s32 $0xFFFF0000  }
0x20: {  	[tilespmem:s2], [sflag:$0x2] =	stream.linear.gather [hbm4b:s11+s2], $0x200, $0x38;
	[tilespmem:$0x10200] =	vst v63  }
0x21: {  	s30 =	sshrl.u32 s12, $0x1;
	_ =	swait.ge [sflag:s3], $0x200  }
0x22: {  	s13 =	ssub.s32 s12, s30;
	[sflag:s3] =	ssyncset.done $0x0  }
0x23: {  	s13 =	smax.u32 s13, $0x1;
	[sflag:s3] =	ssyncadd.s32 $0xFFFFFE00  }
0x24: {  	[tilespmem:s6], [sflag:$0x1] =	stream.indirect.gather [hbm4b:s5+s6], $0x80, s2, s6, $0xb8;
	[tilespmem:$0x10200] =	vst v63  }
0x25: {  	p0 =	sne.s32 s13, $0x1;
	_ =	swait.ge [sflag:s7], $0x10000  }
.Ltmp0:
0x26: {  	s31 =	sshll.u32 s15, $0x4;
	[sflag:s7] =	ssyncset.done $0x0;
	(pc) =	sbr.rel @!p0 .LBB2_2-.Ltmp0, $4  }
0x27: {  	s12 =	sadd.s32 s14, s31;
	[sflag:s7] =	ssyncadd.s32 $0xFFFF0000  }
0x28: {  	[hbm4b:s12+s2] =	stream.linear.scatter [tilespmem:s6], [sflag:$0x2], $0x10000, $0x38;
	[tilespmem:$0x10200] =	vst v63  }
0x29: {  	_ =	swait.ge [sflag:s3], $0x10000  }
0x2a: {  	s13 =	sadd.s32 $0xFFFFFFFF, s13;
	[sflag:s3] =	ssyncset.done $0x0  }
.LBB2_1:
0x2b: {  	p0 =	sne.s32 s13, $0x1;
	s13 =	sadd.s32 $0xFFFFFFFF, s13;
	[sflag:s3] =	ssyncadd.s32 $0xFFFF0000  }
0x2c: {  	[tilespmem:s2], [sflag:$0x2] =	stream.linear.gather [hbm4b:s4+s2], $0x200, $0x38;
	[tilespmem:$0x10200] =	vst v63  }
0x2d: {  	_ =	swait.ge [sflag:s3], $0x200  }
0x2e: {  	[sflag:s3] =	ssyncset.done $0x0  }
0x2f: {  	[sflag:s3] =	ssyncadd.s32 $0xFFFFFE00  }
0x30: {  	[tilespmem:s6], [sflag:$0x1] =	stream.indirect.gather [hbm4b:s5+s6], $0x80, s2, s6, $0xb8;
	[tilespmem:$0x10200] =	vst v63  }
0x31: {  	_ =	swait.ge [sflag:s7], $0x10000  }
0x32: {  	[sflag:s7] =	ssyncset.done $0x0  }
0x33: {  	[sflag:s7] =	ssyncadd.s32 $0xFFFF0000  }
0x34: {  	[hbm4b:s8+s2] =	stream.linear.scatter [tilespmem:s6], [sflag:$0x2], $0x10000, $0x38;
	[tilespmem:$0x10200] =	vst v63  }
0x35: {  	_ =	swait.ge [sflag:s3], $0x10000  }
0x36: {  	[sflag:s3] =	ssyncset.done $0x0  }
0x37: {  	[sflag:s3] =	ssyncadd.s32 $0xFFFF0000  }
0x38: {  	[tilespmem:s2], [sflag:$0x2] =	stream.linear.gather [hbm4b:s9+s2], $0x200, $0x38;
	[tilespmem:$0x10200] =	vst v63  }
0x39: {  	_ =	swait.ge [sflag:s3], $0x200  }
0x3a: {  	[sflag:s3] =	ssyncset.done $0x0  }
0x3b: {  	[sflag:s3] =	ssyncadd.s32 $0xFFFFFE00  }
0x3c: {  	[tilespmem:s6], [sflag:$0x1] =	stream.indirect.gather [hbm4b:s5+s6], $0x80, s2, s6, $0xb8;
	[tilespmem:$0x10200] =	vst v63  }
0x3d: {  	_ =	swait.ge [sflag:s7], $0x10000  }
0x3e: {  	[sflag:s7] =	ssyncset.done $0x0  }
0x3f: {  	[sflag:s7] =	ssyncadd.s32 $0xFFFF0000  }
0x40: {  	[hbm4b:s10+s2] =	stream.linear.scatter [tilespmem:s6], [sflag:$0x2], $0x10000, $0x38;
	[tilespmem:$0x10200] =	vst v63  }
0x41: {  	_ =	swait.ge [sflag:s3], $0x10000  }
0x42: {  	[sflag:s3] =	ssyncset.done $0x0  }
0x43: {  	[sflag:s3] =	ssyncadd.s32 $0xFFFF0000  }
0x44: {  	[tilespmem:s2], [sflag:$0x2] =	stream.linear.gather [hbm4b:s11+s2], $0x200, $0x38;
	[tilespmem:$0x10200] =	vst v63  }
0x45: {  	_ =	swait.ge [sflag:s3], $0x200  }
0x46: {  	[sflag:s3] =	ssyncset.done $0x0  }
0x47: {  	[sflag:s3] =	ssyncadd.s32 $0xFFFFFE00  }
0x48: {  	[tilespmem:s6], [sflag:$0x1] =	stream.indirect.gather [hbm4b:s5+s6], $0x80, s2, s6, $0xb8;
	[tilespmem:$0x10200] =	vst v63  }
0x49: {  	_ =	swait.ge [sflag:s7], $0x10000  }
.Ltmp1:
0x4a: {  	[sflag:s7] =	ssyncset.done $0x0;
	(pc) =	sbr.rel @p0 .LBB2_1-.Ltmp1, $4  }
0x4b: {  	[sflag:s7] =	ssyncadd.s32 $0xFFFF0000  }
0x4c: {  	[hbm4b:s12+s2] =	stream.linear.scatter [tilespmem:s6], [sflag:$0x2], $0x10000, $0x38;
	[tilespmem:$0x10200] =	vst v63  }
0x4d: {  	_ =	swait.ge [sflag:s3], $0x10000  }
0x4e: {  	[sflag:s3] =	ssyncset.done $0x0  }
.LBB2_2:
0x4f: {  	[sflag:s3] =	ssyncadd.s32 $0xFFFF0000  }
0x50: {  	_ =	sfence.sel $0x180000  }
0x51: {  	[bflag:$0x0] =	sbarrier.arrive $0xFFFF  }
0x52: {  	p0 =	sne.s32 s0, $0x0;
	_ =	strace $0x90000059  }
0x53: {  	s0 =	sadd.s32 @!p0 $0x100000, s1;
	[bflag:$0x2] =	sbarrier.arrive $0xFFFF  }
0x54: {  	[sflag:s0] =	ssyncadd.tile.s32 @!p0 $0x1;
	_ =	shalt  }
.Lfunc_end2:
_tile_overlayer_lowered:
.L_overlay_start_2:
0x55: {  	(tag) =	ssettag $0x2  }
0x56: {  	s0 =	rddreg [dreg:$0x0];
	s2 =	stileid.u32  }
0x57: {  	s1 =	rddreg [dreg:$0x1];
	p0 =	sne.s32 s2, $0x0  }
0x58: {  	s3 =	rddreg [dreg:$0x2];
	[bflag:$0x3] =	sbarrier.arrive $0xFFFF;
	s2 =	simm.s32 @!p0 $0x1C02  }
0x59: {  	[timem:s3], [sflag:s2] =	dma.local @!p0 [hbm:s0], s1  }
0x5a: {  	s0 =	simm.s32 @!p0 $0x2  }
0x5b: {  	_ =	swait.ge @!p0 [sflag:s0], s1  }
0x5c: {  	s1 =	ssub.s32 @!p0 $0x0, s1;
	[sflag:s0] =	ssyncset.done @!p0 $0x0  }
0x5d: {  	[sflag:s0] =	ssyncadd.s32 @!p0 s1  }
0x5e: {  	[bflag:$0x3] =	sbarrier.arrive $0xFFFF  }
0x5f: {  	_ =	shalt  }

// kernel: kernel.56.cloned.1.call-start
scs
__scs_entry_jumppad:
0x0: {  	(pc) =	sbr.rel $0x88, $3  }
0x1: {  	(tag) =	ssettag $0x0;
	lr =	simm.s32 $0x1  }
0x2: {  	[smem:$0x3F84] =	sst lr;
	_ =	strace $0xD0000000  }
0x3: {  	_ = 	snop  }
0x4: {  	_ = 	snop  }
0x5: {  	_ = 	snop  }
0x6: {  	_ = 	snop  }
0x7: {  	_ = 	snop  }
__scs_overlays_trampoline_lowered:
0x8: {  	[smem:$0x3F93] =	sst s0  }
0x9: {  	[smem:$0x3F94] =	sst s1  }
0xa: {  	[smem:$0x3F95] =	sst s2  }
0xb: {  	[smem:$0x3F96] =	sst s3  }
0xc: {  	[smem:$0x3F97] =	sst s4  }
0xd: {  	[smem:$0x3F98] =	sst s5  }
0xe: {  	[smem:$0x3F99] =	sst s6  }
0xf: {  	[smem:$0x3F9A] =	sst s7  }
0x10: {  	[smem:$0x3F9B] =	sst s8  }
0x11: {  	[smem:$0x3F9C] =	sst s9;
	s0 =	simm.s32 @!p0 $0x0  }
0x12: {  	s1 =	sld [smem:$0x3F82];
	s0 =	simm.s32 @p0 $0x1  }
0x13: {  	[smem:$0x3F9D] =	sst s0;
	s0 =	simm.s32 @!p1 $0x0  }
0x14: {  	s2 =	sld [smem:$0x3F81];
	s0 =	simm.s32 @p1 $0x1  }
0x15: {  	[smem:$0x3F9E] =	sst s0;
	s0 =	simm.s32 @!p2 $0x0  }
0x16: {  	s3 =	sld [smem:$0x3FDB];
	s0 =	simm.s32 @p2 $0x1  }
0x17: {  	s4 =	simm.s32 $0x1BF5;
	[smem:$0x3FA0] =	sst s0  }
0x18: {  	s0 =	sld [smem:$0x3F83];
	_ =	swait.ge [sflag:s4], $0x0  }
0x19: {  	s7 =	sld [smem:$0x3F84]  }
0x1a: {  	s8 =	sadd.s32 $0xFFFFE003, lr  }
0x1b: {  	s9 =	sadd.s32 $0xFFFFFEF7, lr;
	s5 =	simm.s32 $0xFFFFFFFF;
	p2 =	slt.u32 s8, $0xFFFFF086  }
0x1c: {  	p1 =	slt.u32 s9, $0xF7A;
	s5 =	simm.s32 @!p2 $0x0  }
0x1d: {  	s5 =	simm.s32 @p1 $0x1;
	p0 =	seq.s32 s7, s2  }
0x1e: {  	s7 =	smul.u32 @!p0 $0xF7A, s2;
	p2 =	seq.s32 @!p0 s5, $0x0  }
0x1f: {  	s9 =	smul.u32 $0xF7A, s1;
	s8 =	simm.s32 @!p0 $0x1BF5;
	p2 =	por !p2, p0  }
0x20: {  	[sflag:s8] =	ssyncset.s32 @!p0 $0xFFFFF086;
	s6 =	sadd.s32 @!p0 s3, s7;
	s7 =	simm.s32 @!p0 $0x108  }
0x21: {  	s3 =	sadd.s32 s3, s9;
	s6 =	sadd.s32 @!p0 $0x88, s6;
	s7 =	simm.s32 @p2 $0x1082  }
0x22: {  	[simem:s7], [sflag:s8] =	dma.local @!p0 [hbm:s6], $0xF7A  }
0x23: {  	s9 =	sor.u32 $0xD0000000, s2;
	s6 =	simm.s32 $0x108;
	_ =	swait.ge @!p0 [sflag:s8], $0x0  }
0x24: {  	s3 =	sadd.s32 $0x88, s3;
	s6 =	simm.s32 @!p1 $0x1082;
	[sflag:s4] =	ssyncset.s32 $0xFFFFF086  }
0x25: {  	[simem:s6], [sflag:s4] =	dma.local [hbm:s3], $0xF7A  }
0x26: {  	[smem:$0x3F84] =	sst s1;
	(tag) =	ssettag s2;
	_ =	strace s9  }
0x27: {  	s1 =	sld [smem:$0x3F94]  }
0x28: {  	s2 =	sld [smem:$0x3F95]  }
0x29: {  	s4 =	sld [smem:$0x3F97]  }
0x2a: {  	p0 =	seq.s32 s5, $0x0;
	s5 =	sld [smem:$0x3F98]  }
0x2b: {  	s6 =	sld [smem:$0x3F99]  }
0x2c: {  	s7 =	sld [smem:$0x3F9A]  }
0x2d: {  	s3 =	simm.s32 $0x108;
	s8 =	sld [smem:$0x3F9B]  }
0x2e: {  	s3 =	simm.s32 @!p0 $0x1082;
	s9 =	sld [smem:$0x3F9C]  }
0x2f: {  	lr =	sadd.s32 s0, s3;
	s0 =	sld [smem:$0x3F93]  }
0x30: {  	s3 =	sld [smem:$0x3F96]  }
0x31: {  	[smem:$0x3F9F] =	sst s10  }
0x32: {  	s10 =	sld [smem:$0x3F9D];
	_ =	sdelay $0x3  }
0x33: {  	p0 =	seq.s32 s10, $0x1;
	s10 =	sld [smem:$0x3F9F];
	_ =	sdelay $0x3  }
0x34: {  	[smem:$0x3F9F] =	sst s10  }
0x35: {  	s10 =	sld [smem:$0x3F9E];
	_ =	sdelay $0x3  }
0x36: {  	p1 =	seq.s32 s10, $0x1;
	s10 =	sld [smem:$0x3F9F];
	_ =	sdelay $0x3  }
0x37: {  	[smem:$0x3F9F] =	sst s10  }
0x38: {  	s10 =	sld [smem:$0x3FA0]  }
0x39: {  	_ = 	snop;
	(pc) =	sbr.ind lr, $3  }
0x3a: {  	_ = 	snop  }
0x3b: {  	_ = 	snop  }
0x3c: {  	p2 =	seq.s32 s10, $0x1;
	s10 =	sld [smem:$0x3F9F]  }
0x3d: {  	_ =	shalt  }
0x3e: {  	_ =	shalt  }
0x3f: {  	_ =	shalt  }
0x40: {  	_ =	shalt  }
0x41: {  	_ =	shalt  }
0x42: {  	_ =	shalt  }
0x43: {  	_ =	shalt  }
0x44: {  	_ =	shalt  }
0x45: {  	_ =	shalt  }
0x46: {  	_ =	shalt  }
0x47: {  	_ =	shalt  }
0x48: {  	_ =	shalt  }
0x49: {  	_ =	shalt  }
0x4a: {  	_ =	shalt  }
0x4b: {  	_ =	shalt  }
0x4c: {  	_ =	shalt  }
0x4d: {  	_ =	shalt  }
0x4e: {  	_ =	shalt  }
0x4f: {  	_ =	shalt  }
0x50: {  	_ =	shalt  }
0x51: {  	_ =	shalt  }
0x52: {  	_ =	shalt  }
0x53: {  	_ =	shalt  }
0x54: {  	_ =	shalt  }
0x55: {  	_ =	shalt  }
0x56: {  	_ =	shalt  }
0x57: {  	_ =	shalt  }
0x58: {  	_ =	shalt  }
0x59: {  	_ =	shalt  }
0x5a: {  	_ =	shalt  }
0x5b: {  	_ =	shalt  }
0x5c: {  	_ =	shalt  }
0x5d: {  	_ =	shalt  }
0x5e: {  	_ =	shalt  }
0x5f: {  	_ =	shalt  }
0x60: {  	_ =	shalt  }
0x61: {  	_ =	shalt  }
0x62: {  	_ =	shalt  }
0x63: {  	_ =	shalt  }
0x64: {  	_ =	shalt  }
0x65: {  	_ =	shalt  }
0x66: {  	_ =	shalt  }
0x67: {  	_ =	shalt  }
0x68: {  	_ =	shalt  }
0x69: {  	_ =	shalt  }
0x6a: {  	_ =	shalt  }
0x6b: {  	_ =	shalt  }
0x6c: {  	_ =	shalt  }
0x6d: {  	_ =	shalt  }
0x6e: {  	_ =	shalt  }
0x6f: {  	_ =	shalt  }
0x70: {  	_ =	shalt  }
0x71: {  	_ =	shalt  }
0x72: {  	_ =	shalt  }
0x73: {  	_ =	shalt  }
0x74: {  	_ =	shalt  }
0x75: {  	_ =	shalt  }
0x76: {  	_ =	shalt  }
0x77: {  	_ =	shalt  }
0x78: {  	_ =	shalt  }
0x79: {  	_ =	shalt  }
0x7a: {  	_ =	shalt  }
0x7b: {  	_ =	shalt  }
0x7c: {  	_ =	shalt  }
0x7d: {  	_ =	shalt  }
0x7e: {  	_ =	shalt  }
0x7f: {  	_ =	shalt  }
0x80: {  	_ =	shalt  }
0x81: {  	_ =	shalt  }
0x82: {  	_ =	shalt  }
0x83: {  	_ =	shalt  }
0x84: {  	_ =	shalt  }
0x85: {  	_ =	shalt  }
0x86: {  	_ =	shalt  }
0x87: {  	_ =	shalt  }
.Lfunc_end0:
.L_simem_size_0:
called_computation.4_lowered:
.L_overlay_start_0:
0x88: {  	s2 =	sld [smem:$0x3FD9]  }
0x89: {  	s3 =	sld [smem:$0x3FFE];
	_ =	sdelay $0x1  }
0x8a: {  	s1 =	srdreg.scid  }
0x8b: {  	s0 =	sand.u32 $0x1, s1  }
0x8c: {  	s16 =	sshll.u32 s0, $0xA;
	s2 =	sadd.s32 s3, s2  }
0x8d: {  	s2 =	sadd.s32 s2, s16  }
0x8e: {  	[smem:$0x3FAB] =	sst s2  }
0x8f: {  	_ = 	snop  }
0x90: {  	(tm) =	ssettm $0x1  }
0x91: {  	s17 =	sld [smem:$0x3FFB];
	_ =	sdelay $0x3  }
0x92: {  	_ =	strace s17  }
0x93: {  	s2 =	sld [smem:$0x3FFC];
	_ =	sdelay $0x3  }
0x94: {  	_ =	strace s2  }
0x95: {  	s2 =	sld [smem:$0x3FFD];
	_ =	sdelay $0x3  }
0x96: {  	_ =	strace s2  }
0x97: {  	_ =	strace $0x8FFFFFFF  }
0x98: {  	s18 =	sld [smem:$0x3FDB];
	_ =	sdelay $0x1  }
0x99: {  	s19 =	simm.s32 $_scs_section_size  }
0x9a: {  	s4 =	simm.s32 $_size__tile_overlayer_lowered;
	s5 =	simm.s32 $_tile_overlayer_lowered  }
0x9b: {  	s22 =	simm.s32 $0x1BFF;
	s21 =	sshll.u32 s5, $0x1;
	s2 =	sadd.s32 s19, s18  }
0x9c: {  	s6 =	simm.s32 $0x0;
	s20 =	sshll.u32 s4, $0x1;
	s4 =	sadd.s32 s21, s2  }
0x9d: {  	[timem:s6], [sflag:s22] =	dma.local [hbm:s4], s20  }
0x9e: {  	_ =	swait.ge [sflag:s22], s20  }
0x9f: {  	s3 =	ssub.s32 $0x0, s20;
	[sflag:s22] =	ssyncset.done $0x0  }
0xa0: {  	[sflag:s22] =	ssyncadd.s32 s3;
	_ =	sdelay $0x1  }
0xa1: {  	s23 =	simm.s32 $0x1B8B  }
0xa2: {  	_ =	swait.ge [sflag:s23], $0x1  }
0xa3: {  	[sflag:s23] =	ssyncset.done $0x0  }
0xa4: {  	s25 =	simm.s32 $0x1B8E;
	s24 =	sld [smem:$0x3FFE];
	[sflag:s23] =	ssyncadd.s32 $0xFFFFFFFF  }
0xa5: {  	s26 =	simm.s32 $execute0_lowered;
	[smem:$0x3FD2] =	sst s25  }
0xa6: {  	s4 =	sshll.u32 s26, $0x1;
	_ =	strace $0x80000046;
	[dreg:$0x1] =	wrdreg $0xFFFFFFFF  }
0xa7: {  	s28 =	simm.s32 $_size_execute0_lowered;
	s2 =	sadd.s32 s2, s4;
	[dreg:$0x0] =	wrdreg $0x0  }
0xa8: {  	s4 =	sshll.u32 s28, $0x1;
	[dreg:$0x2] =	wrdreg s2  }
0xa9: {  	[dreg:$0x3] =	wrdreg s4  }
0xaa: {  	[dreg:$0x4] =	wrdreg $0xC0  }
0xab: {  	_ =	task [dreg:s6], $0x5FFFF  }
0xac: {  	[dreg:$0x1] =	wrdreg $0xFFFFFFFF  }
0xad: {  	[dreg:$0x0] =	wrdreg $0x60  }
0xae: {  	[dreg:$0x2] =	wrdreg s24  }
0xaf: {  	[dreg:$0x3] =	wrdreg $0xA  }
0xb0: {  	_ =	task.clear_ibuf [dreg:s6], $0x4FFFF;
	_ =	strace $0x90000046  }
0xb1: {  	s29 =	simm.s32 $0xA;
	_ =	strace $0x80000048  }
0xb2: {  	_ =	swait.ge [sflag:s29], $0x1  }
0xb3: {  	[sflag:s29] =	ssyncadd.s32 $0xFFFFFFFF  }
0xb4: {  	_ =	strace $0x90000048  }
0xb5: {  	_ =	sfence  }
0xb6: {  	s30 =	sld [smem:$0x0];
	_ =	sdelay $0x2  }
0xb7: {  	s31 =	sshll.u32 s1, $0xD;
	s1 =	sshrl.u32 s1, $0x2  }
0xb8: {  	s3 =	sand.u32 $0x4000, s31;
	s1 =	sadd.s32 s1, s30  }
0xb9: {  	s0 =	sor.u32 s3, s0;
	s1 =	sshll.u32 s1, $0x11  }
0xba: {  	s0 =	sor.u32 s1, s0  }
0xbb: {  	s0 =	sadd.s32 $0x8F2B, s0  }
0xbc: {  	[sflag:s0] =	ssyncadd.remote.s32 $0x1  }
0xbd: {  	_ =	sfence.sel $0xFFFF  }
0xbe: {  	[dreg:$0x0] =	wrdreg $0xFFFFFFFF;
	(pc) =	sbr.abs _section_cstart, $3  }
0xbf: {  	[dreg:$0x1] =	wrdreg $0xFFFFFFFF  }
0xc0: {  	_ =	task.clear_ibuf [dreg:s6], $0x2FFFF;
	_ =	strace $0x9FFFFFFF  }
0xc1: {  	(tm) =	ssettm $0x7FFFFFFF  }
tec
execute0_lowered:
.L_overlay_start_1:
0x0: {  	(tag) =	ssettag $0x1  }
0x1: {  	s1 =	srdreg.scid  }
0x2: {  	s0 =	stileid.u32;
	s22 =	sand.u32 $0x1, s1  }
0x3: {  	s8 =	rddreg [dreg:$0x0];
	s3 =	sshll.u32 s0, $0xD;
	s4 =	sshll.u32 s22, $0xC  }
0x4: {  	s2 =	simm.s32 $0x0;
	s1 =	rddreg [dreg:$0x1];
	s24 =	sor.u32 s4, s3  }
0x5: {  	[smem:$0x7FF] =	sst s2;
	s21 =	sadd.s32 $0x16E200, s8;
	s3 =	sshrl.u32 s24, $0x3  }
0x6: {  	_ =	strace $0x80000047;
	s4 =	sadd.s32 s21, s3;
	s3 =	simm.s32 $0x2  }
0x7: {  	[tilespmem:s2], [sflag:$0x2] =	stream.linear.gather [hbm4b:s4+s2], $0x200, $0x38;
	[tilespmem:$0x10200] =	vst v63  }
0x8: {  	_ =	swait.ge [sflag:s3], $0x200  }
0x9: {  	s6 =	simm.s32 $0x200;
	[sflag:s3] =	ssyncset.done $0x0  }
0xa: {  	s7 =	simm.s32 $0x1;
	s5 =	sadd.s32 $0x172200, s8;
	[sflag:s3] =	ssyncadd.s32 $0xFFFFFE00  }
0xb: {  	[tilespmem:s6], [sflag:$0x1] =	stream.indirect.gather [hbm4b:s5+s6], $0x80, s2, s6, $0xb8;
	[tilespmem:$0x10200] =	vst v63  }
0xc: {  	_ =	swait.ge [sflag:s7], $0x10000  }
0xd: {  	s23 =	sadd.s32 $0x1F2200, s8;
	s28 =	sshll.u32 s24, $0x4;
	[sflag:s7] =	ssyncset.done $0x0  }
0xe: {  	s8 =	sadd.s32 s23, s28;
	[sflag:s7] =	ssyncadd.s32 $0xFFFF0000  }
0xf: {  	[hbm4b:s8+s2] =	stream.linear.scatter [tilespmem:s6], [sflag:$0x2], $0x10000, $0x38;
	[tilespmem:$0x10200] =	vst v63  }
0x10: {  	s10 =	sor.u32 $0x200, s24;
	_ =	swait.ge [sflag:s3], $0x10000  }
0x11: {  	s9 =	sshrl.u32 s10, $0x3;
	[sflag:s3] =	ssyncset.done $0x0  }
0x12: {  	s9 =	sadd.s32 s21, s9;
	[sflag:s3] =	ssyncadd.s32 $0xFFFF0000  }
0x13: {  	[tilespmem:s2], [sflag:$0x2] =	stream.linear.gather [hbm4b:s9+s2], $0x200, $0x38;
	[tilespmem:$0x10200] =	vst v63  }
0x14: {  	_ =	swait.ge [sflag:s3], $0x200  }
0x15: {  	[sflag:s3] =	ssyncset.done $0x0  }
0x16: {  	[sflag:s3] =	ssyncadd.s32 $0xFFFFFE00  }
0x17: {  	[tilespmem:s6], [sflag:$0x1] =	stream.indirect.gather [hbm4b:s5+s6], $0x80, s2, s6, $0xb8;
	[tilespmem:$0x10200] =	vst v63  }
0x18: {  	_ =	swait.ge [sflag:s7], $0x10000  }
0x19: {  	s10 =	sshll.u32 s10, $0x4;
	[sflag:s7] =	ssyncset.done $0x0  }
0x1a: {  	s10 =	sadd.s32 s23, s10;
	[sflag:s7] =	ssyncadd.s32 $0xFFFF0000  }
0x1b: {  	[hbm4b:s10+s2] =	stream.linear.scatter [tilespmem:s6], [sflag:$0x2], $0x10000, $0x38;
	[tilespmem:$0x10200] =	vst v63  }
0x1c: {  	s12 =	sor.u32 $0x400, s24;
	_ =	swait.ge [sflag:s3], $0x10000  }
0x1d: {  	s11 =	sshrl.u32 s12, $0x3;
	[sflag:s3] =	ssyncset.done $0x0  }
0x1e: {  	s11 =	sadd.s32 s21, s11;
	[sflag:s3] =	ssyncadd.s32 $0xFFFF0000  }
0x1f: {  	[tilespmem:s2], [sflag:$0x2] =	stream.linear.gather [hbm4b:s11+s2], $0x200, $0x38;
	[tilespmem:$0x10200] =	vst v63  }
0x20: {  	_ =	swait.ge [sflag:s3], $0x200  }
0x21: {  	[sflag:s3] =	ssyncset.done $0x0  }
0x22: {  	[sflag:s3] =	ssyncadd.s32 $0xFFFFFE00  }
0x23: {  	[tilespmem:s6], [sflag:$0x1] =	stream.indirect.gather [hbm4b:s5+s6], $0x80, s2, s6, $0xb8;
	[tilespmem:$0x10200] =	vst v63  }
0x24: {  	_ =	swait.ge [sflag:s7], $0x10000  }
0x25: {  	s12 =	sshll.u32 s12, $0x4;
	[sflag:s7] =	ssyncset.done $0x0  }
0x26: {  	s12 =	sadd.s32 s23, s12;
	[sflag:s7] =	ssyncadd.s32 $0xFFFF0000  }
0x27: {  	[hbm4b:s12+s2] =	stream.linear.scatter [tilespmem:s6], [sflag:$0x2], $0x10000, $0x38;
	[tilespmem:$0x10200] =	vst v63  }
0x28: {  	s14 =	sor.u32 $0x600, s24;
	_ =	swait.ge [sflag:s3], $0x10000  }
0x29: {  	s13 =	sshrl.u32 s14, $0x3;
	[sflag:s3] =	ssyncset.done $0x0  }
0x2a: {  	s13 =	sadd.s32 s21, s13;
	[sflag:s3] =	ssyncadd.s32 $0xFFFF0000  }
0x2b: {  	[tilespmem:s2], [sflag:$0x2] =	stream.linear.gather [hbm4b:s13+s2], $0x200, $0x38;
	[tilespmem:$0x10200] =	vst v63  }
0x2c: {  	_ =	swait.ge [sflag:s3], $0x200  }
0x2d: {  	[sflag:s3] =	ssyncset.done $0x0  }
0x2e: {  	[sflag:s3] =	ssyncadd.s32 $0xFFFFFE00  }
0x2f: {  	[tilespmem:s6], [sflag:$0x1] =	stream.indirect.gather [hbm4b:s5+s6], $0x80, s2, s6, $0xb8;
	[tilespmem:$0x10200] =	vst v63  }
0x30: {  	_ =	swait.ge [sflag:s7], $0x10000  }
0x31: {  	s14 =	sshll.u32 s14, $0x4;
	[sflag:s7] =	ssyncset.done $0x0  }
0x32: {  	s14 =	sadd.s32 s23, s14;
	[sflag:s7] =	ssyncadd.s32 $0xFFFF0000  }
0x33: {  	[hbm4b:s14+s2] =	stream.linear.scatter [tilespmem:s6], [sflag:$0x2], $0x10000, $0x38;
	[tilespmem:$0x10200] =	vst v63  }
0x34: {  	s16 =	sor.u32 $0x800, s24;
	_ =	swait.ge [sflag:s3], $0x10000  }
0x35: {  	s15 =	sshrl.u32 s16, $0x3;
	[sflag:s3] =	ssyncset.done $0x0  }
0x36: {  	s15 =	sadd.s32 s21, s15;
	[sflag:s3] =	ssyncadd.s32 $0xFFFF0000  }
0x37: {  	[tilespmem:s2], [sflag:$0x2] =	stream.linear.gather [hbm4b:s15+s2], $0x200, $0x38;
	[tilespmem:$0x10200] =	vst v63  }
0x38: {  	_ =	swait.ge [sflag:s3], $0x200  }
0x39: {  	[sflag:s3] =	ssyncset.done $0x0  }
0x3a: {  	[sflag:s3] =	ssyncadd.s32 $0xFFFFFE00  }
0x3b: {  	[tilespmem:s6], [sflag:$0x1] =	stream.indirect.gather [hbm4b:s5+s6], $0x80, s2, s6, $0xb8;
	[tilespmem:$0x10200] =	vst v63  }
0x3c: {  	_ =	swait.ge [sflag:s7], $0x10000  }
0x3d: {  	s16 =	sshll.u32 s16, $0x4;
	[sflag:s7] =	ssyncset.done $0x0  }
0x3e: {  	s16 =	sadd.s32 s23, s16;
	[sflag:s7] =	ssyncadd.s32 $0xFFFF0000  }
0x3f: {  	[hbm4b:s16+s2] =	stream.linear.scatter [tilespmem:s6], [sflag:$0x2], $0x10000, $0x38;
	[tilespmem:$0x10200] =	vst v63  }
0x40: {  	s18 =	sor.u32 $0xA00, s24;
	_ =	swait.ge [sflag:s3], $0x10000  }
0x41: {  	s17 =	sshrl.u32 s18, $0x3;
	[sflag:s3] =	ssyncset.done $0x0  }
0x42: {  	s17 =	sadd.s32 s21, s17;
	[sflag:s3] =	ssyncadd.s32 $0xFFFF0000  }
0x43: {  	[tilespmem:s2], [sflag:$0x2] =	stream.linear.gather [hbm4b:s17+s2], $0x200, $0x38;
	[tilespmem:$0x10200] =	vst v63  }
0x44: {  	_ =	swait.ge [sflag:s3], $0x200  }
0x45: {  	[sflag:s3] =	ssyncset.done $0x0  }
0x46: {  	[sflag:s3] =	ssyncadd.s32 $0xFFFFFE00  }
0x47: {  	[tilespmem:s6], [sflag:$0x1] =	stream.indirect.gather [hbm4b:s5+s6], $0x80, s2, s6, $0xb8;
	[tilespmem:$0x10200] =	vst v63  }
0x48: {  	_ =	swait.ge [sflag:s7], $0x10000  }
0x49: {  	s18 =	sshll.u32 s18, $0x4;
	[sflag:s7] =	ssyncset.done $0x0  }
0x4a: {  	s18 =	sadd.s32 s23, s18;
	[sflag:s7] =	ssyncadd.s32 $0xFFFF0000  }
0x4b: {  	[hbm4b:s18+s2] =	stream.linear.scatter [tilespmem:s6], [sflag:$0x2], $0x10000, $0x38;
	[tilespmem:$0x10200] =	vst v63  }
0x4c: {  	s20 =	sor.u32 $0xC00, s24;
	_ =	swait.ge [sflag:s3], $0x10000  }
0x4d: {  	s19 =	sshrl.u32 s20, $0x3;
	[sflag:s3] =	ssyncset.done $0x0  }
0x4e: {  	s19 =	sadd.s32 s21, s19;
	[sflag:s3] =	ssyncadd.s32 $0xFFFF0000  }
0x4f: {  	[tilespmem:s2], [sflag:$0x2] =	stream.linear.gather [hbm4b:s19+s2], $0x200, $0x38;
	[tilespmem:$0x10200] =	vst v63  }
0x50: {  	_ =	swait.ge [sflag:s3], $0x200  }
0x51: {  	[sflag:s3] =	ssyncset.done $0x0  }
0x52: {  	[sflag:s3] =	ssyncadd.s32 $0xFFFFFE00  }
0x53: {  	[tilespmem:s6], [sflag:$0x1] =	stream.indirect.gather [hbm4b:s5+s6], $0x80, s2, s6, $0xb8;
	[tilespmem:$0x10200] =	vst v63  }
0x54: {  	_ =	swait.ge [sflag:s7], $0x10000  }
0x55: {  	s20 =	sshll.u32 s20, $0x4;
	[sflag:s7] =	ssyncset.done $0x0  }
0x56: {  	s20 =	sadd.s32 s23, s20;
	[sflag:s7] =	ssyncadd.s32 $0xFFFF0000  }
0x57: {  	[hbm4b:s20+s2] =	stream.linear.scatter [tilespmem:s6], [sflag:$0x2], $0x10000, $0x38;
	[tilespmem:$0x10200] =	vst v63  }
0x58: {  	s24 =	sor.u32 $0xE00, s24;
	_ =	swait.ge [sflag:s3], $0x10000  }
0x59: {  	s25 =	sshrl.u32 s24, $0x3;
	[sflag:s3] =	ssyncset.done $0x0  }
0x5a: {  	s22 =	ssub.s32 $0x2, s22;
	s21 =	sadd.s32 s21, s25;
	[sflag:s3] =	ssyncadd.s32 $0xFFFF0000  }
0x5b: {  	[tilespmem:s2], [sflag:$0x2] =	stream.linear.gather [hbm4b:s21+s2], $0x200, $0x38;
	[tilespmem:$0x10200] =	vst v63  }
0x5c: {  	s29 =	sshrl.u32 s22, $0x1;
	_ =	swait.ge [sflag:s3], $0x200  }
0x5d: {  	s25 =	ssub.s32 s22, s29;
	[sflag:s3] =	ssyncset.done $0x0  }
0x5e: {  	s31 =	smax.u32 s25, $0x1;
	[sflag:s3] =	ssyncadd.s32 $0xFFFFFE00  }
0x5f: {  	[tilespmem:s6], [sflag:$0x1] =	stream.indirect.gather [hbm4b:s5+s6], $0x80, s2, s6, $0xb8;
	[tilespmem:$0x10200] =	vst v63  }
0x60: {  	p0 =	sne.s32 s31, $0x1;
	_ =	swait.ge [sflag:s7], $0x10000  }
.Ltmp0:
0x61: {  	s30 =	sshll.u32 s24, $0x4;
	[sflag:s7] =	ssyncset.done $0x0;
	(pc) =	sbr.rel @!p0 .LBB2_2-.Ltmp0, $4  }
0x62: {  	s22 =	sadd.s32 s23, s30;
	[sflag:s7] =	ssyncadd.s32 $0xFFFF0000  }
0x63: {  	[hbm4b:s22+s2] =	stream.linear.scatter [tilespmem:s6], [sflag:$0x2], $0x10000, $0x38;
	[tilespmem:$0x10200] =	vst v63  }
0x64: {  	_ =	swait.ge [sflag:s3], $0x10000  }
0x65: {  	s23 =	sadd.s32 $0xFFFFFFFF, s31;
	[sflag:s3] =	ssyncset.done $0x0  }
.LBB2_1:
0x66: {  	p0 =	sne.s32 s23, $0x1;
	s23 =	sadd.s32 $0xFFFFFFFF, s23;
	[sflag:s3] =	ssyncadd.s32 $0xFFFF0000  }
0x67: {  	[tilespmem:s2], [sflag:$0x2] =	stream.linear.gather [hbm4b:s4+s2], $0x200, $0x38;
	[tilespmem:$0x10200] =	vst v63  }
0x68: {  	_ =	swait.ge [sflag:s3], $0x200  }
0x69: {  	[sflag:s3] =	ssyncset.done $0x0  }
0x6a: {  	[sflag:s3] =	ssyncadd.s32 $0xFFFFFE00  }
0x6b: {  	[tilespmem:s6], [sflag:$0x1] =	stream.indirect.gather [hbm4b:s5+s6], $0x80, s2, s6, $0xb8;
	[tilespmem:$0x10200] =	vst v63  }
0x6c: {  	_ =	swait.ge [sflag:s7], $0x10000  }
0x6d: {  	[sflag:s7] =	ssyncset.done $0x0  }
0x6e: {  	[sflag:s7] =	ssyncadd.s32 $0xFFFF0000  }
0x6f: {  	[hbm4b:s8+s2] =	stream.linear.scatter [tilespmem:s6], [sflag:$0x2], $0x10000, $0x38;
	[tilespmem:$0x10200] =	vst v63  }
0x70: {  	_ =	swait.ge [sflag:s3], $0x10000  }
0x71: {  	[sflag:s3] =	ssyncset.done $0x0  }
0x72: {  	[sflag:s3] =	ssyncadd.s32 $0xFFFF0000  }
0x73: {  	[tilespmem:s2], [sflag:$0x2] =	stream.linear.gather [hbm4b:s9+s2], $0x200, $0x38;
	[tilespmem:$0x10200] =	vst v63  }
0x74: {  	_ =	swait.ge [sflag:s3], $0x200  }
0x75: {  	[sflag:s3] =	ssyncset.done $0x0  }
0x76: {  	[sflag:s3] =	ssyncadd.s32 $0xFFFFFE00  }
0x77: {  	[tilespmem:s6], [sflag:$0x1] =	stream.indirect.gather [hbm4b:s5+s6], $0x80, s2, s6, $0xb8;
	[tilespmem:$0x10200] =	vst v63  }
0x78: {  	_ =	swait.ge [sflag:s7], $0x10000  }
0x79: {  	[sflag:s7] =	ssyncset.done $0x0  }
0x7a: {  	[sflag:s7] =	ssyncadd.s32 $0xFFFF0000  }
0x7b: {  	[hbm4b:s10+s2] =	stream.linear.scatter [tilespmem:s6], [sflag:$0x2], $0x10000, $0x38;
	[tilespmem:$0x10200] =	vst v63  }
0x7c: {  	_ =	swait.ge [sflag:s3], $0x10000  }
0x7d: {  	[sflag:s3] =	ssyncset.done $0x0  }
0x7e: {  	[sflag:s3] =	ssyncadd.s32 $0xFFFF0000  }
0x7f: {  	[tilespmem:s2], [sflag:$0x2] =	stream.linear.gather [hbm4b:s11+s2], $0x200, $0x38;
	[tilespmem:$0x10200] =	vst v63  }
0x80: {  	_ =	swait.ge [sflag:s3], $0x200  }
0x81: {  	[sflag:s3] =	ssyncset.done $0x0  }
0x82: {  	[sflag:s3] =	ssyncadd.s32 $0xFFFFFE00  }
0x83: {  	[tilespmem:s6], [sflag:$0x1] =	stream.indirect.gather [hbm4b:s5+s6], $0x80, s2, s6, $0xb8;
	[tilespmem:$0x10200] =	vst v63  }
0x84: {  	_ =	swait.ge [sflag:s7], $0x10000  }
0x85: {  	[sflag:s7] =	ssyncset.done $0x0  }
0x86: {  	[sflag:s7] =	ssyncadd.s32 $0xFFFF0000  }
0x87: {  	[hbm4b:s12+s2] =	stream.linear.scatter [tilespmem:s6], [sflag:$0x2], $0x10000, $0x38;
	[tilespmem:$0x10200] =	vst v63  }
0x88: {  	_ =	swait.ge [sflag:s3], $0x10000  }
0x89: {  	[sflag:s3] =	ssyncset.done $0x0  }
0x8a: {  	[sflag:s3] =	ssyncadd.s32 $0xFFFF0000  }
0x8b: {  	[tilespmem:s2], [sflag:$0x2] =	stream.linear.gather [hbm4b:s13+s2], $0x200, $0x38;
	[tilespmem:$0x10200] =	vst v63  }
0x8c: {  	_ =	swait.ge [sflag:s3], $0x200  }
0x8d: {  	[sflag:s3] =	ssyncset.done $0x0  }
0x8e: {  	[sflag:s3] =	ssyncadd.s32 $0xFFFFFE00  }
0x8f: {  	[tilespmem:s6], [sflag:$0x1] =	stream.indirect.gather [hbm4b:s5+s6], $0x80, s2, s6, $0xb8;
	[tilespmem:$0x10200] =	vst v63  }
0x90: {  	_ =	swait.ge [sflag:s7], $0x10000  }
0x91: {  	[sflag:s7] =	ssyncset.done $0x0  }
0x92: {  	[sflag:s7] =	ssyncadd.s32 $0xFFFF0000  }
0x93: {  	[hbm4b:s14+s2] =	stream.linear.scatter [tilespmem:s6], [sflag:$0x2], $0x10000, $0x38;
	[tilespmem:$0x10200] =	vst v63  }
0x94: {  	_ =	swait.ge [sflag:s3], $0x10000  }
0x95: {  	[sflag:s3] =	ssyncset.done $0x0  }
0x96: {  	[sflag:s3] =	ssyncadd.s32 $0xFFFF0000  }
0x97: {  	[tilespmem:s2], [sflag:$0x2] =	stream.linear.gather [hbm4b:s15+s2], $0x200, $0x38;
	[tilespmem:$0x10200] =	vst v63  }
0x98: {  	_ =	swait.ge [sflag:s3], $0x200  }
0x99: {  	[sflag:s3] =	ssyncset.done $0x0  }
0x9a: {  	[sflag:s3] =	ssyncadd.s32 $0xFFFFFE00  }
0x9b: {  	[tilespmem:s6], [sflag:$0x1] =	stream.indirect.gather [hbm4b:s5+s6], $0x80, s2, s6, $0xb8;
	[tilespmem:$0x10200] =	vst v63  }
0x9c: {  	_ =	swait.ge [sflag:s7], $0x10000  }
0x9d: {  	[sflag:s7] =	ssyncset.done $0x0  }
0x9e: {  	[sflag:s7] =	ssyncadd.s32 $0xFFFF0000  }
0x9f: {  	[hbm4b:s16+s2] =	stream.linear.scatter [tilespmem:s6], [sflag:$0x2], $0x10000, $0x38;
	[tilespmem:$0x10200] =	vst v63  }
0xa0: {  	_ =	swait.ge [sflag:s3], $0x10000  }
0xa1: {  	[sflag:s3] =	ssyncset.done $0x0  }
0xa2: {  	[sflag:s3] =	ssyncadd.s32 $0xFFFF0000  }
0xa3: {  	[tilespmem:s2], [sflag:$0x2] =	stream.linear.gather [hbm4b:s17+s2], $0x200, $0x38;
	[tilespmem:$0x10200] =	vst v63  }
0xa4: {  	_ =	swait.ge [sflag:s3], $0x200  }
0xa5: {  	[sflag:s3] =	ssyncset.done $0x0  }
0xa6: {  	[sflag:s3] =	ssyncadd.s32 $0xFFFFFE00  }
0xa7: {  	[tilespmem:s6], [sflag:$0x1] =	stream.indirect.gather [hbm4b:s5+s6], $0x80, s2, s6, $0xb8;
	[tilespmem:$0x10200] =	vst v63  }
0xa8: {  	_ =	swait.ge [sflag:s7], $0x10000  }
0xa9: {  	[sflag:s7] =	ssyncset.done $0x0  }
0xaa: {  	[sflag:s7] =	ssyncadd.s32 $0xFFFF0000  }
0xab: {  	[hbm4b:s18+s2] =	stream.linear.scatter [tilespmem:s6], [sflag:$0x2], $0x10000, $0x38;
	[tilespmem:$0x10200] =	vst v63  }
0xac: {  	_ =	swait.ge [sflag:s3], $0x10000  }
0xad: {  	[sflag:s3] =	ssyncset.done $0x0  }
0xae: {  	[sflag:s3] =	ssyncadd.s32 $0xFFFF0000  }
0xaf: {  	[tilespmem:s2], [sflag:$0x2] =	stream.linear.gather [hbm4b:s19+s2], $0x200, $0x38;
	[tilespmem:$0x10200] =	vst v63  }
0xb0: {  	_ =	swait.ge [sflag:s3], $0x200  }
0xb1: {  	[sflag:s3] =	ssyncset.done $0x0  }
0xb2: {  	[sflag:s3] =	ssyncadd.s32 $0xFFFFFE00  }
0xb3: {  	[tilespmem:s6], [sflag:$0x1] =	stream.indirect.gather [hbm4b:s5+s6], $0x80, s2, s6, $0xb8;
	[tilespmem:$0x10200] =	vst v63  }
0xb4: {  	_ =	swait.ge [sflag:s7], $0x10000  }
0xb5: {  	[sflag:s7] =	ssyncset.done $0x0  }
0xb6: {  	[sflag:s7] =	ssyncadd.s32 $0xFFFF0000  }
0xb7: {  	[hbm4b:s20+s2] =	stream.linear.scatter [tilespmem:s6], [sflag:$0x2], $0x10000, $0x38;
	[tilespmem:$0x10200] =	vst v63  }
0xb8: {  	_ =	swait.ge [sflag:s3], $0x10000  }
0xb9: {  	[sflag:s3] =	ssyncset.done $0x0  }
0xba: {  	[sflag:s3] =	ssyncadd.s32 $0xFFFF0000  }
0xbb: {  	[tilespmem:s2], [sflag:$0x2] =	stream.linear.gather [hbm4b:s21+s2], $0x200, $0x38;
	[tilespmem:$0x10200] =	vst v63  }
0xbc: {  	_ =	swait.ge [sflag:s3], $0x200  }
0xbd: {  	[sflag:s3] =	ssyncset.done $0x0  }
0xbe: {  	[sflag:s3] =	ssyncadd.s32 $0xFFFFFE00  }
0xbf: {  	[tilespmem:s6], [sflag:$0x1] =	stream.indirect.gather [hbm4b:s5+s6], $0x80, s2, s6, $0xb8;
	[tilespmem:$0x10200] =	vst v63  }
0xc0: {  	_ =	swait.ge [sflag:s7], $0x10000  }
.Ltmp1:
0xc1: {  	[sflag:s7] =	ssyncset.done $0x0;
	(pc) =	sbr.rel @p0 .LBB2_1-.Ltmp1, $4  }
0xc2: {  	[sflag:s7] =	ssyncadd.s32 $0xFFFF0000  }
0xc3: {  	[hbm4b:s22+s2] =	stream.linear.scatter [tilespmem:s6], [sflag:$0x2], $0x10000, $0x38;
	[tilespmem:$0x10200] =	vst v63  }
0xc4: {  	_ =	swait.ge [sflag:s3], $0x10000  }
0xc5: {  	[sflag:s3] =	ssyncset.done $0x0  }
.LBB2_2:
0xc6: {  	[sflag:s3] =	ssyncadd.s32 $0xFFFF0000  }
0xc7: {  	_ =	sfence.sel $0x180000  }
0xc8: {  	[bflag:$0x0] =	sbarrier.arrive $0xFFFF  }
0xc9: {  	p0 =	sne.s32 s0, $0x0;
	_ =	strace $0x90000047  }
0xca: {  	s0 =	sadd.s32 @!p0 $0x100000, s1;
	[bflag:$0x2] =	sbarrier.arrive $0xFFFF  }
0xcb: {  	[sflag:s0] =	ssyncadd.tile.s32 @!p0 $0x1;
	_ =	shalt  }
.Lfunc_end2:
_tile_overlayer_lowered:
.L_overlay_start_2:
0xcc: {  	(tag) =	ssettag $0x2  }
0xcd: {  	s0 =	rddreg [dreg:$0x0];
	s2 =	stileid.u32  }
0xce: {  	s1 =	rddreg [dreg:$0x1];
	p0 =	sne.s32 s2, $0x0  }
0xcf: {  	s3 =	rddreg [dreg:$0x2];
	[bflag:$0x3] =	sbarrier.arrive $0xFFFF;
	s2 =	simm.s32 @!p0 $0x1C02  }
0xd0: {  	[timem:s3], [sflag:s2] =	dma.local @!p0 [hbm:s0], s1  }
0xd1: {  	s0 =	simm.s32 @!p0 $0x2  }
0xd2: {  	_ =	swait.ge @!p0 [sflag:s0], s1  }
0xd3: {  	s1 =	ssub.s32 @!p0 $0x0, s1;
	[sflag:s0] =	ssyncset.done @!p0 $0x0  }
0xd4: {  	[sflag:s0] =	ssyncadd.s32 @!p0 s1  }
0xd5: {  	[bflag:$0x3] =	sbarrier.arrive $0xFFFF  }
0xd6: {  	_ =	shalt  }

// kernel: kernel.59.cloned.1.call-start
scs
__scs_entry_jumppad:
0x0: {  	(pc) =	sbr.rel $0x88, $3  }
0x1: {  	(tag) =	ssettag $0x0;
	lr =	simm.s32 $0x1  }
0x2: {  	[smem:$0x3F84] =	sst lr;
	_ =	strace $0xD0000000  }
0x3: {  	_ = 	snop  }
0x4: {  	_ = 	snop  }
0x5: {  	_ = 	snop  }
0x6: {  	_ = 	snop  }
0x7: {  	_ = 	snop  }
__scs_overlays_trampoline_lowered:
0x8: {  	[smem:$0x3F93] =	sst s0  }
0x9: {  	[smem:$0x3F94] =	sst s1  }
0xa: {  	[smem:$0x3F95] =	sst s2  }
0xb: {  	[smem:$0x3F96] =	sst s3  }
0xc: {  	[smem:$0x3F97] =	sst s4  }
0xd: {  	[smem:$0x3F98] =	sst s5  }
0xe: {  	[smem:$0x3F99] =	sst s6  }
0xf: {  	[smem:$0x3F9A] =	sst s7  }
0x10: {  	[smem:$0x3F9B] =	sst s8  }
0x11: {  	[smem:$0x3F9C] =	sst s9;
	s0 =	simm.s32 @!p0 $0x0  }
0x12: {  	s1 =	sld [smem:$0x3F82];
	s0 =	simm.s32 @p0 $0x1  }
0x13: {  	[smem:$0x3F9D] =	sst s0;
	s0 =	simm.s32 @!p1 $0x0  }
0x14: {  	s2 =	sld [smem:$0x3F81];
	s0 =	simm.s32 @p1 $0x1  }
0x15: {  	[smem:$0x3F9E] =	sst s0;
	s0 =	simm.s32 @!p2 $0x0  }
0x16: {  	s3 =	sld [smem:$0x3FDB];
	s0 =	simm.s32 @p2 $0x1  }
0x17: {  	s4 =	simm.s32 $0x1BF5;
	[smem:$0x3FA0] =	sst s0  }
0x18: {  	s0 =	sld [smem:$0x3F83];
	_ =	swait.ge [sflag:s4], $0x0  }
0x19: {  	s7 =	sld [smem:$0x3F84]  }
0x1a: {  	s8 =	sadd.s32 $0xFFFFE003, lr  }
0x1b: {  	s9 =	sadd.s32 $0xFFFFFEF7, lr;
	s5 =	simm.s32 $0xFFFFFFFF;
	p2 =	slt.u32 s8, $0xFFFFF086  }
0x1c: {  	p1 =	slt.u32 s9, $0xF7A;
	s5 =	simm.s32 @!p2 $0x0  }
0x1d: {  	s5 =	simm.s32 @p1 $0x1;
	p0 =	seq.s32 s7, s2  }
0x1e: {  	s7 =	smul.u32 @!p0 $0xF7A, s2;
	p2 =	seq.s32 @!p0 s5, $0x0  }
0x1f: {  	s9 =	smul.u32 $0xF7A, s1;
	s8 =	simm.s32 @!p0 $0x1BF5;
	p2 =	por !p2, p0  }
0x20: {  	[sflag:s8] =	ssyncset.s32 @!p0 $0xFFFFF086;
	s6 =	sadd.s32 @!p0 s3, s7;
	s7 =	simm.s32 @!p0 $0x108  }
0x21: {  	s3 =	sadd.s32 s3, s9;
	s6 =	sadd.s32 @!p0 $0x88, s6;
	s7 =	simm.s32 @p2 $0x1082  }
0x22: {  	[simem:s7], [sflag:s8] =	dma.local @!p0 [hbm:s6], $0xF7A  }
0x23: {  	s9 =	sor.u32 $0xD0000000, s2;
	s6 =	simm.s32 $0x108;
	_ =	swait.ge @!p0 [sflag:s8], $0x0  }
0x24: {  	s3 =	sadd.s32 $0x88, s3;
	s6 =	simm.s32 @!p1 $0x1082;
	[sflag:s4] =	ssyncset.s32 $0xFFFFF086  }
0x25: {  	[simem:s6], [sflag:s4] =	dma.local [hbm:s3], $0xF7A  }
0x26: {  	[smem:$0x3F84] =	sst s1;
	(tag) =	ssettag s2;
	_ =	strace s9  }
0x27: {  	s1 =	sld [smem:$0x3F94]  }
0x28: {  	s2 =	sld [smem:$0x3F95]  }
0x29: {  	s4 =	sld [smem:$0x3F97]  }
0x2a: {  	p0 =	seq.s32 s5, $0x0;
	s5 =	sld [smem:$0x3F98]  }
0x2b: {  	s6 =	sld [smem:$0x3F99]  }
0x2c: {  	s7 =	sld [smem:$0x3F9A]  }
0x2d: {  	s3 =	simm.s32 $0x108;
	s8 =	sld [smem:$0x3F9B]  }
0x2e: {  	s3 =	simm.s32 @!p0 $0x1082;
	s9 =	sld [smem:$0x3F9C]  }
0x2f: {  	lr =	sadd.s32 s0, s3;
	s0 =	sld [smem:$0x3F93]  }
0x30: {  	s3 =	sld [smem:$0x3F96]  }
0x31: {  	[smem:$0x3F9F] =	sst s10  }
0x32: {  	s10 =	sld [smem:$0x3F9D];
	_ =	sdelay $0x3  }
0x33: {  	p0 =	seq.s32 s10, $0x1;
	s10 =	sld [smem:$0x3F9F];
	_ =	sdelay $0x3  }
0x34: {  	[smem:$0x3F9F] =	sst s10  }
0x35: {  	s10 =	sld [smem:$0x3F9E];
	_ =	sdelay $0x3  }
0x36: {  	p1 =	seq.s32 s10, $0x1;
	s10 =	sld [smem:$0x3F9F];
	_ =	sdelay $0x3  }
0x37: {  	[smem:$0x3F9F] =	sst s10  }
0x38: {  	s10 =	sld [smem:$0x3FA0]  }
0x39: {  	_ = 	snop;
	(pc) =	sbr.ind lr, $3  }
0x3a: {  	_ = 	snop  }
0x3b: {  	_ = 	snop  }
0x3c: {  	p2 =	seq.s32 s10, $0x1;
	s10 =	sld [smem:$0x3F9F]  }
0x3d: {  	_ =	shalt  }
0x3e: {  	_ =	shalt  }
0x3f: {  	_ =	shalt  }
0x40: {  	_ =	shalt  }
0x41: {  	_ =	shalt  }
0x42: {  	_ =	shalt  }
0x43: {  	_ =	shalt  }
0x44: {  	_ =	shalt  }
0x45: {  	_ =	shalt  }
0x46: {  	_ =	shalt  }
0x47: {  	_ =	shalt  }
0x48: {  	_ =	shalt  }
0x49: {  	_ =	shalt  }
0x4a: {  	_ =	shalt  }
0x4b: {  	_ =	shalt  }
0x4c: {  	_ =	shalt  }
0x4d: {  	_ =	shalt  }
0x4e: {  	_ =	shalt  }
0x4f: {  	_ =	shalt  }
0x50: {  	_ =	shalt  }
0x51: {  	_ =	shalt  }
0x52: {  	_ =	shalt  }
0x53: {  	_ =	shalt  }
0x54: {  	_ =	shalt  }
0x55: {  	_ =	shalt  }
0x56: {  	_ =	shalt  }
0x57: {  	_ =	shalt  }
0x58: {  	_ =	shalt  }
0x59: {  	_ =	shalt  }
0x5a: {  	_ =	shalt  }
0x5b: {  	_ =	shalt  }
0x5c: {  	_ =	shalt  }
0x5d: {  	_ =	shalt  }
0x5e: {  	_ =	shalt  }
0x5f: {  	_ =	shalt  }
0x60: {  	_ =	shalt  }
0x61: {  	_ =	shalt  }
0x62: {  	_ =	shalt  }
0x63: {  	_ =	shalt  }
0x64: {  	_ =	shalt  }
0x65: {  	_ =	shalt  }
0x66: {  	_ =	shalt  }
0x67: {  	_ =	shalt  }
0x68: {  	_ =	shalt  }
0x69: {  	_ =	shalt  }
0x6a: {  	_ =	shalt  }
0x6b: {  	_ =	shalt  }
0x6c: {  	_ =	shalt  }
0x6d: {  	_ =	shalt  }
0x6e: {  	_ =	shalt  }
0x6f: {  	_ =	shalt  }
0x70: {  	_ =	shalt  }
0x71: {  	_ =	shalt  }
0x72: {  	_ =	shalt  }
0x73: {  	_ =	shalt  }
0x74: {  	_ =	shalt  }
0x75: {  	_ =	shalt  }
0x76: {  	_ =	shalt  }
0x77: {  	_ =	shalt  }
0x78: {  	_ =	shalt  }
0x79: {  	_ =	shalt  }
0x7a: {  	_ =	shalt  }
0x7b: {  	_ =	shalt  }
0x7c: {  	_ =	shalt  }
0x7d: {  	_ =	shalt  }
0x7e: {  	_ =	shalt  }
0x7f: {  	_ =	shalt  }
0x80: {  	_ =	shalt  }
0x81: {  	_ =	shalt  }
0x82: {  	_ =	shalt  }
0x83: {  	_ =	shalt  }
0x84: {  	_ =	shalt  }
0x85: {  	_ =	shalt  }
0x86: {  	_ =	shalt  }
0x87: {  	_ =	shalt  }
.Lfunc_end0:
.L_simem_size_0:
called_computation.5_lowered:
.L_overlay_start_0:
0x88: {  	s2 =	sld [smem:$0x3FD9]  }
0x89: {  	s3 =	sld [smem:$0x3FFE];
	_ =	sdelay $0x1  }
0x8a: {  	s1 =	srdreg.scid  }
0x8b: {  	s0 =	sand.u32 $0x1, s1  }
0x8c: {  	s16 =	sshll.u32 s0, $0xA;
	s2 =	sadd.s32 s3, s2  }
0x8d: {  	s2 =	sadd.s32 s2, s16  }
0x8e: {  	[smem:$0x3FAB] =	sst s2  }
0x8f: {  	_ = 	snop  }
0x90: {  	(tm) =	ssettm $0x1  }
0x91: {  	s17 =	sld [smem:$0x3FFB];
	_ =	sdelay $0x3  }
0x92: {  	_ =	strace s17  }
0x93: {  	s2 =	sld [smem:$0x3FFC];
	_ =	sdelay $0x3  }
0x94: {  	_ =	strace s2  }
0x95: {  	s2 =	sld [smem:$0x3FFD];
	_ =	sdelay $0x3  }
0x96: {  	_ =	strace s2  }
0x97: {  	_ =	strace $0x8FFFFFFF  }
0x98: {  	s18 =	sld [smem:$0x3FDB];
	_ =	sdelay $0x1  }
0x99: {  	s19 =	simm.s32 $_scs_section_size  }
0x9a: {  	s4 =	simm.s32 $_size__tile_overlayer_lowered;
	s5 =	simm.s32 $_tile_overlayer_lowered  }
0x9b: {  	s22 =	simm.s32 $0x1BFF;
	s21 =	sshll.u32 s5, $0x1;
	s2 =	sadd.s32 s19, s18  }
0x9c: {  	s6 =	simm.s32 $0x0;
	s20 =	sshll.u32 s4, $0x1;
	s4 =	sadd.s32 s21, s2  }
0x9d: {  	[timem:s6], [sflag:s22] =	dma.local [hbm:s4], s20  }
0x9e: {  	_ =	swait.ge [sflag:s22], s20  }
0x9f: {  	s3 =	ssub.s32 $0x0, s20;
	[sflag:s22] =	ssyncset.done $0x0  }
0xa0: {  	[sflag:s22] =	ssyncadd.s32 s3;
	_ =	sdelay $0x1  }
0xa1: {  	s23 =	simm.s32 $0x1B8B  }
0xa2: {  	_ =	swait.ge [sflag:s23], $0x1  }
0xa3: {  	[sflag:s23] =	ssyncset.done $0x0  }
0xa4: {  	s25 =	simm.s32 $0x1B8E;
	s24 =	sld [smem:$0x3FFE];
	[sflag:s23] =	ssyncadd.s32 $0xFFFFFFFF  }
0xa5: {  	s26 =	simm.s32 $execute0_lowered;
	[smem:$0x3FD2] =	sst s25  }
0xa6: {  	s4 =	sshll.u32 s26, $0x1;
	_ =	strace $0x8000004C;
	[dreg:$0x1] =	wrdreg $0xFFFFFFFF  }
0xa7: {  	s28 =	simm.s32 $_size_execute0_lowered;
	s2 =	sadd.s32 s2, s4;
	[dreg:$0x0] =	wrdreg $0x0  }
0xa8: {  	s4 =	sshll.u32 s28, $0x1;
	[dreg:$0x2] =	wrdreg s2  }
0xa9: {  	[dreg:$0x3] =	wrdreg s4  }
0xaa: {  	[dreg:$0x4] =	wrdreg $0xC0  }
0xab: {  	_ =	task [dreg:s6], $0x5FFFF  }
0xac: {  	[dreg:$0x1] =	wrdreg $0xFFFFFFFF  }
0xad: {  	[dreg:$0x0] =	wrdreg $0x60  }
0xae: {  	[dreg:$0x2] =	wrdreg s24  }
0xaf: {  	[dreg:$0x3] =	wrdreg $0xA  }
0xb0: {  	_ =	task.clear_ibuf [dreg:s6], $0x4FFFF;
	_ =	strace $0x9000004C  }
0xb1: {  	s29 =	simm.s32 $0xA;
	_ =	strace $0x8000004E  }
0xb2: {  	_ =	swait.ge [sflag:s29], $0x1  }
0xb3: {  	[sflag:s29] =	ssyncadd.s32 $0xFFFFFFFF  }
0xb4: {  	_ =	strace $0x9000004E  }
0xb5: {  	_ =	sfence  }
0xb6: {  	s30 =	sld [smem:$0x0];
	_ =	sdelay $0x2  }
0xb7: {  	s31 =	sshll.u32 s1, $0xD;
	s1 =	sshrl.u32 s1, $0x2  }
0xb8: {  	s3 =	sand.u32 $0x4000, s31;
	s1 =	sadd.s32 s1, s30  }
0xb9: {  	s0 =	sor.u32 s3, s0;
	s1 =	sshll.u32 s1, $0x11  }
0xba: {  	s0 =	sor.u32 s1, s0  }
0xbb: {  	s0 =	sadd.s32 $0x8F2B, s0  }
0xbc: {  	[sflag:s0] =	ssyncadd.remote.s32 $0x1  }
0xbd: {  	_ =	sfence.sel $0xFFFF  }
0xbe: {  	[dreg:$0x0] =	wrdreg $0xFFFFFFFF;
	(pc) =	sbr.abs _section_cstart, $3  }
0xbf: {  	[dreg:$0x1] =	wrdreg $0xFFFFFFFF  }
0xc0: {  	_ =	task.clear_ibuf [dreg:s6], $0x2FFFF;
	_ =	strace $0x9FFFFFFF  }
0xc1: {  	(tm) =	ssettm $0x7FFFFFFF  }
tec
execute0_lowered:
.L_overlay_start_1:
0x0: {  	(tag) =	ssettag $0x1  }
0x1: {  	s1 =	srdreg.scid  }
0x2: {  	s0 =	stileid.u32;
	s10 =	sand.u32 $0x1, s1  }
0x3: {  	s8 =	rddreg [dreg:$0x0];
	s3 =	sshll.u32 s0, $0xB;
	s4 =	sshll.u32 s10, $0xA  }
0x4: {  	s2 =	simm.s32 $0x0;
	s1 =	rddreg [dreg:$0x1];
	s9 =	sor.u32 s4, s3  }
0x5: {  	[smem:$0x7FF] =	sst s2;
	s11 =	sadd.s32 $0xAE400, s8;
	s3 =	sshrl.u32 s9, $0x3  }
0x6: {  	_ =	strace $0x8000004D;
	s4 =	sadd.s32 s11, s3;
	s3 =	simm.s32 $0x2  }
0x7: {  	[tilespmem:s2], [sflag:$0x2] =	stream.linear.gather [hbm4b:s4+s2], $0x200, $0x38;
	[tilespmem:$0x10200] =	vst v63  }
0x8: {  	_ =	swait.ge [sflag:s3], $0x200  }
0x9: {  	s6 =	simm.s32 $0x200;
	[sflag:s3] =	ssyncset.done $0x0  }
0xa: {  	s7 =	simm.s32 $0x1;
	s5 =	sadd.s32 $0x1AE200, s8;
	[sflag:s3] =	ssyncadd.s32 $0xFFFFFE00  }
0xb: {  	[tilespmem:s6], [sflag:$0x1] =	stream.indirect.gather [hbm4b:s5+s6], $0x80, s2, s6, $0xb8;
	[tilespmem:$0x10200] =	vst v63  }
0xc: {  	_ =	swait.ge [sflag:s7], $0x10000  }
0xd: {  	s12 =	sadd.s32 $0x1EE200, s8;
	s29 =	sshll.u32 s9, $0x4;
	[sflag:s7] =	ssyncset.done $0x0  }
0xe: {  	s8 =	sadd.s32 s12, s29;
	[sflag:s7] =	ssyncadd.s32 $0xFFFF0000  }
0xf: {  	[hbm4b:s8+s2] =	stream.linear.scatter [tilespmem:s6], [sflag:$0x2], $0x10000, $0x38;
	[tilespmem:$0x10200] =	vst v63  }
0x10: {  	s13 =	sor.u32 $0x200, s9;
	_ =	swait.ge [sflag:s3], $0x10000  }
0x11: {  	s9 =	sshrl.u32 s13, $0x3;
	[sflag:s3] =	ssyncset.done $0x0  }
0x12: {  	s10 =	ssub.s32 $0x2, s10;
	s9 =	sadd.s32 s11, s9;
	[sflag:s3] =	ssyncadd.s32 $0xFFFF0000  }
0x13: {  	[tilespmem:s2], [sflag:$0x2] =	stream.linear.gather [hbm4b:s9+s2], $0x200, $0x38;
	[tilespmem:$0x10200] =	vst v63  }
0x14: {  	s30 =	sshrl.u32 s10, $0x1;
	_ =	swait.ge [sflag:s3], $0x200  }
0x15: {  	s11 =	ssub.s32 s10, s30;
	[sflag:s3] =	ssyncset.done $0x0  }
0x16: {  	s11 =	smax.u32 s11, $0x1;
	[sflag:s3] =	ssyncadd.s32 $0xFFFFFE00  }
0x17: {  	[tilespmem:s6], [sflag:$0x1] =	stream.indirect.gather [hbm4b:s5+s6], $0x80, s2, s6, $0xb8;
	[tilespmem:$0x10200] =	vst v63  }
0x18: {  	p0 =	sne.s32 s11, $0x1;
	_ =	swait.ge [sflag:s7], $0x10000  }
.Ltmp0:
0x19: {  	s31 =	sshll.u32 s13, $0x4;
	[sflag:s7] =	ssyncset.done $0x0;
	(pc) =	sbr.rel @!p0 .LBB2_2-.Ltmp0, $4  }
0x1a: {  	s10 =	sadd.s32 s12, s31;
	[sflag:s7] =	ssyncadd.s32 $0xFFFF0000  }
0x1b: {  	[hbm4b:s10+s2] =	stream.linear.scatter [tilespmem:s6], [sflag:$0x2], $0x10000, $0x38;
	[tilespmem:$0x10200] =	vst v63  }
0x1c: {  	_ =	swait.ge [sflag:s3], $0x10000  }
0x1d: {  	s11 =	sadd.s32 $0xFFFFFFFF, s11;
	[sflag:s3] =	ssyncset.done $0x0  }
.LBB2_1:
0x1e: {  	p0 =	sne.s32 s11, $0x1;
	s11 =	sadd.s32 $0xFFFFFFFF, s11;
	[sflag:s3] =	ssyncadd.s32 $0xFFFF0000  }
0x1f: {  	[tilespmem:s2], [sflag:$0x2] =	stream.linear.gather [hbm4b:s4+s2], $0x200, $0x38;
	[tilespmem:$0x10200] =	vst v63  }
0x20: {  	_ =	swait.ge [sflag:s3], $0x200  }
0x21: {  	[sflag:s3] =	ssyncset.done $0x0  }
0x22: {  	[sflag:s3] =	ssyncadd.s32 $0xFFFFFE00  }
0x23: {  	[tilespmem:s6], [sflag:$0x1] =	stream.indirect.gather [hbm4b:s5+s6], $0x80, s2, s6, $0xb8;
	[tilespmem:$0x10200] =	vst v63  }
0x24: {  	_ =	swait.ge [sflag:s7], $0x10000  }
0x25: {  	[sflag:s7] =	ssyncset.done $0x0  }
0x26: {  	[sflag:s7] =	ssyncadd.s32 $0xFFFF0000  }
0x27: {  	[hbm4b:s8+s2] =	stream.linear.scatter [tilespmem:s6], [sflag:$0x2], $0x10000, $0x38;
	[tilespmem:$0x10200] =	vst v63  }
0x28: {  	_ =	swait.ge [sflag:s3], $0x10000  }
0x29: {  	[sflag:s3] =	ssyncset.done $0x0  }
0x2a: {  	[sflag:s3] =	ssyncadd.s32 $0xFFFF0000  }
0x2b: {  	[tilespmem:s2], [sflag:$0x2] =	stream.linear.gather [hbm4b:s9+s2], $0x200, $0x38;
	[tilespmem:$0x10200] =	vst v63  }
0x2c: {  	_ =	swait.ge [sflag:s3], $0x200  }
0x2d: {  	[sflag:s3] =	ssyncset.done $0x0  }
0x2e: {  	[sflag:s3] =	ssyncadd.s32 $0xFFFFFE00  }
0x2f: {  	[tilespmem:s6], [sflag:$0x1] =	stream.indirect.gather [hbm4b:s5+s6], $0x80, s2, s6, $0xb8;
	[tilespmem:$0x10200] =	vst v63  }
0x30: {  	_ =	swait.ge [sflag:s7], $0x10000  }
.Ltmp1:
0x31: {  	[sflag:s7] =	ssyncset.done $0x0;
	(pc) =	sbr.rel @p0 .LBB2_1-.Ltmp1, $4  }
0x32: {  	[sflag:s7] =	ssyncadd.s32 $0xFFFF0000  }
0x33: {  	[hbm4b:s10+s2] =	stream.linear.scatter [tilespmem:s6], [sflag:$0x2], $0x10000, $0x38;
	[tilespmem:$0x10200] =	vst v63  }
0x34: {  	_ =	swait.ge [sflag:s3], $0x10000  }
0x35: {  	[sflag:s3] =	ssyncset.done $0x0  }
.LBB2_2:
0x36: {  	[sflag:s3] =	ssyncadd.s32 $0xFFFF0000  }
0x37: {  	_ =	sfence.sel $0x180000  }
0x38: {  	[bflag:$0x0] =	sbarrier.arrive $0xFFFF  }
0x39: {  	p0 =	sne.s32 s0, $0x0;
	_ =	strace $0x9000004D  }
0x3a: {  	s0 =	sadd.s32 @!p0 $0x100000, s1;
	[bflag:$0x2] =	sbarrier.arrive $0xFFFF  }
0x3b: {  	[sflag:s0] =	ssyncadd.tile.s32 @!p0 $0x1;
	_ =	shalt  }
.Lfunc_end2:
_tile_overlayer_lowered:
.L_overlay_start_2:
0x3c: {  	(tag) =	ssettag $0x2  }
0x3d: {  	s0 =	rddreg [dreg:$0x0];
	s2 =	stileid.u32  }
0x3e: {  	s1 =	rddreg [dreg:$0x1];
	p0 =	sne.s32 s2, $0x0  }
0x3f: {  	s3 =	rddreg [dreg:$0x2];
	[bflag:$0x3] =	sbarrier.arrive $0xFFFF;
	s2 =	simm.s32 @!p0 $0x1C02  }
0x40: {  	[timem:s3], [sflag:s2] =	dma.local @!p0 [hbm:s0], s1  }
0x41: {  	s0 =	simm.s32 @!p0 $0x2  }
0x42: {  	_ =	swait.ge @!p0 [sflag:s0], s1  }
0x43: {  	s1 =	ssub.s32 @!p0 $0x0, s1;
	[sflag:s0] =	ssyncset.done @!p0 $0x0  }
0x44: {  	[sflag:s0] =	ssyncadd.s32 @!p0 s1  }
0x45: {  	[bflag:$0x3] =	sbarrier.arrive $0xFFFF  }
0x46: {  	_ =	shalt  }

// kernel: kernel.62.cloned.1.call-start
scs
__scs_entry_jumppad:
0x0: {  	(pc) =	sbr.rel $0x88, $3  }
0x1: {  	(tag) =	ssettag $0x0;
	lr =	simm.s32 $0x1  }
0x2: {  	[smem:$0x3F84] =	sst lr;
	_ =	strace $0xD0000000  }
0x3: {  	_ = 	snop  }
0x4: {  	_ = 	snop  }
0x5: {  	_ = 	snop  }
0x6: {  	_ = 	snop  }
0x7: {  	_ = 	snop  }
__scs_overlays_trampoline_lowered:
0x8: {  	[smem:$0x3F93] =	sst s0  }
0x9: {  	[smem:$0x3F94] =	sst s1  }
0xa: {  	[smem:$0x3F95] =	sst s2  }
0xb: {  	[smem:$0x3F96] =	sst s3  }
0xc: {  	[smem:$0x3F97] =	sst s4  }
0xd: {  	[smem:$0x3F98] =	sst s5  }
0xe: {  	[smem:$0x3F99] =	sst s6  }
0xf: {  	[smem:$0x3F9A] =	sst s7  }
0x10: {  	[smem:$0x3F9B] =	sst s8  }
0x11: {  	[smem:$0x3F9C] =	sst s9;
	s0 =	simm.s32 @!p0 $0x0  }
0x12: {  	s1 =	sld [smem:$0x3F82];
	s0 =	simm.s32 @p0 $0x1  }
0x13: {  	[smem:$0x3F9D] =	sst s0;
	s0 =	simm.s32 @!p1 $0x0  }
0x14: {  	s2 =	sld [smem:$0x3F81];
	s0 =	simm.s32 @p1 $0x1  }
0x15: {  	[smem:$0x3F9E] =	sst s0;
	s0 =	simm.s32 @!p2 $0x0  }
0x16: {  	s3 =	sld [smem:$0x3FDB];
	s0 =	simm.s32 @p2 $0x1  }
0x17: {  	s4 =	simm.s32 $0x1BF5;
	[smem:$0x3FA0] =	sst s0  }
0x18: {  	s0 =	sld [smem:$0x3F83];
	_ =	swait.ge [sflag:s4], $0x0  }
0x19: {  	s7 =	sld [smem:$0x3F84]  }
0x1a: {  	s8 =	sadd.s32 $0xFFFFE003, lr  }
0x1b: {  	s9 =	sadd.s32 $0xFFFFFEF7, lr;
	s5 =	simm.s32 $0xFFFFFFFF;
	p2 =	slt.u32 s8, $0xFFFFF086  }
0x1c: {  	p1 =	slt.u32 s9, $0xF7A;
	s5 =	simm.s32 @!p2 $0x0  }
0x1d: {  	s5 =	simm.s32 @p1 $0x1;
	p0 =	seq.s32 s7, s2  }
0x1e: {  	s7 =	smul.u32 @!p0 $0xF7A, s2;
	p2 =	seq.s32 @!p0 s5, $0x0  }
0x1f: {  	s9 =	smul.u32 $0xF7A, s1;
	s8 =	simm.s32 @!p0 $0x1BF5;
	p2 =	por !p2, p0  }
0x20: {  	[sflag:s8] =	ssyncset.s32 @!p0 $0xFFFFF086;
	s6 =	sadd.s32 @!p0 s3, s7;
	s7 =	simm.s32 @!p0 $0x108  }
0x21: {  	s3 =	sadd.s32 s3, s9;
	s6 =	sadd.s32 @!p0 $0x88, s6;
	s7 =	simm.s32 @p2 $0x1082  }
0x22: {  	[simem:s7], [sflag:s8] =	dma.local @!p0 [hbm:s6], $0xF7A  }
0x23: {  	s9 =	sor.u32 $0xD0000000, s2;
	s6 =	simm.s32 $0x108;
	_ =	swait.ge @!p0 [sflag:s8], $0x0  }
0x24: {  	s3 =	sadd.s32 $0x88, s3;
	s6 =	simm.s32 @!p1 $0x1082;
	[sflag:s4] =	ssyncset.s32 $0xFFFFF086  }
0x25: {  	[simem:s6], [sflag:s4] =	dma.local [hbm:s3], $0xF7A  }
0x26: {  	[smem:$0x3F84] =	sst s1;
	(tag) =	ssettag s2;
	_ =	strace s9  }
0x27: {  	s1 =	sld [smem:$0x3F94]  }
0x28: {  	s2 =	sld [smem:$0x3F95]  }
0x29: {  	s4 =	sld [smem:$0x3F97]  }
0x2a: {  	p0 =	seq.s32 s5, $0x0;
	s5 =	sld [smem:$0x3F98]  }
0x2b: {  	s6 =	sld [smem:$0x3F99]  }
0x2c: {  	s7 =	sld [smem:$0x3F9A]  }
0x2d: {  	s3 =	simm.s32 $0x108;
	s8 =	sld [smem:$0x3F9B]  }
0x2e: {  	s3 =	simm.s32 @!p0 $0x1082;
	s9 =	sld [smem:$0x3F9C]  }
0x2f: {  	lr =	sadd.s32 s0, s3;
	s0 =	sld [smem:$0x3F93]  }
0x30: {  	s3 =	sld [smem:$0x3F96]  }
0x31: {  	[smem:$0x3F9F] =	sst s10  }
0x32: {  	s10 =	sld [smem:$0x3F9D];
	_ =	sdelay $0x3  }
0x33: {  	p0 =	seq.s32 s10, $0x1;
	s10 =	sld [smem:$0x3F9F];
	_ =	sdelay $0x3  }
0x34: {  	[smem:$0x3F9F] =	sst s10  }
0x35: {  	s10 =	sld [smem:$0x3F9E];
	_ =	sdelay $0x3  }
0x36: {  	p1 =	seq.s32 s10, $0x1;
	s10 =	sld [smem:$0x3F9F];
	_ =	sdelay $0x3  }
0x37: {  	[smem:$0x3F9F] =	sst s10  }
0x38: {  	s10 =	sld [smem:$0x3FA0]  }
0x39: {  	_ = 	snop;
	(pc) =	sbr.ind lr, $3  }
0x3a: {  	_ = 	snop  }
0x3b: {  	_ = 	snop  }
0x3c: {  	p2 =	seq.s32 s10, $0x1;
	s10 =	sld [smem:$0x3F9F]  }
0x3d: {  	_ =	shalt  }
0x3e: {  	_ =	shalt  }
0x3f: {  	_ =	shalt  }
0x40: {  	_ =	shalt  }
0x41: {  	_ =	shalt  }
0x42: {  	_ =	shalt  }
0x43: {  	_ =	shalt  }
0x44: {  	_ =	shalt  }
0x45: {  	_ =	shalt  }
0x46: {  	_ =	shalt  }
0x47: {  	_ =	shalt  }
0x48: {  	_ =	shalt  }
0x49: {  	_ =	shalt  }
0x4a: {  	_ =	shalt  }
0x4b: {  	_ =	shalt  }
0x4c: {  	_ =	shalt  }
0x4d: {  	_ =	shalt  }
0x4e: {  	_ =	shalt  }
0x4f: {  	_ =	shalt  }
0x50: {  	_ =	shalt  }
0x51: {  	_ =	shalt  }
0x52: {  	_ =	shalt  }
0x53: {  	_ =	shalt  }
0x54: {  	_ =	shalt  }
0x55: {  	_ =	shalt  }
0x56: {  	_ =	shalt  }
0x57: {  	_ =	shalt  }
0x58: {  	_ =	shalt  }
0x59: {  	_ =	shalt  }
0x5a: {  	_ =	shalt  }
0x5b: {  	_ =	shalt  }
0x5c: {  	_ =	shalt  }
0x5d: {  	_ =	shalt  }
0x5e: {  	_ =	shalt  }
0x5f: {  	_ =	shalt  }
0x60: {  	_ =	shalt  }
0x61: {  	_ =	shalt  }
0x62: {  	_ =	shalt  }
0x63: {  	_ =	shalt  }
0x64: {  	_ =	shalt  }
0x65: {  	_ =	shalt  }
0x66: {  	_ =	shalt  }
0x67: {  	_ =	shalt  }
0x68: {  	_ =	shalt  }
0x69: {  	_ =	shalt  }
0x6a: {  	_ =	shalt  }
0x6b: {  	_ =	shalt  }
0x6c: {  	_ =	shalt  }
0x6d: {  	_ =	shalt  }
0x6e: {  	_ =	shalt  }
0x6f: {  	_ =	shalt  }
0x70: {  	_ =	shalt  }
0x71: {  	_ =	shalt  }
0x72: {  	_ =	shalt  }
0x73: {  	_ =	shalt  }
0x74: {  	_ =	shalt  }
0x75: {  	_ =	shalt  }
0x76: {  	_ =	shalt  }
0x77: {  	_ =	shalt  }
0x78: {  	_ =	shalt  }
0x79: {  	_ =	shalt  }
0x7a: {  	_ =	shalt  }
0x7b: {  	_ =	shalt  }
0x7c: {  	_ =	shalt  }
0x7d: {  	_ =	shalt  }
0x7e: {  	_ =	shalt  }
0x7f: {  	_ =	shalt  }
0x80: {  	_ =	shalt  }
0x81: {  	_ =	shalt  }
0x82: {  	_ =	shalt  }
0x83: {  	_ =	shalt  }
0x84: {  	_ =	shalt  }
0x85: {  	_ =	shalt  }
0x86: {  	_ =	shalt  }
0x87: {  	_ =	shalt  }
.Lfunc_end0:
.L_simem_size_0:
called_computation.6_lowered:
.L_overlay_start_0:
0x88: {  	s2 =	sld [smem:$0x3FD9]  }
0x89: {  	s3 =	sld [smem:$0x3FFE];
	_ =	sdelay $0x1  }
0x8a: {  	s1 =	srdreg.scid  }
0x8b: {  	s0 =	sand.u32 $0x1, s1  }
0x8c: {  	s15 =	sshll.u32 s0, $0xA;
	s2 =	sadd.s32 s3, s2  }
0x8d: {  	s2 =	sadd.s32 s2, s15  }
0x8e: {  	[smem:$0x3FAB] =	sst s2  }
0x8f: {  	_ = 	snop  }
0x90: {  	s2 =	sld [smem:$0x3FD0];
	_ =	sdelay $0x2  }
0x91: {  	s16 =	simm.s32 $0xB;
	s4 =	simm.s32 $0x10  }
0x92: {  	[smem:s4], [sflag:s16] =	dma.local [hbm:s2], $0x1  }
0x93: {  	_ =	swait.eq [sflag:s16], $0x1  }
0x94: {  	[sflag:s16] =	ssyncset.done $0x0  }
0x95: {  	[sflag:s16] =	ssyncadd.s32 $0xFFFFFFFF  }
0x96: {  	s17 =	sld [smem:$0x11];
	(tm) =	ssettm $0x1  }
0x97: {  	s18 =	sld [smem:$0x3FFB];
	_ =	sdelay $0x3  }
0x98: {  	_ =	strace s18  }
0x99: {  	s2 =	sld [smem:$0x3FFC];
	_ =	sdelay $0x3  }
0x9a: {  	_ =	strace s2  }
0x9b: {  	s2 =	sld [smem:$0x3FFD];
	_ =	sdelay $0x3  }
0x9c: {  	_ =	strace s2  }
0x9d: {  	_ =	strace $0x8FFFFFFF  }
0x9e: {  	s19 =	sld [smem:$0x3FDB];
	_ =	sdelay $0x1  }
0x9f: {  	s20 =	simm.s32 $_scs_section_size  }
0xa0: {  	s5 =	simm.s32 $_size__tile_overlayer_lowered;
	s6 =	simm.s32 $_tile_overlayer_lowered  }
0xa1: {  	s7 =	simm.s32 $0x1BFF;
	s21 =	sshll.u32 s6, $0x1;
	s4 =	sadd.s32 s20, s19  }
0xa2: {  	s22 =	simm.s32 $0x0;
	s5 =	sshll.u32 s5, $0x1;
	s6 =	sadd.s32 s21, s4  }
0xa3: {  	[timem:s22], [sflag:s7] =	dma.local [hbm:s6], s5  }
0xa4: {  	_ =	swait.ge [sflag:s7], s5  }
0xa5: {  	s5 =	ssub.s32 $0x0, s5;
	[sflag:s7] =	ssyncset.done $0x0  }
0xa6: {  	[sflag:s7] =	ssyncadd.s32 s5;
	_ =	sdelay $0x1  }
0xa7: {  	s23 =	simm.s32 $0x1B8B  }
0xa8: {  	_ =	swait.ge [sflag:s23], $0x1  }
0xa9: {  	[sflag:s23] =	ssyncset.done $0x0  }
0xaa: {  	[sflag:s23] =	ssyncadd.s32 $0xFFFFFFFF  }
0xab: {  	s5 =	sld [smem:$0x0]  }
0xac: {  	s6 =	sand.u32 $0xFFFFFFFE, s1  }
0xad: {  	p0 =	sne.s32 s1, s6  }
0xae: {  	s6 =	sshll.u32 @p0 s6, $0xE  }
0xaf: {  	s6 =	sadd.s32 @p0 $0x11B8D, s6;
	s7 =	sshll.u32 @p0 s5, $0x11  }
0xb0: {  	s6 =	sor.u32 @p0 s7, s6  }
0xb1: {  	[sflag:s6] =	ssyncadd.remote.s32 @p0 $0x1;
	_ =	sdelay $0x1  }
0xb2: {  	s6 =	simm.s32 @p0 $0x1B8D  }
0xb3: {  	_ =	swait.eq @p0 [sflag:s6], $0x1  }
0xb4: {  	[sflag:s6] =	ssyncadd.s32 @p0 $0xFFFFFFFF  }
0xb5: {  	s7 =	sshll.u32 @!p0 s1, $0xE  }
0xb6: {  	s7 =	sor.u32 @!p0 $0x4000, s7;
	s6 =	simm.s32 @!p0 $0x1B8D  }
0xb7: {  	s5 =	sshll.u32 @!p0 s5, $0x11;
	s7 =	sadd.s32 @!p0 $0x11B8D, s7;
	_ =	swait.eq @!p0 [sflag:s6], $0x1  }
0xb8: {  	s5 =	sor.u32 @!p0 s5, s7;
	[sflag:s6] =	ssyncadd.s32 @!p0 $0xFFFFFFFF  }
0xb9: {  	s25 =	simm.s32 $0x1B8E;
	s24 =	sld [smem:$0x3FFE];
	[sflag:s5] =	ssyncadd.remote.s32 @!p0 $0x1  }
0xba: {  	s26 =	simm.s32 $execute0_lowered;
	[smem:$0x3FD2] =	sst s25  }
0xbb: {  	s6 =	sshll.u32 s26, $0x1;
	_ =	strace $0x80000055;
	[dreg:$0x1] =	wrdreg $0xFFFFFFFF  }
0xbc: {  	s28 =	simm.s32 $_size_execute0_lowered;
	s4 =	sadd.s32 s4, s6;
	[dreg:$0x0] =	wrdreg $0x0  }
0xbd: {  	s6 =	sshll.u32 s28, $0x1;
	[dreg:$0x2] =	wrdreg s4  }
0xbe: {  	[dreg:$0x3] =	wrdreg s6  }
0xbf: {  	[dreg:$0x4] =	wrdreg $0xC0  }
0xc0: {  	_ =	task [dreg:s22], $0x5FFFF  }
0xc1: {  	[dreg:$0x1] =	wrdreg $0xFFFFFFFF  }
0xc2: {  	[dreg:$0x0] =	wrdreg $0x60  }
0xc3: {  	[dreg:$0x2] =	wrdreg s17  }
0xc4: {  	[dreg:$0x3] =	wrdreg s24  }
0xc5: {  	[dreg:$0x4] =	wrdreg $0xA  }
0xc6: {  	_ =	task.clear_ibuf [dreg:s22], $0x5FFFF;
	_ =	strace $0x90000055  }
0xc7: {  	s29 =	simm.s32 $0xA;
	_ =	strace $0x80000057  }
0xc8: {  	_ =	swait.ge [sflag:s29], $0x1  }
0xc9: {  	[sflag:s29] =	ssyncadd.s32 $0xFFFFFFFF  }
0xca: {  	_ =	strace $0x90000057  }
0xcb: {  	_ =	sfence  }
0xcc: {  	s30 =	sld [smem:$0x0];
	_ =	sdelay $0x2  }
0xcd: {  	s31 =	sshll.u32 s1, $0xD;
	s1 =	sshrl.u32 s1, $0x2  }
0xce: {  	s4 =	sand.u32 $0x4000, s31;
	s1 =	sadd.s32 s1, s30  }
0xcf: {  	s0 =	sor.u32 s4, s0;
	s1 =	sshll.u32 s1, $0x11  }
0xd0: {  	s0 =	sor.u32 s1, s0  }
0xd1: {  	s0 =	sadd.s32 $0x8F2B, s0  }
0xd2: {  	[sflag:s0] =	ssyncadd.remote.s32 $0x1  }
0xd3: {  	_ =	sfence.sel $0xFFFF  }
0xd4: {  	[dreg:$0x0] =	wrdreg $0xFFFFFFFF;
	(pc) =	sbr.abs _section_cstart, $3  }
0xd5: {  	[dreg:$0x1] =	wrdreg $0xFFFFFFFF  }
0xd6: {  	_ =	task.clear_ibuf [dreg:s22], $0x2FFFF;
	_ =	strace $0x9FFFFFFF  }
0xd7: {  	(tm) =	ssettm $0x7FFFFFFF  }
tec
execute0_lowered:
.L_overlay_start_1:
0x0: {  	(tag) =	ssettag $0x1  }
0x1: {  	s1 =	srdreg.scid  }
0x2: {  	s2 =	rddreg [dreg:$0x0];
	s0 =	stileid.u32;
	s14 =	sand.u32 $0x1, s1  }
0x3: {  	s8 =	rddreg [dreg:$0x1];
	s4 =	sshll.u32 s0, $0xC;
	s5 =	sshll.u32 s14, $0xB  }
0x4: {  	s3 =	simm.s32 $0x0;
	s1 =	rddreg [dreg:$0x2];
	s13 =	sor.u32 s5, s4  }
0x5: {  	[smem:$0x7FF] =	sst s3;
	s15 =	sadd.s32 $0xB1400, s8;
	s4 =	sshrl.u32 s13, $0x3  }
0x6: {  	_ =	strace $0x80000056;
	s5 =	sadd.s32 s15, s4;
	s4 =	simm.s32 $0x2  }
0x7: {  	[tilespmem:s3], [sflag:$0x2] =	stream.linear.gather [hbm4b:s5+s3], $0x200, $0x38;
	[tilespmem:$0x10200] =	vst v63  }
0x8: {  	_ =	swait.ge [sflag:s4], $0x200  }
0x9: {  	[sflag:s4] =	ssyncset.done $0x0  }
0xa: {  	s6 =	simm.s32 $0x200;
	s7 =	simm.s32 $0x1;
	[sflag:s4] =	ssyncadd.s32 $0xFFFFFE00  }
0xb: {  	[tilespmem:s6], [sflag:$0x1] =	stream.indirect.gather [hbm4b:s2+s6], $0x80, s3, s6, $0xb8;
	[tilespmem:$0x10200] =	vst v63  }
0xc: {  	_ =	swait.ge [sflag:s7], $0x10000  }
0xd: {  	s16 =	sadd.s32 $0x2AE200, s8;
	s29 =	sshll.u32 s13, $0x4;
	[sflag:s7] =	ssyncset.done $0x0  }
0xe: {  	s8 =	sadd.s32 s16, s29;
	[sflag:s7] =	ssyncadd.s32 $0xFFFF0000  }
0xf: {  	[hbm4b:s8+s3] =	stream.linear.scatter [tilespmem:s6], [sflag:$0x2], $0x10000, $0x38;
	[tilespmem:$0x10200] =	vst v63  }
0x10: {  	s10 =	sor.u32 $0x200, s13;
	_ =	swait.ge [sflag:s4], $0x10000  }
0x11: {  	s9 =	sshrl.u32 s10, $0x3;
	[sflag:s4] =	ssyncset.done $0x0  }
0x12: {  	s9 =	sadd.s32 s15, s9;
	[sflag:s4] =	ssyncadd.s32 $0xFFFF0000  }
0x13: {  	[tilespmem:s3], [sflag:$0x2] =	stream.linear.gather [hbm4b:s9+s3], $0x200, $0x38;
	[tilespmem:$0x10200] =	vst v63  }
0x14: {  	_ =	swait.ge [sflag:s4], $0x200  }
0x15: {  	[sflag:s4] =	ssyncset.done $0x0  }
0x16: {  	[sflag:s4] =	ssyncadd.s32 $0xFFFFFE00  }
0x17: {  	[tilespmem:s6], [sflag:$0x1] =	stream.indirect.gather [hbm4b:s2+s6], $0x80, s3, s6, $0xb8;
	[tilespmem:$0x10200] =	vst v63  }
0x18: {  	_ =	swait.ge [sflag:s7], $0x10000  }
0x19: {  	s10 =	sshll.u32 s10, $0x4;
	[sflag:s7] =	ssyncset.done $0x0  }
0x1a: {  	s10 =	sadd.s32 s16, s10;
	[sflag:s7] =	ssyncadd.s32 $0xFFFF0000  }
0x1b: {  	[hbm4b:s10+s3] =	stream.linear.scatter [tilespmem:s6], [sflag:$0x2], $0x10000, $0x38;
	[tilespmem:$0x10200] =	vst v63  }
0x1c: {  	s12 =	sor.u32 $0x400, s13;
	_ =	swait.ge [sflag:s4], $0x10000  }
0x1d: {  	s11 =	sshrl.u32 s12, $0x3;
	[sflag:s4] =	ssyncset.done $0x0  }
0x1e: {  	s11 =	sadd.s32 s15, s11;
	[sflag:s4] =	ssyncadd.s32 $0xFFFF0000  }
0x1f: {  	[tilespmem:s3], [sflag:$0x2] =	stream.linear.gather [hbm4b:s11+s3], $0x200, $0x38;
	[tilespmem:$0x10200] =	vst v63  }
0x20: {  	_ =	swait.ge [sflag:s4], $0x200  }
0x21: {  	[sflag:s4] =	ssyncset.done $0x0  }
0x22: {  	[sflag:s4] =	ssyncadd.s32 $0xFFFFFE00  }
0x23: {  	[tilespmem:s6], [sflag:$0x1] =	stream.indirect.gather [hbm4b:s2+s6], $0x80, s3, s6, $0xb8;
	[tilespmem:$0x10200] =	vst v63  }
0x24: {  	_ =	swait.ge [sflag:s7], $0x10000  }
0x25: {  	s12 =	sshll.u32 s12, $0x4;
	[sflag:s7] =	ssyncset.done $0x0  }
0x26: {  	s12 =	sadd.s32 s16, s12;
	[sflag:s7] =	ssyncadd.s32 $0xFFFF0000  }
0x27: {  	[hbm4b:s12+s3] =	stream.linear.scatter [tilespmem:s6], [sflag:$0x2], $0x10000, $0x38;
	[tilespmem:$0x10200] =	vst v63  }
0x28: {  	s17 =	sor.u32 $0x600, s13;
	_ =	swait.ge [sflag:s4], $0x10000  }
0x29: {  	s13 =	sshrl.u32 s17, $0x3;
	[sflag:s4] =	ssyncset.done $0x0  }
0x2a: {  	s14 =	ssub.s32 $0x2, s14;
	s13 =	sadd.s32 s15, s13;
	[sflag:s4] =	ssyncadd.s32 $0xFFFF0000  }
0x2b: {  	[tilespmem:s3], [sflag:$0x2] =	stream.linear.gather [hbm4b:s13+s3], $0x200, $0x38;
	[tilespmem:$0x10200] =	vst v63  }
0x2c: {  	s30 =	sshrl.u32 s14, $0x1;
	_ =	swait.ge [sflag:s4], $0x200  }
0x2d: {  	s15 =	ssub.s32 s14, s30;
	[sflag:s4] =	ssyncset.done $0x0  }
0x2e: {  	s15 =	smax.u32 s15, $0x1;
	[sflag:s4] =	ssyncadd.s32 $0xFFFFFE00  }
0x2f: {  	[tilespmem:s6], [sflag:$0x1] =	stream.indirect.gather [hbm4b:s2+s6], $0x80, s3, s6, $0xb8;
	[tilespmem:$0x10200] =	vst v63  }
0x30: {  	p0 =	sne.s32 s15, $0x1;
	_ =	swait.ge [sflag:s7], $0x10000  }
.Ltmp0:
0x31: {  	s31 =	sshll.u32 s17, $0x4;
	[sflag:s7] =	ssyncset.done $0x0;
	(pc) =	sbr.rel @!p0 .LBB2_2-.Ltmp0, $4  }
0x32: {  	s14 =	sadd.s32 s16, s31;
	[sflag:s7] =	ssyncadd.s32 $0xFFFF0000  }
0x33: {  	[hbm4b:s14+s3] =	stream.linear.scatter [tilespmem:s6], [sflag:$0x2], $0x10000, $0x38;
	[tilespmem:$0x10200] =	vst v63  }
0x34: {  	_ =	swait.ge [sflag:s4], $0x10000  }
0x35: {  	s15 =	sadd.s32 $0xFFFFFFFF, s15;
	[sflag:s4] =	ssyncset.done $0x0  }
.LBB2_1:
0x36: {  	p0 =	sne.s32 s15, $0x1;
	s15 =	sadd.s32 $0xFFFFFFFF, s15;
	[sflag:s4] =	ssyncadd.s32 $0xFFFF0000  }
0x37: {  	[tilespmem:s3], [sflag:$0x2] =	stream.linear.gather [hbm4b:s5+s3], $0x200, $0x38;
	[tilespmem:$0x10200] =	vst v63  }
0x38: {  	_ =	swait.ge [sflag:s4], $0x200  }
0x39: {  	[sflag:s4] =	ssyncset.done $0x0  }
0x3a: {  	[sflag:s4] =	ssyncadd.s32 $0xFFFFFE00  }
0x3b: {  	[tilespmem:s6], [sflag:$0x1] =	stream.indirect.gather [hbm4b:s2+s6], $0x80, s3, s6, $0xb8;
	[tilespmem:$0x10200] =	vst v63  }
0x3c: {  	_ =	swait.ge [sflag:s7], $0x10000  }
0x3d: {  	[sflag:s7] =	ssyncset.done $0x0  }
0x3e: {  	[sflag:s7] =	ssyncadd.s32 $0xFFFF0000  }
0x3f: {  	[hbm4b:s8+s3] =	stream.linear.scatter [tilespmem:s6], [sflag:$0x2], $0x10000, $0x38;
	[tilespmem:$0x10200] =	vst v63  }
0x40: {  	_ =	swait.ge [sflag:s4], $0x10000  }
0x41: {  	[sflag:s4] =	ssyncset.done $0x0  }
0x42: {  	[sflag:s4] =	ssyncadd.s32 $0xFFFF0000  }
0x43: {  	[tilespmem:s3], [sflag:$0x2] =	stream.linear.gather [hbm4b:s9+s3], $0x200, $0x38;
	[tilespmem:$0x10200] =	vst v63  }
0x44: {  	_ =	swait.ge [sflag:s4], $0x200  }
0x45: {  	[sflag:s4] =	ssyncset.done $0x0  }
0x46: {  	[sflag:s4] =	ssyncadd.s32 $0xFFFFFE00  }
0x47: {  	[tilespmem:s6], [sflag:$0x1] =	stream.indirect.gather [hbm4b:s2+s6], $0x80, s3, s6, $0xb8;
	[tilespmem:$0x10200] =	vst v63  }
0x48: {  	_ =	swait.ge [sflag:s7], $0x10000  }
0x49: {  	[sflag:s7] =	ssyncset.done $0x0  }
0x4a: {  	[sflag:s7] =	ssyncadd.s32 $0xFFFF0000  }
0x4b: {  	[hbm4b:s10+s3] =	stream.linear.scatter [tilespmem:s6], [sflag:$0x2], $0x10000, $0x38;
	[tilespmem:$0x10200] =	vst v63  }
0x4c: {  	_ =	swait.ge [sflag:s4], $0x10000  }
0x4d: {  	[sflag:s4] =	ssyncset.done $0x0  }
0x4e: {  	[sflag:s4] =	ssyncadd.s32 $0xFFFF0000  }
0x4f: {  	[tilespmem:s3], [sflag:$0x2] =	stream.linear.gather [hbm4b:s11+s3], $0x200, $0x38;
	[tilespmem:$0x10200] =	vst v63  }
0x50: {  	_ =	swait.ge [sflag:s4], $0x200  }
0x51: {  	[sflag:s4] =	ssyncset.done $0x0  }
0x52: {  	[sflag:s4] =	ssyncadd.s32 $0xFFFFFE00  }
0x53: {  	[tilespmem:s6], [sflag:$0x1] =	stream.indirect.gather [hbm4b:s2+s6], $0x80, s3, s6, $0xb8;
	[tilespmem:$0x10200] =	vst v63  }
0x54: {  	_ =	swait.ge [sflag:s7], $0x10000  }
0x55: {  	[sflag:s7] =	ssyncset.done $0x0  }
0x56: {  	[sflag:s7] =	ssyncadd.s32 $0xFFFF0000  }
0x57: {  	[hbm4b:s12+s3] =	stream.linear.scatter [tilespmem:s6], [sflag:$0x2], $0x10000, $0x38;
	[tilespmem:$0x10200] =	vst v63  }
0x58: {  	_ =	swait.ge [sflag:s4], $0x10000  }
0x59: {  	[sflag:s4] =	ssyncset.done $0x0  }
0x5a: {  	[sflag:s4] =	ssyncadd.s32 $0xFFFF0000  }
0x5b: {  	[tilespmem:s3], [sflag:$0x2] =	stream.linear.gather [hbm4b:s13+s3], $0x200, $0x38;
	[tilespmem:$0x10200] =	vst v63  }
0x5c: {  	_ =	swait.ge [sflag:s4], $0x200  }
0x5d: {  	[sflag:s4] =	ssyncset.done $0x0  }
0x5e: {  	[sflag:s4] =	ssyncadd.s32 $0xFFFFFE00  }
0x5f: {  	[tilespmem:s6], [sflag:$0x1] =	stream.indirect.gather [hbm4b:s2+s6], $0x80, s3, s6, $0xb8;
	[tilespmem:$0x10200] =	vst v63  }
0x60: {  	_ =	swait.ge [sflag:s7], $0x10000  }
.Ltmp1:
0x61: {  	[sflag:s7] =	ssyncset.done $0x0;
	(pc) =	sbr.rel @p0 .LBB2_1-.Ltmp1, $4  }
0x62: {  	[sflag:s7] =	ssyncadd.s32 $0xFFFF0000  }
0x63: {  	[hbm4b:s14+s3] =	stream.linear.scatter [tilespmem:s6], [sflag:$0x2], $0x10000, $0x38;
	[tilespmem:$0x10200] =	vst v63  }
0x64: {  	_ =	swait.ge [sflag:s4], $0x10000  }
0x65: {  	[sflag:s4] =	ssyncset.done $0x0  }
.LBB2_2:
0x66: {  	[sflag:s4] =	ssyncadd.s32 $0xFFFF0000  }
0x67: {  	_ =	sfence.sel $0x180000  }
0x68: {  	[bflag:$0x0] =	sbarrier.arrive $0xFFFF  }
0x69: {  	p0 =	sne.s32 s0, $0x0;
	_ =	strace $0x90000056  }
0x6a: {  	s0 =	sadd.s32 @!p0 $0x100000, s1;
	[bflag:$0x2] =	sbarrier.arrive $0xFFFF  }
0x6b: {  	[sflag:s0] =	ssyncadd.tile.s32 @!p0 $0x1;
	_ =	shalt  }
.Lfunc_end2:
_tile_overlayer_lowered:
.L_overlay_start_2:
0x6c: {  	(tag) =	ssettag $0x2  }
0x6d: {  	s0 =	rddreg [dreg:$0x0];
	s2 =	stileid.u32  }
0x6e: {  	s1 =	rddreg [dreg:$0x1];
	p0 =	sne.s32 s2, $0x0  }
0x6f: {  	s3 =	rddreg [dreg:$0x2];
	[bflag:$0x3] =	sbarrier.arrive $0xFFFF;
	s2 =	simm.s32 @!p0 $0x1C02  }
0x70: {  	[timem:s3], [sflag:s2] =	dma.local @!p0 [hbm:s0], s1  }
0x71: {  	s0 =	simm.s32 @!p0 $0x2  }
0x72: {  	_ =	swait.ge @!p0 [sflag:s0], s1  }
0x73: {  	s1 =	ssub.s32 @!p0 $0x0, s1;
	[sflag:s0] =	ssyncset.done @!p0 $0x0  }
0x74: {  	[sflag:s0] =	ssyncadd.s32 @!p0 s1  }
0x75: {  	[bflag:$0x3] =	sbarrier.arrive $0xFFFF  }
0x76: {  	_ =	shalt  }

// kernel: kernel.65.cloned.1.call-start
scs
__scs_entry_jumppad:
0x0: {  	(pc) =	sbr.rel $0x88, $3  }
0x1: {  	(tag) =	ssettag $0x0;
	lr =	simm.s32 $0x1  }
0x2: {  	[smem:$0x3F84] =	sst lr;
	_ =	strace $0xD0000000  }
0x3: {  	_ = 	snop  }
0x4: {  	_ = 	snop  }
0x5: {  	_ = 	snop  }
0x6: {  	_ = 	snop  }
0x7: {  	_ = 	snop  }
__scs_overlays_trampoline_lowered:
0x8: {  	[smem:$0x3F93] =	sst s0  }
0x9: {  	[smem:$0x3F94] =	sst s1  }
0xa: {  	[smem:$0x3F95] =	sst s2  }
0xb: {  	[smem:$0x3F96] =	sst s3  }
0xc: {  	[smem:$0x3F97] =	sst s4  }
0xd: {  	[smem:$0x3F98] =	sst s5  }
0xe: {  	[smem:$0x3F99] =	sst s6  }
0xf: {  	[smem:$0x3F9A] =	sst s7  }
0x10: {  	[smem:$0x3F9B] =	sst s8  }
0x11: {  	[smem:$0x3F9C] =	sst s9;
	s0 =	simm.s32 @!p0 $0x0  }
0x12: {  	s1 =	sld [smem:$0x3F82];
	s0 =	simm.s32 @p0 $0x1  }
0x13: {  	[smem:$0x3F9D] =	sst s0;
	s0 =	simm.s32 @!p1 $0x0  }
0x14: {  	s2 =	sld [smem:$0x3F81];
	s0 =	simm.s32 @p1 $0x1  }
0x15: {  	[smem:$0x3F9E] =	sst s0;
	s0 =	simm.s32 @!p2 $0x0  }
0x16: {  	s3 =	sld [smem:$0x3FDB];
	s0 =	simm.s32 @p2 $0x1  }
0x17: {  	s4 =	simm.s32 $0x1BF5;
	[smem:$0x3FA0] =	sst s0  }
0x18: {  	s0 =	sld [smem:$0x3F83];
	_ =	swait.ge [sflag:s4], $0x0  }
0x19: {  	s7 =	sld [smem:$0x3F84]  }
0x1a: {  	s8 =	sadd.s32 $0xFFFFE003, lr  }
0x1b: {  	s9 =	sadd.s32 $0xFFFFFEF7, lr;
	s5 =	simm.s32 $0xFFFFFFFF;
	p2 =	slt.u32 s8, $0xFFFFF086  }
0x1c: {  	p1 =	slt.u32 s9, $0xF7A;
	s5 =	simm.s32 @!p2 $0x0  }
0x1d: {  	s5 =	simm.s32 @p1 $0x1;
	p0 =	seq.s32 s7, s2  }
0x1e: {  	s7 =	smul.u32 @!p0 $0xF7A, s2;
	p2 =	seq.s32 @!p0 s5, $0x0  }
0x1f: {  	s9 =	smul.u32 $0xF7A, s1;
	s8 =	simm.s32 @!p0 $0x1BF5;
	p2 =	por !p2, p0  }
0x20: {  	[sflag:s8] =	ssyncset.s32 @!p0 $0xFFFFF086;
	s6 =	sadd.s32 @!p0 s3, s7;
	s7 =	simm.s32 @!p0 $0x108  }
0x21: {  	s3 =	sadd.s32 s3, s9;
	s6 =	sadd.s32 @!p0 $0x88, s6;
	s7 =	simm.s32 @p2 $0x1082  }
0x22: {  	[simem:s7], [sflag:s8] =	dma.local @!p0 [hbm:s6], $0xF7A  }
0x23: {  	s9 =	sor.u32 $0xD0000000, s2;
	s6 =	simm.s32 $0x108;
	_ =	swait.ge @!p0 [sflag:s8], $0x0  }
0x24: {  	s3 =	sadd.s32 $0x88, s3;
	s6 =	simm.s32 @!p1 $0x1082;
	[sflag:s4] =	ssyncset.s32 $0xFFFFF086  }
0x25: {  	[simem:s6], [sflag:s4] =	dma.local [hbm:s3], $0xF7A  }
0x26: {  	[smem:$0x3F84] =	sst s1;
	(tag) =	ssettag s2;
	_ =	strace s9  }
0x27: {  	s1 =	sld [smem:$0x3F94]  }
0x28: {  	s2 =	sld [smem:$0x3F95]  }
0x29: {  	s4 =	sld [smem:$0x3F97]  }
0x2a: {  	p0 =	seq.s32 s5, $0x0;
	s5 =	sld [smem:$0x3F98]  }
0x2b: {  	s6 =	sld [smem:$0x3F99]  }
0x2c: {  	s7 =	sld [smem:$0x3F9A]  }
0x2d: {  	s3 =	simm.s32 $0x108;
	s8 =	sld [smem:$0x3F9B]  }
0x2e: {  	s3 =	simm.s32 @!p0 $0x1082;
	s9 =	sld [smem:$0x3F9C]  }
0x2f: {  	lr =	sadd.s32 s0, s3;
	s0 =	sld [smem:$0x3F93]  }
0x30: {  	s3 =	sld [smem:$0x3F96]  }
0x31: {  	[smem:$0x3F9F] =	sst s10  }
0x32: {  	s10 =	sld [smem:$0x3F9D];
	_ =	sdelay $0x3  }
0x33: {  	p0 =	seq.s32 s10, $0x1;
	s10 =	sld [smem:$0x3F9F];
	_ =	sdelay $0x3  }
0x34: {  	[smem:$0x3F9F] =	sst s10  }
0x35: {  	s10 =	sld [smem:$0x3F9E];
	_ =	sdelay $0x3  }
0x36: {  	p1 =	seq.s32 s10, $0x1;
	s10 =	sld [smem:$0x3F9F];
	_ =	sdelay $0x3  }
0x37: {  	[smem:$0x3F9F] =	sst s10  }
0x38: {  	s10 =	sld [smem:$0x3FA0]  }
0x39: {  	_ = 	snop;
	(pc) =	sbr.ind lr, $3  }
0x3a: {  	_ = 	snop  }
0x3b: {  	_ = 	snop  }
0x3c: {  	p2 =	seq.s32 s10, $0x1;
	s10 =	sld [smem:$0x3F9F]  }
0x3d: {  	_ =	shalt  }
0x3e: {  	_ =	shalt  }
0x3f: {  	_ =	shalt  }
0x40: {  	_ =	shalt  }
0x41: {  	_ =	shalt  }
0x42: {  	_ =	shalt  }
0x43: {  	_ =	shalt  }
0x44: {  	_ =	shalt  }
0x45: {  	_ =	shalt  }
0x46: {  	_ =	shalt  }
0x47: {  	_ =	shalt  }
0x48: {  	_ =	shalt  }
0x49: {  	_ =	shalt  }
0x4a: {  	_ =	shalt  }
0x4b: {  	_ =	shalt  }
0x4c: {  	_ =	shalt  }
0x4d: {  	_ =	shalt  }
0x4e: {  	_ =	shalt  }
0x4f: {  	_ =	shalt  }
0x50: {  	_ =	shalt  }
0x51: {  	_ =	shalt  }
0x52: {  	_ =	shalt  }
0x53: {  	_ =	shalt  }
0x54: {  	_ =	shalt  }
0x55: {  	_ =	shalt  }
0x56: {  	_ =	shalt  }
0x57: {  	_ =	shalt  }
0x58: {  	_ =	shalt  }
0x59: {  	_ =	shalt  }
0x5a: {  	_ =	shalt  }
0x5b: {  	_ =	shalt  }
0x5c: {  	_ =	shalt  }
0x5d: {  	_ =	shalt  }
0x5e: {  	_ =	shalt  }
0x5f: {  	_ =	shalt  }
0x60: {  	_ =	shalt  }
0x61: {  	_ =	shalt  }
0x62: {  	_ =	shalt  }
0x63: {  	_ =	shalt  }
0x64: {  	_ =	shalt  }
0x65: {  	_ =	shalt  }
0x66: {  	_ =	shalt  }
0x67: {  	_ =	shalt  }
0x68: {  	_ =	shalt  }
0x69: {  	_ =	shalt  }
0x6a: {  	_ =	shalt  }
0x6b: {  	_ =	shalt  }
0x6c: {  	_ =	shalt  }
0x6d: {  	_ =	shalt  }
0x6e: {  	_ =	shalt  }
0x6f: {  	_ =	shalt  }
0x70: {  	_ =	shalt  }
0x71: {  	_ =	shalt  }
0x72: {  	_ =	shalt  }
0x73: {  	_ =	shalt  }
0x74: {  	_ =	shalt  }
0x75: {  	_ =	shalt  }
0x76: {  	_ =	shalt  }
0x77: {  	_ =	shalt  }
0x78: {  	_ =	shalt  }
0x79: {  	_ =	shalt  }
0x7a: {  	_ =	shalt  }
0x7b: {  	_ =	shalt  }
0x7c: {  	_ =	shalt  }
0x7d: {  	_ =	shalt  }
0x7e: {  	_ =	shalt  }
0x7f: {  	_ =	shalt  }
0x80: {  	_ =	shalt  }
0x81: {  	_ =	shalt  }
0x82: {  	_ =	shalt  }
0x83: {  	_ =	shalt  }
0x84: {  	_ =	shalt  }
0x85: {  	_ =	shalt  }
0x86: {  	_ =	shalt  }
0x87: {  	_ =	shalt  }
.Lfunc_end0:
.L_simem_size_0:
called_computation.7_lowered:
.L_overlay_start_0:
0x88: {  	s2 =	sld [smem:$0x3FD9]  }
0x89: {  	s3 =	sld [smem:$0x3FFE];
	_ =	sdelay $0x1  }
0x8a: {  	s1 =	srdreg.scid  }
0x8b: {  	s0 =	sand.u32 $0x1, s1  }
0x8c: {  	s15 =	sshll.u32 s0, $0xA;
	s2 =	sadd.s32 s3, s2  }
0x8d: {  	s2 =	sadd.s32 s2, s15  }
0x8e: {  	[smem:$0x3FAB] =	sst s2  }
0x8f: {  	_ = 	snop  }
0x90: {  	s2 =	sld [smem:$0x3FD0];
	_ =	sdelay $0x2  }
0x91: {  	s16 =	simm.s32 $0xB;
	s4 =	simm.s32 $0x10  }
0x92: {  	[smem:s4], [sflag:s16] =	dma.local [hbm:s2], $0x1  }
0x93: {  	_ =	swait.eq [sflag:s16], $0x1  }
0x94: {  	[sflag:s16] =	ssyncset.done $0x0  }
0x95: {  	[sflag:s16] =	ssyncadd.s32 $0xFFFFFFFF  }
0x96: {  	s17 =	sld [smem:$0x10];
	(tm) =	ssettm $0x1  }
0x97: {  	s18 =	sld [smem:$0x3FFB];
	_ =	sdelay $0x3  }
0x98: {  	_ =	strace s18  }
0x99: {  	s2 =	sld [smem:$0x3FFC];
	_ =	sdelay $0x3  }
0x9a: {  	_ =	strace s2  }
0x9b: {  	s2 =	sld [smem:$0x3FFD];
	_ =	sdelay $0x3  }
0x9c: {  	_ =	strace s2  }
0x9d: {  	_ =	strace $0x8FFFFFFF  }
0x9e: {  	s19 =	sld [smem:$0x3FDB];
	_ =	sdelay $0x1  }
0x9f: {  	s20 =	simm.s32 $_scs_section_size  }
0xa0: {  	s5 =	simm.s32 $_size__tile_overlayer_lowered;
	s6 =	simm.s32 $_tile_overlayer_lowered  }
0xa1: {  	s7 =	simm.s32 $0x1BFF;
	s21 =	sshll.u32 s6, $0x1;
	s4 =	sadd.s32 s20, s19  }
0xa2: {  	s22 =	simm.s32 $0x0;
	s5 =	sshll.u32 s5, $0x1;
	s6 =	sadd.s32 s21, s4  }
0xa3: {  	[timem:s22], [sflag:s7] =	dma.local [hbm:s6], s5  }
0xa4: {  	_ =	swait.ge [sflag:s7], s5  }
0xa5: {  	s5 =	ssub.s32 $0x0, s5;
	[sflag:s7] =	ssyncset.done $0x0  }
0xa6: {  	[sflag:s7] =	ssyncadd.s32 s5;
	_ =	sdelay $0x1  }
0xa7: {  	s23 =	simm.s32 $0x1B8B  }
0xa8: {  	_ =	swait.ge [sflag:s23], $0x1  }
0xa9: {  	[sflag:s23] =	ssyncset.done $0x0  }
0xaa: {  	[sflag:s23] =	ssyncadd.s32 $0xFFFFFFFF  }
0xab: {  	s5 =	sld [smem:$0x0]  }
0xac: {  	s6 =	sand.u32 $0xFFFFFFFE, s1  }
0xad: {  	p0 =	sne.s32 s1, s6  }
0xae: {  	s6 =	sshll.u32 @p0 s6, $0xE  }
0xaf: {  	s6 =	sadd.s32 @p0 $0x11B8D, s6;
	s7 =	sshll.u32 @p0 s5, $0x11  }
0xb0: {  	s6 =	sor.u32 @p0 s7, s6  }
0xb1: {  	[sflag:s6] =	ssyncadd.remote.s32 @p0 $0x1;
	_ =	sdelay $0x1  }
0xb2: {  	s6 =	simm.s32 @p0 $0x1B8D  }
0xb3: {  	_ =	swait.eq @p0 [sflag:s6], $0x1  }
0xb4: {  	[sflag:s6] =	ssyncadd.s32 @p0 $0xFFFFFFFF  }
0xb5: {  	s7 =	sshll.u32 @!p0 s1, $0xE  }
0xb6: {  	s7 =	sor.u32 @!p0 $0x4000, s7;
	s6 =	simm.s32 @!p0 $0x1B8D  }
0xb7: {  	s5 =	sshll.u32 @!p0 s5, $0x11;
	s7 =	sadd.s32 @!p0 $0x11B8D, s7;
	_ =	swait.eq @!p0 [sflag:s6], $0x1  }
0xb8: {  	s5 =	sor.u32 @!p0 s5, s7;
	[sflag:s6] =	ssyncadd.s32 @!p0 $0xFFFFFFFF  }
0xb9: {  	s25 =	simm.s32 $0x1B8E;
	s24 =	sld [smem:$0x3FFE];
	[sflag:s5] =	ssyncadd.remote.s32 @!p0 $0x1  }
0xba: {  	s26 =	simm.s32 $execute0_lowered;
	[smem:$0x3FD2] =	sst s25  }
0xbb: {  	s6 =	sshll.u32 s26, $0x1;
	_ =	strace $0x8000005B;
	[dreg:$0x1] =	wrdreg $0xFFFFFFFF  }
0xbc: {  	s28 =	simm.s32 $_size_execute0_lowered;
	s4 =	sadd.s32 s4, s6;
	[dreg:$0x0] =	wrdreg $0x0  }
0xbd: {  	s6 =	sshll.u32 s28, $0x1;
	[dreg:$0x2] =	wrdreg s4  }
0xbe: {  	[dreg:$0x3] =	wrdreg s6  }
0xbf: {  	[dreg:$0x4] =	wrdreg $0xC0  }
0xc0: {  	_ =	task [dreg:s22], $0x5FFFF  }
0xc1: {  	[dreg:$0x1] =	wrdreg $0xFFFFFFFF  }
0xc2: {  	[dreg:$0x0] =	wrdreg $0x60  }
0xc3: {  	[dreg:$0x2] =	wrdreg s24  }
0xc4: {  	[dreg:$0x3] =	wrdreg s17  }
0xc5: {  	[dreg:$0x4] =	wrdreg $0xA  }
0xc6: {  	_ =	task.clear_ibuf [dreg:s22], $0x5FFFF;
	_ =	strace $0x9000005B  }
0xc7: {  	s29 =	simm.s32 $0xA;
	_ =	strace $0x8000005D  }
0xc8: {  	_ =	swait.ge [sflag:s29], $0x1  }
0xc9: {  	[sflag:s29] =	ssyncadd.s32 $0xFFFFFFFF  }
0xca: {  	_ =	strace $0x9000005D  }
0xcb: {  	_ =	sfence  }
0xcc: {  	s30 =	sld [smem:$0x0];
	_ =	sdelay $0x2  }
0xcd: {  	s31 =	sshll.u32 s1, $0xD;
	s1 =	sshrl.u32 s1, $0x2  }
0xce: {  	s4 =	sand.u32 $0x4000, s31;
	s1 =	sadd.s32 s1, s30  }
0xcf: {  	s0 =	sor.u32 s4, s0;
	s1 =	sshll.u32 s1, $0x11  }
0xd0: {  	s0 =	sor.u32 s1, s0  }
0xd1: {  	s0 =	sadd.s32 $0x8F2B, s0  }
0xd2: {  	[sflag:s0] =	ssyncadd.remote.s32 $0x1  }
0xd3: {  	_ =	sfence.sel $0xFFFF  }
0xd4: {  	[dreg:$0x0] =	wrdreg $0xFFFFFFFF;
	(pc) =	sbr.abs _section_cstart, $3  }
0xd5: {  	[dreg:$0x1] =	wrdreg $0xFFFFFFFF  }
0xd6: {  	_ =	task.clear_ibuf [dreg:s22], $0x2FFFF;
	_ =	strace $0x9FFFFFFF  }
0xd7: {  	(tm) =	ssettm $0x7FFFFFFF  }
tec
execute0_lowered:
.L_overlay_start_1:
0x0: {  	(tag) =	ssettag $0x1  }
0x1: {  	s1 =	srdreg.scid;
	s0 =	stileid.u32  }
0x2: {  	s12 =	sand.u32 $0x1, s1;
	s26 =	sshll.u32 s0, $0x1  }
0x3: {  	s8 =	rddreg [dreg:$0x0];
	s9 =	sor.u32 s12, s26  }
0x4: {  	s11 =	rddreg [dreg:$0x1];
	s13 =	smul.u32 $0x600, s9  }
0x5: {  	s2 =	simm.s32 $0x0;
	s1 =	rddreg [dreg:$0x2]  }
0x6: {  	[smem:$0x7FF] =	sst s2;
	s3 =	sshrl.u32 s13, $0x3  }
0x7: {  	_ =	strace $0x8000005C;
	s4 =	sadd.s32 s11, s3;
	s3 =	simm.s32 $0x2  }
0x8: {  	[tilespmem:s2], [sflag:$0x2] =	stream.linear.gather [hbm4b:s4+s2], $0x200, $0x38;
	[tilespmem:$0x10200] =	vst v63  }
0x9: {  	_ =	swait.ge [sflag:s3], $0x200  }
0xa: {  	s6 =	simm.s32 $0x200;
	[sflag:s3] =	ssyncset.done $0x0  }
0xb: {  	s7 =	simm.s32 $0x1;
	s5 =	sadd.s32 $0x16E200, s8;
	[sflag:s3] =	ssyncadd.s32 $0xFFFFFE00  }
0xc: {  	[tilespmem:s6], [sflag:$0x1] =	stream.indirect.gather [hbm4b:s5+s6], $0x80, s2, s6, $0xb8;
	[tilespmem:$0x10200] =	vst v63  }
0xd: {  	s9 =	smul.u32 $0x6000, s9;
	_ =	swait.ge [sflag:s7], $0x10000  }
0xe: {  	s14 =	sadd.s32 $0x24E200, s8;
	[sflag:s7] =	ssyncset.done $0x0  }
0xf: {  	s8 =	sadd.s32 s14, s9;
	[sflag:s7] =	ssyncadd.s32 $0xFFFF0000  }
0x10: {  	[hbm4b:s8+s2] =	stream.linear.scatter [tilespmem:s6], [sflag:$0x2], $0x10000, $0x38;
	[tilespmem:$0x10200] =	vst v63  }
0x11: {  	s10 =	sadd.s32 $0x200, s13;
	_ =	swait.ge [sflag:s3], $0x10000  }
0x12: {  	s28 =	sshrl.u32 s10, $0x3;
	[sflag:s3] =	ssyncset.done $0x0  }
0x13: {  	s9 =	sadd.s32 s11, s28;
	[sflag:s3] =	ssyncadd.s32 $0xFFFF0000  }
0x14: {  	[tilespmem:s2], [sflag:$0x2] =	stream.linear.gather [hbm4b:s9+s2], $0x200, $0x38;
	[tilespmem:$0x10200] =	vst v63  }
0x15: {  	_ =	swait.ge [sflag:s3], $0x200  }
0x16: {  	[sflag:s3] =	ssyncset.done $0x0  }
0x17: {  	[sflag:s3] =	ssyncadd.s32 $0xFFFFFE00  }
0x18: {  	[tilespmem:s6], [sflag:$0x1] =	stream.indirect.gather [hbm4b:s5+s6], $0x80, s2, s6, $0xb8;
	[tilespmem:$0x10200] =	vst v63  }
0x19: {  	_ =	swait.ge [sflag:s7], $0x10000  }
0x1a: {  	s10 =	sshll.u32 s10, $0x4;
	[sflag:s7] =	ssyncset.done $0x0  }
0x1b: {  	s10 =	sadd.s32 s14, s10;
	[sflag:s7] =	ssyncadd.s32 $0xFFFF0000  }
0x1c: {  	[hbm4b:s10+s2] =	stream.linear.scatter [tilespmem:s6], [sflag:$0x2], $0x10000, $0x38;
	[tilespmem:$0x10200] =	vst v63  }
0x1d: {  	s13 =	sadd.s32 $0x400, s13;
	_ =	swait.ge [sflag:s3], $0x10000  }
0x1e: {  	s15 =	sshrl.u32 s13, $0x3;
	[sflag:s3] =	ssyncset.done $0x0  }
0x1f: {  	s12 =	ssub.s32 $0x2, s12;
	s11 =	sadd.s32 s11, s15;
	[sflag:s3] =	ssyncadd.s32 $0xFFFF0000  }
0x20: {  	[tilespmem:s2], [sflag:$0x2] =	stream.linear.gather [hbm4b:s11+s2], $0x200, $0x38;
	[tilespmem:$0x10200] =	vst v63  }
0x21: {  	s29 =	sshrl.u32 s12, $0x1;
	_ =	swait.ge [sflag:s3], $0x200  }
0x22: {  	s15 =	ssub.s32 s12, s29;
	[sflag:s3] =	ssyncset.done $0x0  }
0x23: {  	s31 =	smax.u32 s15, $0x1;
	[sflag:s3] =	ssyncadd.s32 $0xFFFFFE00  }
0x24: {  	[tilespmem:s6], [sflag:$0x1] =	stream.indirect.gather [hbm4b:s5+s6], $0x80, s2, s6, $0xb8;
	[tilespmem:$0x10200] =	vst v63  }
0x25: {  	p0 =	sne.s32 s31, $0x1;
	_ =	swait.ge [sflag:s7], $0x10000  }
.Ltmp0:
0x26: {  	s30 =	sshll.u32 s13, $0x4;
	[sflag:s7] =	ssyncset.done $0x0;
	(pc) =	sbr.rel @!p0 .LBB2_2-.Ltmp0, $4  }
0x27: {  	s12 =	sadd.s32 s14, s30;
	[sflag:s7] =	ssyncadd.s32 $0xFFFF0000  }
0x28: {  	[hbm4b:s12+s2] =	stream.linear.scatter [tilespmem:s6], [sflag:$0x2], $0x10000, $0x38;
	[tilespmem:$0x10200] =	vst v63  }
0x29: {  	_ =	swait.ge [sflag:s3], $0x10000  }
0x2a: {  	s13 =	sadd.s32 $0xFFFFFFFF, s31;
	[sflag:s3] =	ssyncset.done $0x0  }
.LBB2_1:
0x2b: {  	p0 =	sne.s32 s13, $0x1;
	s13 =	sadd.s32 $0xFFFFFFFF, s13;
	[sflag:s3] =	ssyncadd.s32 $0xFFFF0000  }
0x2c: {  	[tilespmem:s2], [sflag:$0x2] =	stream.linear.gather [hbm4b:s4+s2], $0x200, $0x38;
	[tilespmem:$0x10200] =	vst v63  }
0x2d: {  	_ =	swait.ge [sflag:s3], $0x200  }
0x2e: {  	[sflag:s3] =	ssyncset.done $0x0  }
0x2f: {  	[sflag:s3] =	ssyncadd.s32 $0xFFFFFE00  }
0x30: {  	[tilespmem:s6], [sflag:$0x1] =	stream.indirect.gather [hbm4b:s5+s6], $0x80, s2, s6, $0xb8;
	[tilespmem:$0x10200] =	vst v63  }
0x31: {  	_ =	swait.ge [sflag:s7], $0x10000  }
0x32: {  	[sflag:s7] =	ssyncset.done $0x0  }
0x33: {  	[sflag:s7] =	ssyncadd.s32 $0xFFFF0000  }
0x34: {  	[hbm4b:s8+s2] =	stream.linear.scatter [tilespmem:s6], [sflag:$0x2], $0x10000, $0x38;
	[tilespmem:$0x10200] =	vst v63  }
0x35: {  	_ =	swait.ge [sflag:s3], $0x10000  }
0x36: {  	[sflag:s3] =	ssyncset.done $0x0  }
0x37: {  	[sflag:s3] =	ssyncadd.s32 $0xFFFF0000  }
0x38: {  	[tilespmem:s2], [sflag:$0x2] =	stream.linear.gather [hbm4b:s9+s2], $0x200, $0x38;
	[tilespmem:$0x10200] =	vst v63  }
0x39: {  	_ =	swait.ge [sflag:s3], $0x200  }
0x3a: {  	[sflag:s3] =	ssyncset.done $0x0  }
0x3b: {  	[sflag:s3] =	ssyncadd.s32 $0xFFFFFE00  }
0x3c: {  	[tilespmem:s6], [sflag:$0x1] =	stream.indirect.gather [hbm4b:s5+s6], $0x80, s2, s6, $0xb8;
	[tilespmem:$0x10200] =	vst v63  }
0x3d: {  	_ =	swait.ge [sflag:s7], $0x10000  }
0x3e: {  	[sflag:s7] =	ssyncset.done $0x0  }
0x3f: {  	[sflag:s7] =	ssyncadd.s32 $0xFFFF0000  }
0x40: {  	[hbm4b:s10+s2] =	stream.linear.scatter [tilespmem:s6], [sflag:$0x2], $0x10000, $0x38;
	[tilespmem:$0x10200] =	vst v63  }
0x41: {  	_ =	swait.ge [sflag:s3], $0x10000  }
0x42: {  	[sflag:s3] =	ssyncset.done $0x0  }
0x43: {  	[sflag:s3] =	ssyncadd.s32 $0xFFFF0000  }
0x44: {  	[tilespmem:s2], [sflag:$0x2] =	stream.linear.gather [hbm4b:s11+s2], $0x200, $0x38;
	[tilespmem:$0x10200] =	vst v63  }
0x45: {  	_ =	swait.ge [sflag:s3], $0x200  }
0x46: {  	[sflag:s3] =	ssyncset.done $0x0  }
0x47: {  	[sflag:s3] =	ssyncadd.s32 $0xFFFFFE00  }
0x48: {  	[tilespmem:s6], [sflag:$0x1] =	stream.indirect.gather [hbm4b:s5+s6], $0x80, s2, s6, $0xb8;
	[tilespmem:$0x10200] =	vst v63  }
0x49: {  	_ =	swait.ge [sflag:s7], $0x10000  }
.Ltmp1:
0x4a: {  	[sflag:s7] =	ssyncset.done $0x0;
	(pc) =	sbr.rel @p0 .LBB2_1-.Ltmp1, $4  }
0x4b: {  	[sflag:s7] =	ssyncadd.s32 $0xFFFF0000  }
0x4c: {  	[hbm4b:s12+s2] =	stream.linear.scatter [tilespmem:s6], [sflag:$0x2], $0x10000, $0x38;
	[tilespmem:$0x10200] =	vst v63  }
0x4d: {  	_ =	swait.ge [sflag:s3], $0x10000  }
0x4e: {  	[sflag:s3] =	ssyncset.done $0x0  }
.LBB2_2:
0x4f: {  	[sflag:s3] =	ssyncadd.s32 $0xFFFF0000  }
0x50: {  	_ =	sfence.sel $0x180000  }
0x51: {  	[bflag:$0x0] =	sbarrier.arrive $0xFFFF  }
0x52: {  	p0 =	sne.s32 s0, $0x0;
	_ =	strace $0x9000005C  }
0x53: {  	s0 =	sadd.s32 @!p0 $0x100000, s1;
	[bflag:$0x2] =	sbarrier.arrive $0xFFFF  }
0x54: {  	[sflag:s0] =	ssyncadd.tile.s32 @!p0 $0x1;
	_ =	shalt  }
.Lfunc_end2:
_tile_overlayer_lowered:
.L_overlay_start_2:
0x55: {  	(tag) =	ssettag $0x2  }
0x56: {  	s0 =	rddreg [dreg:$0x0];
	s2 =	stileid.u32  }
0x57: {  	s1 =	rddreg [dreg:$0x1];
	p0 =	sne.s32 s2, $0x0  }
0x58: {  	s3 =	rddreg [dreg:$0x2];
	[bflag:$0x3] =	sbarrier.arrive $0xFFFF;
	s2 =	simm.s32 @!p0 $0x1C02  }
0x59: {  	[timem:s3], [sflag:s2] =	dma.local @!p0 [hbm:s0], s1  }
0x5a: {  	s0 =	simm.s32 @!p0 $0x2  }
0x5b: {  	_ =	swait.ge @!p0 [sflag:s0], s1  }
0x5c: {  	s1 =	ssub.s32 @!p0 $0x0, s1;
	[sflag:s0] =	ssyncset.done @!p0 $0x0  }
0x5d: {  	[sflag:s0] =	ssyncadd.s32 @!p0 s1  }
0x5e: {  	[bflag:$0x3] =	sbarrier.arrive $0xFFFF  }
0x5f: {  	_ =	shalt  }

</sc_bundles>
